<compile_context>
chip_gen: v7x
topology: tpu7x:2x2x1
jax: 0.10.2.dev20260603
libtpu: 0.0.44.dev20260713+nightly
codegen_flags: <defaults>
</compile_context>

<pallas_src>
import functools

import numpy as np
import jax
import jax.numpy as jnp
from jax import lax
from jax.experimental import pallas as pl
from jax.experimental.pallas import tpu as pltpu, tpu_sc as plsc

N_ANC = 80
NR = 18
NRH = NR // 2
NPAIR = N_ANC * (N_ANC - 1) // 2
NDIM = N_ANC * (N_ANC + 1) // 2
KPAD = 3168
NKB = KPAD // 16
BATCH = 256
NW = 32
ROWS_PER_W = BATCH // NW
HALF_ELEMS = NRH * NDIM

_pi, _pj = [], []
for _iy in range(N_ANC):
    for _ix in range(_iy + 1, N_ANC):
        _pi.append(_iy)
        _pj.append(_ix)
PAIRS_I = np.array(_pi + [0] * (KPAD - NPAIR), dtype=np.int32)
PAIRS_J = np.array(_pj + [0] * (KPAD - NPAIR), dtype=np.int32)


def _sigmoid16(x):
    return 1.0 / (1.0 + jnp.exp(-x))


@functools.partial(
    pl.kernel,
    out_type=jax.ShapeDtypeStruct((BATCH * 2, HALF_ELEMS), jnp.float32),
    mesh=plsc.VectorSubcoreMesh(core_axis_name="c", subcore_axis_name="s"),
    compiler_params=pltpu.CompilerParams(needs_layout_passes=False),
    scratch_types=[
        pltpu.VMEM((20 * N_ANC,), jnp.int32),
        pltpu.VMEM((NR * N_ANC,), jnp.int32),
        pltpu.VMEM((HALF_ELEMS,), jnp.float32),
        pltpu.VMEM((HALF_ELEMS,), jnp.float32),
        pltpu.VMEM((9 * KPAD,), jnp.float32),
        pltpu.VMEM((KPAD,), jnp.int32),
        pltpu.VMEM((KPAD,), jnp.int32),
        pltpu.VMEM((4 * KPAD,), jnp.float32),
        pltpu.VMEM((N_ANC,), jnp.float32),
        pltpu.SemaphoreType.DMA,
        pltpu.SemaphoreType.DMA,
    ],
)
def _sc_forward(inp_hbm, pd_hbm, pnd_hbm, pi_hbm, pj_hbm, out_hbm,
                inbuf, sbuf, outbuf0, outbuf1, tab, pibuf, pjbuf, pndbuf, sigd,
                sem0, sem1):
    outbufs = (outbuf0, outbuf1)
    wid = lax.axis_index("s") * 2 + lax.axis_index("c")
    lanes = lax.iota(jnp.int32, 16)
    sems = (sem0, sem1)

    pltpu.sync_copy(pi_hbm, pibuf)
    pltpu.sync_copy(pj_hbm, pjbuf)
    pltpu.sync_copy(pnd_hbm, pndbuf)
    pltpu.sync_copy(pd_hbm, sigd)

    for ib in range(N_ANC // 16):
        sigd[pl.ds(ib * 16, 16)] = _sigmoid16(sigd[pl.ds(ib * 16, 16)])

    def table_block(kb, _):
        base = kb * 16
        f12 = _sigmoid16(pndbuf[pl.ds(0 * KPAD + base, 16)])
        f9 = _sigmoid16(pndbuf[pl.ds(1 * KPAD + base, 16)]) * f12
        f8 = _sigmoid16(pndbuf[pl.ds(2 * KPAD + base, 16)]) * f9
        f6 = _sigmoid16(pndbuf[pl.ds(3 * KPAD + base, 16)]) * f8
        tab[pl.ds(0 * KPAD + base, 16)] = jnp.zeros((16,), jnp.float32)
        tab[pl.ds(1 * KPAD + base, 16)] = f6
        tab[pl.ds(2 * KPAD + base, 16)] = f8
        tab[pl.ds(3 * KPAD + base, 16)] = f6
        tab[pl.ds(4 * KPAD + base, 16)] = f9
        tab[pl.ds(5 * KPAD + base, 16)] = f12
        tab[pl.ds(6 * KPAD + base, 16)] = f8
        tab[pl.ds(7 * KPAD + base, 16)] = f12
        tab[pl.ds(8 * KPAD + base, 16)] = jnp.ones((16,), jnp.float32)
        return 0

    lax.fori_loop(0, NKB, table_block, 0)

    def row_body(rl, _):
        b = wid * ROWS_PER_W + rl
        pltpu.sync_copy(inp_hbm.at[b], inbuf)

        for ib in range(N_ANC // 16):
            col = ib * 16

            def rec(r, carry):
                st, dl = carry
                x0 = inbuf[pl.ds(r * N_ANC + col, 16)]
                x1 = inbuf[pl.ds((r + 1) * N_ANC + col, 16)]
                x2 = inbuf[pl.ds((r + 2) * N_ANC + col, 16)]
                de = x0 + x2 - x0 * x2 * 2
                me = x1 * (1 - (x0 + x2)) + x0 * x2
                dl = dl * (1 - me * 2)
                st = jnp.clip(st + dl * de, -1, 1)
                dl = dl * (1 - st * st * (1 - me)) - st * (1 - me)
                sbuf[pl.ds(r * N_ANC + col, 16)] = st + 1
                return st, dl

            lax.fori_loop(0, NR, rec,
                          (jnp.full((16,), -1, jnp.int32),
                           jnp.full((16,), 1, jnp.int32)))

        for h in range(2):
            outbuf = outbufs[h]
            @plsc.parallel_loop(0, NKB - 1)
            def kb_body(kb):
                vi = pibuf[pl.ds(kb * 16, 16)]
                vj = pjbuf[pl.ds(kb * 16, 16)]
                tk = kb * 16 + lanes
                tvs = []
                for r in range(NRH):
                    rr = h * NRH + r
                    si = plsc.load_gather(sbuf, [vi + rr * N_ANC])
                    sj = plsc.load_gather(sbuf, [vj + rr * N_ANC])
                    tvs.append(
                        plsc.load_gather(tab, [(si * 3 + sj) * KPAD + tk]))
                for r, tv in enumerate(tvs):
                    outbuf[pl.ds(r * NDIM + N_ANC + kb * 16, 16)] = tv

            vi_l = pibuf[pl.ds((NKB - 1) * 16, 16)]
            vj_l = pjbuf[pl.ds((NKB - 1) * 16, 16)]
            tk_l = (NKB - 1) * 16 + lanes
            mask_l = tk_l < NPAIR
            for r in range(NRH):
                rr = h * NRH + r
                si = plsc.load_gather(sbuf, [vi_l + rr * N_ANC])
                sj = plsc.load_gather(sbuf, [vj_l + rr * N_ANC])
                tv = plsc.load_gather(tab, [(si * 3 + sj) * KPAD + tk_l])
                plsc.store_scatter(outbuf, [r * NDIM + N_ANC + tk_l],
                                   tv, mask=mask_l)

            for r in range(NRH):
                rr = h * NRH + r
                for ib in range(N_ANC // 16):
                    s = sbuf[pl.ds(rr * N_ANC + ib * 16, 16)]
                    w = sigd[pl.ds(ib * 16, 16)]
                    val = (jnp.where(s == 2, 1.0, 0.0)
                           + jnp.where(s == 1, w, jnp.zeros((16,), jnp.float32)))
                    outbuf[pl.ds(r * NDIM + ib * 16, 16)] = val

            pltpu.sync_copy(outbuf, out_hbm.at[2 * b + h])
        return 0

    lax.fori_loop(0, ROWS_PER_W, row_body, 0)


def kernel(input, embedding_params_diag, embedding_params_nondiag):
    inp2d = input.reshape(BATCH, 20 * N_ANC)
    pd = embedding_params_diag.reshape(N_ANC)
    pndt = jnp.pad(embedding_params_nondiag[0].T,
                   ((0, 0), (0, KPAD - NPAIR))).reshape(-1)
    out2d = _sc_forward(inp2d, pd, pndt,
                        jnp.asarray(PAIRS_I), jnp.asarray(PAIRS_J))
    return out2d.reshape(BATCH, NR, NDIM)

# --- scband reference (transcript-rebuilt; emitter-appended) ---
"""Pipeline reference for scband-cnnembedder-2843268350681 (READ-ONLY COPY).

The authoritative reference and input builder live on the scoring server;
editing this copy changes nothing except your own understanding.
"""

import jax, jax.numpy as jnp
import numpy as np

DISTANCE = 9
ROUNDS = 20
NPOL = 2
BATCH = 256
N_ANC = DISTANCE ** 2 - 1
NDIM = N_ANC * (N_ANC + 1) // 2


def _polmap():
    diag = []
    nondiag = []
    for iy in range(N_ANC):
        for ix in range(iy, N_ANC):
            if ix != iy:
                nondiag.append(ix + iy * N_ANC)
            else:
                diag.append(ix + iy * N_ANC)
    return np.array(diag + nondiag, dtype=np.int32)


POLMAP = _polmap()


def setup_inputs(seed: int = 0) -> dict:
    key = jax.random.key(seed)
    k1, k2, k3 = jax.random.split(key, 3)
    inp = jax.random.randint(k1, (BATCH, ROUNDS, N_ANC), 0, 2, dtype=jnp.int32)
    pd = jax.random.normal(k2, (1, N_ANC), dtype=jnp.float32) * 0.1
    pnd = jax.random.normal(k3, (1, NDIM - N_ANC, 4), dtype=jnp.float32) * 0.1
    return {"input": inp, "embedding_params_diag": pd, "embedding_params_nondiag": pnd}


def _forward(inp, pd, pnd):
    n = inp.shape[0]
    polmap = jnp.asarray(POLMAP)
    # transformed embedding params
    emb_diag = jnp.repeat(jax.nn.sigmoid(pd), n, axis=0)  # (n, N_ANC)
    f12 = jax.nn.sigmoid(pnd[:, :, 0])
    f9 = jax.nn.sigmoid(pnd[:, :, 1]) * f12
    f8 = jax.nn.sigmoid(pnd[:, :, 2]) * f9
    f6 = jax.nn.sigmoid(pnd[:, :, 3]) * f8
    emb_nondiag = jnp.repeat(jnp.stack([f12, f9, f8, f6], axis=2), n, axis=0)  # (n, NDIM-N_ANC, 4)
    # reset tracker states
    state = -jnp.ones((n, N_ANC), dtype=jnp.int32)
    delta = jnp.ones((n, N_ANC), dtype=jnp.int32)
    outs = []
    for rr in range(ROUNDS - 2):
        x = inp[:, rr:rr + 3, :]
        x0, x1, x2 = x[:, 0, :], x[:, 1, :], x[:, 2, :]
        data_err = x0 + x2 - x0 * x2 * 2
        measure_err = x1 * (1 - (x0 + x2)) + x0 * x2
        delta = delta * (1 - measure_err * 2)
        state = jnp.clip(state + delta * data_err, -1, 1)
        delta = delta * (1 - state * state * (1 - measure_err)) - state * (1 - measure_err)
        # transform raw state (npol > 1 path)
        xx = state + 3
        res = (xx[:, :, None] * xx[:, None, :]).reshape(n, -1)
        res = jnp.take(res, polmap, axis=1)
        res_diag = res[:, :N_ANC]
        res_nondiag = res[:, N_ANC:]
        d = jnp.stack([res_diag == 16, res_diag == 9], axis=2).astype(jnp.float32)
        ndg = jnp.stack([res_nondiag == 16, res_nondiag == 12, res_nondiag == 9,
                         res_nondiag == 8, res_nondiag == 6], axis=2).astype(jnp.float32)
        rdv = d[:, :, 0] + d[:, :, 1] * emb_diag
        rndv = ndg[:, :, 0] + jnp.sum(ndg[:, :, 1:5] * emb_nondiag, axis=2)
        outs.append(jnp.concatenate([rdv, rndv], axis=1))
    return jnp.stack(outs, axis=1)


def reference(input, embedding_params_diag, embedding_params_nondiag):
    return _forward(input, embedding_params_diag, embedding_params_nondiag)

if __name__ == "__main__":
    import jax
    _d = setup_inputs()
    print(jax.jit(kernel)(*tuple(_d.values())))

</pallas_src>

<mosaic_0001>
#map = affine_map<(d0, d1) -> (0, 0)>
#map1 = affine_map<(d0, d1) -> (0)>
module attributes {stable_mosaic.version = 14 : i64} {
  func.func @_sc_forward(%arg0: i32, %arg1: i32, %arg2: memref<256x1600xi32, #tpu.memory_space<hbm>>, %arg3: memref<80xf32, #tpu.memory_space<hbm>>, %arg4: memref<12672xf32, #tpu.memory_space<hbm>>, %arg5: memref<3168xi32, #tpu.memory_space<hbm>>, %arg6: memref<3168xi32, #tpu.memory_space<hbm>>, %arg7: memref<512x29160xf32, #tpu.memory_space<hbm>>, %arg8: memref<1600xi32, #tpu.memory_space<vmem>>, %arg9: memref<1440xi32, #tpu.memory_space<vmem>>, %arg10: memref<29160xf32, #tpu.memory_space<vmem>>, %arg11: memref<29160xf32, #tpu.memory_space<vmem>>, %arg12: memref<28512xf32, #tpu.memory_space<vmem>>, %arg13: memref<3168xi32, #tpu.memory_space<vmem>>, %arg14: memref<3168xi32, #tpu.memory_space<vmem>>, %arg15: memref<12672xf32, #tpu.memory_space<vmem>>, %arg16: memref<80xf32, #tpu.memory_space<vmem>>, %arg17: memref<!tpu.dma_semaphore, #tpu.memory_space<semaphore_mem>>, %arg18: memref<!tpu.dma_semaphore, #tpu.memory_space<semaphore_mem>>) attributes {dimension_semantics = [#tpu.dimension_semantics<core_parallel>, #tpu.dimension_semantics<subcore_parallel>], iteration_bounds = array<i64: 2, 16>, scalar_prefetch = 0 : i64, scratch_operands = 11 : i64, tpu.core_type = #tpu.core_type<sc_vector_subcore>, window_params = [{transform_indices = #map}, {transform_indices = #map1}, {transform_indices = #map1}, {transform_indices = #map1}, {transform_indices = #map1}, {transform_indices = #map}]} {
    %mul3A = arith.constant 2 : i32
    %mul3A_0 = arith.muli %arg1, %mul3A : i32
    %add3A = arith.addi %mul3A_0, %arg0 : i32
    %iota3A = tpu.iota {dimensions = array<i32: 0>} : vector<16xi32>
    "tpu.region"() ({
      %run_scoped3A = tpu.sem_alloc : memref<!tpu.dma_semaphore, #tpu.memory_space<semaphore_mem>>
      tpu.enqueue_dma source(%arg5 : memref<3168xi32, #tpu.memory_space<hbm>>) target(%arg13 : memref<3168xi32, #tpu.memory_space<vmem>>) target_semaphore(%run_scoped3A : memref<!tpu.dma_semaphore, #tpu.memory_space<semaphore_mem>>)
      tpu.wait_dma2 semaphore(%run_scoped3A : memref<!tpu.dma_semaphore, #tpu.memory_space<semaphore_mem>>) src(%arg5 : memref<3168xi32, #tpu.memory_space<hbm>>) dst(%arg13 : memref<3168xi32, #tpu.memory_space<vmem>>)
      tpu.yield
    }) : () -> ()
    "tpu.region"() ({
      %run_scoped3A = tpu.sem_alloc : memref<!tpu.dma_semaphore, #tpu.memory_space<semaphore_mem>>
      tpu.enqueue_dma source(%arg6 : memref<3168xi32, #tpu.memory_space<hbm>>) target(%arg14 : memref<3168xi32, #tpu.memory_space<vmem>>) target_semaphore(%run_scoped3A : memref<!tpu.dma_semaphore, #tpu.memory_space<semaphore_mem>>)
      tpu.wait_dma2 semaphore(%run_scoped3A : memref<!tpu.dma_semaphore, #tpu.memory_space<semaphore_mem>>) src(%arg6 : memref<3168xi32, #tpu.memory_space<hbm>>) dst(%arg14 : memref<3168xi32, #tpu.memory_space<vmem>>)
      tpu.yield
    }) : () -> ()
    "tpu.region"() ({
      %run_scoped3A = tpu.sem_alloc : memref<!tpu.dma_semaphore, #tpu.memory_space<semaphore_mem>>
      tpu.enqueue_dma source(%arg4 : memref<12672xf32, #tpu.memory_space<hbm>>) target(%arg15 : memref<12672xf32, #tpu.memory_space<vmem>>) target_semaphore(%run_scoped3A : memref<!tpu.dma_semaphore, #tpu.memory_space<semaphore_mem>>)
      tpu.wait_dma2 semaphore(%run_scoped3A : memref<!tpu.dma_semaphore, #tpu.memory_space<semaphore_mem>>) src(%arg4 : memref<12672xf32, #tpu.memory_space<hbm>>) dst(%arg15 : memref<12672xf32, #tpu.memory_space<vmem>>)
      tpu.yield
    }) : () -> ()
    "tpu.region"() ({
      %run_scoped3A = tpu.sem_alloc : memref<!tpu.dma_semaphore, #tpu.memory_space<semaphore_mem>>
      tpu.enqueue_dma source(%arg3 : memref<80xf32, #tpu.memory_space<hbm>>) target(%arg16 : memref<80xf32, #tpu.memory_space<vmem>>) target_semaphore(%run_scoped3A : memref<!tpu.dma_semaphore, #tpu.memory_space<semaphore_mem>>)
      tpu.wait_dma2 semaphore(%run_scoped3A : memref<!tpu.dma_semaphore, #tpu.memory_space<semaphore_mem>>) src(%arg3 : memref<80xf32, #tpu.memory_space<hbm>>) dst(%arg16 : memref<80xf32, #tpu.memory_space<vmem>>)
      tpu.yield
    }) : () -> ()
    %get3A = arith.constant 0 : index
    %get3A_1 = tpu.vector_load %arg16[%get3A] {strides = array<i32>} : memref<80xf32, #tpu.memory_space<vmem>>, vector<16xf32>,
    %neg3A = arith.constant 0.000000e+00 : f32
    %neg3A_2 = vector.broadcast %neg3A : f32 to vector<16xf32>
    %neg3A_3 = arith.subf %neg3A_2, %get3A_1 : vector<16xf32>
    %exp3A = math.exp %neg3A_3 : vector<16xf32>
    %add3A_4 = arith.constant 1.000000e+00 : f32
    %add3A_5 = vector.broadcast %add3A_4 : f32 to vector<16xf32>
    %add3A_6 = arith.addf %add3A_5, %exp3A : vector<16xf32>
    %div3A = arith.constant 1.000000e+00 : f32
    %div3A_7 = vector.broadcast %div3A : f32 to vector<16xf32>
    %div3A_8 = arith.divf %div3A_7, %add3A_6 : vector<16xf32>
    %swap3A = arith.constant 0 : index
    %swap3A_9 = tpu.vector_load %arg16[%swap3A] {strides = array<i32>} : memref<80xf32, #tpu.memory_space<vmem>>, vector<16xf32>,
    tpu.vector_store %arg16[%swap3A], %div3A_8 {strides = array<i32>} : memref<80xf32, #tpu.memory_space<vmem>>, vector<16xf32>,
    %get3A_10 = arith.constant 16 : index
    %get3A_11 = tpu.vector_load %arg16[%get3A_10] {strides = array<i32>} : memref<80xf32, #tpu.memory_space<vmem>>, vector<16xf32>,
    %neg3A_12 = arith.constant 0.000000e+00 : f32
    %neg3A_13 = vector.broadcast %neg3A_12 : f32 to vector<16xf32>
    %neg3A_14 = arith.subf %neg3A_13, %get3A_11 : vector<16xf32>
    %exp3A_15 = math.exp %neg3A_14 : vector<16xf32>
    %add3A_16 = arith.constant 1.000000e+00 : f32
    %add3A_17 = vector.broadcast %add3A_16 : f32 to vector<16xf32>
    %add3A_18 = arith.addf %add3A_17, %exp3A_15 : vector<16xf32>
    %div3A_19 = arith.constant 1.000000e+00 : f32
    %div3A_20 = vector.broadcast %div3A_19 : f32 to vector<16xf32>
    %div3A_21 = arith.divf %div3A_20, %add3A_18 : vector<16xf32>
    %swap3A_22 = arith.constant 16 : index
    %swap3A_23 = tpu.vector_load %arg16[%swap3A_22] {strides = array<i32>} : memref<80xf32, #tpu.memory_space<vmem>>, vector<16xf32>,
    tpu.vector_store %arg16[%swap3A_22], %div3A_21 {strides = array<i32>} : memref<80xf32, #tpu.memory_space<vmem>>, vector<16xf32>,
    %get3A_24 = arith.constant 32 : index
    %get3A_25 = tpu.vector_load %arg16[%get3A_24] {strides = array<i32>} : memref<80xf32, #tpu.memory_space<vmem>>, vector<16xf32>,
    %neg3A_26 = arith.constant 0.000000e+00 : f32
    %neg3A_27 = vector.broadcast %neg3A_26 : f32 to vector<16xf32>
    %neg3A_28 = arith.subf %neg3A_27, %get3A_25 : vector<16xf32>
    %exp3A_29 = math.exp %neg3A_28 : vector<16xf32>
    %add3A_30 = arith.constant 1.000000e+00 : f32
    %add3A_31 = vector.broadcast %add3A_30 : f32 to vector<16xf32>
    %add3A_32 = arith.addf %add3A_31, %exp3A_29 : vector<16xf32>
    %div3A_33 = arith.constant 1.000000e+00 : f32
    %div3A_34 = vector.broadcast %div3A_33 : f32 to vector<16xf32>
    %div3A_35 = arith.divf %div3A_34, %add3A_32 : vector<16xf32>
    %swap3A_36 = arith.constant 32 : index
    %swap3A_37 = tpu.vector_load %arg16[%swap3A_36] {strides = array<i32>} : memref<80xf32, #tpu.memory_space<vmem>>, vector<16xf32>,
    tpu.vector_store %arg16[%swap3A_36], %div3A_35 {strides = array<i32>} : memref<80xf32, #tpu.memory_space<vmem>>, vector<16xf32>,
    %get3A_38 = arith.constant 48 : index
    %get3A_39 = tpu.vector_load %arg16[%get3A_38] {strides = array<i32>} : memref<80xf32, #tpu.memory_space<vmem>>, vector<16xf32>,
    %neg3A_40 = arith.constant 0.000000e+00 : f32
    %neg3A_41 = vector.broadcast %neg3A_40 : f32 to vector<16xf32>
    %neg3A_42 = arith.subf %neg3A_41, %get3A_39 : vector<16xf32>
    %exp3A_43 = math.exp %neg3A_42 : vector<16xf32>
    %add3A_44 = arith.constant 1.000000e+00 : f32
    %add3A_45 = vector.broadcast %add3A_44 : f32 to vector<16xf32>
    %add3A_46 = arith.addf %add3A_45, %exp3A_43 : vector<16xf32>
    %div3A_47 = arith.constant 1.000000e+00 : f32
    %div3A_48 = vector.broadcast %div3A_47 : f32 to vector<16xf32>
    %div3A_49 = arith.divf %div3A_48, %add3A_46 : vector<16xf32>
    %swap3A_50 = arith.constant 48 : index
    %swap3A_51 = tpu.vector_load %arg16[%swap3A_50] {strides = array<i32>} : memref<80xf32, #tpu.memory_space<vmem>>, vector<16xf32>,
    tpu.vector_store %arg16[%swap3A_50], %div3A_49 {strides = array<i32>} : memref<80xf32, #tpu.memory_space<vmem>>, vector<16xf32>,
    %get3A_52 = arith.constant 64 : index
    %get3A_53 = tpu.vector_load %arg16[%get3A_52] {strides = array<i32>} : memref<80xf32, #tpu.memory_space<vmem>>, vector<16xf32>,
    %neg3A_54 = arith.constant 0.000000e+00 : f32
    %neg3A_55 = vector.broadcast %neg3A_54 : f32 to vector<16xf32>
    %neg3A_56 = arith.subf %neg3A_55, %get3A_53 : vector<16xf32>
    %exp3A_57 = math.exp %neg3A_56 : vector<16xf32>
    %add3A_58 = arith.constant 1.000000e+00 : f32
    %add3A_59 = vector.broadcast %add3A_58 : f32 to vector<16xf32>
    %add3A_60 = arith.addf %add3A_59, %exp3A_57 : vector<16xf32>
    %div3A_61 = arith.constant 1.000000e+00 : f32
    %div3A_62 = vector.broadcast %div3A_61 : f32 to vector<16xf32>
    %div3A_63 = arith.divf %div3A_62, %add3A_60 : vector<16xf32>
    %swap3A_64 = arith.constant 64 : index
    %swap3A_65 = tpu.vector_load %arg16[%swap3A_64] {strides = array<i32>} : memref<80xf32, #tpu.memory_space<vmem>>, vector<16xf32>,
    tpu.vector_store %arg16[%swap3A_64], %div3A_63 {strides = array<i32>} : memref<80xf32, #tpu.memory_space<vmem>>, vector<16xf32>,
    %scan3A = arith.constant 0 : i32
    %scan3A_66 = arith.constant 0 : i32
    %scan3A_67 = arith.constant 198 : i32
    %scan3A_68 = arith.addi %scan3A_66, %scan3A_67 : i32
    %scan3A_69 = arith.constant 1 : i32
    %scan3A_70 = scf.for %scan3A_79 = %scan3A_66 to %scan3A_68 step %scan3A_69 iter_args(%scan3A_80 = %scan3A) -> (i32)  : i32 {
      %mul3A_81 = arith.constant 16 : i32
      %mul3A_82 = arith.muli %scan3A_79, %mul3A_81 : i32
      %add3A_83 = arith.constant 0 : i32
      %add3A_84 = arith.addi %add3A_83, %mul3A_82 : i32
      %get3A_85 = arith.index_cast %add3A_84 : i32 to index
      %get3A_86 = tpu.vector_load %arg15[%get3A_85] {strides = array<i32>} : memref<12672xf32, #tpu.memory_space<vmem>>, vector<16xf32>,
      %neg3A_87 = arith.constant 0.000000e+00 : f32
      %neg3A_88 = vector.broadcast %neg3A_87 : f32 to vector<16xf32>
      %neg3A_89 = arith.subf %neg3A_88, %get3A_86 : vector<16xf32>
      %exp3A_90 = math.exp %neg3A_89 : vector<16xf32>
      %add3A_91 = arith.constant 1.000000e+00 : f32
      %add3A_92 = vector.broadcast %add3A_91 : f32 to vector<16xf32>
      %add3A_93 = arith.addf %add3A_92, %exp3A_90 : vector<16xf32>
      %div3A_94 = arith.constant 1.000000e+00 : f32
      %div3A_95 = vector.broadcast %div3A_94 : f32 to vector<16xf32>
      %div3A_96 = arith.divf %div3A_95, %add3A_93 : vector<16xf32>
      %add3A_97 = arith.constant 3168 : i32
      %add3A_98 = arith.addi %add3A_97, %mul3A_82 : i32
      %get3A_99 = arith.index_cast %add3A_98 : i32 to index
      %get3A_100 = tpu.vector_load %arg15[%get3A_99] {strides = array<i32>} : memref<12672xf32, #tpu.memory_space<vmem>>, vector<16xf32>,
      %neg3A_101 = arith.constant 0.000000e+00 : f32
      %neg3A_102 = vector.broadcast %neg3A_101 : f32 to vector<16xf32>
      %neg3A_103 = arith.subf %neg3A_102, %get3A_100 : vector<16xf32>
      %exp3A_104 = math.exp %neg3A_103 : vector<16xf32>
      %add3A_105 = arith.constant 1.000000e+00 : f32
      %add3A_106 = vector.broadcast %add3A_105 : f32 to vector<16xf32>
      %add3A_107 = arith.addf %add3A_106, %exp3A_104 : vector<16xf32>
      %div3A_108 = arith.constant 1.000000e+00 : f32
      %div3A_109 = vector.broadcast %div3A_108 : f32 to vector<16xf32>
      %div3A_110 = arith.divf %div3A_109, %add3A_107 : vector<16xf32>
      %mul3A_111 = arith.mulf %div3A_110, %div3A_96 : vector<16xf32>
      %add3A_112 = arith.constant 6336 : i32
      %add3A_113 = arith.addi %add3A_112, %mul3A_82 : i32
      %get3A_114 = arith.index_cast %add3A_113 : i32 to index
      %get3A_115 = tpu.vector_load %arg15[%get3A_114] {strides = array<i32>} : memref<12672xf32, #tpu.memory_space<vmem>>, vector<16xf32>,
      %neg3A_116 = arith.constant 0.000000e+00 : f32
      %neg3A_117 = vector.broadcast %neg3A_116 : f32 to vector<16xf32>
      %neg3A_118 = arith.subf %neg3A_117, %get3A_115 : vector<16xf32>
      %exp3A_119 = math.exp %neg3A_118 : vector<16xf32>
      %add3A_120 = arith.constant 1.000000e+00 : f32
      %add3A_121 = vector.broadcast %add3A_120 : f32 to vector<16xf32>
      %add3A_122 = arith.addf %add3A_121, %exp3A_119 : vector<16xf32>
      %div3A_123 = arith.constant 1.000000e+00 : f32
      %div3A_124 = vector.broadcast %div3A_123 : f32 to vector<16xf32>
      %div3A_125 = arith.divf %div3A_124, %add3A_122 : vector<16xf32>
      %mul3A_126 = arith.mulf %div3A_125, %mul3A_111 : vector<16xf32>
      %add3A_127 = arith.constant 9504 : i32
      %add3A_128 = arith.addi %add3A_127, %mul3A_82 : i32
      %get3A_129 = arith.index_cast %add3A_128 : i32 to index
      %get3A_130 = tpu.vector_load %arg15[%get3A_129] {strides = array<i32>} : memref<12672xf32, #tpu.memory_space<vmem>>, vector<16xf32>,
      %neg3A_131 = arith.constant 0.000000e+00 : f32
      %neg3A_132 = vector.broadcast %neg3A_131 : f32 to vector<16xf32>
      %neg3A_133 = arith.subf %neg3A_132, %get3A_130 : vector<16xf32>
      %exp3A_134 = math.exp %neg3A_133 : vector<16xf32>
      %add3A_135 = arith.constant 1.000000e+00 : f32
      %add3A_136 = vector.broadcast %add3A_135 : f32 to vector<16xf32>
      %add3A_137 = arith.addf %add3A_136, %exp3A_134 : vector<16xf32>
      %div3A_138 = arith.constant 1.000000e+00 : f32
      %div3A_139 = vector.broadcast %div3A_138 : f32 to vector<16xf32>
      %div3A_140 = arith.divf %div3A_139, %add3A_137 : vector<16xf32>
      %mul3A_141 = arith.mulf %div3A_140, %mul3A_126 : vector<16xf32>
      %broadcast_in_dim3A = arith.constant 0.000000e+00 : f32
      %broadcast_in_dim3A_142 = vector.broadcast %broadcast_in_dim3A : f32 to vector<16xf32>
      %add3A_143 = arith.constant 0 : i32
      %add3A_144 = arith.addi %add3A_143, %mul3A_82 : i32
      %swap3A_145 = arith.index_cast %add3A_144 : i32 to index
      %swap3A_146 = tpu.vector_load %arg12[%swap3A_145] {strides = array<i32>} : memref<28512xf32, #tpu.memory_space<vmem>>, vector<16xf32>,
      tpu.vector_store %arg12[%swap3A_145], %broadcast_in_dim3A_142 {strides = array<i32>} : memref<28512xf32, #tpu.memory_space<vmem>>, vector<16xf32>,
      %add3A_147 = arith.constant 3168 : i32
      %add3A_148 = arith.addi %add3A_147, %mul3A_82 : i32
      %swap3A_149 = arith.index_cast %add3A_148 : i32 to index
      %swap3A_150 = tpu.vector_load %arg12[%swap3A_149] {strides = array<i32>} : memref<28512xf32, #tpu.memory_space<vmem>>, vector<16xf32>,
      tpu.vector_store %arg12[%swap3A_149], %mul3A_141 {strides = array<i32>} : memref<28512xf32, #tpu.memory_space<vmem>>, vector<16xf32>,
      %add3A_151 = arith.constant 6336 : i32
      %add3A_152 = arith.addi %add3A_151, %mul3A_82 : i32
      %swap3A_153 = arith.index_cast %add3A_152 : i32 to index
      %swap3A_154 = tpu.vector_load %arg12[%swap3A_153] {strides = array<i32>} : memref<28512xf32, #tpu.memory_space<vmem>>, vector<16xf32>,
      tpu.vector_store %arg12[%swap3A_153], %mul3A_126 {strides = array<i32>} : memref<28512xf32, #tpu.memory_space<vmem>>, vector<16xf32>,
      %add3A_155 = arith.constant 9504 : i32
      %add3A_156 = arith.addi %add3A_155, %mul3A_82 : i32
      %swap3A_157 = arith.index_cast %add3A_156 : i32 to index
      %swap3A_158 = tpu.vector_load %arg12[%swap3A_157] {strides = array<i32>} : memref<28512xf32, #tpu.memory_space<vmem>>, vector<16xf32>,
      tpu.vector_store %arg12[%swap3A_157], %mul3A_141 {strides = array<i32>} : memref<28512xf32, #tpu.memory_space<vmem>>, vector<16xf32>,
      %add3A_159 = arith.constant 12672 : i32
      %add3A_160 = arith.addi %add3A_159, %mul3A_82 : i32
      %swap3A_161 = arith.index_cast %add3A_160 : i32 to index
      %swap3A_162 = tpu.vector_load %arg12[%swap3A_161] {strides = array<i32>} : memref<28512xf32, #tpu.memory_space<vmem>>, vector<16xf32>,
      tpu.vector_store %arg12[%swap3A_161], %mul3A_111 {strides = array<i32>} : memref<28512xf32, #tpu.memory_space<vmem>>, vector<16xf32>,
      %add3A_163 = arith.constant 15840 : i32
      %add3A_164 = arith.addi %add3A_163, %mul3A_82 : i32
      %swap3A_165 = arith.index_cast %add3A_164 : i32 to index
      %swap3A_166 = tpu.vector_load %arg12[%swap3A_165] {strides = array<i32>} : memref<28512xf32, #tpu.memory_space<vmem>>, vector<16xf32>,
      tpu.vector_store %arg12[%swap3A_165], %div3A_96 {strides = array<i32>} : memref<28512xf32, #tpu.memory_space<vmem>>, vector<16xf32>,
      %add3A_167 = arith.constant 19008 : i32
      %add3A_168 = arith.addi %add3A_167, %mul3A_82 : i32
      %swap3A_169 = arith.index_cast %add3A_168 : i32 to index
      %swap3A_170 = tpu.vector_load %arg12[%swap3A_169] {strides = array<i32>} : memref<28512xf32, #tpu.memory_space<vmem>>, vector<16xf32>,
      tpu.vector_store %arg12[%swap3A_169], %mul3A_126 {strides = array<i32>} : memref<28512xf32, #tpu.memory_space<vmem>>, vector<16xf32>,
      %add3A_171 = arith.constant 22176 : i32
      %add3A_172 = arith.addi %add3A_171, %mul3A_82 : i32
      %swap3A_173 = arith.index_cast %add3A_172 : i32 to index
      %swap3A_174 = tpu.vector_load %arg12[%swap3A_173] {strides = array<i32>} : memref<28512xf32, #tpu.memory_space<vmem>>, vector<16xf32>,
      tpu.vector_store %arg12[%swap3A_173], %div3A_96 {strides = array<i32>} : memref<28512xf32, #tpu.memory_space<vmem>>, vector<16xf32>,
      %broadcast_in_dim3A_175 = arith.constant 1.000000e+00 : f32
      %broadcast_in_dim3A_176 = vector.broadcast %broadcast_in_dim3A_175 : f32 to vector<16xf32>
      %add3A_177 = arith.constant 25344 : i32
      %add3A_178 = arith.addi %add3A_177, %mul3A_82 : i32
      %swap3A_179 = arith.index_cast %add3A_178 : i32 to index
      %swap3A_180 = tpu.vector_load %arg12[%swap3A_179] {strides = array<i32>} : memref<28512xf32, #tpu.memory_space<vmem>>, vector<16xf32>,
      tpu.vector_store %arg12[%swap3A_179], %broadcast_in_dim3A_176 {strides = array<i32>} : memref<28512xf32, #tpu.memory_space<vmem>>, vector<16xf32>,
      %scan3A_181 = arith.constant 0 : i32
      scf.yield %scan3A_181 : i32
    }
    %scan3A_71 = arith.constant 198 : i32
    %scan3A_72 = arith.constant 0 : i32
    %scan3A_73 = arith.constant 0 : i32
    %scan3A_74 = arith.constant 8 : i32
    %scan3A_75 = arith.addi %scan3A_73, %scan3A_74 : i32
    %scan3A_76 = arith.constant 1 : i32
    %scan3A_77 = scf.for %scan3A_79 = %scan3A_73 to %scan3A_75 step %scan3A_76 iter_args(%scan3A_80 = %scan3A_72) -> (i32)  : i32 {
      %mul3A_81 = arith.constant 8 : i32
      %mul3A_82 = arith.muli %add3A, %mul3A_81 : i32
      %add3A_83 = arith.addi %mul3A_82, %scan3A_79 : i32
      "tpu.region"() ({
        %run_scoped3A = tpu.sem_alloc : memref<!tpu.dma_semaphore, #tpu.memory_space<semaphore_mem>>
        %dma_start3A = arith.constant 0 : i32
        %dma_start3A_2412 = tpu.memref_slice %arg2[%add3A_83, %dma_start3A] : memref<256x1600xi32, #tpu.memory_space<hbm>> -> memref<1x1600xi32, #tpu.memory_space<hbm>>
        %dma_start3A_2413 = tpu.memref_squeeze %dma_start3A_2412 : memref<1x1600xi32, #tpu.memory_space<hbm>> -> memref<1600xi32, #tpu.memory_space<hbm>>
        %dma_start3A_2414 = arith.constant 0 : i32
        %dma_start3A_2415 = tpu.memref_slice %arg2[%add3A_83, %dma_start3A_2414] : memref<256x1600xi32, #tpu.memory_space<hbm>> -> memref<1x1600xi32, #tpu.memory_space<hbm>>
        %dma_start3A_2416 = tpu.memref_squeeze %dma_start3A_2415 : memref<1x1600xi32, #tpu.memory_space<hbm>> -> memref<1600xi32, #tpu.memory_space<hbm>>
        tpu.enqueue_dma source(%dma_start3A_2416 : memref<1600xi32, #tpu.memory_space<hbm>>) target(%arg8 : memref<1600xi32, #tpu.memory_space<vmem>>) target_semaphore(%run_scoped3A : memref<!tpu.dma_semaphore, #tpu.memory_space<semaphore_mem>>)
        %dma_wait3A = arith.constant 0 : i32
        %dma_wait3A_2417 = tpu.memref_slice %arg2[%add3A_83, %dma_wait3A] : memref<256x1600xi32, #tpu.memory_space<hbm>> -> memref<1x1600xi32, #tpu.memory_space<hbm>>
        %dma_wait3A_2418 = tpu.memref_squeeze %dma_wait3A_2417 : memref<1x1600xi32, #tpu.memory_space<hbm>> -> memref<1600xi32, #tpu.memory_space<hbm>>
        %dma_wait3A_2419 = arith.constant 0 : i32
        %dma_wait3A_2420 = tpu.memref_slice %arg2[%add3A_83, %dma_wait3A_2419] : memref<256x1600xi32, #tpu.memory_space<hbm>> -> memref<1x1600xi32, #tpu.memory_space<hbm>>
        %dma_wait3A_2421 = tpu.memref_squeeze %dma_wait3A_2420 : memref<1x1600xi32, #tpu.memory_space<hbm>> -> memref<1600xi32, #tpu.memory_space<hbm>>
        tpu.wait_dma2 semaphore(%run_scoped3A : memref<!tpu.dma_semaphore, #tpu.memory_space<semaphore_mem>>) src(%dma_wait3A_2421 : memref<1600xi32, #tpu.memory_space<hbm>>) dst(%arg8 : memref<1600xi32, #tpu.memory_space<vmem>>)
        tpu.yield
      }) : () -> ()
      %broadcast_in_dim3A = arith.constant -1 : i32
      %broadcast_in_dim3A_84 = vector.broadcast %broadcast_in_dim3A : i32 to vector<16xi32>
      %broadcast_in_dim3A_85 = arith.constant 1 : i32
      %broadcast_in_dim3A_86 = vector.broadcast %broadcast_in_dim3A_85 : i32 to vector<16xi32>
      %scan3A_87 = arith.constant 0 : i32
      %scan3A_88 = arith.constant 18 : i32
      %scan3A_89 = arith.addi %scan3A_87, %scan3A_88 : i32
      %scan3A_90 = arith.constant 1 : i32
      %scan3A_91:2 = scf.for %scan3A_2412 = %scan3A_87 to %scan3A_89 step %scan3A_90 iter_args(%scan3A_2413 = %broadcast_in_dim3A_84, %scan3A_2414 = %broadcast_in_dim3A_86) -> (vector<16xi32>, vector<16xi32>)  : i32 {
        %mul3A_2415 = arith.constant 80 : i32
        %mul3A_2416 = arith.muli %scan3A_2412, %mul3A_2415 : i32
        %add3A_2417 = arith.constant 0 : i32
        %add3A_2418 = arith.addi %mul3A_2416, %add3A_2417 : i32
        %get3A_2419 = arith.index_cast %add3A_2418 : i32 to index
        %get3A_2420 = tpu.vector_load %arg8[%get3A_2419] {strides = array<i32>} : memref<1600xi32, #tpu.memory_space<vmem>>, vector<16xi32>,
        %add3A_2421 = arith.constant 1 : i32
        %add3A_2422 = arith.addi %scan3A_2412, %add3A_2421 : i32
        %mul3A_2423 = arith.constant 80 : i32
        %mul3A_2424 = arith.muli %add3A_2422, %mul3A_2423 : i32
        %add3A_2425 = arith.constant 0 : i32
        %add3A_2426 = arith.addi %mul3A_2424, %add3A_2425 : i32
        %get3A_2427 = arith.index_cast %add3A_2426 : i32 to index
        %get3A_2428 = tpu.vector_load %arg8[%get3A_2427] {strides = array<i32>} : memref<1600xi32, #tpu.memory_space<vmem>>, vector<16xi32>,
        %add3A_2429 = arith.constant 2 : i32
        %add3A_2430 = arith.addi %scan3A_2412, %add3A_2429 : i32
        %mul3A_2431 = arith.constant 80 : i32
        %mul3A_2432 = arith.muli %add3A_2430, %mul3A_2431 : i32
        %add3A_2433 = arith.constant 0 : i32
        %add3A_2434 = arith.addi %mul3A_2432, %add3A_2433 : i32
        %get3A_2435 = arith.index_cast %add3A_2434 : i32 to index
        %get3A_2436 = tpu.vector_load %arg8[%get3A_2435] {strides = array<i32>} : memref<1600xi32, #tpu.memory_space<vmem>>, vector<16xi32>,
        %add3A_2437 = arith.addi %get3A_2420, %get3A_2436 : vector<16xi32>
        %mul3A_2438 = arith.muli %get3A_2420, %get3A_2436 : vector<16xi32>
        %mul3A_2439 = arith.constant 2 : i32
        %mul3A_2440 = vector.broadcast %mul3A_2439 : i32 to vector<16xi32>
        %mul3A_2441 = arith.muli %mul3A_2438, %mul3A_2440 : vector<16xi32>
        %sub3A = arith.subi %add3A_2437, %mul3A_2441 : vector<16xi32>
        %add3A_2442 = arith.addi %get3A_2420, %get3A_2436 : vector<16xi32>
        %sub3A_2443 = arith.constant 1 : i32
        %sub3A_2444 = vector.broadcast %sub3A_2443 : i32 to vector<16xi32>
        %sub3A_2445 = arith.subi %sub3A_2444, %add3A_2442 : vector<16xi32>
        %mul3A_2446 = arith.muli %get3A_2428, %sub3A_2445 : vector<16xi32>
        %mul3A_2447 = arith.muli %get3A_2420, %get3A_2436 : vector<16xi32>
        %add3A_2448 = arith.addi %mul3A_2446, %mul3A_2447 : vector<16xi32>
        %mul3A_2449 = arith.constant 2 : i32
        %mul3A_2450 = vector.broadcast %mul3A_2449 : i32 to vector<16xi32>
        %mul3A_2451 = arith.muli %add3A_2448, %mul3A_2450 : vector<16xi32>
        %sub3A_2452 = arith.constant 1 : i32
        %sub3A_2453 = vector.broadcast %sub3A_2452 : i32 to vector<16xi32>
        %sub3A_2454 = arith.subi %sub3A_2453, %mul3A_2451 : vector<16xi32>
        %mul3A_2455 = arith.muli %scan3A_2414, %sub3A_2454 : vector<16xi32>
        %mul3A_2456 = arith.muli %mul3A_2455, %sub3A : vector<16xi32>
        %add3A_2457 = arith.addi %scan3A_2413, %mul3A_2456 : vector<16xi32>
        %jit3A_2458 = arith.constant -1 : i32
        %jit3A_2459 = arith.constant 1 : i32
        %max3A = vector.broadcast %jit3A_2458 : i32 to vector<16xi32>
        %max3A_2460 = arith.maxsi %max3A, %add3A_2457 : vector<16xi32>
        %min3A = vector.broadcast %jit3A_2459 : i32 to vector<16xi32>
        %min3A_2461 = arith.minsi %min3A, %max3A_2460 : vector<16xi32>
        %mul3A_2462 = arith.muli %min3A_2461, %min3A_2461 : vector<16xi32>
        %sub3A_2463 = arith.constant 1 : i32
        %sub3A_2464 = vector.broadcast %sub3A_2463 : i32 to vector<16xi32>
        %sub3A_2465 = arith.subi %sub3A_2464, %add3A_2448 : vector<16xi32>
        %mul3A_2466 = arith.muli %mul3A_2462, %sub3A_2465 : vector<16xi32>
        %sub3A_2467 = arith.constant 1 : i32
        %sub3A_2468 = vector.broadcast %sub3A_2467 : i32 to vector<16xi32>
        %sub3A_2469 = arith.subi %sub3A_2468, %mul3A_2466 : vector<16xi32>
        %mul3A_2470 = arith.muli %mul3A_2455, %sub3A_2469 : vector<16xi32>
        %sub3A_2471 = arith.constant 1 : i32
        %sub3A_2472 = vector.broadcast %sub3A_2471 : i32 to vector<16xi32>
        %sub3A_2473 = arith.subi %sub3A_2472, %add3A_2448 : vector<16xi32>
        %mul3A_2474 = arith.muli %min3A_2461, %sub3A_2473 : vector<16xi32>
        %sub3A_2475 = arith.subi %mul3A_2470, %mul3A_2474 : vector<16xi32>
        %add3A_2476 = arith.constant 1 : i32
        %add3A_2477 = vector.broadcast %add3A_2476 : i32 to vector<16xi32>
        %add3A_2478 = arith.addi %min3A_2461, %add3A_2477 : vector<16xi32>
        %mul3A_2479 = arith.constant 80 : i32
        %mul3A_2480 = arith.muli %scan3A_2412, %mul3A_2479 : i32
        %add3A_2481 = arith.constant 0 : i32
        %add3A_2482 = arith.addi %mul3A_2480, %add3A_2481 : i32
        %swap3A_2483 = arith.index_cast %add3A_2482 : i32 to index
        %swap3A_2484 = tpu.vector_load %arg9[%swap3A_2483] {strides = array<i32>} : memref<1440xi32, #tpu.memory_space<vmem>>, vector<16xi32>,
        tpu.vector_store %arg9[%swap3A_2483], %add3A_2478 {strides = array<i32>} : memref<1440xi32, #tpu.memory_space<vmem>>, vector<16xi32>,
        scf.yield %min3A_2461, %sub3A_2475 : vector<16xi32>, vector<16xi32>
      }
      %scan3A_92 = arith.constant 18 : i32
      %broadcast_in_dim3A_93 = arith.constant -1 : i32
      %broadcast_in_dim3A_94 = vector.broadcast %broadcast_in_dim3A_93 : i32 to vector<16xi32>
      %broadcast_in_dim3A_95 = arith.constant 1 : i32
      %broadcast_in_dim3A_96 = vector.broadcast %broadcast_in_dim3A_95 : i32 to vector<16xi32>
      %scan3A_97 = arith.constant 0 : i32
      %scan3A_98 = arith.constant 18 : i32
      %scan3A_99 = arith.addi %scan3A_97, %scan3A_98 : i32
      %scan3A_100 = arith.constant 1 : i32
      %scan3A_101:2 = scf.for %scan3A_2412 = %scan3A_97 to %scan3A_99 step %scan3A_100 iter_args(%scan3A_2413 = %broadcast_in_dim3A_94, %scan3A_2414 = %broadcast_in_dim3A_96) -> (vector<16xi32>, vector<16xi32>)  : i32 {
        %mul3A_2415 = arith.constant 80 : i32
        %mul3A_2416 = arith.muli %scan3A_2412, %mul3A_2415 : i32
        %add3A_2417 = arith.constant 16 : i32
        %add3A_2418 = arith.addi %mul3A_2416, %add3A_2417 : i32
        %get3A_2419 = arith.index_cast %add3A_2418 : i32 to index
        %get3A_2420 = tpu.vector_load %arg8[%get3A_2419] {strides = array<i32>} : memref<1600xi32, #tpu.memory_space<vmem>>, vector<16xi32>,
        %add3A_2421 = arith.constant 1 : i32
        %add3A_2422 = arith.addi %scan3A_2412, %add3A_2421 : i32
        %mul3A_2423 = arith.constant 80 : i32
        %mul3A_2424 = arith.muli %add3A_2422, %mul3A_2423 : i32
        %add3A_2425 = arith.constant 16 : i32
        %add3A_2426 = arith.addi %mul3A_2424, %add3A_2425 : i32
        %get3A_2427 = arith.index_cast %add3A_2426 : i32 to index
        %get3A_2428 = tpu.vector_load %arg8[%get3A_2427] {strides = array<i32>} : memref<1600xi32, #tpu.memory_space<vmem>>, vector<16xi32>,
        %add3A_2429 = arith.constant 2 : i32
        %add3A_2430 = arith.addi %scan3A_2412, %add3A_2429 : i32
        %mul3A_2431 = arith.constant 80 : i32
        %mul3A_2432 = arith.muli %add3A_2430, %mul3A_2431 : i32
        %add3A_2433 = arith.constant 16 : i32
        %add3A_2434 = arith.addi %mul3A_2432, %add3A_2433 : i32
        %get3A_2435 = arith.index_cast %add3A_2434 : i32 to index
        %get3A_2436 = tpu.vector_load %arg8[%get3A_2435] {strides = array<i32>} : memref<1600xi32, #tpu.memory_space<vmem>>, vector<16xi32>,
        %add3A_2437 = arith.addi %get3A_2420, %get3A_2436 : vector<16xi32>
        %mul3A_2438 = arith.muli %get3A_2420, %get3A_2436 : vector<16xi32>
        %mul3A_2439 = arith.constant 2 : i32
        %mul3A_2440 = vector.broadcast %mul3A_2439 : i32 to vector<16xi32>
        %mul3A_2441 = arith.muli %mul3A_2438, %mul3A_2440 : vector<16xi32>
        %sub3A = arith.subi %add3A_2437, %mul3A_2441 : vector<16xi32>
        %add3A_2442 = arith.addi %get3A_2420, %get3A_2436 : vector<16xi32>
        %sub3A_2443 = arith.constant 1 : i32
        %sub3A_2444 = vector.broadcast %sub3A_2443 : i32 to vector<16xi32>
        %sub3A_2445 = arith.subi %sub3A_2444, %add3A_2442 : vector<16xi32>
        %mul3A_2446 = arith.muli %get3A_2428, %sub3A_2445 : vector<16xi32>
        %mul3A_2447 = arith.muli %get3A_2420, %get3A_2436 : vector<16xi32>
        %add3A_2448 = arith.addi %mul3A_2446, %mul3A_2447 : vector<16xi32>
        %mul3A_2449 = arith.constant 2 : i32
        %mul3A_2450 = vector.broadcast %mul3A_2449 : i32 to vector<16xi32>
        %mul3A_2451 = arith.muli %add3A_2448, %mul3A_2450 : vector<16xi32>
        %sub3A_2452 = arith.constant 1 : i32
        %sub3A_2453 = vector.broadcast %sub3A_2452 : i32 to vector<16xi32>
        %sub3A_2454 = arith.subi %sub3A_2453, %mul3A_2451 : vector<16xi32>
        %mul3A_2455 = arith.muli %scan3A_2414, %sub3A_2454 : vector<16xi32>
        %mul3A_2456 = arith.muli %mul3A_2455, %sub3A : vector<16xi32>
        %add3A_2457 = arith.addi %scan3A_2413, %mul3A_2456 : vector<16xi32>
        %jit3A_2458 = arith.constant -1 : i32
        %jit3A_2459 = arith.constant 1 : i32
        %max3A = vector.broadcast %jit3A_2458 : i32 to vector<16xi32>
        %max3A_2460 = arith.maxsi %max3A, %add3A_2457 : vector<16xi32>
        %min3A = vector.broadcast %jit3A_2459 : i32 to vector<16xi32>
        %min3A_2461 = arith.minsi %min3A, %max3A_2460 : vector<16xi32>
        %mul3A_2462 = arith.muli %min3A_2461, %min3A_2461 : vector<16xi32>
        %sub3A_2463 = arith.constant 1 : i32
        %sub3A_2464 = vector.broadcast %sub3A_2463 : i32 to vector<16xi32>
        %sub3A_2465 = arith.subi %sub3A_2464, %add3A_2448 : vector<16xi32>
        %mul3A_2466 = arith.muli %mul3A_2462, %sub3A_2465 : vector<16xi32>
        %sub3A_2467 = arith.constant 1 : i32
        %sub3A_2468 = vector.broadcast %sub3A_2467 : i32 to vector<16xi32>
        %sub3A_2469 = arith.subi %sub3A_2468, %mul3A_2466 : vector<16xi32>
        %mul3A_2470 = arith.muli %mul3A_2455, %sub3A_2469 : vector<16xi32>
        %sub3A_2471 = arith.constant 1 : i32
        %sub3A_2472 = vector.broadcast %sub3A_2471 : i32 to vector<16xi32>
        %sub3A_2473 = arith.subi %sub3A_2472, %add3A_2448 : vector<16xi32>
        %mul3A_2474 = arith.muli %min3A_2461, %sub3A_2473 : vector<16xi32>
        %sub3A_2475 = arith.subi %mul3A_2470, %mul3A_2474 : vector<16xi32>
        %add3A_2476 = arith.constant 1 : i32
        %add3A_2477 = vector.broadcast %add3A_2476 : i32 to vector<16xi32>
        %add3A_2478 = arith.addi %min3A_2461, %add3A_2477 : vector<16xi32>
        %mul3A_2479 = arith.constant 80 : i32
        %mul3A_2480 = arith.muli %scan3A_2412, %mul3A_2479 : i32
        %add3A_2481 = arith.constant 16 : i32
        %add3A_2482 = arith.addi %mul3A_2480, %add3A_2481 : i32
        %swap3A_2483 = arith.index_cast %add3A_2482 : i32 to index
        %swap3A_2484 = tpu.vector_load %arg9[%swap3A_2483] {strides = array<i32>} : memref<1440xi32, #tpu.memory_space<vmem>>, vector<16xi32>,
        tpu.vector_store %arg9[%swap3A_2483], %add3A_2478 {strides = array<i32>} : memref<1440xi32, #tpu.memory_space<vmem>>, vector<16xi32>,
        scf.yield %min3A_2461, %sub3A_2475 : vector<16xi32>, vector<16xi32>
      }
      %scan3A_102 = arith.constant 18 : i32
      %broadcast_in_dim3A_103 = arith.constant -1 : i32
      %broadcast_in_dim3A_104 = vector.broadcast %broadcast_in_dim3A_103 : i32 to vector<16xi32>
      %broadcast_in_dim3A_105 = arith.constant 1 : i32
      %broadcast_in_dim3A_106 = vector.broadcast %broadcast_in_dim3A_105 : i32 to vector<16xi32>
      %scan3A_107 = arith.constant 0 : i32
      %scan3A_108 = arith.constant 18 : i32
      %scan3A_109 = arith.addi %scan3A_107, %scan3A_108 : i32
      %scan3A_110 = arith.constant 1 : i32
      %scan3A_111:2 = scf.for %scan3A_2412 = %scan3A_107 to %scan3A_109 step %scan3A_110 iter_args(%scan3A_2413 = %broadcast_in_dim3A_104, %scan3A_2414 = %broadcast_in_dim3A_106) -> (vector<16xi32>, vector<16xi32>)  : i32 {
        %mul3A_2415 = arith.constant 80 : i32
        %mul3A_2416 = arith.muli %scan3A_2412, %mul3A_2415 : i32
        %add3A_2417 = arith.constant 32 : i32
        %add3A_2418 = arith.addi %mul3A_2416, %add3A_2417 : i32
        %get3A_2419 = arith.index_cast %add3A_2418 : i32 to index
        %get3A_2420 = tpu.vector_load %arg8[%get3A_2419] {strides = array<i32>} : memref<1600xi32, #tpu.memory_space<vmem>>, vector<16xi32>,
        %add3A_2421 = arith.constant 1 : i32
        %add3A_2422 = arith.addi %scan3A_2412, %add3A_2421 : i32
        %mul3A_2423 = arith.constant 80 : i32
        %mul3A_2424 = arith.muli %add3A_2422, %mul3A_2423 : i32
        %add3A_2425 = arith.constant 32 : i32
        %add3A_2426 = arith.addi %mul3A_2424, %add3A_2425 : i32
        %get3A_2427 = arith.index_cast %add3A_2426 : i32 to index
        %get3A_2428 = tpu.vector_load %arg8[%get3A_2427] {strides = array<i32>} : memref<1600xi32, #tpu.memory_space<vmem>>, vector<16xi32>,
        %add3A_2429 = arith.constant 2 : i32
        %add3A_2430 = arith.addi %scan3A_2412, %add3A_2429 : i32
        %mul3A_2431 = arith.constant 80 : i32
        %mul3A_2432 = arith.muli %add3A_2430, %mul3A_2431 : i32
        %add3A_2433 = arith.constant 32 : i32
        %add3A_2434 = arith.addi %mul3A_2432, %add3A_2433 : i32
        %get3A_2435 = arith.index_cast %add3A_2434 : i32 to index
        %get3A_2436 = tpu.vector_load %arg8[%get3A_2435] {strides = array<i32>} : memref<1600xi32, #tpu.memory_space<vmem>>, vector<16xi32>,
        %add3A_2437 = arith.addi %get3A_2420, %get3A_2436 : vector<16xi32>
        %mul3A_2438 = arith.muli %get3A_2420, %get3A_2436 : vector<16xi32>
        %mul3A_2439 = arith.constant 2 : i32
        %mul3A_2440 = vector.broadcast %mul3A_2439 : i32 to vector<16xi32>
        %mul3A_2441 = arith.muli %mul3A_2438, %mul3A_2440 : vector<16xi32>
        %sub3A = arith.subi %add3A_2437, %mul3A_2441 : vector<16xi32>
        %add3A_2442 = arith.addi %get3A_2420, %get3A_2436 : vector<16xi32>
        %sub3A_2443 = arith.constant 1 : i32
        %sub3A_2444 = vector.broadcast %sub3A_2443 : i32 to vector<16xi32>
        %sub3A_2445 = arith.subi %sub3A_2444, %add3A_2442 : vector<16xi32>
        %mul3A_2446 = arith.muli %get3A_2428, %sub3A_2445 : vector<16xi32>
        %mul3A_2447 = arith.muli %get3A_2420, %get3A_2436 : vector<16xi32>
        %add3A_2448 = arith.addi %mul3A_2446, %mul3A_2447 : vector<16xi32>
        %mul3A_2449 = arith.constant 2 : i32
        %mul3A_2450 = vector.broadcast %mul3A_2449 : i32 to vector<16xi32>
        %mul3A_2451 = arith.muli %add3A_2448, %mul3A_2450 : vector<16xi32>
        %sub3A_2452 = arith.constant 1 : i32
        %sub3A_2453 = vector.broadcast %sub3A_2452 : i32 to vector<16xi32>
        %sub3A_2454 = arith.subi %sub3A_2453, %mul3A_2451 : vector<16xi32>
        %mul3A_2455 = arith.muli %scan3A_2414, %sub3A_2454 : vector<16xi32>
        %mul3A_2456 = arith.muli %mul3A_2455, %sub3A : vector<16xi32>
        %add3A_2457 = arith.addi %scan3A_2413, %mul3A_2456 : vector<16xi32>
        %jit3A_2458 = arith.constant -1 : i32
        %jit3A_2459 = arith.constant 1 : i32
        %max3A = vector.broadcast %jit3A_2458 : i32 to vector<16xi32>
        %max3A_2460 = arith.maxsi %max3A, %add3A_2457 : vector<16xi32>
        %min3A = vector.broadcast %jit3A_2459 : i32 to vector<16xi32>
        %min3A_2461 = arith.minsi %min3A, %max3A_2460 : vector<16xi32>
        %mul3A_2462 = arith.muli %min3A_2461, %min3A_2461 : vector<16xi32>
        %sub3A_2463 = arith.constant 1 : i32
        %sub3A_2464 = vector.broadcast %sub3A_2463 : i32 to vector<16xi32>
        %sub3A_2465 = arith.subi %sub3A_2464, %add3A_2448 : vector<16xi32>
        %mul3A_2466 = arith.muli %mul3A_2462, %sub3A_2465 : vector<16xi32>
        %sub3A_2467 = arith.constant 1 : i32
        %sub3A_2468 = vector.broadcast %sub3A_2467 : i32 to vector<16xi32>
        %sub3A_2469 = arith.subi %sub3A_2468, %mul3A_2466 : vector<16xi32>
        %mul3A_2470 = arith.muli %mul3A_2455, %sub3A_2469 : vector<16xi32>
        %sub3A_2471 = arith.constant 1 : i32
        %sub3A_2472 = vector.broadcast %sub3A_2471 : i32 to vector<16xi32>
        %sub3A_2473 = arith.subi %sub3A_2472, %add3A_2448 : vector<16xi32>
        %mul3A_2474 = arith.muli %min3A_2461, %sub3A_2473 : vector<16xi32>
        %sub3A_2475 = arith.subi %mul3A_2470, %mul3A_2474 : vector<16xi32>
        %add3A_2476 = arith.constant 1 : i32
        %add3A_2477 = vector.broadcast %add3A_2476 : i32 to vector<16xi32>
        %add3A_2478 = arith.addi %min3A_2461, %add3A_2477 : vector<16xi32>
        %mul3A_2479 = arith.constant 80 : i32
        %mul3A_2480 = arith.muli %scan3A_2412, %mul3A_2479 : i32
        %add3A_2481 = arith.constant 32 : i32
        %add3A_2482 = arith.addi %mul3A_2480, %add3A_2481 : i32
        %swap3A_2483 = arith.index_cast %add3A_2482 : i32 to index
        %swap3A_2484 = tpu.vector_load %arg9[%swap3A_2483] {strides = array<i32>} : memref<1440xi32, #tpu.memory_space<vmem>>, vector<16xi32>,
        tpu.vector_store %arg9[%swap3A_2483], %add3A_2478 {strides = array<i32>} : memref<1440xi32, #tpu.memory_space<vmem>>, vector<16xi32>,
        scf.yield %min3A_2461, %sub3A_2475 : vector<16xi32>, vector<16xi32>
      }
      %scan3A_112 = arith.constant 18 : i32
      %broadcast_in_dim3A_113 = arith.constant -1 : i32
      %broadcast_in_dim3A_114 = vector.broadcast %broadcast_in_dim3A_113 : i32 to vector<16xi32>
      %broadcast_in_dim3A_115 = arith.constant 1 : i32
      %broadcast_in_dim3A_116 = vector.broadcast %broadcast_in_dim3A_115 : i32 to vector<16xi32>
      %scan3A_117 = arith.constant 0 : i32
      %scan3A_118 = arith.constant 18 : i32
      %scan3A_119 = arith.addi %scan3A_117, %scan3A_118 : i32
      %scan3A_120 = arith.constant 1 : i32
      %scan3A_121:2 = scf.for %scan3A_2412 = %scan3A_117 to %scan3A_119 step %scan3A_120 iter_args(%scan3A_2413 = %broadcast_in_dim3A_114, %scan3A_2414 = %broadcast_in_dim3A_116) -> (vector<16xi32>, vector<16xi32>)  : i32 {
        %mul3A_2415 = arith.constant 80 : i32
        %mul3A_2416 = arith.muli %scan3A_2412, %mul3A_2415 : i32
        %add3A_2417 = arith.constant 48 : i32
        %add3A_2418 = arith.addi %mul3A_2416, %add3A_2417 : i32
        %get3A_2419 = arith.index_cast %add3A_2418 : i32 to index
        %get3A_2420 = tpu.vector_load %arg8[%get3A_2419] {strides = array<i32>} : memref<1600xi32, #tpu.memory_space<vmem>>, vector<16xi32>,
        %add3A_2421 = arith.constant 1 : i32
        %add3A_2422 = arith.addi %scan3A_2412, %add3A_2421 : i32
        %mul3A_2423 = arith.constant 80 : i32
        %mul3A_2424 = arith.muli %add3A_2422, %mul3A_2423 : i32
        %add3A_2425 = arith.constant 48 : i32
        %add3A_2426 = arith.addi %mul3A_2424, %add3A_2425 : i32
        %get3A_2427 = arith.index_cast %add3A_2426 : i32 to index
        %get3A_2428 = tpu.vector_load %arg8[%get3A_2427] {strides = array<i32>} : memref<1600xi32, #tpu.memory_space<vmem>>, vector<16xi32>,
        %add3A_2429 = arith.constant 2 : i32
        %add3A_2430 = arith.addi %scan3A_2412, %add3A_2429 : i32
        %mul3A_2431 = arith.constant 80 : i32
        %mul3A_2432 = arith.muli %add3A_2430, %mul3A_2431 : i32
        %add3A_2433 = arith.constant 48 : i32
        %add3A_2434 = arith.addi %mul3A_2432, %add3A_2433 : i32
        %get3A_2435 = arith.index_cast %add3A_2434 : i32 to index
        %get3A_2436 = tpu.vector_load %arg8[%get3A_2435] {strides = array<i32>} : memref<1600xi32, #tpu.memory_space<vmem>>, vector<16xi32>,
        %add3A_2437 = arith.addi %get3A_2420, %get3A_2436 : vector<16xi32>
        %mul3A_2438 = arith.muli %get3A_2420, %get3A_2436 : vector<16xi32>
        %mul3A_2439 = arith.constant 2 : i32
        %mul3A_2440 = vector.broadcast %mul3A_2439 : i32 to vector<16xi32>
        %mul3A_2441 = arith.muli %mul3A_2438, %mul3A_2440 : vector<16xi32>
        %sub3A = arith.subi %add3A_2437, %mul3A_2441 : vector<16xi32>
        %add3A_2442 = arith.addi %get3A_2420, %get3A_2436 : vector<16xi32>
        %sub3A_2443 = arith.constant 1 : i32
        %sub3A_2444 = vector.broadcast %sub3A_2443 : i32 to vector<16xi32>
        %sub3A_2445 = arith.subi %sub3A_2444, %add3A_2442 : vector<16xi32>
        %mul3A_2446 = arith.muli %get3A_2428, %sub3A_2445 : vector<16xi32>
        %mul3A_2447 = arith.muli %get3A_2420, %get3A_2436 : vector<16xi32>
        %add3A_2448 = arith.addi %mul3A_2446, %mul3A_2447 : vector<16xi32>
        %mul3A_2449 = arith.constant 2 : i32
        %mul3A_2450 = vector.broadcast %mul3A_2449 : i32 to vector<16xi32>
        %mul3A_2451 = arith.muli %add3A_2448, %mul3A_2450 : vector<16xi32>
        %sub3A_2452 = arith.constant 1 : i32
        %sub3A_2453 = vector.broadcast %sub3A_2452 : i32 to vector<16xi32>
        %sub3A_2454 = arith.subi %sub3A_2453, %mul3A_2451 : vector<16xi32>
        %mul3A_2455 = arith.muli %scan3A_2414, %sub3A_2454 : vector<16xi32>
        %mul3A_2456 = arith.muli %mul3A_2455, %sub3A : vector<16xi32>
        %add3A_2457 = arith.addi %scan3A_2413, %mul3A_2456 : vector<16xi32>
        %jit3A_2458 = arith.constant -1 : i32
        %jit3A_2459 = arith.constant 1 : i32
        %max3A = vector.broadcast %jit3A_2458 : i32 to vector<16xi32>
        %max3A_2460 = arith.maxsi %max3A, %add3A_2457 : vector<16xi32>
        %min3A = vector.broadcast %jit3A_2459 : i32 to vector<16xi32>
        %min3A_2461 = arith.minsi %min3A, %max3A_2460 : vector<16xi32>
        %mul3A_2462 = arith.muli %min3A_2461, %min3A_2461 : vector<16xi32>
        %sub3A_2463 = arith.constant 1 : i32
        %sub3A_2464 = vector.broadcast %sub3A_2463 : i32 to vector<16xi32>
        %sub3A_2465 = arith.subi %sub3A_2464, %add3A_2448 : vector<16xi32>
        %mul3A_2466 = arith.muli %mul3A_2462, %sub3A_2465 : vector<16xi32>
        %sub3A_2467 = arith.constant 1 : i32
        %sub3A_2468 = vector.broadcast %sub3A_2467 : i32 to vector<16xi32>
        %sub3A_2469 = arith.subi %sub3A_2468, %mul3A_2466 : vector<16xi32>
        %mul3A_2470 = arith.muli %mul3A_2455, %sub3A_2469 : vector<16xi32>
        %sub3A_2471 = arith.constant 1 : i32
        %sub3A_2472 = vector.broadcast %sub3A_2471 : i32 to vector<16xi32>
        %sub3A_2473 = arith.subi %sub3A_2472, %add3A_2448 : vector<16xi32>
        %mul3A_2474 = arith.muli %min3A_2461, %sub3A_2473 : vector<16xi32>
        %sub3A_2475 = arith.subi %mul3A_2470, %mul3A_2474 : vector<16xi32>
        %add3A_2476 = arith.constant 1 : i32
        %add3A_2477 = vector.broadcast %add3A_2476 : i32 to vector<16xi32>
        %add3A_2478 = arith.addi %min3A_2461, %add3A_2477 : vector<16xi32>
        %mul3A_2479 = arith.constant 80 : i32
        %mul3A_2480 = arith.muli %scan3A_2412, %mul3A_2479 : i32
        %add3A_2481 = arith.constant 48 : i32
        %add3A_2482 = arith.addi %mul3A_2480, %add3A_2481 : i32
        %swap3A_2483 = arith.index_cast %add3A_2482 : i32 to index
        %swap3A_2484 = tpu.vector_load %arg9[%swap3A_2483] {strides = array<i32>} : memref<1440xi32, #tpu.memory_space<vmem>>, vector<16xi32>,
        tpu.vector_store %arg9[%swap3A_2483], %add3A_2478 {strides = array<i32>} : memref<1440xi32, #tpu.memory_space<vmem>>, vector<16xi32>,
        scf.yield %min3A_2461, %sub3A_2475 : vector<16xi32>, vector<16xi32>
      }
      %scan3A_122 = arith.constant 18 : i32
      %broadcast_in_dim3A_123 = arith.constant -1 : i32
      %broadcast_in_dim3A_124 = vector.broadcast %broadcast_in_dim3A_123 : i32 to vector<16xi32>
      %broadcast_in_dim3A_125 = arith.constant 1 : i32
      %broadcast_in_dim3A_126 = vector.broadcast %broadcast_in_dim3A_125 : i32 to vector<16xi32>
      %scan3A_127 = arith.constant 0 : i32
      %scan3A_128 = arith.constant 18 : i32
      %scan3A_129 = arith.addi %scan3A_127, %scan3A_128 : i32
      %scan3A_130 = arith.constant 1 : i32
      %scan3A_131:2 = scf.for %scan3A_2412 = %scan3A_127 to %scan3A_129 step %scan3A_130 iter_args(%scan3A_2413 = %broadcast_in_dim3A_124, %scan3A_2414 = %broadcast_in_dim3A_126) -> (vector<16xi32>, vector<16xi32>)  : i32 {
        %mul3A_2415 = arith.constant 80 : i32
        %mul3A_2416 = arith.muli %scan3A_2412, %mul3A_2415 : i32
        %add3A_2417 = arith.constant 64 : i32
        %add3A_2418 = arith.addi %mul3A_2416, %add3A_2417 : i32
        %get3A_2419 = arith.index_cast %add3A_2418 : i32 to index
        %get3A_2420 = tpu.vector_load %arg8[%get3A_2419] {strides = array<i32>} : memref<1600xi32, #tpu.memory_space<vmem>>, vector<16xi32>,
        %add3A_2421 = arith.constant 1 : i32
        %add3A_2422 = arith.addi %scan3A_2412, %add3A_2421 : i32
        %mul3A_2423 = arith.constant 80 : i32
        %mul3A_2424 = arith.muli %add3A_2422, %mul3A_2423 : i32
        %add3A_2425 = arith.constant 64 : i32
        %add3A_2426 = arith.addi %mul3A_2424, %add3A_2425 : i32
        %get3A_2427 = arith.index_cast %add3A_2426 : i32 to index
        %get3A_2428 = tpu.vector_load %arg8[%get3A_2427] {strides = array<i32>} : memref<1600xi32, #tpu.memory_space<vmem>>, vector<16xi32>,
        %add3A_2429 = arith.constant 2 : i32
        %add3A_2430 = arith.addi %scan3A_2412, %add3A_2429 : i32
        %mul3A_2431 = arith.constant 80 : i32
        %mul3A_2432 = arith.muli %add3A_2430, %mul3A_2431 : i32
        %add3A_2433 = arith.constant 64 : i32
        %add3A_2434 = arith.addi %mul3A_2432, %add3A_2433 : i32
        %get3A_2435 = arith.index_cast %add3A_2434 : i32 to index
        %get3A_2436 = tpu.vector_load %arg8[%get3A_2435] {strides = array<i32>} : memref<1600xi32, #tpu.memory_space<vmem>>, vector<16xi32>,
        %add3A_2437 = arith.addi %get3A_2420, %get3A_2436 : vector<16xi32>
        %mul3A_2438 = arith.muli %get3A_2420, %get3A_2436 : vector<16xi32>
        %mul3A_2439 = arith.constant 2 : i32
        %mul3A_2440 = vector.broadcast %mul3A_2439 : i32 to vector<16xi32>
        %mul3A_2441 = arith.muli %mul3A_2438, %mul3A_2440 : vector<16xi32>
        %sub3A = arith.subi %add3A_2437, %mul3A_2441 : vector<16xi32>
        %add3A_2442 = arith.addi %get3A_2420, %get3A_2436 : vector<16xi32>
        %sub3A_2443 = arith.constant 1 : i32
        %sub3A_2444 = vector.broadcast %sub3A_2443 : i32 to vector<16xi32>
        %sub3A_2445 = arith.subi %sub3A_2444, %add3A_2442 : vector<16xi32>
        %mul3A_2446 = arith.muli %get3A_2428, %sub3A_2445 : vector<16xi32>
        %mul3A_2447 = arith.muli %get3A_2420, %get3A_2436 : vector<16xi32>
        %add3A_2448 = arith.addi %mul3A_2446, %mul3A_2447 : vector<16xi32>
        %mul3A_2449 = arith.constant 2 : i32
        %mul3A_2450 = vector.broadcast %mul3A_2449 : i32 to vector<16xi32>
        %mul3A_2451 = arith.muli %add3A_2448, %mul3A_2450 : vector<16xi32>
        %sub3A_2452 = arith.constant 1 : i32
        %sub3A_2453 = vector.broadcast %sub3A_2452 : i32 to vector<16xi32>
        %sub3A_2454 = arith.subi %sub3A_2453, %mul3A_2451 : vector<16xi32>
        %mul3A_2455 = arith.muli %scan3A_2414, %sub3A_2454 : vector<16xi32>
        %mul3A_2456 = arith.muli %mul3A_2455, %sub3A : vector<16xi32>
        %add3A_2457 = arith.addi %scan3A_2413, %mul3A_2456 : vector<16xi32>
        %jit3A_2458 = arith.constant -1 : i32
        %jit3A_2459 = arith.constant 1 : i32
        %max3A = vector.broadcast %jit3A_2458 : i32 to vector<16xi32>
        %max3A_2460 = arith.maxsi %max3A, %add3A_2457 : vector<16xi32>
        %min3A = vector.broadcast %jit3A_2459 : i32 to vector<16xi32>
        %min3A_2461 = arith.minsi %min3A, %max3A_2460 : vector<16xi32>
        %mul3A_2462 = arith.muli %min3A_2461, %min3A_2461 : vector<16xi32>
        %sub3A_2463 = arith.constant 1 : i32
        %sub3A_2464 = vector.broadcast %sub3A_2463 : i32 to vector<16xi32>
        %sub3A_2465 = arith.subi %sub3A_2464, %add3A_2448 : vector<16xi32>
        %mul3A_2466 = arith.muli %mul3A_2462, %sub3A_2465 : vector<16xi32>
        %sub3A_2467 = arith.constant 1 : i32
        %sub3A_2468 = vector.broadcast %sub3A_2467 : i32 to vector<16xi32>
        %sub3A_2469 = arith.subi %sub3A_2468, %mul3A_2466 : vector<16xi32>
        %mul3A_2470 = arith.muli %mul3A_2455, %sub3A_2469 : vector<16xi32>
        %sub3A_2471 = arith.constant 1 : i32
        %sub3A_2472 = vector.broadcast %sub3A_2471 : i32 to vector<16xi32>
        %sub3A_2473 = arith.subi %sub3A_2472, %add3A_2448 : vector<16xi32>
        %mul3A_2474 = arith.muli %min3A_2461, %sub3A_2473 : vector<16xi32>
        %sub3A_2475 = arith.subi %mul3A_2470, %mul3A_2474 : vector<16xi32>
        %add3A_2476 = arith.constant 1 : i32
        %add3A_2477 = vector.broadcast %add3A_2476 : i32 to vector<16xi32>
        %add3A_2478 = arith.addi %min3A_2461, %add3A_2477 : vector<16xi32>
        %mul3A_2479 = arith.constant 80 : i32
        %mul3A_2480 = arith.muli %scan3A_2412, %mul3A_2479 : i32
        %add3A_2481 = arith.constant 64 : i32
        %add3A_2482 = arith.addi %mul3A_2480, %add3A_2481 : i32
        %swap3A_2483 = arith.index_cast %add3A_2482 : i32 to index
        %swap3A_2484 = tpu.vector_load %arg9[%swap3A_2483] {strides = array<i32>} : memref<1440xi32, #tpu.memory_space<vmem>>, vector<16xi32>,
        tpu.vector_store %arg9[%swap3A_2483], %add3A_2478 {strides = array<i32>} : memref<1440xi32, #tpu.memory_space<vmem>>, vector<16xi32>,
        scf.yield %min3A_2461, %sub3A_2475 : vector<16xi32>, vector<16xi32>
      }
      %scan3A_132 = arith.constant 18 : i32
      %parallel_loop3A = arith.constant 0 : i32
      %parallel_loop3A_133 = arith.constant 197 : i32
      %parallel_loop3A_134 = arith.constant 1 : i32
      scf.for %parallel_loop3A_2412 = %parallel_loop3A to %parallel_loop3A_133 step %parallel_loop3A_134  : i32 {
        %parallel_loop3A_2413 = arith.constant 16 : i32
        %parallel_loop3A_2414 = arith.muli %parallel_loop3A_2412, %parallel_loop3A_2413 : i32
        %parallel_loop3A_2415 = arith.index_cast %parallel_loop3A_2414 : i32 to index
        %parallel_loop3A_2416 = tpu.vector_load %arg13[%parallel_loop3A_2415] {strides = array<i32>} : memref<3168xi32, #tpu.memory_space<vmem>>, vector<16xi32>,
        %parallel_loop3A_2417 = arith.constant 16 : i32
        %parallel_loop3A_2418 = arith.muli %parallel_loop3A_2412, %parallel_loop3A_2417 : i32
        %parallel_loop3A_2419 = arith.index_cast %parallel_loop3A_2418 : i32 to index
        %parallel_loop3A_2420 = tpu.vector_load %arg14[%parallel_loop3A_2419] {strides = array<i32>} : memref<3168xi32, #tpu.memory_space<vmem>>, vector<16xi32>,
        %parallel_loop3A_2421 = arith.constant 16 : i32
        %parallel_loop3A_2422 = arith.muli %parallel_loop3A_2412, %parallel_loop3A_2421 : i32
        %parallel_loop3A_2423 = vector.broadcast %parallel_loop3A_2422 : i32 to vector<16xi32>
        %parallel_loop3A_2424 = arith.addi %parallel_loop3A_2423, %iota3A : vector<16xi32>
        %parallel_loop3A_2425 = arith.constant 0 : i32
        %parallel_loop3A_2426 = vector.broadcast %parallel_loop3A_2425 : i32 to vector<16xi32>
        %parallel_loop3A_2427 = arith.addi %parallel_loop3A_2416, %parallel_loop3A_2426 : vector<16xi32>
        %parallel_loop3A_2428 = tpu.vector_load_idx %arg9[%parallel_loop3A_2427] : memref<1440xi32, #tpu.memory_space<vmem>>[vector<16xi32>], vector<16xi32>,
        %parallel_loop3A_2429 = arith.constant 0 : i32
        %parallel_loop3A_2430 = vector.broadcast %parallel_loop3A_2429 : i32 to vector<16xi32>
        %parallel_loop3A_2431 = arith.addi %parallel_loop3A_2420, %parallel_loop3A_2430 : vector<16xi32>
        %parallel_loop3A_2432 = tpu.vector_load_idx %arg9[%parallel_loop3A_2431] : memref<1440xi32, #tpu.memory_space<vmem>>[vector<16xi32>], vector<16xi32>,
        %parallel_loop3A_2433 = arith.constant 3 : i32
        %parallel_loop3A_2434 = vector.broadcast %parallel_loop3A_2433 : i32 to vector<16xi32>
        %parallel_loop3A_2435 = arith.muli %parallel_loop3A_2428, %parallel_loop3A_2434 : vector<16xi32>
        %parallel_loop3A_2436 = arith.addi %parallel_loop3A_2435, %parallel_loop3A_2432 : vector<16xi32>
        %parallel_loop3A_2437 = arith.constant 3168 : i32
        %parallel_loop3A_2438 = vector.broadcast %parallel_loop3A_2437 : i32 to vector<16xi32>
        %parallel_loop3A_2439 = arith.muli %parallel_loop3A_2436, %parallel_loop3A_2438 : vector<16xi32>
        %parallel_loop3A_2440 = arith.addi %parallel_loop3A_2439, %parallel_loop3A_2424 : vector<16xi32>
        %parallel_loop3A_2441 = tpu.vector_load_idx %arg12[%parallel_loop3A_2440] : memref<28512xf32, #tpu.memory_space<vmem>>[vector<16xi32>], vector<16xf32>,
        %parallel_loop3A_2442 = arith.constant 80 : i32
        %parallel_loop3A_2443 = vector.broadcast %parallel_loop3A_2442 : i32 to vector<16xi32>
        %parallel_loop3A_2444 = arith.addi %parallel_loop3A_2416, %parallel_loop3A_2443 : vector<16xi32>
        %parallel_loop3A_2445 = tpu.vector_load_idx %arg9[%parallel_loop3A_2444] : memref<1440xi32, #tpu.memory_space<vmem>>[vector<16xi32>], vector<16xi32>,
        %parallel_loop3A_2446 = arith.constant 80 : i32
        %parallel_loop3A_2447 = vector.broadcast %parallel_loop3A_2446 : i32 to vector<16xi32>
        %parallel_loop3A_2448 = arith.addi %parallel_loop3A_2420, %parallel_loop3A_2447 : vector<16xi32>
        %parallel_loop3A_2449 = tpu.vector_load_idx %arg9[%parallel_loop3A_2448] : memref<1440xi32, #tpu.memory_space<vmem>>[vector<16xi32>], vector<16xi32>,
        %parallel_loop3A_2450 = arith.constant 3 : i32
        %parallel_loop3A_2451 = vector.broadcast %parallel_loop3A_2450 : i32 to vector<16xi32>
        %parallel_loop3A_2452 = arith.muli %parallel_loop3A_2445, %parallel_loop3A_2451 : vector<16xi32>
        %parallel_loop3A_2453 = arith.addi %parallel_loop3A_2452, %parallel_loop3A_2449 : vector<16xi32>
        %parallel_loop3A_2454 = arith.constant 3168 : i32
        %parallel_loop3A_2455 = vector.broadcast %parallel_loop3A_2454 : i32 to vector<16xi32>
        %parallel_loop3A_2456 = arith.muli %parallel_loop3A_2453, %parallel_loop3A_2455 : vector<16xi32>
        %parallel_loop3A_2457 = arith.addi %parallel_loop3A_2456, %parallel_loop3A_2424 : vector<16xi32>
        %parallel_loop3A_2458 = tpu.vector_load_idx %arg12[%parallel_loop3A_2457] : memref<28512xf32, #tpu.memory_space<vmem>>[vector<16xi32>], vector<16xf32>,
        %parallel_loop3A_2459 = arith.constant 160 : i32
        %parallel_loop3A_2460 = vector.broadcast %parallel_loop3A_2459 : i32 to vector<16xi32>
        %parallel_loop3A_2461 = arith.addi %parallel_loop3A_2416, %parallel_loop3A_2460 : vector<16xi32>
        %parallel_loop3A_2462 = tpu.vector_load_idx %arg9[%parallel_loop3A_2461] : memref<1440xi32, #tpu.memory_space<vmem>>[vector<16xi32>], vector<16xi32>,
        %parallel_loop3A_2463 = arith.constant 160 : i32
        %parallel_loop3A_2464 = vector.broadcast %parallel_loop3A_2463 : i32 to vector<16xi32>
        %parallel_loop3A_2465 = arith.addi %parallel_loop3A_2420, %parallel_loop3A_2464 : vector<16xi32>
        %parallel_loop3A_2466 = tpu.vector_load_idx %arg9[%parallel_loop3A_2465] : memref<1440xi32, #tpu.memory_space<vmem>>[vector<16xi32>], vector<16xi32>,
        %parallel_loop3A_2467 = arith.constant 3 : i32
        %parallel_loop3A_2468 = vector.broadcast %parallel_loop3A_2467 : i32 to vector<16xi32>
        %parallel_loop3A_2469 = arith.muli %parallel_loop3A_2462, %parallel_loop3A_2468 : vector<16xi32>
        %parallel_loop3A_2470 = arith.addi %parallel_loop3A_2469, %parallel_loop3A_2466 : vector<16xi32>
        %parallel_loop3A_2471 = arith.constant 3168 : i32
        %parallel_loop3A_2472 = vector.broadcast %parallel_loop3A_2471 : i32 to vector<16xi32>
        %parallel_loop3A_2473 = arith.muli %parallel_loop3A_2470, %parallel_loop3A_2472 : vector<16xi32>
        %parallel_loop3A_2474 = arith.addi %parallel_loop3A_2473, %parallel_loop3A_2424 : vector<16xi32>
        %parallel_loop3A_2475 = tpu.vector_load_idx %arg12[%parallel_loop3A_2474] : memref<28512xf32, #tpu.memory_space<vmem>>[vector<16xi32>], vector<16xf32>,
        %parallel_loop3A_2476 = arith.constant 240 : i32
        %parallel_loop3A_2477 = vector.broadcast %parallel_loop3A_2476 : i32 to vector<16xi32>
        %parallel_loop3A_2478 = arith.addi %parallel_loop3A_2416, %parallel_loop3A_2477 : vector<16xi32>
        %parallel_loop3A_2479 = tpu.vector_load_idx %arg9[%parallel_loop3A_2478] : memref<1440xi32, #tpu.memory_space<vmem>>[vector<16xi32>], vector<16xi32>,
        %parallel_loop3A_2480 = arith.constant 240 : i32
        %parallel_loop3A_2481 = vector.broadcast %parallel_loop3A_2480 : i32 to vector<16xi32>
        %parallel_loop3A_2482 = arith.addi %parallel_loop3A_2420, %parallel_loop3A_2481 : vector<16xi32>
        %parallel_loop3A_2483 = tpu.vector_load_idx %arg9[%parallel_loop3A_2482] : memref<1440xi32, #tpu.memory_space<vmem>>[vector<16xi32>], vector<16xi32>,
        %parallel_loop3A_2484 = arith.constant 3 : i32
        %parallel_loop3A_2485 = vector.broadcast %parallel_loop3A_2484 : i32 to vector<16xi32>
        %parallel_loop3A_2486 = arith.muli %parallel_loop3A_2479, %parallel_loop3A_2485 : vector<16xi32>
        %parallel_loop3A_2487 = arith.addi %parallel_loop3A_2486, %parallel_loop3A_2483 : vector<16xi32>
        %parallel_loop3A_2488 = arith.constant 3168 : i32
        %parallel_loop3A_2489 = vector.broadcast %parallel_loop3A_2488 : i32 to vector<16xi32>
        %parallel_loop3A_2490 = arith.muli %parallel_loop3A_2487, %parallel_loop3A_2489 : vector<16xi32>
        %parallel_loop3A_2491 = arith.addi %parallel_loop3A_2490, %parallel_loop3A_2424 : vector<16xi32>
        %parallel_loop3A_2492 = tpu.vector_load_idx %arg12[%parallel_loop3A_2491] : memref<28512xf32, #tpu.memory_space<vmem>>[vector<16xi32>], vector<16xf32>,
        %parallel_loop3A_2493 = arith.constant 320 : i32
        %parallel_loop3A_2494 = vector.broadcast %parallel_loop3A_2493 : i32 to vector<16xi32>
        %parallel_loop3A_2495 = arith.addi %parallel_loop3A_2416, %parallel_loop3A_2494 : vector<16xi32>
        %parallel_loop3A_2496 = tpu.vector_load_idx %arg9[%parallel_loop3A_2495] : memref<1440xi32, #tpu.memory_space<vmem>>[vector<16xi32>], vector<16xi32>,
        %parallel_loop3A_2497 = arith.constant 320 : i32
        %parallel_loop3A_2498 = vector.broadcast %parallel_loop3A_2497 : i32 to vector<16xi32>
        %parallel_loop3A_2499 = arith.addi %parallel_loop3A_2420, %parallel_loop3A_2498 : vector<16xi32>
        %parallel_loop3A_2500 = tpu.vector_load_idx %arg9[%parallel_loop3A_2499] : memref<1440xi32, #tpu.memory_space<vmem>>[vector<16xi32>], vector<16xi32>,
        %parallel_loop3A_2501 = arith.constant 3 : i32
        %parallel_loop3A_2502 = vector.broadcast %parallel_loop3A_2501 : i32 to vector<16xi32>
        %parallel_loop3A_2503 = arith.muli %parallel_loop3A_2496, %parallel_loop3A_2502 : vector<16xi32>
        %parallel_loop3A_2504 = arith.addi %parallel_loop3A_2503, %parallel_loop3A_2500 : vector<16xi32>
        %parallel_loop3A_2505 = arith.constant 3168 : i32
        %parallel_loop3A_2506 = vector.broadcast %parallel_loop3A_2505 : i32 to vector<16xi32>
        %parallel_loop3A_2507 = arith.muli %parallel_loop3A_2504, %parallel_loop3A_2506 : vector<16xi32>
        %parallel_loop3A_2508 = arith.addi %parallel_loop3A_2507, %parallel_loop3A_2424 : vector<16xi32>
        %parallel_loop3A_2509 = tpu.vector_load_idx %arg12[%parallel_loop3A_2508] : memref<28512xf32, #tpu.memory_space<vmem>>[vector<16xi32>], vector<16xf32>,
        %parallel_loop3A_2510 = arith.constant 400 : i32
        %parallel_loop3A_2511 = vector.broadcast %parallel_loop3A_2510 : i32 to vector<16xi32>
        %parallel_loop3A_2512 = arith.addi %parallel_loop3A_2416, %parallel_loop3A_2511 : vector<16xi32>
        %parallel_loop3A_2513 = tpu.vector_load_idx %arg9[%parallel_loop3A_2512] : memref<1440xi32, #tpu.memory_space<vmem>>[vector<16xi32>], vector<16xi32>,
        %parallel_loop3A_2514 = arith.constant 400 : i32
        %parallel_loop3A_2515 = vector.broadcast %parallel_loop3A_2514 : i32 to vector<16xi32>
        %parallel_loop3A_2516 = arith.addi %parallel_loop3A_2420, %parallel_loop3A_2515 : vector<16xi32>
        %parallel_loop3A_2517 = tpu.vector_load_idx %arg9[%parallel_loop3A_2516] : memref<1440xi32, #tpu.memory_space<vmem>>[vector<16xi32>], vector<16xi32>,
        %parallel_loop3A_2518 = arith.constant 3 : i32
        %parallel_loop3A_2519 = vector.broadcast %parallel_loop3A_2518 : i32 to vector<16xi32>
        %parallel_loop3A_2520 = arith.muli %parallel_loop3A_2513, %parallel_loop3A_2519 : vector<16xi32>
        %parallel_loop3A_2521 = arith.addi %parallel_loop3A_2520, %parallel_loop3A_2517 : vector<16xi32>
        %parallel_loop3A_2522 = arith.constant 3168 : i32
        %parallel_loop3A_2523 = vector.broadcast %parallel_loop3A_2522 : i32 to vector<16xi32>
        %parallel_loop3A_2524 = arith.muli %parallel_loop3A_2521, %parallel_loop3A_2523 : vector<16xi32>
        %parallel_loop3A_2525 = arith.addi %parallel_loop3A_2524, %parallel_loop3A_2424 : vector<16xi32>
        %parallel_loop3A_2526 = tpu.vector_load_idx %arg12[%parallel_loop3A_2525] : memref<28512xf32, #tpu.memory_space<vmem>>[vector<16xi32>], vector<16xf32>,
        %parallel_loop3A_2527 = arith.constant 480 : i32
        %parallel_loop3A_2528 = vector.broadcast %parallel_loop3A_2527 : i32 to vector<16xi32>
        %parallel_loop3A_2529 = arith.addi %parallel_loop3A_2416, %parallel_loop3A_2528 : vector<16xi32>
        %parallel_loop3A_2530 = tpu.vector_load_idx %arg9[%parallel_loop3A_2529] : memref<1440xi32, #tpu.memory_space<vmem>>[vector<16xi32>], vector<16xi32>,
        %parallel_loop3A_2531 = arith.constant 480 : i32
        %parallel_loop3A_2532 = vector.broadcast %parallel_loop3A_2531 : i32 to vector<16xi32>
        %parallel_loop3A_2533 = arith.addi %parallel_loop3A_2420, %parallel_loop3A_2532 : vector<16xi32>
        %parallel_loop3A_2534 = tpu.vector_load_idx %arg9[%parallel_loop3A_2533] : memref<1440xi32, #tpu.memory_space<vmem>>[vector<16xi32>], vector<16xi32>,
        %parallel_loop3A_2535 = arith.constant 3 : i32
        %parallel_loop3A_2536 = vector.broadcast %parallel_loop3A_2535 : i32 to vector<16xi32>
        %parallel_loop3A_2537 = arith.muli %parallel_loop3A_2530, %parallel_loop3A_2536 : vector<16xi32>
        %parallel_loop3A_2538 = arith.addi %parallel_loop3A_2537, %parallel_loop3A_2534 : vector<16xi32>
        %parallel_loop3A_2539 = arith.constant 3168 : i32
        %parallel_loop3A_2540 = vector.broadcast %parallel_loop3A_2539 : i32 to vector<16xi32>
        %parallel_loop3A_2541 = arith.muli %parallel_loop3A_2538, %parallel_loop3A_2540 : vector<16xi32>
        %parallel_loop3A_2542 = arith.addi %parallel_loop3A_2541, %parallel_loop3A_2424 : vector<16xi32>
        %parallel_loop3A_2543 = tpu.vector_load_idx %arg12[%parallel_loop3A_2542] : memref<28512xf32, #tpu.memory_space<vmem>>[vector<16xi32>], vector<16xf32>,
        %parallel_loop3A_2544 = arith.constant 560 : i32
        %parallel_loop3A_2545 = vector.broadcast %parallel_loop3A_2544 : i32 to vector<16xi32>
        %parallel_loop3A_2546 = arith.addi %parallel_loop3A_2416, %parallel_loop3A_2545 : vector<16xi32>
        %parallel_loop3A_2547 = tpu.vector_load_idx %arg9[%parallel_loop3A_2546] : memref<1440xi32, #tpu.memory_space<vmem>>[vector<16xi32>], vector<16xi32>,
        %parallel_loop3A_2548 = arith.constant 560 : i32
        %parallel_loop3A_2549 = vector.broadcast %parallel_loop3A_2548 : i32 to vector<16xi32>
        %parallel_loop3A_2550 = arith.addi %parallel_loop3A_2420, %parallel_loop3A_2549 : vector<16xi32>
        %parallel_loop3A_2551 = tpu.vector_load_idx %arg9[%parallel_loop3A_2550] : memref<1440xi32, #tpu.memory_space<vmem>>[vector<16xi32>], vector<16xi32>,
        %parallel_loop3A_2552 = arith.constant 3 : i32
        %parallel_loop3A_2553 = vector.broadcast %parallel_loop3A_2552 : i32 to vector<16xi32>
        %parallel_loop3A_2554 = arith.muli %parallel_loop3A_2547, %parallel_loop3A_2553 : vector<16xi32>
        %parallel_loop3A_2555 = arith.addi %parallel_loop3A_2554, %parallel_loop3A_2551 : vector<16xi32>
        %parallel_loop3A_2556 = arith.constant 3168 : i32
        %parallel_loop3A_2557 = vector.broadcast %parallel_loop3A_2556 : i32 to vector<16xi32>
        %parallel_loop3A_2558 = arith.muli %parallel_loop3A_2555, %parallel_loop3A_2557 : vector<16xi32>
        %parallel_loop3A_2559 = arith.addi %parallel_loop3A_2558, %parallel_loop3A_2424 : vector<16xi32>
        %parallel_loop3A_2560 = tpu.vector_load_idx %arg12[%parallel_loop3A_2559] : memref<28512xf32, #tpu.memory_space<vmem>>[vector<16xi32>], vector<16xf32>,
        %parallel_loop3A_2561 = arith.constant 640 : i32
        %parallel_loop3A_2562 = vector.broadcast %parallel_loop3A_2561 : i32 to vector<16xi32>
        %parallel_loop3A_2563 = arith.addi %parallel_loop3A_2416, %parallel_loop3A_2562 : vector<16xi32>
        %parallel_loop3A_2564 = tpu.vector_load_idx %arg9[%parallel_loop3A_2563] : memref<1440xi32, #tpu.memory_space<vmem>>[vector<16xi32>], vector<16xi32>,
        %parallel_loop3A_2565 = arith.constant 640 : i32
        %parallel_loop3A_2566 = vector.broadcast %parallel_loop3A_2565 : i32 to vector<16xi32>
        %parallel_loop3A_2567 = arith.addi %parallel_loop3A_2420, %parallel_loop3A_2566 : vector<16xi32>
        %parallel_loop3A_2568 = tpu.vector_load_idx %arg9[%parallel_loop3A_2567] : memref<1440xi32, #tpu.memory_space<vmem>>[vector<16xi32>], vector<16xi32>,
        %parallel_loop3A_2569 = arith.constant 3 : i32
        %parallel_loop3A_2570 = vector.broadcast %parallel_loop3A_2569 : i32 to vector<16xi32>
        %parallel_loop3A_2571 = arith.muli %parallel_loop3A_2564, %parallel_loop3A_2570 : vector<16xi32>
        %parallel_loop3A_2572 = arith.addi %parallel_loop3A_2571, %parallel_loop3A_2568 : vector<16xi32>
        %parallel_loop3A_2573 = arith.constant 3168 : i32
        %parallel_loop3A_2574 = vector.broadcast %parallel_loop3A_2573 : i32 to vector<16xi32>
        %parallel_loop3A_2575 = arith.muli %parallel_loop3A_2572, %parallel_loop3A_2574 : vector<16xi32>
        %parallel_loop3A_2576 = arith.addi %parallel_loop3A_2575, %parallel_loop3A_2424 : vector<16xi32>
        %parallel_loop3A_2577 = tpu.vector_load_idx %arg12[%parallel_loop3A_2576] : memref<28512xf32, #tpu.memory_space<vmem>>[vector<16xi32>], vector<16xf32>,
        %parallel_loop3A_2578 = arith.constant 16 : i32
        %parallel_loop3A_2579 = arith.muli %parallel_loop3A_2412, %parallel_loop3A_2578 : i32
        %parallel_loop3A_2580 = arith.constant 80 : i32
        %parallel_loop3A_2581 = arith.addi %parallel_loop3A_2580, %parallel_loop3A_2579 : i32
        %parallel_loop3A_2582 = arith.index_cast %parallel_loop3A_2581 : i32 to index
        %parallel_loop3A_2583 = tpu.vector_load %arg10[%parallel_loop3A_2582] {strides = array<i32>} : memref<29160xf32, #tpu.memory_space<vmem>>, vector<16xf32>,
        tpu.vector_store %arg10[%parallel_loop3A_2582], %parallel_loop3A_2441 {strides = array<i32>} : memref<29160xf32, #tpu.memory_space<vmem>>, vector<16xf32>,
        %parallel_loop3A_2584 = arith.constant 16 : i32
        %parallel_loop3A_2585 = arith.muli %parallel_loop3A_2412, %parallel_loop3A_2584 : i32
        %parallel_loop3A_2586 = arith.constant 3320 : i32
        %parallel_loop3A_2587 = arith.addi %parallel_loop3A_2586, %parallel_loop3A_2585 : i32
        %parallel_loop3A_2588 = arith.index_cast %parallel_loop3A_2587 : i32 to index
        %parallel_loop3A_2589 = tpu.vector_load %arg10[%parallel_loop3A_2588] {strides = array<i32>} : memref<29160xf32, #tpu.memory_space<vmem>>, vector<16xf32>,
        tpu.vector_store %arg10[%parallel_loop3A_2588], %parallel_loop3A_2458 {strides = array<i32>} : memref<29160xf32, #tpu.memory_space<vmem>>, vector<16xf32>,
        %parallel_loop3A_2590 = arith.constant 16 : i32
        %parallel_loop3A_2591 = arith.muli %parallel_loop3A_2412, %parallel_loop3A_2590 : i32
        %parallel_loop3A_2592 = arith.constant 6560 : i32
        %parallel_loop3A_2593 = arith.addi %parallel_loop3A_2592, %parallel_loop3A_2591 : i32
        %parallel_loop3A_2594 = arith.index_cast %parallel_loop3A_2593 : i32 to index
        %parallel_loop3A_2595 = tpu.vector_load %arg10[%parallel_loop3A_2594] {strides = array<i32>} : memref<29160xf32, #tpu.memory_space<vmem>>, vector<16xf32>,
        tpu.vector_store %arg10[%parallel_loop3A_2594], %parallel_loop3A_2475 {strides = array<i32>} : memref<29160xf32, #tpu.memory_space<vmem>>, vector<16xf32>,
        %parallel_loop3A_2596 = arith.constant 16 : i32
        %parallel_loop3A_2597 = arith.muli %parallel_loop3A_2412, %parallel_loop3A_2596 : i32
        %parallel_loop3A_2598 = arith.constant 9800 : i32
        %parallel_loop3A_2599 = arith.addi %parallel_loop3A_2598, %parallel_loop3A_2597 : i32
        %parallel_loop3A_2600 = arith.index_cast %parallel_loop3A_2599 : i32 to index
        %parallel_loop3A_2601 = tpu.vector_load %arg10[%parallel_loop3A_2600] {strides = array<i32>} : memref<29160xf32, #tpu.memory_space<vmem>>, vector<16xf32>,
        tpu.vector_store %arg10[%parallel_loop3A_2600], %parallel_loop3A_2492 {strides = array<i32>} : memref<29160xf32, #tpu.memory_space<vmem>>, vector<16xf32>,
        %parallel_loop3A_2602 = arith.constant 16 : i32
        %parallel_loop3A_2603 = arith.muli %parallel_loop3A_2412, %parallel_loop3A_2602 : i32
        %parallel_loop3A_2604 = arith.constant 13040 : i32
        %parallel_loop3A_2605 = arith.addi %parallel_loop3A_2604, %parallel_loop3A_2603 : i32
        %parallel_loop3A_2606 = arith.index_cast %parallel_loop3A_2605 : i32 to index
        %parallel_loop3A_2607 = tpu.vector_load %arg10[%parallel_loop3A_2606] {strides = array<i32>} : memref<29160xf32, #tpu.memory_space<vmem>>, vector<16xf32>,
        tpu.vector_store %arg10[%parallel_loop3A_2606], %parallel_loop3A_2509 {strides = array<i32>} : memref<29160xf32, #tpu.memory_space<vmem>>, vector<16xf32>,
        %parallel_loop3A_2608 = arith.constant 16 : i32
        %parallel_loop3A_2609 = arith.muli %parallel_loop3A_2412, %parallel_loop3A_2608 : i32
        %parallel_loop3A_2610 = arith.constant 16280 : i32
        %parallel_loop3A_2611 = arith.addi %parallel_loop3A_2610, %parallel_loop3A_2609 : i32
        %parallel_loop3A_2612 = arith.index_cast %parallel_loop3A_2611 : i32 to index
        %parallel_loop3A_2613 = tpu.vector_load %arg10[%parallel_loop3A_2612] {strides = array<i32>} : memref<29160xf32, #tpu.memory_space<vmem>>, vector<16xf32>,
        tpu.vector_store %arg10[%parallel_loop3A_2612], %parallel_loop3A_2526 {strides = array<i32>} : memref<29160xf32, #tpu.memory_space<vmem>>, vector<16xf32>,
        %parallel_loop3A_2614 = arith.constant 16 : i32
        %parallel_loop3A_2615 = arith.muli %parallel_loop3A_2412, %parallel_loop3A_2614 : i32
        %parallel_loop3A_2616 = arith.constant 19520 : i32
        %parallel_loop3A_2617 = arith.addi %parallel_loop3A_2616, %parallel_loop3A_2615 : i32
        %parallel_loop3A_2618 = arith.index_cast %parallel_loop3A_2617 : i32 to index
        %parallel_loop3A_2619 = tpu.vector_load %arg10[%parallel_loop3A_2618] {strides = array<i32>} : memref<29160xf32, #tpu.memory_space<vmem>>, vector<16xf32>,
        tpu.vector_store %arg10[%parallel_loop3A_2618], %parallel_loop3A_2543 {strides = array<i32>} : memref<29160xf32, #tpu.memory_space<vmem>>, vector<16xf32>,
        %parallel_loop3A_2620 = arith.constant 16 : i32
        %parallel_loop3A_2621 = arith.muli %parallel_loop3A_2412, %parallel_loop3A_2620 : i32
        %parallel_loop3A_2622 = arith.constant 22760 : i32
        %parallel_loop3A_2623 = arith.addi %parallel_loop3A_2622, %parallel_loop3A_2621 : i32
        %parallel_loop3A_2624 = arith.index_cast %parallel_loop3A_2623 : i32 to index
        %parallel_loop3A_2625 = tpu.vector_load %arg10[%parallel_loop3A_2624] {strides = array<i32>} : memref<29160xf32, #tpu.memory_space<vmem>>, vector<16xf32>,
        tpu.vector_store %arg10[%parallel_loop3A_2624], %parallel_loop3A_2560 {strides = array<i32>} : memref<29160xf32, #tpu.memory_space<vmem>>, vector<16xf32>,
        %parallel_loop3A_2626 = arith.constant 16 : i32
        %parallel_loop3A_2627 = arith.muli %parallel_loop3A_2412, %parallel_loop3A_2626 : i32
        %parallel_loop3A_2628 = arith.constant 26000 : i32
        %parallel_loop3A_2629 = arith.addi %parallel_loop3A_2628, %parallel_loop3A_2627 : i32
        %parallel_loop3A_2630 = arith.index_cast %parallel_loop3A_2629 : i32 to index
        %parallel_loop3A_2631 = tpu.vector_load %arg10[%parallel_loop3A_2630] {strides = array<i32>} : memref<29160xf32, #tpu.memory_space<vmem>>, vector<16xf32>,
        tpu.vector_store %arg10[%parallel_loop3A_2630], %parallel_loop3A_2577 {strides = array<i32>} : memref<29160xf32, #tpu.memory_space<vmem>>, vector<16xf32>,
      } {sc.loop_unroll_factor = 1 : i64, sc.parallel_access}
      %get3A_135 = arith.constant 3152 : index
      %get3A_136 = tpu.vector_load %arg13[%get3A_135] {strides = array<i32>} : memref<3168xi32, #tpu.memory_space<vmem>>, vector<16xi32>,
      %get3A_137 = arith.constant 3152 : index
      %get3A_138 = tpu.vector_load %arg14[%get3A_137] {strides = array<i32>} : memref<3168xi32, #tpu.memory_space<vmem>>, vector<16xi32>,
      %add3A_139 = arith.constant 3152 : i32
      %add3A_140 = vector.broadcast %add3A_139 : i32 to vector<16xi32>
      %add3A_141 = arith.addi %add3A_140, %iota3A : vector<16xi32>
      %lt3A = arith.constant 3160 : i32
      %lt3A_142 = vector.broadcast %lt3A : i32 to vector<16xi32>
      %lt3A_143 = arith.cmpi slt, %add3A_141, %lt3A_142 : vector<16xi32>
      %add3A_144 = arith.constant 0 : i32
      %add3A_145 = vector.broadcast %add3A_144 : i32 to vector<16xi32>
      %add3A_146 = arith.addi %get3A_136, %add3A_145 : vector<16xi32>
      %gather3A = tpu.vector_load_idx %arg9[%add3A_146] : memref<1440xi32, #tpu.memory_space<vmem>>[vector<16xi32>], vector<16xi32>,
      %add3A_147 = arith.constant 0 : i32
      %add3A_148 = vector.broadcast %add3A_147 : i32 to vector<16xi32>
      %add3A_149 = arith.addi %get3A_138, %add3A_148 : vector<16xi32>
      %gather3A_150 = tpu.vector_load_idx %arg9[%add3A_149] : memref<1440xi32, #tpu.memory_space<vmem>>[vector<16xi32>], vector<16xi32>,
      %mul3A_151 = arith.constant 3 : i32
      %mul3A_152 = vector.broadcast %mul3A_151 : i32 to vector<16xi32>
      %mul3A_153 = arith.muli %gather3A, %mul3A_152 : vector<16xi32>
      %add3A_154 = arith.addi %mul3A_153, %gather3A_150 : vector<16xi32>
      %mul3A_155 = arith.constant 3168 : i32
      %mul3A_156 = vector.broadcast %mul3A_155 : i32 to vector<16xi32>
      %mul3A_157 = arith.muli %add3A_154, %mul3A_156 : vector<16xi32>
      %add3A_158 = arith.addi %mul3A_157, %add3A_141 : vector<16xi32>
      %gather3A_159 = tpu.vector_load_idx %arg12[%add3A_158] : memref<28512xf32, #tpu.memory_space<vmem>>[vector<16xi32>], vector<16xf32>,
      %add3A_160 = arith.constant 80 : i32
      %add3A_161 = vector.broadcast %add3A_160 : i32 to vector<16xi32>
      %add3A_162 = arith.addi %add3A_161, %add3A_141 : vector<16xi32>
      tpu.vector_store_idx %arg10[%add3A_162], %gather3A_159 masked %lt3A_143 : memref<29160xf32, #tpu.memory_space<vmem>>[vector<16xi32>], vector<16xf32>, vector<16xi1>
      %add3A_163 = arith.constant 80 : i32
      %add3A_164 = vector.broadcast %add3A_163 : i32 to vector<16xi32>
      %add3A_165 = arith.addi %get3A_136, %add3A_164 : vector<16xi32>
      %gather3A_166 = tpu.vector_load_idx %arg9[%add3A_165] : memref<1440xi32, #tpu.memory_space<vmem>>[vector<16xi32>], vector<16xi32>,
      %add3A_167 = arith.constant 80 : i32
      %add3A_168 = vector.broadcast %add3A_167 : i32 to vector<16xi32>
      %add3A_169 = arith.addi %get3A_138, %add3A_168 : vector<16xi32>
      %gather3A_170 = tpu.vector_load_idx %arg9[%add3A_169] : memref<1440xi32, #tpu.memory_space<vmem>>[vector<16xi32>], vector<16xi32>,
      %mul3A_171 = arith.constant 3 : i32
      %mul3A_172 = vector.broadcast %mul3A_171 : i32 to vector<16xi32>
      %mul3A_173 = arith.muli %gather3A_166, %mul3A_172 : vector<16xi32>
      %add3A_174 = arith.addi %mul3A_173, %gather3A_170 : vector<16xi32>
      %mul3A_175 = arith.constant 3168 : i32
      %mul3A_176 = vector.broadcast %mul3A_175 : i32 to vector<16xi32>
      %mul3A_177 = arith.muli %add3A_174, %mul3A_176 : vector<16xi32>
      %add3A_178 = arith.addi %mul3A_177, %add3A_141 : vector<16xi32>
      %gather3A_179 = tpu.vector_load_idx %arg12[%add3A_178] : memref<28512xf32, #tpu.memory_space<vmem>>[vector<16xi32>], vector<16xf32>,
      %add3A_180 = arith.constant 3320 : i32
      %add3A_181 = vector.broadcast %add3A_180 : i32 to vector<16xi32>
      %add3A_182 = arith.addi %add3A_181, %add3A_141 : vector<16xi32>
      tpu.vector_store_idx %arg10[%add3A_182], %gather3A_179 masked %lt3A_143 : memref<29160xf32, #tpu.memory_space<vmem>>[vector<16xi32>], vector<16xf32>, vector<16xi1>
      %add3A_183 = arith.constant 160 : i32
      %add3A_184 = vector.broadcast %add3A_183 : i32 to vector<16xi32>
      %add3A_185 = arith.addi %get3A_136, %add3A_184 : vector<16xi32>
      %gather3A_186 = tpu.vector_load_idx %arg9[%add3A_185] : memref<1440xi32, #tpu.memory_space<vmem>>[vector<16xi32>], vector<16xi32>,
      %add3A_187 = arith.constant 160 : i32
      %add3A_188 = vector.broadcast %add3A_187 : i32 to vector<16xi32>
      %add3A_189 = arith.addi %get3A_138, %add3A_188 : vector<16xi32>
      %gather3A_190 = tpu.vector_load_idx %arg9[%add3A_189] : memref<1440xi32, #tpu.memory_space<vmem>>[vector<16xi32>], vector<16xi32>,
      %mul3A_191 = arith.constant 3 : i32
      %mul3A_192 = vector.broadcast %mul3A_191 : i32 to vector<16xi32>
      %mul3A_193 = arith.muli %gather3A_186, %mul3A_192 : vector<16xi32>
      %add3A_194 = arith.addi %mul3A_193, %gather3A_190 : vector<16xi32>
      %mul3A_195 = arith.constant 3168 : i32
      %mul3A_196 = vector.broadcast %mul3A_195 : i32 to vector<16xi32>
      %mul3A_197 = arith.muli %add3A_194, %mul3A_196 : vector<16xi32>
      %add3A_198 = arith.addi %mul3A_197, %add3A_141 : vector<16xi32>
      %gather3A_199 = tpu.vector_load_idx %arg12[%add3A_198] : memref<28512xf32, #tpu.memory_space<vmem>>[vector<16xi32>], vector<16xf32>,
      %add3A_200 = arith.constant 6560 : i32
      %add3A_201 = vector.broadcast %add3A_200 : i32 to vector<16xi32>
      %add3A_202 = arith.addi %add3A_201, %add3A_141 : vector<16xi32>
      tpu.vector_store_idx %arg10[%add3A_202], %gather3A_199 masked %lt3A_143 : memref<29160xf32, #tpu.memory_space<vmem>>[vector<16xi32>], vector<16xf32>, vector<16xi1>
      %add3A_203 = arith.constant 240 : i32
      %add3A_204 = vector.broadcast %add3A_203 : i32 to vector<16xi32>
      %add3A_205 = arith.addi %get3A_136, %add3A_204 : vector<16xi32>
      %gather3A_206 = tpu.vector_load_idx %arg9[%add3A_205] : memref<1440xi32, #tpu.memory_space<vmem>>[vector<16xi32>], vector<16xi32>,
      %add3A_207 = arith.constant 240 : i32
      %add3A_208 = vector.broadcast %add3A_207 : i32 to vector<16xi32>
      %add3A_209 = arith.addi %get3A_138, %add3A_208 : vector<16xi32>
      %gather3A_210 = tpu.vector_load_idx %arg9[%add3A_209] : memref<1440xi32, #tpu.memory_space<vmem>>[vector<16xi32>], vector<16xi32>,
      %mul3A_211 = arith.constant 3 : i32
      %mul3A_212 = vector.broadcast %mul3A_211 : i32 to vector<16xi32>
      %mul3A_213 = arith.muli %gather3A_206, %mul3A_212 : vector<16xi32>
      %add3A_214 = arith.addi %mul3A_213, %gather3A_210 : vector<16xi32>
      %mul3A_215 = arith.constant 3168 : i32
      %mul3A_216 = vector.broadcast %mul3A_215 : i32 to vector<16xi32>
      %mul3A_217 = arith.muli %add3A_214, %mul3A_216 : vector<16xi32>
      %add3A_218 = arith.addi %mul3A_217, %add3A_141 : vector<16xi32>
      %gather3A_219 = tpu.vector_load_idx %arg12[%add3A_218] : memref<28512xf32, #tpu.memory_space<vmem>>[vector<16xi32>], vector<16xf32>,
      %add3A_220 = arith.constant 9800 : i32
      %add3A_221 = vector.broadcast %add3A_220 : i32 to vector<16xi32>
      %add3A_222 = arith.addi %add3A_221, %add3A_141 : vector<16xi32>
      tpu.vector_store_idx %arg10[%add3A_222], %gather3A_219 masked %lt3A_143 : memref<29160xf32, #tpu.memory_space<vmem>>[vector<16xi32>], vector<16xf32>, vector<16xi1>
      %add3A_223 = arith.constant 320 : i32
      %add3A_224 = vector.broadcast %add3A_223 : i32 to vector<16xi32>
      %add3A_225 = arith.addi %get3A_136, %add3A_224 : vector<16xi32>
      %gather3A_226 = tpu.vector_load_idx %arg9[%add3A_225] : memref<1440xi32, #tpu.memory_space<vmem>>[vector<16xi32>], vector<16xi32>,
      %add3A_227 = arith.constant 320 : i32
      %add3A_228 = vector.broadcast %add3A_227 : i32 to vector<16xi32>
      %add3A_229 = arith.addi %get3A_138, %add3A_228 : vector<16xi32>
      %gather3A_230 = tpu.vector_load_idx %arg9[%add3A_229] : memref<1440xi32, #tpu.memory_space<vmem>>[vector<16xi32>], vector<16xi32>,
      %mul3A_231 = arith.constant 3 : i32
      %mul3A_232 = vector.broadcast %mul3A_231 : i32 to vector<16xi32>
      %mul3A_233 = arith.muli %gather3A_226, %mul3A_232 : vector<16xi32>
      %add3A_234 = arith.addi %mul3A_233, %gather3A_230 : vector<16xi32>
      %mul3A_235 = arith.constant 3168 : i32
      %mul3A_236 = vector.broadcast %mul3A_235 : i32 to vector<16xi32>
      %mul3A_237 = arith.muli %add3A_234, %mul3A_236 : vector<16xi32>
      %add3A_238 = arith.addi %mul3A_237, %add3A_141 : vector<16xi32>
      %gather3A_239 = tpu.vector_load_idx %arg12[%add3A_238] : memref<28512xf32, #tpu.memory_space<vmem>>[vector<16xi32>], vector<16xf32>,
      %add3A_240 = arith.constant 13040 : i32
      %add3A_241 = vector.broadcast %add3A_240 : i32 to vector<16xi32>
      %add3A_242 = arith.addi %add3A_241, %add3A_141 : vector<16xi32>
      tpu.vector_store_idx %arg10[%add3A_242], %gather3A_239 masked %lt3A_143 : memref<29160xf32, #tpu.memory_space<vmem>>[vector<16xi32>], vector<16xf32>, vector<16xi1>
      %add3A_243 = arith.constant 400 : i32
      %add3A_244 = vector.broadcast %add3A_243 : i32 to vector<16xi32>
      %add3A_245 = arith.addi %get3A_136, %add3A_244 : vector<16xi32>
      %gather3A_246 = tpu.vector_load_idx %arg9[%add3A_245] : memref<1440xi32, #tpu.memory_space<vmem>>[vector<16xi32>], vector<16xi32>,
      %add3A_247 = arith.constant 400 : i32
      %add3A_248 = vector.broadcast %add3A_247 : i32 to vector<16xi32>
      %add3A_249 = arith.addi %get3A_138, %add3A_248 : vector<16xi32>
      %gather3A_250 = tpu.vector_load_idx %arg9[%add3A_249] : memref<1440xi32, #tpu.memory_space<vmem>>[vector<16xi32>], vector<16xi32>,
      %mul3A_251 = arith.constant 3 : i32
      %mul3A_252 = vector.broadcast %mul3A_251 : i32 to vector<16xi32>
      %mul3A_253 = arith.muli %gather3A_246, %mul3A_252 : vector<16xi32>
      %add3A_254 = arith.addi %mul3A_253, %gather3A_250 : vector<16xi32>
      %mul3A_255 = arith.constant 3168 : i32
      %mul3A_256 = vector.broadcast %mul3A_255 : i32 to vector<16xi32>
      %mul3A_257 = arith.muli %add3A_254, %mul3A_256 : vector<16xi32>
      %add3A_258 = arith.addi %mul3A_257, %add3A_141 : vector<16xi32>
      %gather3A_259 = tpu.vector_load_idx %arg12[%add3A_258] : memref<28512xf32, #tpu.memory_space<vmem>>[vector<16xi32>], vector<16xf32>,
      %add3A_260 = arith.constant 16280 : i32
      %add3A_261 = vector.broadcast %add3A_260 : i32 to vector<16xi32>
      %add3A_262 = arith.addi %add3A_261, %add3A_141 : vector<16xi32>
      tpu.vector_store_idx %arg10[%add3A_262], %gather3A_259 masked %lt3A_143 : memref<29160xf32, #tpu.memory_space<vmem>>[vector<16xi32>], vector<16xf32>, vector<16xi1>
      %add3A_263 = arith.constant 480 : i32
      %add3A_264 = vector.broadcast %add3A_263 : i32 to vector<16xi32>
      %add3A_265 = arith.addi %get3A_136, %add3A_264 : vector<16xi32>
      %gather3A_266 = tpu.vector_load_idx %arg9[%add3A_265] : memref<1440xi32, #tpu.memory_space<vmem>>[vector<16xi32>], vector<16xi32>,
      %add3A_267 = arith.constant 480 : i32
      %add3A_268 = vector.broadcast %add3A_267 : i32 to vector<16xi32>
      %add3A_269 = arith.addi %get3A_138, %add3A_268 : vector<16xi32>
      %gather3A_270 = tpu.vector_load_idx %arg9[%add3A_269] : memref<1440xi32, #tpu.memory_space<vmem>>[vector<16xi32>], vector<16xi32>,
      %mul3A_271 = arith.constant 3 : i32
      %mul3A_272 = vector.broadcast %mul3A_271 : i32 to vector<16xi32>
      %mul3A_273 = arith.muli %gather3A_266, %mul3A_272 : vector<16xi32>
      %add3A_274 = arith.addi %mul3A_273, %gather3A_270 : vector<16xi32>
      %mul3A_275 = arith.constant 3168 : i32
      %mul3A_276 = vector.broadcast %mul3A_275 : i32 to vector<16xi32>
      %mul3A_277 = arith.muli %add3A_274, %mul3A_276 : vector<16xi32>
      %add3A_278 = arith.addi %mul3A_277, %add3A_141 : vector<16xi32>
      %gather3A_279 = tpu.vector_load_idx %arg12[%add3A_278] : memref<28512xf32, #tpu.memory_space<vmem>>[vector<16xi32>], vector<16xf32>,
      %add3A_280 = arith.constant 19520 : i32
      %add3A_281 = vector.broadcast %add3A_280 : i32 to vector<16xi32>
      %add3A_282 = arith.addi %add3A_281, %add3A_141 : vector<16xi32>
      tpu.vector_store_idx %arg10[%add3A_282], %gather3A_279 masked %lt3A_143 : memref<29160xf32, #tpu.memory_space<vmem>>[vector<16xi32>], vector<16xf32>, vector<16xi1>
      %add3A_283 = arith.constant 560 : i32
      %add3A_284 = vector.broadcast %add3A_283 : i32 to vector<16xi32>
      %add3A_285 = arith.addi %get3A_136, %add3A_284 : vector<16xi32>
      %gather3A_286 = tpu.vector_load_idx %arg9[%add3A_285] : memref<1440xi32, #tpu.memory_space<vmem>>[vector<16xi32>], vector<16xi32>,
      %add3A_287 = arith.constant 560 : i32
      %add3A_288 = vector.broadcast %add3A_287 : i32 to vector<16xi32>
      %add3A_289 = arith.addi %get3A_138, %add3A_288 : vector<16xi32>
      %gather3A_290 = tpu.vector_load_idx %arg9[%add3A_289] : memref<1440xi32, #tpu.memory_space<vmem>>[vector<16xi32>], vector<16xi32>,
      %mul3A_291 = arith.constant 3 : i32
      %mul3A_292 = vector.broadcast %mul3A_291 : i32 to vector<16xi32>
      %mul3A_293 = arith.muli %gather3A_286, %mul3A_292 : vector<16xi32>
      %add3A_294 = arith.addi %mul3A_293, %gather3A_290 : vector<16xi32>
      %mul3A_295 = arith.constant 3168 : i32
      %mul3A_296 = vector.broadcast %mul3A_295 : i32 to vector<16xi32>
      %mul3A_297 = arith.muli %add3A_294, %mul3A_296 : vector<16xi32>
      %add3A_298 = arith.addi %mul3A_297, %add3A_141 : vector<16xi32>
      %gather3A_299 = tpu.vector_load_idx %arg12[%add3A_298] : memref<28512xf32, #tpu.memory_space<vmem>>[vector<16xi32>], vector<16xf32>,
      %add3A_300 = arith.constant 22760 : i32
      %add3A_301 = vector.broadcast %add3A_300 : i32 to vector<16xi32>
      %add3A_302 = arith.addi %add3A_301, %add3A_141 : vector<16xi32>
      tpu.vector_store_idx %arg10[%add3A_302], %gather3A_299 masked %lt3A_143 : memref<29160xf32, #tpu.memory_space<vmem>>[vector<16xi32>], vector<16xf32>, vector<16xi1>
      %add3A_303 = arith.constant 640 : i32
      %add3A_304 = vector.broadcast %add3A_303 : i32 to vector<16xi32>
      %add3A_305 = arith.addi %get3A_136, %add3A_304 : vector<16xi32>
      %gather3A_306 = tpu.vector_load_idx %arg9[%add3A_305] : memref<1440xi32, #tpu.memory_space<vmem>>[vector<16xi32>], vector<16xi32>,
      %add3A_307 = arith.constant 640 : i32
      %add3A_308 = vector.broadcast %add3A_307 : i32 to vector<16xi32>
      %add3A_309 = arith.addi %get3A_138, %add3A_308 : vector<16xi32>
      %gather3A_310 = tpu.vector_load_idx %arg9[%add3A_309] : memref<1440xi32, #tpu.memory_space<vmem>>[vector<16xi32>], vector<16xi32>,
      %mul3A_311 = arith.constant 3 : i32
      %mul3A_312 = vector.broadcast %mul3A_311 : i32 to vector<16xi32>
      %mul3A_313 = arith.muli %gather3A_306, %mul3A_312 : vector<16xi32>
      %add3A_314 = arith.addi %mul3A_313, %gather3A_310 : vector<16xi32>
      %mul3A_315 = arith.constant 3168 : i32
      %mul3A_316 = vector.broadcast %mul3A_315 : i32 to vector<16xi32>
      %mul3A_317 = arith.muli %add3A_314, %mul3A_316 : vector<16xi32>
      %add3A_318 = arith.addi %mul3A_317, %add3A_141 : vector<16xi32>
      %gather3A_319 = tpu.vector_load_idx %arg12[%add3A_318] : memref<28512xf32, #tpu.memory_space<vmem>>[vector<16xi32>], vector<16xf32>,
      %add3A_320 = arith.constant 26000 : i32
      %add3A_321 = vector.broadcast %add3A_320 : i32 to vector<16xi32>
      %add3A_322 = arith.addi %add3A_321, %add3A_141 : vector<16xi32>
      tpu.vector_store_idx %arg10[%add3A_322], %gather3A_319 masked %lt3A_143 : memref<29160xf32, #tpu.memory_space<vmem>>[vector<16xi32>], vector<16xf32>, vector<16xi1>
      %get3A_323 = arith.constant 0 : index
      %get3A_324 = tpu.vector_load %arg9[%get3A_323] {strides = array<i32>} : memref<1440xi32, #tpu.memory_space<vmem>>, vector<16xi32>,
      %get3A_325 = arith.constant 0 : index
      %get3A_326 = tpu.vector_load %arg16[%get3A_325] {strides = array<i32>} : memref<80xf32, #tpu.memory_space<vmem>>, vector<16xf32>,
      %eq3A = arith.constant 2 : i32
      %eq3A_327 = vector.broadcast %eq3A : i32 to vector<16xi32>
      %eq3A_328 = arith.cmpi eq, %get3A_324, %eq3A_327 : vector<16xi32>
      %jit3A = arith.constant 1.000000e+00 : f32
      %jit3A_329 = arith.constant 0.000000e+00 : f32
      %broadcast_in_dim3A_330 = vector.broadcast %jit3A : f32 to vector<16xf32>
      %broadcast_in_dim3A_331 = vector.broadcast %jit3A_329 : f32 to vector<16xf32>
      %select_n3A = arith.select %eq3A_328, %broadcast_in_dim3A_330, %broadcast_in_dim3A_331 : vector<16xi1>, vector<16xf32>
      %eq3A_332 = arith.constant 1 : i32
      %eq3A_333 = vector.broadcast %eq3A_332 : i32 to vector<16xi32>
      %eq3A_334 = arith.cmpi eq, %get3A_324, %eq3A_333 : vector<16xi32>
      %broadcast_in_dim3A_335 = arith.constant 0.000000e+00 : f32
      %broadcast_in_dim3A_336 = vector.broadcast %broadcast_in_dim3A_335 : f32 to vector<16xf32>
      %select_n3A_337 = arith.select %eq3A_334, %get3A_326, %broadcast_in_dim3A_336 : vector<16xi1>, vector<16xf32>
      %add3A_338 = arith.addf %select_n3A, %select_n3A_337 : vector<16xf32>
      %swap3A_339 = arith.constant 0 : index
      %swap3A_340 = tpu.vector_load %arg10[%swap3A_339] {strides = array<i32>} : memref<29160xf32, #tpu.memory_space<vmem>>, vector<16xf32>,
      tpu.vector_store %arg10[%swap3A_339], %add3A_338 {strides = array<i32>} : memref<29160xf32, #tpu.memory_space<vmem>>, vector<16xf32>,
      %get3A_341 = arith.constant 16 : index
      %get3A_342 = tpu.vector_load %arg9[%get3A_341] {strides = array<i32>} : memref<1440xi32, #tpu.memory_space<vmem>>, vector<16xi32>,
      %get3A_343 = arith.constant 16 : index
      %get3A_344 = tpu.vector_load %arg16[%get3A_343] {strides = array<i32>} : memref<80xf32, #tpu.memory_space<vmem>>, vector<16xf32>,
      %eq3A_345 = arith.constant 2 : i32
      %eq3A_346 = vector.broadcast %eq3A_345 : i32 to vector<16xi32>
      %eq3A_347 = arith.cmpi eq, %get3A_342, %eq3A_346 : vector<16xi32>
      %jit3A_348 = arith.constant 1.000000e+00 : f32
      %jit3A_349 = arith.constant 0.000000e+00 : f32
      %broadcast_in_dim3A_350 = vector.broadcast %jit3A_348 : f32 to vector<16xf32>
      %broadcast_in_dim3A_351 = vector.broadcast %jit3A_349 : f32 to vector<16xf32>
      %select_n3A_352 = arith.select %eq3A_347, %broadcast_in_dim3A_350, %broadcast_in_dim3A_351 : vector<16xi1>, vector<16xf32>
      %eq3A_353 = arith.constant 1 : i32
      %eq3A_354 = vector.broadcast %eq3A_353 : i32 to vector<16xi32>
      %eq3A_355 = arith.cmpi eq, %get3A_342, %eq3A_354 : vector<16xi32>
      %broadcast_in_dim3A_356 = arith.constant 0.000000e+00 : f32
      %broadcast_in_dim3A_357 = vector.broadcast %broadcast_in_dim3A_356 : f32 to vector<16xf32>
      %select_n3A_358 = arith.select %eq3A_355, %get3A_344, %broadcast_in_dim3A_357 : vector<16xi1>, vector<16xf32>
      %add3A_359 = arith.addf %select_n3A_352, %select_n3A_358 : vector<16xf32>
      %swap3A_360 = arith.constant 16 : index
      %swap3A_361 = tpu.vector_load %arg10[%swap3A_360] {strides = array<i32>} : memref<29160xf32, #tpu.memory_space<vmem>>, vector<16xf32>,
      tpu.vector_store %arg10[%swap3A_360], %add3A_359 {strides = array<i32>} : memref<29160xf32, #tpu.memory_space<vmem>>, vector<16xf32>,
      %get3A_362 = arith.constant 32 : index
      %get3A_363 = tpu.vector_load %arg9[%get3A_362] {strides = array<i32>} : memref<1440xi32, #tpu.memory_space<vmem>>, vector<16xi32>,
      %get3A_364 = arith.constant 32 : index
      %get3A_365 = tpu.vector_load %arg16[%get3A_364] {strides = array<i32>} : memref<80xf32, #tpu.memory_space<vmem>>, vector<16xf32>,
      %eq3A_366 = arith.constant 2 : i32
      %eq3A_367 = vector.broadcast %eq3A_366 : i32 to vector<16xi32>
      %eq3A_368 = arith.cmpi eq, %get3A_363, %eq3A_367 : vector<16xi32>
      %jit3A_369 = arith.constant 1.000000e+00 : f32
      %jit3A_370 = arith.constant 0.000000e+00 : f32
      %broadcast_in_dim3A_371 = vector.broadcast %jit3A_369 : f32 to vector<16xf32>
      %broadcast_in_dim3A_372 = vector.broadcast %jit3A_370 : f32 to vector<16xf32>
      %select_n3A_373 = arith.select %eq3A_368, %broadcast_in_dim3A_371, %broadcast_in_dim3A_372 : vector<16xi1>, vector<16xf32>
      %eq3A_374 = arith.constant 1 : i32
      %eq3A_375 = vector.broadcast %eq3A_374 : i32 to vector<16xi32>
      %eq3A_376 = arith.cmpi eq, %get3A_363, %eq3A_375 : vector<16xi32>
      %broadcast_in_dim3A_377 = arith.constant 0.000000e+00 : f32
      %broadcast_in_dim3A_378 = vector.broadcast %broadcast_in_dim3A_377 : f32 to vector<16xf32>
      %select_n3A_379 = arith.select %eq3A_376, %get3A_365, %broadcast_in_dim3A_378 : vector<16xi1>, vector<16xf32>
      %add3A_380 = arith.addf %select_n3A_373, %select_n3A_379 : vector<16xf32>
      %swap3A_381 = arith.constant 32 : index
      %swap3A_382 = tpu.vector_load %arg10[%swap3A_381] {strides = array<i32>} : memref<29160xf32, #tpu.memory_space<vmem>>, vector<16xf32>,
      tpu.vector_store %arg10[%swap3A_381], %add3A_380 {strides = array<i32>} : memref<29160xf32, #tpu.memory_space<vmem>>, vector<16xf32>,
      %get3A_383 = arith.constant 48 : index
      %get3A_384 = tpu.vector_load %arg9[%get3A_383] {strides = array<i32>} : memref<1440xi32, #tpu.memory_space<vmem>>, vector<16xi32>,
      %get3A_385 = arith.constant 48 : index
      %get3A_386 = tpu.vector_load %arg16[%get3A_385] {strides = array<i32>} : memref<80xf32, #tpu.memory_space<vmem>>, vector<16xf32>,
      %eq3A_387 = arith.constant 2 : i32
      %eq3A_388 = vector.broadcast %eq3A_387 : i32 to vector<16xi32>
      %eq3A_389 = arith.cmpi eq, %get3A_384, %eq3A_388 : vector<16xi32>
      %jit3A_390 = arith.constant 1.000000e+00 : f32
      %jit3A_391 = arith.constant 0.000000e+00 : f32
      %broadcast_in_dim3A_392 = vector.broadcast %jit3A_390 : f32 to vector<16xf32>
      %broadcast_in_dim3A_393 = vector.broadcast %jit3A_391 : f32 to vector<16xf32>
      %select_n3A_394 = arith.select %eq3A_389, %broadcast_in_dim3A_392, %broadcast_in_dim3A_393 : vector<16xi1>, vector<16xf32>
      %eq3A_395 = arith.constant 1 : i32
      %eq3A_396 = vector.broadcast %eq3A_395 : i32 to vector<16xi32>
      %eq3A_397 = arith.cmpi eq, %get3A_384, %eq3A_396 : vector<16xi32>
      %broadcast_in_dim3A_398 = arith.constant 0.000000e+00 : f32
      %broadcast_in_dim3A_399 = vector.broadcast %broadcast_in_dim3A_398 : f32 to vector<16xf32>
      %select_n3A_400 = arith.select %eq3A_397, %get3A_386, %broadcast_in_dim3A_399 : vector<16xi1>, vector<16xf32>
      %add3A_401 = arith.addf %select_n3A_394, %select_n3A_400 : vector<16xf32>
      %swap3A_402 = arith.constant 48 : index
      %swap3A_403 = tpu.vector_load %arg10[%swap3A_402] {strides = array<i32>} : memref<29160xf32, #tpu.memory_space<vmem>>, vector<16xf32>,
      tpu.vector_store %arg10[%swap3A_402], %add3A_401 {strides = array<i32>} : memref<29160xf32, #tpu.memory_space<vmem>>, vector<16xf32>,
      %get3A_404 = arith.constant 64 : index
      %get3A_405 = tpu.vector_load %arg9[%get3A_404] {strides = array<i32>} : memref<1440xi32, #tpu.memory_space<vmem>>, vector<16xi32>,
      %get3A_406 = arith.constant 64 : index
      %get3A_407 = tpu.vector_load %arg16[%get3A_406] {strides = array<i32>} : memref<80xf32, #tpu.memory_space<vmem>>, vector<16xf32>,
      %eq3A_408 = arith.constant 2 : i32
      %eq3A_409 = vector.broadcast %eq3A_408 : i32 to vector<16xi32>
      %eq3A_410 = arith.cmpi eq, %get3A_405, %eq3A_409 : vector<16xi32>
      %jit3A_411 = arith.constant 1.000000e+00 : f32
      %jit3A_412 = arith.constant 0.000000e+00 : f32
      %broadcast_in_dim3A_413 = vector.broadcast %jit3A_411 : f32 to vector<16xf32>
      %broadcast_in_dim3A_414 = vector.broadcast %jit3A_412 : f32 to vector<16xf32>
      %select_n3A_415 = arith.select %eq3A_410, %broadcast_in_dim3A_413, %broadcast_in_dim3A_414 : vector<16xi1>, vector<16xf32>
      %eq3A_416 = arith.constant 1 : i32
      %eq3A_417 = vector.broadcast %eq3A_416 : i32 to vector<16xi32>
      %eq3A_418 = arith.cmpi eq, %get3A_405, %eq3A_417 : vector<16xi32>
      %broadcast_in_dim3A_419 = arith.constant 0.000000e+00 : f32
      %broadcast_in_dim3A_420 = vector.broadcast %broadcast_in_dim3A_419 : f32 to vector<16xf32>
      %select_n3A_421 = arith.select %eq3A_418, %get3A_407, %broadcast_in_dim3A_420 : vector<16xi1>, vector<16xf32>
      %add3A_422 = arith.addf %select_n3A_415, %select_n3A_421 : vector<16xf32>
      %swap3A_423 = arith.constant 64 : index
      %swap3A_424 = tpu.vector_load %arg10[%swap3A_423] {strides = array<i32>} : memref<29160xf32, #tpu.memory_space<vmem>>, vector<16xf32>,
      tpu.vector_store %arg10[%swap3A_423], %add3A_422 {strides = array<i32>} : memref<29160xf32, #tpu.memory_space<vmem>>, vector<16xf32>,
      %get3A_425 = arith.constant 80 : index
      %get3A_426 = tpu.vector_load %arg9[%get3A_425] {strides = array<i32>} : memref<1440xi32, #tpu.memory_space<vmem>>, vector<16xi32>,
      %get3A_427 = arith.constant 0 : index
      %get3A_428 = tpu.vector_load %arg16[%get3A_427] {strides = array<i32>} : memref<80xf32, #tpu.memory_space<vmem>>, vector<16xf32>,
      %eq3A_429 = arith.constant 2 : i32
      %eq3A_430 = vector.broadcast %eq3A_429 : i32 to vector<16xi32>
      %eq3A_431 = arith.cmpi eq, %get3A_426, %eq3A_430 : vector<16xi32>
      %jit3A_432 = arith.constant 1.000000e+00 : f32
      %jit3A_433 = arith.constant 0.000000e+00 : f32
      %broadcast_in_dim3A_434 = vector.broadcast %jit3A_432 : f32 to vector<16xf32>
      %broadcast_in_dim3A_435 = vector.broadcast %jit3A_433 : f32 to vector<16xf32>
      %select_n3A_436 = arith.select %eq3A_431, %broadcast_in_dim3A_434, %broadcast_in_dim3A_435 : vector<16xi1>, vector<16xf32>
      %eq3A_437 = arith.constant 1 : i32
      %eq3A_438 = vector.broadcast %eq3A_437 : i32 to vector<16xi32>
      %eq3A_439 = arith.cmpi eq, %get3A_426, %eq3A_438 : vector<16xi32>
      %broadcast_in_dim3A_440 = arith.constant 0.000000e+00 : f32
      %broadcast_in_dim3A_441 = vector.broadcast %broadcast_in_dim3A_440 : f32 to vector<16xf32>
      %select_n3A_442 = arith.select %eq3A_439, %get3A_428, %broadcast_in_dim3A_441 : vector<16xi1>, vector<16xf32>
      %add3A_443 = arith.addf %select_n3A_436, %select_n3A_442 : vector<16xf32>
      %swap3A_444 = arith.constant 3240 : index
      %swap3A_445 = tpu.vector_load %arg10[%swap3A_444] {strides = array<i32>} : memref<29160xf32, #tpu.memory_space<vmem>>, vector<16xf32>,
      tpu.vector_store %arg10[%swap3A_444], %add3A_443 {strides = array<i32>} : memref<29160xf32, #tpu.memory_space<vmem>>, vector<16xf32>,
      %get3A_446 = arith.constant 96 : index
      %get3A_447 = tpu.vector_load %arg9[%get3A_446] {strides = array<i32>} : memref<1440xi32, #tpu.memory_space<vmem>>, vector<16xi32>,
      %get3A_448 = arith.constant 16 : index
      %get3A_449 = tpu.vector_load %arg16[%get3A_448] {strides = array<i32>} : memref<80xf32, #tpu.memory_space<vmem>>, vector<16xf32>,
      %eq3A_450 = arith.constant 2 : i32
      %eq3A_451 = vector.broadcast %eq3A_450 : i32 to vector<16xi32>
      %eq3A_452 = arith.cmpi eq, %get3A_447, %eq3A_451 : vector<16xi32>
      %jit3A_453 = arith.constant 1.000000e+00 : f32
      %jit3A_454 = arith.constant 0.000000e+00 : f32
      %broadcast_in_dim3A_455 = vector.broadcast %jit3A_453 : f32 to vector<16xf32>
      %broadcast_in_dim3A_456 = vector.broadcast %jit3A_454 : f32 to vector<16xf32>
      %select_n3A_457 = arith.select %eq3A_452, %broadcast_in_dim3A_455, %broadcast_in_dim3A_456 : vector<16xi1>, vector<16xf32>
      %eq3A_458 = arith.constant 1 : i32
      %eq3A_459 = vector.broadcast %eq3A_458 : i32 to vector<16xi32>
      %eq3A_460 = arith.cmpi eq, %get3A_447, %eq3A_459 : vector<16xi32>
      %broadcast_in_dim3A_461 = arith.constant 0.000000e+00 : f32
      %broadcast_in_dim3A_462 = vector.broadcast %broadcast_in_dim3A_461 : f32 to vector<16xf32>
      %select_n3A_463 = arith.select %eq3A_460, %get3A_449, %broadcast_in_dim3A_462 : vector<16xi1>, vector<16xf32>
      %add3A_464 = arith.addf %select_n3A_457, %select_n3A_463 : vector<16xf32>
      %swap3A_465 = arith.constant 3256 : index
      %swap3A_466 = tpu.vector_load %arg10[%swap3A_465] {strides = array<i32>} : memref<29160xf32, #tpu.memory_space<vmem>>, vector<16xf32>,
      tpu.vector_store %arg10[%swap3A_465], %add3A_464 {strides = array<i32>} : memref<29160xf32, #tpu.memory_space<vmem>>, vector<16xf32>,
      %get3A_467 = arith.constant 112 : index
      %get3A_468 = tpu.vector_load %arg9[%get3A_467] {strides = array<i32>} : memref<1440xi32, #tpu.memory_space<vmem>>, vector<16xi32>,
      %get3A_469 = arith.constant 32 : index
      %get3A_470 = tpu.vector_load %arg16[%get3A_469] {strides = array<i32>} : memref<80xf32, #tpu.memory_space<vmem>>, vector<16xf32>,
      %eq3A_471 = arith.constant 2 : i32
      %eq3A_472 = vector.broadcast %eq3A_471 : i32 to vector<16xi32>
      %eq3A_473 = arith.cmpi eq, %get3A_468, %eq3A_472 : vector<16xi32>
      %jit3A_474 = arith.constant 1.000000e+00 : f32
      %jit3A_475 = arith.constant 0.000000e+00 : f32
      %broadcast_in_dim3A_476 = vector.broadcast %jit3A_474 : f32 to vector<16xf32>
      %broadcast_in_dim3A_477 = vector.broadcast %jit3A_475 : f32 to vector<16xf32>
      %select_n3A_478 = arith.select %eq3A_473, %broadcast_in_dim3A_476, %broadcast_in_dim3A_477 : vector<16xi1>, vector<16xf32>
      %eq3A_479 = arith.constant 1 : i32
      %eq3A_480 = vector.broadcast %eq3A_479 : i32 to vector<16xi32>
      %eq3A_481 = arith.cmpi eq, %get3A_468, %eq3A_480 : vector<16xi32>
      %broadcast_in_dim3A_482 = arith.constant 0.000000e+00 : f32
      %broadcast_in_dim3A_483 = vector.broadcast %broadcast_in_dim3A_482 : f32 to vector<16xf32>
      %select_n3A_484 = arith.select %eq3A_481, %get3A_470, %broadcast_in_dim3A_483 : vector<16xi1>, vector<16xf32>
      %add3A_485 = arith.addf %select_n3A_478, %select_n3A_484 : vector<16xf32>
      %swap3A_486 = arith.constant 3272 : index
      %swap3A_487 = tpu.vector_load %arg10[%swap3A_486] {strides = array<i32>} : memref<29160xf32, #tpu.memory_space<vmem>>, vector<16xf32>,
      tpu.vector_store %arg10[%swap3A_486], %add3A_485 {strides = array<i32>} : memref<29160xf32, #tpu.memory_space<vmem>>, vector<16xf32>,
      %get3A_488 = arith.constant 128 : index
      %get3A_489 = tpu.vector_load %arg9[%get3A_488] {strides = array<i32>} : memref<1440xi32, #tpu.memory_space<vmem>>, vector<16xi32>,
      %get3A_490 = arith.constant 48 : index
      %get3A_491 = tpu.vector_load %arg16[%get3A_490] {strides = array<i32>} : memref<80xf32, #tpu.memory_space<vmem>>, vector<16xf32>,
      %eq3A_492 = arith.constant 2 : i32
      %eq3A_493 = vector.broadcast %eq3A_492 : i32 to vector<16xi32>
      %eq3A_494 = arith.cmpi eq, %get3A_489, %eq3A_493 : vector<16xi32>
      %jit3A_495 = arith.constant 1.000000e+00 : f32
      %jit3A_496 = arith.constant 0.000000e+00 : f32
      %broadcast_in_dim3A_497 = vector.broadcast %jit3A_495 : f32 to vector<16xf32>
      %broadcast_in_dim3A_498 = vector.broadcast %jit3A_496 : f32 to vector<16xf32>
      %select_n3A_499 = arith.select %eq3A_494, %broadcast_in_dim3A_497, %broadcast_in_dim3A_498 : vector<16xi1>, vector<16xf32>
      %eq3A_500 = arith.constant 1 : i32
      %eq3A_501 = vector.broadcast %eq3A_500 : i32 to vector<16xi32>
      %eq3A_502 = arith.cmpi eq, %get3A_489, %eq3A_501 : vector<16xi32>
      %broadcast_in_dim3A_503 = arith.constant 0.000000e+00 : f32
      %broadcast_in_dim3A_504 = vector.broadcast %broadcast_in_dim3A_503 : f32 to vector<16xf32>
      %select_n3A_505 = arith.select %eq3A_502, %get3A_491, %broadcast_in_dim3A_504 : vector<16xi1>, vector<16xf32>
      %add3A_506 = arith.addf %select_n3A_499, %select_n3A_505 : vector<16xf32>
      %swap3A_507 = arith.constant 3288 : index
      %swap3A_508 = tpu.vector_load %arg10[%swap3A_507] {strides = array<i32>} : memref<29160xf32, #tpu.memory_space<vmem>>, vector<16xf32>,
      tpu.vector_store %arg10[%swap3A_507], %add3A_506 {strides = array<i32>} : memref<29160xf32, #tpu.memory_space<vmem>>, vector<16xf32>,
      %get3A_509 = arith.constant 144 : index
      %get3A_510 = tpu.vector_load %arg9[%get3A_509] {strides = array<i32>} : memref<1440xi32, #tpu.memory_space<vmem>>, vector<16xi32>,
      %get3A_511 = arith.constant 64 : index
      %get3A_512 = tpu.vector_load %arg16[%get3A_511] {strides = array<i32>} : memref<80xf32, #tpu.memory_space<vmem>>, vector<16xf32>,
      %eq3A_513 = arith.constant 2 : i32
      %eq3A_514 = vector.broadcast %eq3A_513 : i32 to vector<16xi32>
      %eq3A_515 = arith.cmpi eq, %get3A_510, %eq3A_514 : vector<16xi32>
      %jit3A_516 = arith.constant 1.000000e+00 : f32
      %jit3A_517 = arith.constant 0.000000e+00 : f32
      %broadcast_in_dim3A_518 = vector.broadcast %jit3A_516 : f32 to vector<16xf32>
      %broadcast_in_dim3A_519 = vector.broadcast %jit3A_517 : f32 to vector<16xf32>
      %select_n3A_520 = arith.select %eq3A_515, %broadcast_in_dim3A_518, %broadcast_in_dim3A_519 : vector<16xi1>, vector<16xf32>
      %eq3A_521 = arith.constant 1 : i32
      %eq3A_522 = vector.broadcast %eq3A_521 : i32 to vector<16xi32>
      %eq3A_523 = arith.cmpi eq, %get3A_510, %eq3A_522 : vector<16xi32>
      %broadcast_in_dim3A_524 = arith.constant 0.000000e+00 : f32
      %broadcast_in_dim3A_525 = vector.broadcast %broadcast_in_dim3A_524 : f32 to vector<16xf32>
      %select_n3A_526 = arith.select %eq3A_523, %get3A_512, %broadcast_in_dim3A_525 : vector<16xi1>, vector<16xf32>
      %add3A_527 = arith.addf %select_n3A_520, %select_n3A_526 : vector<16xf32>
      %swap3A_528 = arith.constant 3304 : index
      %swap3A_529 = tpu.vector_load %arg10[%swap3A_528] {strides = array<i32>} : memref<29160xf32, #tpu.memory_space<vmem>>, vector<16xf32>,
      tpu.vector_store %arg10[%swap3A_528], %add3A_527 {strides = array<i32>} : memref<29160xf32, #tpu.memory_space<vmem>>, vector<16xf32>,
      %get3A_530 = arith.constant 160 : index
      %get3A_531 = tpu.vector_load %arg9[%get3A_530] {strides = array<i32>} : memref<1440xi32, #tpu.memory_space<vmem>>, vector<16xi32>,
      %get3A_532 = arith.constant 0 : index
      %get3A_533 = tpu.vector_load %arg16[%get3A_532] {strides = array<i32>} : memref<80xf32, #tpu.memory_space<vmem>>, vector<16xf32>,
      %eq3A_534 = arith.constant 2 : i32
      %eq3A_535 = vector.broadcast %eq3A_534 : i32 to vector<16xi32>
      %eq3A_536 = arith.cmpi eq, %get3A_531, %eq3A_535 : vector<16xi32>
      %jit3A_537 = arith.constant 1.000000e+00 : f32
      %jit3A_538 = arith.constant 0.000000e+00 : f32
      %broadcast_in_dim3A_539 = vector.broadcast %jit3A_537 : f32 to vector<16xf32>
      %broadcast_in_dim3A_540 = vector.broadcast %jit3A_538 : f32 to vector<16xf32>
      %select_n3A_541 = arith.select %eq3A_536, %broadcast_in_dim3A_539, %broadcast_in_dim3A_540 : vector<16xi1>, vector<16xf32>
      %eq3A_542 = arith.constant 1 : i32
      %eq3A_543 = vector.broadcast %eq3A_542 : i32 to vector<16xi32>
      %eq3A_544 = arith.cmpi eq, %get3A_531, %eq3A_543 : vector<16xi32>
      %broadcast_in_dim3A_545 = arith.constant 0.000000e+00 : f32
      %broadcast_in_dim3A_546 = vector.broadcast %broadcast_in_dim3A_545 : f32 to vector<16xf32>
      %select_n3A_547 = arith.select %eq3A_544, %get3A_533, %broadcast_in_dim3A_546 : vector<16xi1>, vector<16xf32>
      %add3A_548 = arith.addf %select_n3A_541, %select_n3A_547 : vector<16xf32>
      %swap3A_549 = arith.constant 6480 : index
      %swap3A_550 = tpu.vector_load %arg10[%swap3A_549] {strides = array<i32>} : memref<29160xf32, #tpu.memory_space<vmem>>, vector<16xf32>,
      tpu.vector_store %arg10[%swap3A_549], %add3A_548 {strides = array<i32>} : memref<29160xf32, #tpu.memory_space<vmem>>, vector<16xf32>,
      %get3A_551 = arith.constant 176 : index
      %get3A_552 = tpu.vector_load %arg9[%get3A_551] {strides = array<i32>} : memref<1440xi32, #tpu.memory_space<vmem>>, vector<16xi32>,
      %get3A_553 = arith.constant 16 : index
      %get3A_554 = tpu.vector_load %arg16[%get3A_553] {strides = array<i32>} : memref<80xf32, #tpu.memory_space<vmem>>, vector<16xf32>,
      %eq3A_555 = arith.constant 2 : i32
      %eq3A_556 = vector.broadcast %eq3A_555 : i32 to vector<16xi32>
      %eq3A_557 = arith.cmpi eq, %get3A_552, %eq3A_556 : vector<16xi32>
      %jit3A_558 = arith.constant 1.000000e+00 : f32
      %jit3A_559 = arith.constant 0.000000e+00 : f32
      %broadcast_in_dim3A_560 = vector.broadcast %jit3A_558 : f32 to vector<16xf32>
      %broadcast_in_dim3A_561 = vector.broadcast %jit3A_559 : f32 to vector<16xf32>
      %select_n3A_562 = arith.select %eq3A_557, %broadcast_in_dim3A_560, %broadcast_in_dim3A_561 : vector<16xi1>, vector<16xf32>
      %eq3A_563 = arith.constant 1 : i32
      %eq3A_564 = vector.broadcast %eq3A_563 : i32 to vector<16xi32>
      %eq3A_565 = arith.cmpi eq, %get3A_552, %eq3A_564 : vector<16xi32>
      %broadcast_in_dim3A_566 = arith.constant 0.000000e+00 : f32
      %broadcast_in_dim3A_567 = vector.broadcast %broadcast_in_dim3A_566 : f32 to vector<16xf32>
      %select_n3A_568 = arith.select %eq3A_565, %get3A_554, %broadcast_in_dim3A_567 : vector<16xi1>, vector<16xf32>
      %add3A_569 = arith.addf %select_n3A_562, %select_n3A_568 : vector<16xf32>
      %swap3A_570 = arith.constant 6496 : index
      %swap3A_571 = tpu.vector_load %arg10[%swap3A_570] {strides = array<i32>} : memref<29160xf32, #tpu.memory_space<vmem>>, vector<16xf32>,
      tpu.vector_store %arg10[%swap3A_570], %add3A_569 {strides = array<i32>} : memref<29160xf32, #tpu.memory_space<vmem>>, vector<16xf32>,
      %get3A_572 = arith.constant 192 : index
      %get3A_573 = tpu.vector_load %arg9[%get3A_572] {strides = array<i32>} : memref<1440xi32, #tpu.memory_space<vmem>>, vector<16xi32>,
      %get3A_574 = arith.constant 32 : index
      %get3A_575 = tpu.vector_load %arg16[%get3A_574] {strides = array<i32>} : memref<80xf32, #tpu.memory_space<vmem>>, vector<16xf32>,
      %eq3A_576 = arith.constant 2 : i32
      %eq3A_577 = vector.broadcast %eq3A_576 : i32 to vector<16xi32>
      %eq3A_578 = arith.cmpi eq, %get3A_573, %eq3A_577 : vector<16xi32>
      %jit3A_579 = arith.constant 1.000000e+00 : f32
      %jit3A_580 = arith.constant 0.000000e+00 : f32
      %broadcast_in_dim3A_581 = vector.broadcast %jit3A_579 : f32 to vector<16xf32>
      %broadcast_in_dim3A_582 = vector.broadcast %jit3A_580 : f32 to vector<16xf32>
      %select_n3A_583 = arith.select %eq3A_578, %broadcast_in_dim3A_581, %broadcast_in_dim3A_582 : vector<16xi1>, vector<16xf32>
      %eq3A_584 = arith.constant 1 : i32
      %eq3A_585 = vector.broadcast %eq3A_584 : i32 to vector<16xi32>
      %eq3A_586 = arith.cmpi eq, %get3A_573, %eq3A_585 : vector<16xi32>
      %broadcast_in_dim3A_587 = arith.constant 0.000000e+00 : f32
      %broadcast_in_dim3A_588 = vector.broadcast %broadcast_in_dim3A_587 : f32 to vector<16xf32>
      %select_n3A_589 = arith.select %eq3A_586, %get3A_575, %broadcast_in_dim3A_588 : vector<16xi1>, vector<16xf32>
      %add3A_590 = arith.addf %select_n3A_583, %select_n3A_589 : vector<16xf32>
      %swap3A_591 = arith.constant 6512 : index
      %swap3A_592 = tpu.vector_load %arg10[%swap3A_591] {strides = array<i32>} : memref<29160xf32, #tpu.memory_space<vmem>>, vector<16xf32>,
      tpu.vector_store %arg10[%swap3A_591], %add3A_590 {strides = array<i32>} : memref<29160xf32, #tpu.memory_space<vmem>>, vector<16xf32>,
      %get3A_593 = arith.constant 208 : index
      %get3A_594 = tpu.vector_load %arg9[%get3A_593] {strides = array<i32>} : memref<1440xi32, #tpu.memory_space<vmem>>, vector<16xi32>,
      %get3A_595 = arith.constant 48 : index
      %get3A_596 = tpu.vector_load %arg16[%get3A_595] {strides = array<i32>} : memref<80xf32, #tpu.memory_space<vmem>>, vector<16xf32>,
      %eq3A_597 = arith.constant 2 : i32
      %eq3A_598 = vector.broadcast %eq3A_597 : i32 to vector<16xi32>
      %eq3A_599 = arith.cmpi eq, %get3A_594, %eq3A_598 : vector<16xi32>
      %jit3A_600 = arith.constant 1.000000e+00 : f32
      %jit3A_601 = arith.constant 0.000000e+00 : f32
      %broadcast_in_dim3A_602 = vector.broadcast %jit3A_600 : f32 to vector<16xf32>
      %broadcast_in_dim3A_603 = vector.broadcast %jit3A_601 : f32 to vector<16xf32>
      %select_n3A_604 = arith.select %eq3A_599, %broadcast_in_dim3A_602, %broadcast_in_dim3A_603 : vector<16xi1>, vector<16xf32>
      %eq3A_605 = arith.constant 1 : i32
      %eq3A_606 = vector.broadcast %eq3A_605 : i32 to vector<16xi32>
      %eq3A_607 = arith.cmpi eq, %get3A_594, %eq3A_606 : vector<16xi32>
      %broadcast_in_dim3A_608 = arith.constant 0.000000e+00 : f32
      %broadcast_in_dim3A_609 = vector.broadcast %broadcast_in_dim3A_608 : f32 to vector<16xf32>
      %select_n3A_610 = arith.select %eq3A_607, %get3A_596, %broadcast_in_dim3A_609 : vector<16xi1>, vector<16xf32>
      %add3A_611 = arith.addf %select_n3A_604, %select_n3A_610 : vector<16xf32>
      %swap3A_612 = arith.constant 6528 : index
      %swap3A_613 = tpu.vector_load %arg10[%swap3A_612] {strides = array<i32>} : memref<29160xf32, #tpu.memory_space<vmem>>, vector<16xf32>,
      tpu.vector_store %arg10[%swap3A_612], %add3A_611 {strides = array<i32>} : memref<29160xf32, #tpu.memory_space<vmem>>, vector<16xf32>,
      %get3A_614 = arith.constant 224 : index
      %get3A_615 = tpu.vector_load %arg9[%get3A_614] {strides = array<i32>} : memref<1440xi32, #tpu.memory_space<vmem>>, vector<16xi32>,
      %get3A_616 = arith.constant 64 : index
      %get3A_617 = tpu.vector_load %arg16[%get3A_616] {strides = array<i32>} : memref<80xf32, #tpu.memory_space<vmem>>, vector<16xf32>,
      %eq3A_618 = arith.constant 2 : i32
      %eq3A_619 = vector.broadcast %eq3A_618 : i32 to vector<16xi32>
      %eq3A_620 = arith.cmpi eq, %get3A_615, %eq3A_619 : vector<16xi32>
      %jit3A_621 = arith.constant 1.000000e+00 : f32
      %jit3A_622 = arith.constant 0.000000e+00 : f32
      %broadcast_in_dim3A_623 = vector.broadcast %jit3A_621 : f32 to vector<16xf32>
      %broadcast_in_dim3A_624 = vector.broadcast %jit3A_622 : f32 to vector<16xf32>
      %select_n3A_625 = arith.select %eq3A_620, %broadcast_in_dim3A_623, %broadcast_in_dim3A_624 : vector<16xi1>, vector<16xf32>
      %eq3A_626 = arith.constant 1 : i32
      %eq3A_627 = vector.broadcast %eq3A_626 : i32 to vector<16xi32>
      %eq3A_628 = arith.cmpi eq, %get3A_615, %eq3A_627 : vector<16xi32>
      %broadcast_in_dim3A_629 = arith.constant 0.000000e+00 : f32
      %broadcast_in_dim3A_630 = vector.broadcast %broadcast_in_dim3A_629 : f32 to vector<16xf32>
      %select_n3A_631 = arith.select %eq3A_628, %get3A_617, %broadcast_in_dim3A_630 : vector<16xi1>, vector<16xf32>
      %add3A_632 = arith.addf %select_n3A_625, %select_n3A_631 : vector<16xf32>
      %swap3A_633 = arith.constant 6544 : index
      %swap3A_634 = tpu.vector_load %arg10[%swap3A_633] {strides = array<i32>} : memref<29160xf32, #tpu.memory_space<vmem>>, vector<16xf32>,
      tpu.vector_store %arg10[%swap3A_633], %add3A_632 {strides = array<i32>} : memref<29160xf32, #tpu.memory_space<vmem>>, vector<16xf32>,
      %get3A_635 = arith.constant 240 : index
      %get3A_636 = tpu.vector_load %arg9[%get3A_635] {strides = array<i32>} : memref<1440xi32, #tpu.memory_space<vmem>>, vector<16xi32>,
      %get3A_637 = arith.constant 0 : index
      %get3A_638 = tpu.vector_load %arg16[%get3A_637] {strides = array<i32>} : memref<80xf32, #tpu.memory_space<vmem>>, vector<16xf32>,
      %eq3A_639 = arith.constant 2 : i32
      %eq3A_640 = vector.broadcast %eq3A_639 : i32 to vector<16xi32>
      %eq3A_641 = arith.cmpi eq, %get3A_636, %eq3A_640 : vector<16xi32>
      %jit3A_642 = arith.constant 1.000000e+00 : f32
      %jit3A_643 = arith.constant 0.000000e+00 : f32
      %broadcast_in_dim3A_644 = vector.broadcast %jit3A_642 : f32 to vector<16xf32>
      %broadcast_in_dim3A_645 = vector.broadcast %jit3A_643 : f32 to vector<16xf32>
      %select_n3A_646 = arith.select %eq3A_641, %broadcast_in_dim3A_644, %broadcast_in_dim3A_645 : vector<16xi1>, vector<16xf32>
      %eq3A_647 = arith.constant 1 : i32
      %eq3A_648 = vector.broadcast %eq3A_647 : i32 to vector<16xi32>
      %eq3A_649 = arith.cmpi eq, %get3A_636, %eq3A_648 : vector<16xi32>
      %broadcast_in_dim3A_650 = arith.constant 0.000000e+00 : f32
      %broadcast_in_dim3A_651 = vector.broadcast %broadcast_in_dim3A_650 : f32 to vector<16xf32>
      %select_n3A_652 = arith.select %eq3A_649, %get3A_638, %broadcast_in_dim3A_651 : vector<16xi1>, vector<16xf32>
      %add3A_653 = arith.addf %select_n3A_646, %select_n3A_652 : vector<16xf32>
      %swap3A_654 = arith.constant 9720 : index
      %swap3A_655 = tpu.vector_load %arg10[%swap3A_654] {strides = array<i32>} : memref<29160xf32, #tpu.memory_space<vmem>>, vector<16xf32>,
      tpu.vector_store %arg10[%swap3A_654], %add3A_653 {strides = array<i32>} : memref<29160xf32, #tpu.memory_space<vmem>>, vector<16xf32>,
      %get3A_656 = arith.constant 256 : index
      %get3A_657 = tpu.vector_load %arg9[%get3A_656] {strides = array<i32>} : memref<1440xi32, #tpu.memory_space<vmem>>, vector<16xi32>,
      %get3A_658 = arith.constant 16 : index
      %get3A_659 = tpu.vector_load %arg16[%get3A_658] {strides = array<i32>} : memref<80xf32, #tpu.memory_space<vmem>>, vector<16xf32>,
      %eq3A_660 = arith.constant 2 : i32
      %eq3A_661 = vector.broadcast %eq3A_660 : i32 to vector<16xi32>
      %eq3A_662 = arith.cmpi eq, %get3A_657, %eq3A_661 : vector<16xi32>
      %jit3A_663 = arith.constant 1.000000e+00 : f32
      %jit3A_664 = arith.constant 0.000000e+00 : f32
      %broadcast_in_dim3A_665 = vector.broadcast %jit3A_663 : f32 to vector<16xf32>
      %broadcast_in_dim3A_666 = vector.broadcast %jit3A_664 : f32 to vector<16xf32>
      %select_n3A_667 = arith.select %eq3A_662, %broadcast_in_dim3A_665, %broadcast_in_dim3A_666 : vector<16xi1>, vector<16xf32>
      %eq3A_668 = arith.constant 1 : i32
      %eq3A_669 = vector.broadcast %eq3A_668 : i32 to vector<16xi32>
      %eq3A_670 = arith.cmpi eq, %get3A_657, %eq3A_669 : vector<16xi32>
      %broadcast_in_dim3A_671 = arith.constant 0.000000e+00 : f32
      %broadcast_in_dim3A_672 = vector.broadcast %broadcast_in_dim3A_671 : f32 to vector<16xf32>
      %select_n3A_673 = arith.select %eq3A_670, %get3A_659, %broadcast_in_dim3A_672 : vector<16xi1>, vector<16xf32>
      %add3A_674 = arith.addf %select_n3A_667, %select_n3A_673 : vector<16xf32>
      %swap3A_675 = arith.constant 9736 : index
      %swap3A_676 = tpu.vector_load %arg10[%swap3A_675] {strides = array<i32>} : memref<29160xf32, #tpu.memory_space<vmem>>, vector<16xf32>,
      tpu.vector_store %arg10[%swap3A_675], %add3A_674 {strides = array<i32>} : memref<29160xf32, #tpu.memory_space<vmem>>, vector<16xf32>,
      %get3A_677 = arith.constant 272 : index
      %get3A_678 = tpu.vector_load %arg9[%get3A_677] {strides = array<i32>} : memref<1440xi32, #tpu.memory_space<vmem>>, vector<16xi32>,
      %get3A_679 = arith.constant 32 : index
      %get3A_680 = tpu.vector_load %arg16[%get3A_679] {strides = array<i32>} : memref<80xf32, #tpu.memory_space<vmem>>, vector<16xf32>,
      %eq3A_681 = arith.constant 2 : i32
      %eq3A_682 = vector.broadcast %eq3A_681 : i32 to vector<16xi32>
      %eq3A_683 = arith.cmpi eq, %get3A_678, %eq3A_682 : vector<16xi32>
      %jit3A_684 = arith.constant 1.000000e+00 : f32
      %jit3A_685 = arith.constant 0.000000e+00 : f32
      %broadcast_in_dim3A_686 = vector.broadcast %jit3A_684 : f32 to vector<16xf32>
      %broadcast_in_dim3A_687 = vector.broadcast %jit3A_685 : f32 to vector<16xf32>
      %select_n3A_688 = arith.select %eq3A_683, %broadcast_in_dim3A_686, %broadcast_in_dim3A_687 : vector<16xi1>, vector<16xf32>
      %eq3A_689 = arith.constant 1 : i32
      %eq3A_690 = vector.broadcast %eq3A_689 : i32 to vector<16xi32>
      %eq3A_691 = arith.cmpi eq, %get3A_678, %eq3A_690 : vector<16xi32>
      %broadcast_in_dim3A_692 = arith.constant 0.000000e+00 : f32
      %broadcast_in_dim3A_693 = vector.broadcast %broadcast_in_dim3A_692 : f32 to vector<16xf32>
      %select_n3A_694 = arith.select %eq3A_691, %get3A_680, %broadcast_in_dim3A_693 : vector<16xi1>, vector<16xf32>
      %add3A_695 = arith.addf %select_n3A_688, %select_n3A_694 : vector<16xf32>
      %swap3A_696 = arith.constant 9752 : index
      %swap3A_697 = tpu.vector_load %arg10[%swap3A_696] {strides = array<i32>} : memref<29160xf32, #tpu.memory_space<vmem>>, vector<16xf32>,
      tpu.vector_store %arg10[%swap3A_696], %add3A_695 {strides = array<i32>} : memref<29160xf32, #tpu.memory_space<vmem>>, vector<16xf32>,
      %get3A_698 = arith.constant 288 : index
      %get3A_699 = tpu.vector_load %arg9[%get3A_698] {strides = array<i32>} : memref<1440xi32, #tpu.memory_space<vmem>>, vector<16xi32>,
      %get3A_700 = arith.constant 48 : index
      %get3A_701 = tpu.vector_load %arg16[%get3A_700] {strides = array<i32>} : memref<80xf32, #tpu.memory_space<vmem>>, vector<16xf32>,
      %eq3A_702 = arith.constant 2 : i32
      %eq3A_703 = vector.broadcast %eq3A_702 : i32 to vector<16xi32>
      %eq3A_704 = arith.cmpi eq, %get3A_699, %eq3A_703 : vector<16xi32>
      %jit3A_705 = arith.constant 1.000000e+00 : f32
      %jit3A_706 = arith.constant 0.000000e+00 : f32
      %broadcast_in_dim3A_707 = vector.broadcast %jit3A_705 : f32 to vector<16xf32>
      %broadcast_in_dim3A_708 = vector.broadcast %jit3A_706 : f32 to vector<16xf32>
      %select_n3A_709 = arith.select %eq3A_704, %broadcast_in_dim3A_707, %broadcast_in_dim3A_708 : vector<16xi1>, vector<16xf32>
      %eq3A_710 = arith.constant 1 : i32
      %eq3A_711 = vector.broadcast %eq3A_710 : i32 to vector<16xi32>
      %eq3A_712 = arith.cmpi eq, %get3A_699, %eq3A_711 : vector<16xi32>
      %broadcast_in_dim3A_713 = arith.constant 0.000000e+00 : f32
      %broadcast_in_dim3A_714 = vector.broadcast %broadcast_in_dim3A_713 : f32 to vector<16xf32>
      %select_n3A_715 = arith.select %eq3A_712, %get3A_701, %broadcast_in_dim3A_714 : vector<16xi1>, vector<16xf32>
      %add3A_716 = arith.addf %select_n3A_709, %select_n3A_715 : vector<16xf32>
      %swap3A_717 = arith.constant 9768 : index
      %swap3A_718 = tpu.vector_load %arg10[%swap3A_717] {strides = array<i32>} : memref<29160xf32, #tpu.memory_space<vmem>>, vector<16xf32>,
      tpu.vector_store %arg10[%swap3A_717], %add3A_716 {strides = array<i32>} : memref<29160xf32, #tpu.memory_space<vmem>>, vector<16xf32>,
      %get3A_719 = arith.constant 304 : index
      %get3A_720 = tpu.vector_load %arg9[%get3A_719] {strides = array<i32>} : memref<1440xi32, #tpu.memory_space<vmem>>, vector<16xi32>,
      %get3A_721 = arith.constant 64 : index
      %get3A_722 = tpu.vector_load %arg16[%get3A_721] {strides = array<i32>} : memref<80xf32, #tpu.memory_space<vmem>>, vector<16xf32>,
      %eq3A_723 = arith.constant 2 : i32
      %eq3A_724 = vector.broadcast %eq3A_723 : i32 to vector<16xi32>
      %eq3A_725 = arith.cmpi eq, %get3A_720, %eq3A_724 : vector<16xi32>
      %jit3A_726 = arith.constant 1.000000e+00 : f32
      %jit3A_727 = arith.constant 0.000000e+00 : f32
      %broadcast_in_dim3A_728 = vector.broadcast %jit3A_726 : f32 to vector<16xf32>
      %broadcast_in_dim3A_729 = vector.broadcast %jit3A_727 : f32 to vector<16xf32>
      %select_n3A_730 = arith.select %eq3A_725, %broadcast_in_dim3A_728, %broadcast_in_dim3A_729 : vector<16xi1>, vector<16xf32>
      %eq3A_731 = arith.constant 1 : i32
      %eq3A_732 = vector.broadcast %eq3A_731 : i32 to vector<16xi32>
      %eq3A_733 = arith.cmpi eq, %get3A_720, %eq3A_732 : vector<16xi32>
      %broadcast_in_dim3A_734 = arith.constant 0.000000e+00 : f32
      %broadcast_in_dim3A_735 = vector.broadcast %broadcast_in_dim3A_734 : f32 to vector<16xf32>
      %select_n3A_736 = arith.select %eq3A_733, %get3A_722, %broadcast_in_dim3A_735 : vector<16xi1>, vector<16xf32>
      %add3A_737 = arith.addf %select_n3A_730, %select_n3A_736 : vector<16xf32>
      %swap3A_738 = arith.constant 9784 : index
      %swap3A_739 = tpu.vector_load %arg10[%swap3A_738] {strides = array<i32>} : memref<29160xf32, #tpu.memory_space<vmem>>, vector<16xf32>,
      tpu.vector_store %arg10[%swap3A_738], %add3A_737 {strides = array<i32>} : memref<29160xf32, #tpu.memory_space<vmem>>, vector<16xf32>,
      %get3A_740 = arith.constant 320 : index
      %get3A_741 = tpu.vector_load %arg9[%get3A_740] {strides = array<i32>} : memref<1440xi32, #tpu.memory_space<vmem>>, vector<16xi32>,
      %get3A_742 = arith.constant 0 : index
      %get3A_743 = tpu.vector_load %arg16[%get3A_742] {strides = array<i32>} : memref<80xf32, #tpu.memory_space<vmem>>, vector<16xf32>,
      %eq3A_744 = arith.constant 2 : i32
      %eq3A_745 = vector.broadcast %eq3A_744 : i32 to vector<16xi32>
      %eq3A_746 = arith.cmpi eq, %get3A_741, %eq3A_745 : vector<16xi32>
      %jit3A_747 = arith.constant 1.000000e+00 : f32
      %jit3A_748 = arith.constant 0.000000e+00 : f32
      %broadcast_in_dim3A_749 = vector.broadcast %jit3A_747 : f32 to vector<16xf32>
      %broadcast_in_dim3A_750 = vector.broadcast %jit3A_748 : f32 to vector<16xf32>
      %select_n3A_751 = arith.select %eq3A_746, %broadcast_in_dim3A_749, %broadcast_in_dim3A_750 : vector<16xi1>, vector<16xf32>
      %eq3A_752 = arith.constant 1 : i32
      %eq3A_753 = vector.broadcast %eq3A_752 : i32 to vector<16xi32>
      %eq3A_754 = arith.cmpi eq, %get3A_741, %eq3A_753 : vector<16xi32>
      %broadcast_in_dim3A_755 = arith.constant 0.000000e+00 : f32
      %broadcast_in_dim3A_756 = vector.broadcast %broadcast_in_dim3A_755 : f32 to vector<16xf32>
      %select_n3A_757 = arith.select %eq3A_754, %get3A_743, %broadcast_in_dim3A_756 : vector<16xi1>, vector<16xf32>
      %add3A_758 = arith.addf %select_n3A_751, %select_n3A_757 : vector<16xf32>
      %swap3A_759 = arith.constant 12960 : index
      %swap3A_760 = tpu.vector_load %arg10[%swap3A_759] {strides = array<i32>} : memref<29160xf32, #tpu.memory_space<vmem>>, vector<16xf32>,
      tpu.vector_store %arg10[%swap3A_759], %add3A_758 {strides = array<i32>} : memref<29160xf32, #tpu.memory_space<vmem>>, vector<16xf32>,
      %get3A_761 = arith.constant 336 : index
      %get3A_762 = tpu.vector_load %arg9[%get3A_761] {strides = array<i32>} : memref<1440xi32, #tpu.memory_space<vmem>>, vector<16xi32>,
      %get3A_763 = arith.constant 16 : index
      %get3A_764 = tpu.vector_load %arg16[%get3A_763] {strides = array<i32>} : memref<80xf32, #tpu.memory_space<vmem>>, vector<16xf32>,
      %eq3A_765 = arith.constant 2 : i32
      %eq3A_766 = vector.broadcast %eq3A_765 : i32 to vector<16xi32>
      %eq3A_767 = arith.cmpi eq, %get3A_762, %eq3A_766 : vector<16xi32>
      %jit3A_768 = arith.constant 1.000000e+00 : f32
      %jit3A_769 = arith.constant 0.000000e+00 : f32
      %broadcast_in_dim3A_770 = vector.broadcast %jit3A_768 : f32 to vector<16xf32>
      %broadcast_in_dim3A_771 = vector.broadcast %jit3A_769 : f32 to vector<16xf32>
      %select_n3A_772 = arith.select %eq3A_767, %broadcast_in_dim3A_770, %broadcast_in_dim3A_771 : vector<16xi1>, vector<16xf32>
      %eq3A_773 = arith.constant 1 : i32
      %eq3A_774 = vector.broadcast %eq3A_773 : i32 to vector<16xi32>
      %eq3A_775 = arith.cmpi eq, %get3A_762, %eq3A_774 : vector<16xi32>
      %broadcast_in_dim3A_776 = arith.constant 0.000000e+00 : f32
      %broadcast_in_dim3A_777 = vector.broadcast %broadcast_in_dim3A_776 : f32 to vector<16xf32>
      %select_n3A_778 = arith.select %eq3A_775, %get3A_764, %broadcast_in_dim3A_777 : vector<16xi1>, vector<16xf32>
      %add3A_779 = arith.addf %select_n3A_772, %select_n3A_778 : vector<16xf32>
      %swap3A_780 = arith.constant 12976 : index
      %swap3A_781 = tpu.vector_load %arg10[%swap3A_780] {strides = array<i32>} : memref<29160xf32, #tpu.memory_space<vmem>>, vector<16xf32>,
      tpu.vector_store %arg10[%swap3A_780], %add3A_779 {strides = array<i32>} : memref<29160xf32, #tpu.memory_space<vmem>>, vector<16xf32>,
      %get3A_782 = arith.constant 352 : index
      %get3A_783 = tpu.vector_load %arg9[%get3A_782] {strides = array<i32>} : memref<1440xi32, #tpu.memory_space<vmem>>, vector<16xi32>,
      %get3A_784 = arith.constant 32 : index
      %get3A_785 = tpu.vector_load %arg16[%get3A_784] {strides = array<i32>} : memref<80xf32, #tpu.memory_space<vmem>>, vector<16xf32>,
      %eq3A_786 = arith.constant 2 : i32
      %eq3A_787 = vector.broadcast %eq3A_786 : i32 to vector<16xi32>
      %eq3A_788 = arith.cmpi eq, %get3A_783, %eq3A_787 : vector<16xi32>
      %jit3A_789 = arith.constant 1.000000e+00 : f32
      %jit3A_790 = arith.constant 0.000000e+00 : f32
      %broadcast_in_dim3A_791 = vector.broadcast %jit3A_789 : f32 to vector<16xf32>
      %broadcast_in_dim3A_792 = vector.broadcast %jit3A_790 : f32 to vector<16xf32>
      %select_n3A_793 = arith.select %eq3A_788, %broadcast_in_dim3A_791, %broadcast_in_dim3A_792 : vector<16xi1>, vector<16xf32>
      %eq3A_794 = arith.constant 1 : i32
      %eq3A_795 = vector.broadcast %eq3A_794 : i32 to vector<16xi32>
      %eq3A_796 = arith.cmpi eq, %get3A_783, %eq3A_795 : vector<16xi32>
      %broadcast_in_dim3A_797 = arith.constant 0.000000e+00 : f32
      %broadcast_in_dim3A_798 = vector.broadcast %broadcast_in_dim3A_797 : f32 to vector<16xf32>
      %select_n3A_799 = arith.select %eq3A_796, %get3A_785, %broadcast_in_dim3A_798 : vector<16xi1>, vector<16xf32>
      %add3A_800 = arith.addf %select_n3A_793, %select_n3A_799 : vector<16xf32>
      %swap3A_801 = arith.constant 12992 : index
      %swap3A_802 = tpu.vector_load %arg10[%swap3A_801] {strides = array<i32>} : memref<29160xf32, #tpu.memory_space<vmem>>, vector<16xf32>,
      tpu.vector_store %arg10[%swap3A_801], %add3A_800 {strides = array<i32>} : memref<29160xf32, #tpu.memory_space<vmem>>, vector<16xf32>,
      %get3A_803 = arith.constant 368 : index
      %get3A_804 = tpu.vector_load %arg9[%get3A_803] {strides = array<i32>} : memref<1440xi32, #tpu.memory_space<vmem>>, vector<16xi32>,
      %get3A_805 = arith.constant 48 : index
      %get3A_806 = tpu.vector_load %arg16[%get3A_805] {strides = array<i32>} : memref<80xf32, #tpu.memory_space<vmem>>, vector<16xf32>,
      %eq3A_807 = arith.constant 2 : i32
      %eq3A_808 = vector.broadcast %eq3A_807 : i32 to vector<16xi32>
      %eq3A_809 = arith.cmpi eq, %get3A_804, %eq3A_808 : vector<16xi32>
      %jit3A_810 = arith.constant 1.000000e+00 : f32
      %jit3A_811 = arith.constant 0.000000e+00 : f32
      %broadcast_in_dim3A_812 = vector.broadcast %jit3A_810 : f32 to vector<16xf32>
      %broadcast_in_dim3A_813 = vector.broadcast %jit3A_811 : f32 to vector<16xf32>
      %select_n3A_814 = arith.select %eq3A_809, %broadcast_in_dim3A_812, %broadcast_in_dim3A_813 : vector<16xi1>, vector<16xf32>
      %eq3A_815 = arith.constant 1 : i32
      %eq3A_816 = vector.broadcast %eq3A_815 : i32 to vector<16xi32>
      %eq3A_817 = arith.cmpi eq, %get3A_804, %eq3A_816 : vector<16xi32>
      %broadcast_in_dim3A_818 = arith.constant 0.000000e+00 : f32
      %broadcast_in_dim3A_819 = vector.broadcast %broadcast_in_dim3A_818 : f32 to vector<16xf32>
      %select_n3A_820 = arith.select %eq3A_817, %get3A_806, %broadcast_in_dim3A_819 : vector<16xi1>, vector<16xf32>
      %add3A_821 = arith.addf %select_n3A_814, %select_n3A_820 : vector<16xf32>
      %swap3A_822 = arith.constant 13008 : index
      %swap3A_823 = tpu.vector_load %arg10[%swap3A_822] {strides = array<i32>} : memref<29160xf32, #tpu.memory_space<vmem>>, vector<16xf32>,
      tpu.vector_store %arg10[%swap3A_822], %add3A_821 {strides = array<i32>} : memref<29160xf32, #tpu.memory_space<vmem>>, vector<16xf32>,
      %get3A_824 = arith.constant 384 : index
      %get3A_825 = tpu.vector_load %arg9[%get3A_824] {strides = array<i32>} : memref<1440xi32, #tpu.memory_space<vmem>>, vector<16xi32>,
      %get3A_826 = arith.constant 64 : index
      %get3A_827 = tpu.vector_load %arg16[%get3A_826] {strides = array<i32>} : memref<80xf32, #tpu.memory_space<vmem>>, vector<16xf32>,
      %eq3A_828 = arith.constant 2 : i32
      %eq3A_829 = vector.broadcast %eq3A_828 : i32 to vector<16xi32>
      %eq3A_830 = arith.cmpi eq, %get3A_825, %eq3A_829 : vector<16xi32>
      %jit3A_831 = arith.constant 1.000000e+00 : f32
      %jit3A_832 = arith.constant 0.000000e+00 : f32
      %broadcast_in_dim3A_833 = vector.broadcast %jit3A_831 : f32 to vector<16xf32>
      %broadcast_in_dim3A_834 = vector.broadcast %jit3A_832 : f32 to vector<16xf32>
      %select_n3A_835 = arith.select %eq3A_830, %broadcast_in_dim3A_833, %broadcast_in_dim3A_834 : vector<16xi1>, vector<16xf32>
      %eq3A_836 = arith.constant 1 : i32
      %eq3A_837 = vector.broadcast %eq3A_836 : i32 to vector<16xi32>
      %eq3A_838 = arith.cmpi eq, %get3A_825, %eq3A_837 : vector<16xi32>
      %broadcast_in_dim3A_839 = arith.constant 0.000000e+00 : f32
      %broadcast_in_dim3A_840 = vector.broadcast %broadcast_in_dim3A_839 : f32 to vector<16xf32>
      %select_n3A_841 = arith.select %eq3A_838, %get3A_827, %broadcast_in_dim3A_840 : vector<16xi1>, vector<16xf32>
      %add3A_842 = arith.addf %select_n3A_835, %select_n3A_841 : vector<16xf32>
      %swap3A_843 = arith.constant 13024 : index
      %swap3A_844 = tpu.vector_load %arg10[%swap3A_843] {strides = array<i32>} : memref<29160xf32, #tpu.memory_space<vmem>>, vector<16xf32>,
      tpu.vector_store %arg10[%swap3A_843], %add3A_842 {strides = array<i32>} : memref<29160xf32, #tpu.memory_space<vmem>>, vector<16xf32>,
      %get3A_845 = arith.constant 400 : index
      %get3A_846 = tpu.vector_load %arg9[%get3A_845] {strides = array<i32>} : memref<1440xi32, #tpu.memory_space<vmem>>, vector<16xi32>,
      %get3A_847 = arith.constant 0 : index
      %get3A_848 = tpu.vector_load %arg16[%get3A_847] {strides = array<i32>} : memref<80xf32, #tpu.memory_space<vmem>>, vector<16xf32>,
      %eq3A_849 = arith.constant 2 : i32
      %eq3A_850 = vector.broadcast %eq3A_849 : i32 to vector<16xi32>
      %eq3A_851 = arith.cmpi eq, %get3A_846, %eq3A_850 : vector<16xi32>
      %jit3A_852 = arith.constant 1.000000e+00 : f32
      %jit3A_853 = arith.constant 0.000000e+00 : f32
      %broadcast_in_dim3A_854 = vector.broadcast %jit3A_852 : f32 to vector<16xf32>
      %broadcast_in_dim3A_855 = vector.broadcast %jit3A_853 : f32 to vector<16xf32>
      %select_n3A_856 = arith.select %eq3A_851, %broadcast_in_dim3A_854, %broadcast_in_dim3A_855 : vector<16xi1>, vector<16xf32>
      %eq3A_857 = arith.constant 1 : i32
      %eq3A_858 = vector.broadcast %eq3A_857 : i32 to vector<16xi32>
      %eq3A_859 = arith.cmpi eq, %get3A_846, %eq3A_858 : vector<16xi32>
      %broadcast_in_dim3A_860 = arith.constant 0.000000e+00 : f32
      %broadcast_in_dim3A_861 = vector.broadcast %broadcast_in_dim3A_860 : f32 to vector<16xf32>
      %select_n3A_862 = arith.select %eq3A_859, %get3A_848, %broadcast_in_dim3A_861 : vector<16xi1>, vector<16xf32>
      %add3A_863 = arith.addf %select_n3A_856, %select_n3A_862 : vector<16xf32>
      %swap3A_864 = arith.constant 16200 : index
      %swap3A_865 = tpu.vector_load %arg10[%swap3A_864] {strides = array<i32>} : memref<29160xf32, #tpu.memory_space<vmem>>, vector<16xf32>,
      tpu.vector_store %arg10[%swap3A_864], %add3A_863 {strides = array<i32>} : memref<29160xf32, #tpu.memory_space<vmem>>, vector<16xf32>,
      %get3A_866 = arith.constant 416 : index
      %get3A_867 = tpu.vector_load %arg9[%get3A_866] {strides = array<i32>} : memref<1440xi32, #tpu.memory_space<vmem>>, vector<16xi32>,
      %get3A_868 = arith.constant 16 : index
      %get3A_869 = tpu.vector_load %arg16[%get3A_868] {strides = array<i32>} : memref<80xf32, #tpu.memory_space<vmem>>, vector<16xf32>,
      %eq3A_870 = arith.constant 2 : i32
      %eq3A_871 = vector.broadcast %eq3A_870 : i32 to vector<16xi32>
      %eq3A_872 = arith.cmpi eq, %get3A_867, %eq3A_871 : vector<16xi32>
      %jit3A_873 = arith.constant 1.000000e+00 : f32
      %jit3A_874 = arith.constant 0.000000e+00 : f32
      %broadcast_in_dim3A_875 = vector.broadcast %jit3A_873 : f32 to vector<16xf32>
      %broadcast_in_dim3A_876 = vector.broadcast %jit3A_874 : f32 to vector<16xf32>
      %select_n3A_877 = arith.select %eq3A_872, %broadcast_in_dim3A_875, %broadcast_in_dim3A_876 : vector<16xi1>, vector<16xf32>
      %eq3A_878 = arith.constant 1 : i32
      %eq3A_879 = vector.broadcast %eq3A_878 : i32 to vector<16xi32>
      %eq3A_880 = arith.cmpi eq, %get3A_867, %eq3A_879 : vector<16xi32>
      %broadcast_in_dim3A_881 = arith.constant 0.000000e+00 : f32
      %broadcast_in_dim3A_882 = vector.broadcast %broadcast_in_dim3A_881 : f32 to vector<16xf32>
      %select_n3A_883 = arith.select %eq3A_880, %get3A_869, %broadcast_in_dim3A_882 : vector<16xi1>, vector<16xf32>
      %add3A_884 = arith.addf %select_n3A_877, %select_n3A_883 : vector<16xf32>
      %swap3A_885 = arith.constant 16216 : index
      %swap3A_886 = tpu.vector_load %arg10[%swap3A_885] {strides = array<i32>} : memref<29160xf32, #tpu.memory_space<vmem>>, vector<16xf32>,
      tpu.vector_store %arg10[%swap3A_885], %add3A_884 {strides = array<i32>} : memref<29160xf32, #tpu.memory_space<vmem>>, vector<16xf32>,
      %get3A_887 = arith.constant 432 : index
      %get3A_888 = tpu.vector_load %arg9[%get3A_887] {strides = array<i32>} : memref<1440xi32, #tpu.memory_space<vmem>>, vector<16xi32>,
      %get3A_889 = arith.constant 32 : index
      %get3A_890 = tpu.vector_load %arg16[%get3A_889] {strides = array<i32>} : memref<80xf32, #tpu.memory_space<vmem>>, vector<16xf32>,
      %eq3A_891 = arith.constant 2 : i32
      %eq3A_892 = vector.broadcast %eq3A_891 : i32 to vector<16xi32>
      %eq3A_893 = arith.cmpi eq, %get3A_888, %eq3A_892 : vector<16xi32>
      %jit3A_894 = arith.constant 1.000000e+00 : f32
      %jit3A_895 = arith.constant 0.000000e+00 : f32
      %broadcast_in_dim3A_896 = vector.broadcast %jit3A_894 : f32 to vector<16xf32>
      %broadcast_in_dim3A_897 = vector.broadcast %jit3A_895 : f32 to vector<16xf32>
      %select_n3A_898 = arith.select %eq3A_893, %broadcast_in_dim3A_896, %broadcast_in_dim3A_897 : vector<16xi1>, vector<16xf32>
      %eq3A_899 = arith.constant 1 : i32
      %eq3A_900 = vector.broadcast %eq3A_899 : i32 to vector<16xi32>
      %eq3A_901 = arith.cmpi eq, %get3A_888, %eq3A_900 : vector<16xi32>
      %broadcast_in_dim3A_902 = arith.constant 0.000000e+00 : f32
      %broadcast_in_dim3A_903 = vector.broadcast %broadcast_in_dim3A_902 : f32 to vector<16xf32>
      %select_n3A_904 = arith.select %eq3A_901, %get3A_890, %broadcast_in_dim3A_903 : vector<16xi1>, vector<16xf32>
      %add3A_905 = arith.addf %select_n3A_898, %select_n3A_904 : vector<16xf32>
      %swap3A_906 = arith.constant 16232 : index
      %swap3A_907 = tpu.vector_load %arg10[%swap3A_906] {strides = array<i32>} : memref<29160xf32, #tpu.memory_space<vmem>>, vector<16xf32>,
      tpu.vector_store %arg10[%swap3A_906], %add3A_905 {strides = array<i32>} : memref<29160xf32, #tpu.memory_space<vmem>>, vector<16xf32>,
      %get3A_908 = arith.constant 448 : index
      %get3A_909 = tpu.vector_load %arg9[%get3A_908] {strides = array<i32>} : memref<1440xi32, #tpu.memory_space<vmem>>, vector<16xi32>,
      %get3A_910 = arith.constant 48 : index
      %get3A_911 = tpu.vector_load %arg16[%get3A_910] {strides = array<i32>} : memref<80xf32, #tpu.memory_space<vmem>>, vector<16xf32>,
      %eq3A_912 = arith.constant 2 : i32
      %eq3A_913 = vector.broadcast %eq3A_912 : i32 to vector<16xi32>
      %eq3A_914 = arith.cmpi eq, %get3A_909, %eq3A_913 : vector<16xi32>
      %jit3A_915 = arith.constant 1.000000e+00 : f32
      %jit3A_916 = arith.constant 0.000000e+00 : f32
      %broadcast_in_dim3A_917 = vector.broadcast %jit3A_915 : f32 to vector<16xf32>
      %broadcast_in_dim3A_918 = vector.broadcast %jit3A_916 : f32 to vector<16xf32>
      %select_n3A_919 = arith.select %eq3A_914, %broadcast_in_dim3A_917, %broadcast_in_dim3A_918 : vector<16xi1>, vector<16xf32>
      %eq3A_920 = arith.constant 1 : i32
      %eq3A_921 = vector.broadcast %eq3A_920 : i32 to vector<16xi32>
      %eq3A_922 = arith.cmpi eq, %get3A_909, %eq3A_921 : vector<16xi32>
      %broadcast_in_dim3A_923 = arith.constant 0.000000e+00 : f32
      %broadcast_in_dim3A_924 = vector.broadcast %broadcast_in_dim3A_923 : f32 to vector<16xf32>
      %select_n3A_925 = arith.select %eq3A_922, %get3A_911, %broadcast_in_dim3A_924 : vector<16xi1>, vector<16xf32>
      %add3A_926 = arith.addf %select_n3A_919, %select_n3A_925 : vector<16xf32>
      %swap3A_927 = arith.constant 16248 : index
      %swap3A_928 = tpu.vector_load %arg10[%swap3A_927] {strides = array<i32>} : memref<29160xf32, #tpu.memory_space<vmem>>, vector<16xf32>,
      tpu.vector_store %arg10[%swap3A_927], %add3A_926 {strides = array<i32>} : memref<29160xf32, #tpu.memory_space<vmem>>, vector<16xf32>,
      %get3A_929 = arith.constant 464 : index
      %get3A_930 = tpu.vector_load %arg9[%get3A_929] {strides = array<i32>} : memref<1440xi32, #tpu.memory_space<vmem>>, vector<16xi32>,
      %get3A_931 = arith.constant 64 : index
      %get3A_932 = tpu.vector_load %arg16[%get3A_931] {strides = array<i32>} : memref<80xf32, #tpu.memory_space<vmem>>, vector<16xf32>,
      %eq3A_933 = arith.constant 2 : i32
      %eq3A_934 = vector.broadcast %eq3A_933 : i32 to vector<16xi32>
      %eq3A_935 = arith.cmpi eq, %get3A_930, %eq3A_934 : vector<16xi32>
      %jit3A_936 = arith.constant 1.000000e+00 : f32
      %jit3A_937 = arith.constant 0.000000e+00 : f32
      %broadcast_in_dim3A_938 = vector.broadcast %jit3A_936 : f32 to vector<16xf32>
      %broadcast_in_dim3A_939 = vector.broadcast %jit3A_937 : f32 to vector<16xf32>
      %select_n3A_940 = arith.select %eq3A_935, %broadcast_in_dim3A_938, %broadcast_in_dim3A_939 : vector<16xi1>, vector<16xf32>
      %eq3A_941 = arith.constant 1 : i32
      %eq3A_942 = vector.broadcast %eq3A_941 : i32 to vector<16xi32>
      %eq3A_943 = arith.cmpi eq, %get3A_930, %eq3A_942 : vector<16xi32>
      %broadcast_in_dim3A_944 = arith.constant 0.000000e+00 : f32
      %broadcast_in_dim3A_945 = vector.broadcast %broadcast_in_dim3A_944 : f32 to vector<16xf32>
      %select_n3A_946 = arith.select %eq3A_943, %get3A_932, %broadcast_in_dim3A_945 : vector<16xi1>, vector<16xf32>
      %add3A_947 = arith.addf %select_n3A_940, %select_n3A_946 : vector<16xf32>
      %swap3A_948 = arith.constant 16264 : index
      %swap3A_949 = tpu.vector_load %arg10[%swap3A_948] {strides = array<i32>} : memref<29160xf32, #tpu.memory_space<vmem>>, vector<16xf32>,
      tpu.vector_store %arg10[%swap3A_948], %add3A_947 {strides = array<i32>} : memref<29160xf32, #tpu.memory_space<vmem>>, vector<16xf32>,
      %get3A_950 = arith.constant 480 : index
      %get3A_951 = tpu.vector_load %arg9[%get3A_950] {strides = array<i32>} : memref<1440xi32, #tpu.memory_space<vmem>>, vector<16xi32>,
      %get3A_952 = arith.constant 0 : index
      %get3A_953 = tpu.vector_load %arg16[%get3A_952] {strides = array<i32>} : memref<80xf32, #tpu.memory_space<vmem>>, vector<16xf32>,
      %eq3A_954 = arith.constant 2 : i32
      %eq3A_955 = vector.broadcast %eq3A_954 : i32 to vector<16xi32>
      %eq3A_956 = arith.cmpi eq, %get3A_951, %eq3A_955 : vector<16xi32>
      %jit3A_957 = arith.constant 1.000000e+00 : f32
      %jit3A_958 = arith.constant 0.000000e+00 : f32
      %broadcast_in_dim3A_959 = vector.broadcast %jit3A_957 : f32 to vector<16xf32>
      %broadcast_in_dim3A_960 = vector.broadcast %jit3A_958 : f32 to vector<16xf32>
      %select_n3A_961 = arith.select %eq3A_956, %broadcast_in_dim3A_959, %broadcast_in_dim3A_960 : vector<16xi1>, vector<16xf32>
      %eq3A_962 = arith.constant 1 : i32
      %eq3A_963 = vector.broadcast %eq3A_962 : i32 to vector<16xi32>
      %eq3A_964 = arith.cmpi eq, %get3A_951, %eq3A_963 : vector<16xi32>
      %broadcast_in_dim3A_965 = arith.constant 0.000000e+00 : f32
      %broadcast_in_dim3A_966 = vector.broadcast %broadcast_in_dim3A_965 : f32 to vector<16xf32>
      %select_n3A_967 = arith.select %eq3A_964, %get3A_953, %broadcast_in_dim3A_966 : vector<16xi1>, vector<16xf32>
      %add3A_968 = arith.addf %select_n3A_961, %select_n3A_967 : vector<16xf32>
      %swap3A_969 = arith.constant 19440 : index
      %swap3A_970 = tpu.vector_load %arg10[%swap3A_969] {strides = array<i32>} : memref<29160xf32, #tpu.memory_space<vmem>>, vector<16xf32>,
      tpu.vector_store %arg10[%swap3A_969], %add3A_968 {strides = array<i32>} : memref<29160xf32, #tpu.memory_space<vmem>>, vector<16xf32>,
      %get3A_971 = arith.constant 496 : index
      %get3A_972 = tpu.vector_load %arg9[%get3A_971] {strides = array<i32>} : memref<1440xi32, #tpu.memory_space<vmem>>, vector<16xi32>,
      %get3A_973 = arith.constant 16 : index
      %get3A_974 = tpu.vector_load %arg16[%get3A_973] {strides = array<i32>} : memref<80xf32, #tpu.memory_space<vmem>>, vector<16xf32>,
      %eq3A_975 = arith.constant 2 : i32
      %eq3A_976 = vector.broadcast %eq3A_975 : i32 to vector<16xi32>
      %eq3A_977 = arith.cmpi eq, %get3A_972, %eq3A_976 : vector<16xi32>
      %jit3A_978 = arith.constant 1.000000e+00 : f32
      %jit3A_979 = arith.constant 0.000000e+00 : f32
      %broadcast_in_dim3A_980 = vector.broadcast %jit3A_978 : f32 to vector<16xf32>
      %broadcast_in_dim3A_981 = vector.broadcast %jit3A_979 : f32 to vector<16xf32>
      %select_n3A_982 = arith.select %eq3A_977, %broadcast_in_dim3A_980, %broadcast_in_dim3A_981 : vector<16xi1>, vector<16xf32>
      %eq3A_983 = arith.constant 1 : i32
      %eq3A_984 = vector.broadcast %eq3A_983 : i32 to vector<16xi32>
      %eq3A_985 = arith.cmpi eq, %get3A_972, %eq3A_984 : vector<16xi32>
      %broadcast_in_dim3A_986 = arith.constant 0.000000e+00 : f32
      %broadcast_in_dim3A_987 = vector.broadcast %broadcast_in_dim3A_986 : f32 to vector<16xf32>
      %select_n3A_988 = arith.select %eq3A_985, %get3A_974, %broadcast_in_dim3A_987 : vector<16xi1>, vector<16xf32>
      %add3A_989 = arith.addf %select_n3A_982, %select_n3A_988 : vector<16xf32>
      %swap3A_990 = arith.constant 19456 : index
      %swap3A_991 = tpu.vector_load %arg10[%swap3A_990] {strides = array<i32>} : memref<29160xf32, #tpu.memory_space<vmem>>, vector<16xf32>,
      tpu.vector_store %arg10[%swap3A_990], %add3A_989 {strides = array<i32>} : memref<29160xf32, #tpu.memory_space<vmem>>, vector<16xf32>,
      %get3A_992 = arith.constant 512 : index
      %get3A_993 = tpu.vector_load %arg9[%get3A_992] {strides = array<i32>} : memref<1440xi32, #tpu.memory_space<vmem>>, vector<16xi32>,
      %get3A_994 = arith.constant 32 : index
      %get3A_995 = tpu.vector_load %arg16[%get3A_994] {strides = array<i32>} : memref<80xf32, #tpu.memory_space<vmem>>, vector<16xf32>,
      %eq3A_996 = arith.constant 2 : i32
      %eq3A_997 = vector.broadcast %eq3A_996 : i32 to vector<16xi32>
      %eq3A_998 = arith.cmpi eq, %get3A_993, %eq3A_997 : vector<16xi32>
      %jit3A_999 = arith.constant 1.000000e+00 : f32
      %jit3A_1000 = arith.constant 0.000000e+00 : f32
      %broadcast_in_dim3A_1001 = vector.broadcast %jit3A_999 : f32 to vector<16xf32>
      %broadcast_in_dim3A_1002 = vector.broadcast %jit3A_1000 : f32 to vector<16xf32>
      %select_n3A_1003 = arith.select %eq3A_998, %broadcast_in_dim3A_1001, %broadcast_in_dim3A_1002 : vector<16xi1>, vector<16xf32>
      %eq3A_1004 = arith.constant 1 : i32
      %eq3A_1005 = vector.broadcast %eq3A_1004 : i32 to vector<16xi32>
      %eq3A_1006 = arith.cmpi eq, %get3A_993, %eq3A_1005 : vector<16xi32>
      %broadcast_in_dim3A_1007 = arith.constant 0.000000e+00 : f32
      %broadcast_in_dim3A_1008 = vector.broadcast %broadcast_in_dim3A_1007 : f32 to vector<16xf32>
      %select_n3A_1009 = arith.select %eq3A_1006, %get3A_995, %broadcast_in_dim3A_1008 : vector<16xi1>, vector<16xf32>
      %add3A_1010 = arith.addf %select_n3A_1003, %select_n3A_1009 : vector<16xf32>
      %swap3A_1011 = arith.constant 19472 : index
      %swap3A_1012 = tpu.vector_load %arg10[%swap3A_1011] {strides = array<i32>} : memref<29160xf32, #tpu.memory_space<vmem>>, vector<16xf32>,
      tpu.vector_store %arg10[%swap3A_1011], %add3A_1010 {strides = array<i32>} : memref<29160xf32, #tpu.memory_space<vmem>>, vector<16xf32>,
      %get3A_1013 = arith.constant 528 : index
      %get3A_1014 = tpu.vector_load %arg9[%get3A_1013] {strides = array<i32>} : memref<1440xi32, #tpu.memory_space<vmem>>, vector<16xi32>,
      %get3A_1015 = arith.constant 48 : index
      %get3A_1016 = tpu.vector_load %arg16[%get3A_1015] {strides = array<i32>} : memref<80xf32, #tpu.memory_space<vmem>>, vector<16xf32>,
      %eq3A_1017 = arith.constant 2 : i32
      %eq3A_1018 = vector.broadcast %eq3A_1017 : i32 to vector<16xi32>
      %eq3A_1019 = arith.cmpi eq, %get3A_1014, %eq3A_1018 : vector<16xi32>
      %jit3A_1020 = arith.constant 1.000000e+00 : f32
      %jit3A_1021 = arith.constant 0.000000e+00 : f32
      %broadcast_in_dim3A_1022 = vector.broadcast %jit3A_1020 : f32 to vector<16xf32>
      %broadcast_in_dim3A_1023 = vector.broadcast %jit3A_1021 : f32 to vector<16xf32>
      %select_n3A_1024 = arith.select %eq3A_1019, %broadcast_in_dim3A_1022, %broadcast_in_dim3A_1023 : vector<16xi1>, vector<16xf32>
      %eq3A_1025 = arith.constant 1 : i32
      %eq3A_1026 = vector.broadcast %eq3A_1025 : i32 to vector<16xi32>
      %eq3A_1027 = arith.cmpi eq, %get3A_1014, %eq3A_1026 : vector<16xi32>
      %broadcast_in_dim3A_1028 = arith.constant 0.000000e+00 : f32
      %broadcast_in_dim3A_1029 = vector.broadcast %broadcast_in_dim3A_1028 : f32 to vector<16xf32>
      %select_n3A_1030 = arith.select %eq3A_1027, %get3A_1016, %broadcast_in_dim3A_1029 : vector<16xi1>, vector<16xf32>
      %add3A_1031 = arith.addf %select_n3A_1024, %select_n3A_1030 : vector<16xf32>
      %swap3A_1032 = arith.constant 19488 : index
      %swap3A_1033 = tpu.vector_load %arg10[%swap3A_1032] {strides = array<i32>} : memref<29160xf32, #tpu.memory_space<vmem>>, vector<16xf32>,
      tpu.vector_store %arg10[%swap3A_1032], %add3A_1031 {strides = array<i32>} : memref<29160xf32, #tpu.memory_space<vmem>>, vector<16xf32>,
      %get3A_1034 = arith.constant 544 : index
      %get3A_1035 = tpu.vector_load %arg9[%get3A_1034] {strides = array<i32>} : memref<1440xi32, #tpu.memory_space<vmem>>, vector<16xi32>,
      %get3A_1036 = arith.constant 64 : index
      %get3A_1037 = tpu.vector_load %arg16[%get3A_1036] {strides = array<i32>} : memref<80xf32, #tpu.memory_space<vmem>>, vector<16xf32>,
      %eq3A_1038 = arith.constant 2 : i32
      %eq3A_1039 = vector.broadcast %eq3A_1038 : i32 to vector<16xi32>
      %eq3A_1040 = arith.cmpi eq, %get3A_1035, %eq3A_1039 : vector<16xi32>
      %jit3A_1041 = arith.constant 1.000000e+00 : f32
      %jit3A_1042 = arith.constant 0.000000e+00 : f32
      %broadcast_in_dim3A_1043 = vector.broadcast %jit3A_1041 : f32 to vector<16xf32>
      %broadcast_in_dim3A_1044 = vector.broadcast %jit3A_1042 : f32 to vector<16xf32>
      %select_n3A_1045 = arith.select %eq3A_1040, %broadcast_in_dim3A_1043, %broadcast_in_dim3A_1044 : vector<16xi1>, vector<16xf32>
      %eq3A_1046 = arith.constant 1 : i32
      %eq3A_1047 = vector.broadcast %eq3A_1046 : i32 to vector<16xi32>
      %eq3A_1048 = arith.cmpi eq, %get3A_1035, %eq3A_1047 : vector<16xi32>
      %broadcast_in_dim3A_1049 = arith.constant 0.000000e+00 : f32
      %broadcast_in_dim3A_1050 = vector.broadcast %broadcast_in_dim3A_1049 : f32 to vector<16xf32>
      %select_n3A_1051 = arith.select %eq3A_1048, %get3A_1037, %broadcast_in_dim3A_1050 : vector<16xi1>, vector<16xf32>
      %add3A_1052 = arith.addf %select_n3A_1045, %select_n3A_1051 : vector<16xf32>
      %swap3A_1053 = arith.constant 19504 : index
      %swap3A_1054 = tpu.vector_load %arg10[%swap3A_1053] {strides = array<i32>} : memref<29160xf32, #tpu.memory_space<vmem>>, vector<16xf32>,
      tpu.vector_store %arg10[%swap3A_1053], %add3A_1052 {strides = array<i32>} : memref<29160xf32, #tpu.memory_space<vmem>>, vector<16xf32>,
      %get3A_1055 = arith.constant 560 : index
      %get3A_1056 = tpu.vector_load %arg9[%get3A_1055] {strides = array<i32>} : memref<1440xi32, #tpu.memory_space<vmem>>, vector<16xi32>,
      %get3A_1057 = arith.constant 0 : index
      %get3A_1058 = tpu.vector_load %arg16[%get3A_1057] {strides = array<i32>} : memref<80xf32, #tpu.memory_space<vmem>>, vector<16xf32>,
      %eq3A_1059 = arith.constant 2 : i32
      %eq3A_1060 = vector.broadcast %eq3A_1059 : i32 to vector<16xi32>
      %eq3A_1061 = arith.cmpi eq, %get3A_1056, %eq3A_1060 : vector<16xi32>
      %jit3A_1062 = arith.constant 1.000000e+00 : f32
      %jit3A_1063 = arith.constant 0.000000e+00 : f32
      %broadcast_in_dim3A_1064 = vector.broadcast %jit3A_1062 : f32 to vector<16xf32>
      %broadcast_in_dim3A_1065 = vector.broadcast %jit3A_1063 : f32 to vector<16xf32>
      %select_n3A_1066 = arith.select %eq3A_1061, %broadcast_in_dim3A_1064, %broadcast_in_dim3A_1065 : vector<16xi1>, vector<16xf32>
      %eq3A_1067 = arith.constant 1 : i32
      %eq3A_1068 = vector.broadcast %eq3A_1067 : i32 to vector<16xi32>
      %eq3A_1069 = arith.cmpi eq, %get3A_1056, %eq3A_1068 : vector<16xi32>
      %broadcast_in_dim3A_1070 = arith.constant 0.000000e+00 : f32
      %broadcast_in_dim3A_1071 = vector.broadcast %broadcast_in_dim3A_1070 : f32 to vector<16xf32>
      %select_n3A_1072 = arith.select %eq3A_1069, %get3A_1058, %broadcast_in_dim3A_1071 : vector<16xi1>, vector<16xf32>
      %add3A_1073 = arith.addf %select_n3A_1066, %select_n3A_1072 : vector<16xf32>
      %swap3A_1074 = arith.constant 22680 : index
      %swap3A_1075 = tpu.vector_load %arg10[%swap3A_1074] {strides = array<i32>} : memref<29160xf32, #tpu.memory_space<vmem>>, vector<16xf32>,
      tpu.vector_store %arg10[%swap3A_1074], %add3A_1073 {strides = array<i32>} : memref<29160xf32, #tpu.memory_space<vmem>>, vector<16xf32>,
      %get3A_1076 = arith.constant 576 : index
      %get3A_1077 = tpu.vector_load %arg9[%get3A_1076] {strides = array<i32>} : memref<1440xi32, #tpu.memory_space<vmem>>, vector<16xi32>,
      %get3A_1078 = arith.constant 16 : index
      %get3A_1079 = tpu.vector_load %arg16[%get3A_1078] {strides = array<i32>} : memref<80xf32, #tpu.memory_space<vmem>>, vector<16xf32>,
      %eq3A_1080 = arith.constant 2 : i32
      %eq3A_1081 = vector.broadcast %eq3A_1080 : i32 to vector<16xi32>
      %eq3A_1082 = arith.cmpi eq, %get3A_1077, %eq3A_1081 : vector<16xi32>
      %jit3A_1083 = arith.constant 1.000000e+00 : f32
      %jit3A_1084 = arith.constant 0.000000e+00 : f32
      %broadcast_in_dim3A_1085 = vector.broadcast %jit3A_1083 : f32 to vector<16xf32>
      %broadcast_in_dim3A_1086 = vector.broadcast %jit3A_1084 : f32 to vector<16xf32>
      %select_n3A_1087 = arith.select %eq3A_1082, %broadcast_in_dim3A_1085, %broadcast_in_dim3A_1086 : vector<16xi1>, vector<16xf32>
      %eq3A_1088 = arith.constant 1 : i32
      %eq3A_1089 = vector.broadcast %eq3A_1088 : i32 to vector<16xi32>
      %eq3A_1090 = arith.cmpi eq, %get3A_1077, %eq3A_1089 : vector<16xi32>
      %broadcast_in_dim3A_1091 = arith.constant 0.000000e+00 : f32
      %broadcast_in_dim3A_1092 = vector.broadcast %broadcast_in_dim3A_1091 : f32 to vector<16xf32>
      %select_n3A_1093 = arith.select %eq3A_1090, %get3A_1079, %broadcast_in_dim3A_1092 : vector<16xi1>, vector<16xf32>
      %add3A_1094 = arith.addf %select_n3A_1087, %select_n3A_1093 : vector<16xf32>
      %swap3A_1095 = arith.constant 22696 : index
      %swap3A_1096 = tpu.vector_load %arg10[%swap3A_1095] {strides = array<i32>} : memref<29160xf32, #tpu.memory_space<vmem>>, vector<16xf32>,
      tpu.vector_store %arg10[%swap3A_1095], %add3A_1094 {strides = array<i32>} : memref<29160xf32, #tpu.memory_space<vmem>>, vector<16xf32>,
      %get3A_1097 = arith.constant 592 : index
      %get3A_1098 = tpu.vector_load %arg9[%get3A_1097] {strides = array<i32>} : memref<1440xi32, #tpu.memory_space<vmem>>, vector<16xi32>,
      %get3A_1099 = arith.constant 32 : index
      %get3A_1100 = tpu.vector_load %arg16[%get3A_1099] {strides = array<i32>} : memref<80xf32, #tpu.memory_space<vmem>>, vector<16xf32>,
      %eq3A_1101 = arith.constant 2 : i32
      %eq3A_1102 = vector.broadcast %eq3A_1101 : i32 to vector<16xi32>
      %eq3A_1103 = arith.cmpi eq, %get3A_1098, %eq3A_1102 : vector<16xi32>
      %jit3A_1104 = arith.constant 1.000000e+00 : f32
      %jit3A_1105 = arith.constant 0.000000e+00 : f32
      %broadcast_in_dim3A_1106 = vector.broadcast %jit3A_1104 : f32 to vector<16xf32>
      %broadcast_in_dim3A_1107 = vector.broadcast %jit3A_1105 : f32 to vector<16xf32>
      %select_n3A_1108 = arith.select %eq3A_1103, %broadcast_in_dim3A_1106, %broadcast_in_dim3A_1107 : vector<16xi1>, vector<16xf32>
      %eq3A_1109 = arith.constant 1 : i32
      %eq3A_1110 = vector.broadcast %eq3A_1109 : i32 to vector<16xi32>
      %eq3A_1111 = arith.cmpi eq, %get3A_1098, %eq3A_1110 : vector<16xi32>
      %broadcast_in_dim3A_1112 = arith.constant 0.000000e+00 : f32
      %broadcast_in_dim3A_1113 = vector.broadcast %broadcast_in_dim3A_1112 : f32 to vector<16xf32>
      %select_n3A_1114 = arith.select %eq3A_1111, %get3A_1100, %broadcast_in_dim3A_1113 : vector<16xi1>, vector<16xf32>
      %add3A_1115 = arith.addf %select_n3A_1108, %select_n3A_1114 : vector<16xf32>
      %swap3A_1116 = arith.constant 22712 : index
      %swap3A_1117 = tpu.vector_load %arg10[%swap3A_1116] {strides = array<i32>} : memref<29160xf32, #tpu.memory_space<vmem>>, vector<16xf32>,
      tpu.vector_store %arg10[%swap3A_1116], %add3A_1115 {strides = array<i32>} : memref<29160xf32, #tpu.memory_space<vmem>>, vector<16xf32>,
      %get3A_1118 = arith.constant 608 : index
      %get3A_1119 = tpu.vector_load %arg9[%get3A_1118] {strides = array<i32>} : memref<1440xi32, #tpu.memory_space<vmem>>, vector<16xi32>,
      %get3A_1120 = arith.constant 48 : index
      %get3A_1121 = tpu.vector_load %arg16[%get3A_1120] {strides = array<i32>} : memref<80xf32, #tpu.memory_space<vmem>>, vector<16xf32>,
      %eq3A_1122 = arith.constant 2 : i32
      %eq3A_1123 = vector.broadcast %eq3A_1122 : i32 to vector<16xi32>
      %eq3A_1124 = arith.cmpi eq, %get3A_1119, %eq3A_1123 : vector<16xi32>
      %jit3A_1125 = arith.constant 1.000000e+00 : f32
      %jit3A_1126 = arith.constant 0.000000e+00 : f32
      %broadcast_in_dim3A_1127 = vector.broadcast %jit3A_1125 : f32 to vector<16xf32>
      %broadcast_in_dim3A_1128 = vector.broadcast %jit3A_1126 : f32 to vector<16xf32>
      %select_n3A_1129 = arith.select %eq3A_1124, %broadcast_in_dim3A_1127, %broadcast_in_dim3A_1128 : vector<16xi1>, vector<16xf32>
      %eq3A_1130 = arith.constant 1 : i32
      %eq3A_1131 = vector.broadcast %eq3A_1130 : i32 to vector<16xi32>
      %eq3A_1132 = arith.cmpi eq, %get3A_1119, %eq3A_1131 : vector<16xi32>
      %broadcast_in_dim3A_1133 = arith.constant 0.000000e+00 : f32
      %broadcast_in_dim3A_1134 = vector.broadcast %broadcast_in_dim3A_1133 : f32 to vector<16xf32>
      %select_n3A_1135 = arith.select %eq3A_1132, %get3A_1121, %broadcast_in_dim3A_1134 : vector<16xi1>, vector<16xf32>
      %add3A_1136 = arith.addf %select_n3A_1129, %select_n3A_1135 : vector<16xf32>
      %swap3A_1137 = arith.constant 22728 : index
      %swap3A_1138 = tpu.vector_load %arg10[%swap3A_1137] {strides = array<i32>} : memref<29160xf32, #tpu.memory_space<vmem>>, vector<16xf32>,
      tpu.vector_store %arg10[%swap3A_1137], %add3A_1136 {strides = array<i32>} : memref<29160xf32, #tpu.memory_space<vmem>>, vector<16xf32>,
      %get3A_1139 = arith.constant 624 : index
      %get3A_1140 = tpu.vector_load %arg9[%get3A_1139] {strides = array<i32>} : memref<1440xi32, #tpu.memory_space<vmem>>, vector<16xi32>,
      %get3A_1141 = arith.constant 64 : index
      %get3A_1142 = tpu.vector_load %arg16[%get3A_1141] {strides = array<i32>} : memref<80xf32, #tpu.memory_space<vmem>>, vector<16xf32>,
      %eq3A_1143 = arith.constant 2 : i32
      %eq3A_1144 = vector.broadcast %eq3A_1143 : i32 to vector<16xi32>
      %eq3A_1145 = arith.cmpi eq, %get3A_1140, %eq3A_1144 : vector<16xi32>
      %jit3A_1146 = arith.constant 1.000000e+00 : f32
      %jit3A_1147 = arith.constant 0.000000e+00 : f32
      %broadcast_in_dim3A_1148 = vector.broadcast %jit3A_1146 : f32 to vector<16xf32>
      %broadcast_in_dim3A_1149 = vector.broadcast %jit3A_1147 : f32 to vector<16xf32>
      %select_n3A_1150 = arith.select %eq3A_1145, %broadcast_in_dim3A_1148, %broadcast_in_dim3A_1149 : vector<16xi1>, vector<16xf32>
      %eq3A_1151 = arith.constant 1 : i32
      %eq3A_1152 = vector.broadcast %eq3A_1151 : i32 to vector<16xi32>
      %eq3A_1153 = arith.cmpi eq, %get3A_1140, %eq3A_1152 : vector<16xi32>
      %broadcast_in_dim3A_1154 = arith.constant 0.000000e+00 : f32
      %broadcast_in_dim3A_1155 = vector.broadcast %broadcast_in_dim3A_1154 : f32 to vector<16xf32>
      %select_n3A_1156 = arith.select %eq3A_1153, %get3A_1142, %broadcast_in_dim3A_1155 : vector<16xi1>, vector<16xf32>
      %add3A_1157 = arith.addf %select_n3A_1150, %select_n3A_1156 : vector<16xf32>
      %swap3A_1158 = arith.constant 22744 : index
      %swap3A_1159 = tpu.vector_load %arg10[%swap3A_1158] {strides = array<i32>} : memref<29160xf32, #tpu.memory_space<vmem>>, vector<16xf32>,
      tpu.vector_store %arg10[%swap3A_1158], %add3A_1157 {strides = array<i32>} : memref<29160xf32, #tpu.memory_space<vmem>>, vector<16xf32>,
      %get3A_1160 = arith.constant 640 : index
      %get3A_1161 = tpu.vector_load %arg9[%get3A_1160] {strides = array<i32>} : memref<1440xi32, #tpu.memory_space<vmem>>, vector<16xi32>,
      %get3A_1162 = arith.constant 0 : index
      %get3A_1163 = tpu.vector_load %arg16[%get3A_1162] {strides = array<i32>} : memref<80xf32, #tpu.memory_space<vmem>>, vector<16xf32>,
      %eq3A_1164 = arith.constant 2 : i32
      %eq3A_1165 = vector.broadcast %eq3A_1164 : i32 to vector<16xi32>
      %eq3A_1166 = arith.cmpi eq, %get3A_1161, %eq3A_1165 : vector<16xi32>
      %jit3A_1167 = arith.constant 1.000000e+00 : f32
      %jit3A_1168 = arith.constant 0.000000e+00 : f32
      %broadcast_in_dim3A_1169 = vector.broadcast %jit3A_1167 : f32 to vector<16xf32>
      %broadcast_in_dim3A_1170 = vector.broadcast %jit3A_1168 : f32 to vector<16xf32>
      %select_n3A_1171 = arith.select %eq3A_1166, %broadcast_in_dim3A_1169, %broadcast_in_dim3A_1170 : vector<16xi1>, vector<16xf32>
      %eq3A_1172 = arith.constant 1 : i32
      %eq3A_1173 = vector.broadcast %eq3A_1172 : i32 to vector<16xi32>
      %eq3A_1174 = arith.cmpi eq, %get3A_1161, %eq3A_1173 : vector<16xi32>
      %broadcast_in_dim3A_1175 = arith.constant 0.000000e+00 : f32
      %broadcast_in_dim3A_1176 = vector.broadcast %broadcast_in_dim3A_1175 : f32 to vector<16xf32>
      %select_n3A_1177 = arith.select %eq3A_1174, %get3A_1163, %broadcast_in_dim3A_1176 : vector<16xi1>, vector<16xf32>
      %add3A_1178 = arith.addf %select_n3A_1171, %select_n3A_1177 : vector<16xf32>
      %swap3A_1179 = arith.constant 25920 : index
      %swap3A_1180 = tpu.vector_load %arg10[%swap3A_1179] {strides = array<i32>} : memref<29160xf32, #tpu.memory_space<vmem>>, vector<16xf32>,
      tpu.vector_store %arg10[%swap3A_1179], %add3A_1178 {strides = array<i32>} : memref<29160xf32, #tpu.memory_space<vmem>>, vector<16xf32>,
      %get3A_1181 = arith.constant 656 : index
      %get3A_1182 = tpu.vector_load %arg9[%get3A_1181] {strides = array<i32>} : memref<1440xi32, #tpu.memory_space<vmem>>, vector<16xi32>,
      %get3A_1183 = arith.constant 16 : index
      %get3A_1184 = tpu.vector_load %arg16[%get3A_1183] {strides = array<i32>} : memref<80xf32, #tpu.memory_space<vmem>>, vector<16xf32>,
      %eq3A_1185 = arith.constant 2 : i32
      %eq3A_1186 = vector.broadcast %eq3A_1185 : i32 to vector<16xi32>
      %eq3A_1187 = arith.cmpi eq, %get3A_1182, %eq3A_1186 : vector<16xi32>
      %jit3A_1188 = arith.constant 1.000000e+00 : f32
      %jit3A_1189 = arith.constant 0.000000e+00 : f32
      %broadcast_in_dim3A_1190 = vector.broadcast %jit3A_1188 : f32 to vector<16xf32>
      %broadcast_in_dim3A_1191 = vector.broadcast %jit3A_1189 : f32 to vector<16xf32>
      %select_n3A_1192 = arith.select %eq3A_1187, %broadcast_in_dim3A_1190, %broadcast_in_dim3A_1191 : vector<16xi1>, vector<16xf32>
      %eq3A_1193 = arith.constant 1 : i32
      %eq3A_1194 = vector.broadcast %eq3A_1193 : i32 to vector<16xi32>
      %eq3A_1195 = arith.cmpi eq, %get3A_1182, %eq3A_1194 : vector<16xi32>
      %broadcast_in_dim3A_1196 = arith.constant 0.000000e+00 : f32
      %broadcast_in_dim3A_1197 = vector.broadcast %broadcast_in_dim3A_1196 : f32 to vector<16xf32>
      %select_n3A_1198 = arith.select %eq3A_1195, %get3A_1184, %broadcast_in_dim3A_1197 : vector<16xi1>, vector<16xf32>
      %add3A_1199 = arith.addf %select_n3A_1192, %select_n3A_1198 : vector<16xf32>
      %swap3A_1200 = arith.constant 25936 : index
      %swap3A_1201 = tpu.vector_load %arg10[%swap3A_1200] {strides = array<i32>} : memref<29160xf32, #tpu.memory_space<vmem>>, vector<16xf32>,
      tpu.vector_store %arg10[%swap3A_1200], %add3A_1199 {strides = array<i32>} : memref<29160xf32, #tpu.memory_space<vmem>>, vector<16xf32>,
      %get3A_1202 = arith.constant 672 : index
      %get3A_1203 = tpu.vector_load %arg9[%get3A_1202] {strides = array<i32>} : memref<1440xi32, #tpu.memory_space<vmem>>, vector<16xi32>,
      %get3A_1204 = arith.constant 32 : index
      %get3A_1205 = tpu.vector_load %arg16[%get3A_1204] {strides = array<i32>} : memref<80xf32, #tpu.memory_space<vmem>>, vector<16xf32>,
      %eq3A_1206 = arith.constant 2 : i32
      %eq3A_1207 = vector.broadcast %eq3A_1206 : i32 to vector<16xi32>
      %eq3A_1208 = arith.cmpi eq, %get3A_1203, %eq3A_1207 : vector<16xi32>
      %jit3A_1209 = arith.constant 1.000000e+00 : f32
      %jit3A_1210 = arith.constant 0.000000e+00 : f32
      %broadcast_in_dim3A_1211 = vector.broadcast %jit3A_1209 : f32 to vector<16xf32>
      %broadcast_in_dim3A_1212 = vector.broadcast %jit3A_1210 : f32 to vector<16xf32>
      %select_n3A_1213 = arith.select %eq3A_1208, %broadcast_in_dim3A_1211, %broadcast_in_dim3A_1212 : vector<16xi1>, vector<16xf32>
      %eq3A_1214 = arith.constant 1 : i32
      %eq3A_1215 = vector.broadcast %eq3A_1214 : i32 to vector<16xi32>
      %eq3A_1216 = arith.cmpi eq, %get3A_1203, %eq3A_1215 : vector<16xi32>
      %broadcast_in_dim3A_1217 = arith.constant 0.000000e+00 : f32
      %broadcast_in_dim3A_1218 = vector.broadcast %broadcast_in_dim3A_1217 : f32 to vector<16xf32>
      %select_n3A_1219 = arith.select %eq3A_1216, %get3A_1205, %broadcast_in_dim3A_1218 : vector<16xi1>, vector<16xf32>
      %add3A_1220 = arith.addf %select_n3A_1213, %select_n3A_1219 : vector<16xf32>
      %swap3A_1221 = arith.constant 25952 : index
      %swap3A_1222 = tpu.vector_load %arg10[%swap3A_1221] {strides = array<i32>} : memref<29160xf32, #tpu.memory_space<vmem>>, vector<16xf32>,
      tpu.vector_store %arg10[%swap3A_1221], %add3A_1220 {strides = array<i32>} : memref<29160xf32, #tpu.memory_space<vmem>>, vector<16xf32>,
      %get3A_1223 = arith.constant 688 : index
      %get3A_1224 = tpu.vector_load %arg9[%get3A_1223] {strides = array<i32>} : memref<1440xi32, #tpu.memory_space<vmem>>, vector<16xi32>,
      %get3A_1225 = arith.constant 48 : index
      %get3A_1226 = tpu.vector_load %arg16[%get3A_1225] {strides = array<i32>} : memref<80xf32, #tpu.memory_space<vmem>>, vector<16xf32>,
      %eq3A_1227 = arith.constant 2 : i32
      %eq3A_1228 = vector.broadcast %eq3A_1227 : i32 to vector<16xi32>
      %eq3A_1229 = arith.cmpi eq, %get3A_1224, %eq3A_1228 : vector<16xi32>
      %jit3A_1230 = arith.constant 1.000000e+00 : f32
      %jit3A_1231 = arith.constant 0.000000e+00 : f32
      %broadcast_in_dim3A_1232 = vector.broadcast %jit3A_1230 : f32 to vector<16xf32>
      %broadcast_in_dim3A_1233 = vector.broadcast %jit3A_1231 : f32 to vector<16xf32>
      %select_n3A_1234 = arith.select %eq3A_1229, %broadcast_in_dim3A_1232, %broadcast_in_dim3A_1233 : vector<16xi1>, vector<16xf32>
      %eq3A_1235 = arith.constant 1 : i32
      %eq3A_1236 = vector.broadcast %eq3A_1235 : i32 to vector<16xi32>
      %eq3A_1237 = arith.cmpi eq, %get3A_1224, %eq3A_1236 : vector<16xi32>
      %broadcast_in_dim3A_1238 = arith.constant 0.000000e+00 : f32
      %broadcast_in_dim3A_1239 = vector.broadcast %broadcast_in_dim3A_1238 : f32 to vector<16xf32>
      %select_n3A_1240 = arith.select %eq3A_1237, %get3A_1226, %broadcast_in_dim3A_1239 : vector<16xi1>, vector<16xf32>
      %add3A_1241 = arith.addf %select_n3A_1234, %select_n3A_1240 : vector<16xf32>
      %swap3A_1242 = arith.constant 25968 : index
      %swap3A_1243 = tpu.vector_load %arg10[%swap3A_1242] {strides = array<i32>} : memref<29160xf32, #tpu.memory_space<vmem>>, vector<16xf32>,
      tpu.vector_store %arg10[%swap3A_1242], %add3A_1241 {strides = array<i32>} : memref<29160xf32, #tpu.memory_space<vmem>>, vector<16xf32>,
      %get3A_1244 = arith.constant 704 : index
      %get3A_1245 = tpu.vector_load %arg9[%get3A_1244] {strides = array<i32>} : memref<1440xi32, #tpu.memory_space<vmem>>, vector<16xi32>,
      %get3A_1246 = arith.constant 64 : index
      %get3A_1247 = tpu.vector_load %arg16[%get3A_1246] {strides = array<i32>} : memref<80xf32, #tpu.memory_space<vmem>>, vector<16xf32>,
      %eq3A_1248 = arith.constant 2 : i32
      %eq3A_1249 = vector.broadcast %eq3A_1248 : i32 to vector<16xi32>
      %eq3A_1250 = arith.cmpi eq, %get3A_1245, %eq3A_1249 : vector<16xi32>
      %jit3A_1251 = arith.constant 1.000000e+00 : f32
      %jit3A_1252 = arith.constant 0.000000e+00 : f32
      %broadcast_in_dim3A_1253 = vector.broadcast %jit3A_1251 : f32 to vector<16xf32>
      %broadcast_in_dim3A_1254 = vector.broadcast %jit3A_1252 : f32 to vector<16xf32>
      %select_n3A_1255 = arith.select %eq3A_1250, %broadcast_in_dim3A_1253, %broadcast_in_dim3A_1254 : vector<16xi1>, vector<16xf32>
      %eq3A_1256 = arith.constant 1 : i32
      %eq3A_1257 = vector.broadcast %eq3A_1256 : i32 to vector<16xi32>
      %eq3A_1258 = arith.cmpi eq, %get3A_1245, %eq3A_1257 : vector<16xi32>
      %broadcast_in_dim3A_1259 = arith.constant 0.000000e+00 : f32
      %broadcast_in_dim3A_1260 = vector.broadcast %broadcast_in_dim3A_1259 : f32 to vector<16xf32>
      %select_n3A_1261 = arith.select %eq3A_1258, %get3A_1247, %broadcast_in_dim3A_1260 : vector<16xi1>, vector<16xf32>
      %add3A_1262 = arith.addf %select_n3A_1255, %select_n3A_1261 : vector<16xf32>
      %swap3A_1263 = arith.constant 25984 : index
      %swap3A_1264 = tpu.vector_load %arg10[%swap3A_1263] {strides = array<i32>} : memref<29160xf32, #tpu.memory_space<vmem>>, vector<16xf32>,
      tpu.vector_store %arg10[%swap3A_1263], %add3A_1262 {strides = array<i32>} : memref<29160xf32, #tpu.memory_space<vmem>>, vector<16xf32>,
      %mul3A_1265 = arith.constant 2 : i32
      %mul3A_1266 = arith.muli %mul3A_1265, %add3A_83 : i32
      %add3A_1267 = arith.constant 0 : i32
      %add3A_1268 = arith.addi %mul3A_1266, %add3A_1267 : i32
      "tpu.region"() ({
        %run_scoped3A = tpu.sem_alloc : memref<!tpu.dma_semaphore, #tpu.memory_space<semaphore_mem>>
        %dma_start3A = arith.constant 0 : i32
        %dma_start3A_2412 = tpu.memref_slice %arg7[%add3A_1268, %dma_start3A] : memref<512x29160xf32, #tpu.memory_space<hbm>> -> memref<1x29160xf32, #tpu.memory_space<hbm>>
        %dma_start3A_2413 = tpu.memref_squeeze %dma_start3A_2412 : memref<1x29160xf32, #tpu.memory_space<hbm>> -> memref<29160xf32, #tpu.memory_space<hbm>>
        %dma_start3A_2414 = arith.constant 0 : i32
        %dma_start3A_2415 = tpu.memref_slice %arg7[%add3A_1268, %dma_start3A_2414] : memref<512x29160xf32, #tpu.memory_space<hbm>> -> memref<1x29160xf32, #tpu.memory_space<hbm>>
        %dma_start3A_2416 = tpu.memref_squeeze %dma_start3A_2415 : memref<1x29160xf32, #tpu.memory_space<hbm>> -> memref<29160xf32, #tpu.memory_space<hbm>>
        tpu.enqueue_dma source(%arg10 : memref<29160xf32, #tpu.memory_space<vmem>>) target(%dma_start3A_2416 : memref<29160xf32, #tpu.memory_space<hbm>>) target_semaphore(%run_scoped3A : memref<!tpu.dma_semaphore, #tpu.memory_space<semaphore_mem>>)
        %dma_wait3A = arith.constant 0 : i32
        %dma_wait3A_2417 = tpu.memref_slice %arg7[%add3A_1268, %dma_wait3A] : memref<512x29160xf32, #tpu.memory_space<hbm>> -> memref<1x29160xf32, #tpu.memory_space<hbm>>
        %dma_wait3A_2418 = tpu.memref_squeeze %dma_wait3A_2417 : memref<1x29160xf32, #tpu.memory_space<hbm>> -> memref<29160xf32, #tpu.memory_space<hbm>>
        %dma_wait3A_2419 = arith.constant 0 : i32
        %dma_wait3A_2420 = tpu.memref_slice %arg7[%add3A_1268, %dma_wait3A_2419] : memref<512x29160xf32, #tpu.memory_space<hbm>> -> memref<1x29160xf32, #tpu.memory_space<hbm>>
        %dma_wait3A_2421 = tpu.memref_squeeze %dma_wait3A_2420 : memref<1x29160xf32, #tpu.memory_space<hbm>> -> memref<29160xf32, #tpu.memory_space<hbm>>
        tpu.wait_dma2 semaphore(%run_scoped3A : memref<!tpu.dma_semaphore, #tpu.memory_space<semaphore_mem>>) src(%arg10 : memref<29160xf32, #tpu.memory_space<vmem>>) dst(%dma_wait3A_2421 : memref<29160xf32, #tpu.memory_space<hbm>>)
        tpu.yield
      }) : () -> ()
      %parallel_loop3A_1269 = arith.constant 0 : i32
      %parallel_loop3A_1270 = arith.constant 197 : i32
      %parallel_loop3A_1271 = arith.constant 1 : i32
      scf.for %parallel_loop3A_2412 = %parallel_loop3A_1269 to %parallel_loop3A_1270 step %parallel_loop3A_1271  : i32 {
        %parallel_loop3A_2413 = arith.constant 16 : i32
        %parallel_loop3A_2414 = arith.muli %parallel_loop3A_2412, %parallel_loop3A_2413 : i32
        %parallel_loop3A_2415 = arith.index_cast %parallel_loop3A_2414 : i32 to index
        %parallel_loop3A_2416 = tpu.vector_load %arg13[%parallel_loop3A_2415] {strides = array<i32>} : memref<3168xi32, #tpu.memory_space<vmem>>, vector<16xi32>,
        %parallel_loop3A_2417 = arith.constant 16 : i32
        %parallel_loop3A_2418 = arith.muli %parallel_loop3A_2412, %parallel_loop3A_2417 : i32
        %parallel_loop3A_2419 = arith.index_cast %parallel_loop3A_2418 : i32 to index
        %parallel_loop3A_2420 = tpu.vector_load %arg14[%parallel_loop3A_2419] {strides = array<i32>} : memref<3168xi32, #tpu.memory_space<vmem>>, vector<16xi32>,
        %parallel_loop3A_2421 = arith.constant 16 : i32
        %parallel_loop3A_2422 = arith.muli %parallel_loop3A_2412, %parallel_loop3A_2421 : i32
        %parallel_loop3A_2423 = vector.broadcast %parallel_loop3A_2422 : i32 to vector<16xi32>
        %parallel_loop3A_2424 = arith.addi %parallel_loop3A_2423, %iota3A : vector<16xi32>
        %parallel_loop3A_2425 = arith.constant 720 : i32
        %parallel_loop3A_2426 = vector.broadcast %parallel_loop3A_2425 : i32 to vector<16xi32>
        %parallel_loop3A_2427 = arith.addi %parallel_loop3A_2416, %parallel_loop3A_2426 : vector<16xi32>
        %parallel_loop3A_2428 = tpu.vector_load_idx %arg9[%parallel_loop3A_2427] : memref<1440xi32, #tpu.memory_space<vmem>>[vector<16xi32>], vector<16xi32>,
        %parallel_loop3A_2429 = arith.constant 720 : i32
        %parallel_loop3A_2430 = vector.broadcast %parallel_loop3A_2429 : i32 to vector<16xi32>
        %parallel_loop3A_2431 = arith.addi %parallel_loop3A_2420, %parallel_loop3A_2430 : vector<16xi32>
        %parallel_loop3A_2432 = tpu.vector_load_idx %arg9[%parallel_loop3A_2431] : memref<1440xi32, #tpu.memory_space<vmem>>[vector<16xi32>], vector<16xi32>,
        %parallel_loop3A_2433 = arith.constant 3 : i32
        %parallel_loop3A_2434 = vector.broadcast %parallel_loop3A_2433 : i32 to vector<16xi32>
        %parallel_loop3A_2435 = arith.muli %parallel_loop3A_2428, %parallel_loop3A_2434 : vector<16xi32>
        %parallel_loop3A_2436 = arith.addi %parallel_loop3A_2435, %parallel_loop3A_2432 : vector<16xi32>
        %parallel_loop3A_2437 = arith.constant 3168 : i32
        %parallel_loop3A_2438 = vector.broadcast %parallel_loop3A_2437 : i32 to vector<16xi32>
        %parallel_loop3A_2439 = arith.muli %parallel_loop3A_2436, %parallel_loop3A_2438 : vector<16xi32>
        %parallel_loop3A_2440 = arith.addi %parallel_loop3A_2439, %parallel_loop3A_2424 : vector<16xi32>
        %parallel_loop3A_2441 = tpu.vector_load_idx %arg12[%parallel_loop3A_2440] : memref<28512xf32, #tpu.memory_space<vmem>>[vector<16xi32>], vector<16xf32>,
        %parallel_loop3A_2442 = arith.constant 800 : i32
        %parallel_loop3A_2443 = vector.broadcast %parallel_loop3A_2442 : i32 to vector<16xi32>
        %parallel_loop3A_2444 = arith.addi %parallel_loop3A_2416, %parallel_loop3A_2443 : vector<16xi32>
        %parallel_loop3A_2445 = tpu.vector_load_idx %arg9[%parallel_loop3A_2444] : memref<1440xi32, #tpu.memory_space<vmem>>[vector<16xi32>], vector<16xi32>,
        %parallel_loop3A_2446 = arith.constant 800 : i32
        %parallel_loop3A_2447 = vector.broadcast %parallel_loop3A_2446 : i32 to vector<16xi32>
        %parallel_loop3A_2448 = arith.addi %parallel_loop3A_2420, %parallel_loop3A_2447 : vector<16xi32>
        %parallel_loop3A_2449 = tpu.vector_load_idx %arg9[%parallel_loop3A_2448] : memref<1440xi32, #tpu.memory_space<vmem>>[vector<16xi32>], vector<16xi32>,
        %parallel_loop3A_2450 = arith.constant 3 : i32
        %parallel_loop3A_2451 = vector.broadcast %parallel_loop3A_2450 : i32 to vector<16xi32>
        %parallel_loop3A_2452 = arith.muli %parallel_loop3A_2445, %parallel_loop3A_2451 : vector<16xi32>
        %parallel_loop3A_2453 = arith.addi %parallel_loop3A_2452, %parallel_loop3A_2449 : vector<16xi32>
        %parallel_loop3A_2454 = arith.constant 3168 : i32
        %parallel_loop3A_2455 = vector.broadcast %parallel_loop3A_2454 : i32 to vector<16xi32>
        %parallel_loop3A_2456 = arith.muli %parallel_loop3A_2453, %parallel_loop3A_2455 : vector<16xi32>
        %parallel_loop3A_2457 = arith.addi %parallel_loop3A_2456, %parallel_loop3A_2424 : vector<16xi32>
        %parallel_loop3A_2458 = tpu.vector_load_idx %arg12[%parallel_loop3A_2457] : memref<28512xf32, #tpu.memory_space<vmem>>[vector<16xi32>], vector<16xf32>,
        %parallel_loop3A_2459 = arith.constant 880 : i32
        %parallel_loop3A_2460 = vector.broadcast %parallel_loop3A_2459 : i32 to vector<16xi32>
        %parallel_loop3A_2461 = arith.addi %parallel_loop3A_2416, %parallel_loop3A_2460 : vector<16xi32>
        %parallel_loop3A_2462 = tpu.vector_load_idx %arg9[%parallel_loop3A_2461] : memref<1440xi32, #tpu.memory_space<vmem>>[vector<16xi32>], vector<16xi32>,
        %parallel_loop3A_2463 = arith.constant 880 : i32
        %parallel_loop3A_2464 = vector.broadcast %parallel_loop3A_2463 : i32 to vector<16xi32>
        %parallel_loop3A_2465 = arith.addi %parallel_loop3A_2420, %parallel_loop3A_2464 : vector<16xi32>
        %parallel_loop3A_2466 = tpu.vector_load_idx %arg9[%parallel_loop3A_2465] : memref<1440xi32, #tpu.memory_space<vmem>>[vector<16xi32>], vector<16xi32>,
        %parallel_loop3A_2467 = arith.constant 3 : i32
        %parallel_loop3A_2468 = vector.broadcast %parallel_loop3A_2467 : i32 to vector<16xi32>
        %parallel_loop3A_2469 = arith.muli %parallel_loop3A_2462, %parallel_loop3A_2468 : vector<16xi32>
        %parallel_loop3A_2470 = arith.addi %parallel_loop3A_2469, %parallel_loop3A_2466 : vector<16xi32>
        %parallel_loop3A_2471 = arith.constant 3168 : i32
        %parallel_loop3A_2472 = vector.broadcast %parallel_loop3A_2471 : i32 to vector<16xi32>
        %parallel_loop3A_2473 = arith.muli %parallel_loop3A_2470, %parallel_loop3A_2472 : vector<16xi32>
        %parallel_loop3A_2474 = arith.addi %parallel_loop3A_2473, %parallel_loop3A_2424 : vector<16xi32>
        %parallel_loop3A_2475 = tpu.vector_load_idx %arg12[%parallel_loop3A_2474] : memref<28512xf32, #tpu.memory_space<vmem>>[vector<16xi32>], vector<16xf32>,
        %parallel_loop3A_2476 = arith.constant 960 : i32
        %parallel_loop3A_2477 = vector.broadcast %parallel_loop3A_2476 : i32 to vector<16xi32>
        %parallel_loop3A_2478 = arith.addi %parallel_loop3A_2416, %parallel_loop3A_2477 : vector<16xi32>
        %parallel_loop3A_2479 = tpu.vector_load_idx %arg9[%parallel_loop3A_2478] : memref<1440xi32, #tpu.memory_space<vmem>>[vector<16xi32>], vector<16xi32>,
        %parallel_loop3A_2480 = arith.constant 960 : i32
        %parallel_loop3A_2481 = vector.broadcast %parallel_loop3A_2480 : i32 to vector<16xi32>
        %parallel_loop3A_2482 = arith.addi %parallel_loop3A_2420, %parallel_loop3A_2481 : vector<16xi32>
        %parallel_loop3A_2483 = tpu.vector_load_idx %arg9[%parallel_loop3A_2482] : memref<1440xi32, #tpu.memory_space<vmem>>[vector<16xi32>], vector<16xi32>,
        %parallel_loop3A_2484 = arith.constant 3 : i32
        %parallel_loop3A_2485 = vector.broadcast %parallel_loop3A_2484 : i32 to vector<16xi32>
        %parallel_loop3A_2486 = arith.muli %parallel_loop3A_2479, %parallel_loop3A_2485 : vector<16xi32>
        %parallel_loop3A_2487 = arith.addi %parallel_loop3A_2486, %parallel_loop3A_2483 : vector<16xi32>
        %parallel_loop3A_2488 = arith.constant 3168 : i32
        %parallel_loop3A_2489 = vector.broadcast %parallel_loop3A_2488 : i32 to vector<16xi32>
        %parallel_loop3A_2490 = arith.muli %parallel_loop3A_2487, %parallel_loop3A_2489 : vector<16xi32>
        %parallel_loop3A_2491 = arith.addi %parallel_loop3A_2490, %parallel_loop3A_2424 : vector<16xi32>
        %parallel_loop3A_2492 = tpu.vector_load_idx %arg12[%parallel_loop3A_2491] : memref<28512xf32, #tpu.memory_space<vmem>>[vector<16xi32>], vector<16xf32>,
        %parallel_loop3A_2493 = arith.constant 1040 : i32
        %parallel_loop3A_2494 = vector.broadcast %parallel_loop3A_2493 : i32 to vector<16xi32>
        %parallel_loop3A_2495 = arith.addi %parallel_loop3A_2416, %parallel_loop3A_2494 : vector<16xi32>
        %parallel_loop3A_2496 = tpu.vector_load_idx %arg9[%parallel_loop3A_2495] : memref<1440xi32, #tpu.memory_space<vmem>>[vector<16xi32>], vector<16xi32>,
        %parallel_loop3A_2497 = arith.constant 1040 : i32
        %parallel_loop3A_2498 = vector.broadcast %parallel_loop3A_2497 : i32 to vector<16xi32>
        %parallel_loop3A_2499 = arith.addi %parallel_loop3A_2420, %parallel_loop3A_2498 : vector<16xi32>
        %parallel_loop3A_2500 = tpu.vector_load_idx %arg9[%parallel_loop3A_2499] : memref<1440xi32, #tpu.memory_space<vmem>>[vector<16xi32>], vector<16xi32>,
        %parallel_loop3A_2501 = arith.constant 3 : i32
        %parallel_loop3A_2502 = vector.broadcast %parallel_loop3A_2501 : i32 to vector<16xi32>
        %parallel_loop3A_2503 = arith.muli %parallel_loop3A_2496, %parallel_loop3A_2502 : vector<16xi32>
        %parallel_loop3A_2504 = arith.addi %parallel_loop3A_2503, %parallel_loop3A_2500 : vector<16xi32>
        %parallel_loop3A_2505 = arith.constant 3168 : i32
        %parallel_loop3A_2506 = vector.broadcast %parallel_loop3A_2505 : i32 to vector<16xi32>
        %parallel_loop3A_2507 = arith.muli %parallel_loop3A_2504, %parallel_loop3A_2506 : vector<16xi32>
        %parallel_loop3A_2508 = arith.addi %parallel_loop3A_2507, %parallel_loop3A_2424 : vector<16xi32>
        %parallel_loop3A_2509 = tpu.vector_load_idx %arg12[%parallel_loop3A_2508] : memref<28512xf32, #tpu.memory_space<vmem>>[vector<16xi32>], vector<16xf32>,
        %parallel_loop3A_2510 = arith.constant 1120 : i32
        %parallel_loop3A_2511 = vector.broadcast %parallel_loop3A_2510 : i32 to vector<16xi32>
        %parallel_loop3A_2512 = arith.addi %parallel_loop3A_2416, %parallel_loop3A_2511 : vector<16xi32>
        %parallel_loop3A_2513 = tpu.vector_load_idx %arg9[%parallel_loop3A_2512] : memref<1440xi32, #tpu.memory_space<vmem>>[vector<16xi32>], vector<16xi32>,
        %parallel_loop3A_2514 = arith.constant 1120 : i32
        %parallel_loop3A_2515 = vector.broadcast %parallel_loop3A_2514 : i32 to vector<16xi32>
        %parallel_loop3A_2516 = arith.addi %parallel_loop3A_2420, %parallel_loop3A_2515 : vector<16xi32>
        %parallel_loop3A_2517 = tpu.vector_load_idx %arg9[%parallel_loop3A_2516] : memref<1440xi32, #tpu.memory_space<vmem>>[vector<16xi32>], vector<16xi32>,
        %parallel_loop3A_2518 = arith.constant 3 : i32
        %parallel_loop3A_2519 = vector.broadcast %parallel_loop3A_2518 : i32 to vector<16xi32>
        %parallel_loop3A_2520 = arith.muli %parallel_loop3A_2513, %parallel_loop3A_2519 : vector<16xi32>
        %parallel_loop3A_2521 = arith.addi %parallel_loop3A_2520, %parallel_loop3A_2517 : vector<16xi32>
        %parallel_loop3A_2522 = arith.constant 3168 : i32
        %parallel_loop3A_2523 = vector.broadcast %parallel_loop3A_2522 : i32 to vector<16xi32>
        %parallel_loop3A_2524 = arith.muli %parallel_loop3A_2521, %parallel_loop3A_2523 : vector<16xi32>
        %parallel_loop3A_2525 = arith.addi %parallel_loop3A_2524, %parallel_loop3A_2424 : vector<16xi32>
        %parallel_loop3A_2526 = tpu.vector_load_idx %arg12[%parallel_loop3A_2525] : memref<28512xf32, #tpu.memory_space<vmem>>[vector<16xi32>], vector<16xf32>,
        %parallel_loop3A_2527 = arith.constant 1200 : i32
        %parallel_loop3A_2528 = vector.broadcast %parallel_loop3A_2527 : i32 to vector<16xi32>
        %parallel_loop3A_2529 = arith.addi %parallel_loop3A_2416, %parallel_loop3A_2528 : vector<16xi32>
        %parallel_loop3A_2530 = tpu.vector_load_idx %arg9[%parallel_loop3A_2529] : memref<1440xi32, #tpu.memory_space<vmem>>[vector<16xi32>], vector<16xi32>,
        %parallel_loop3A_2531 = arith.constant 1200 : i32
        %parallel_loop3A_2532 = vector.broadcast %parallel_loop3A_2531 : i32 to vector<16xi32>
        %parallel_loop3A_2533 = arith.addi %parallel_loop3A_2420, %parallel_loop3A_2532 : vector<16xi32>
        %parallel_loop3A_2534 = tpu.vector_load_idx %arg9[%parallel_loop3A_2533] : memref<1440xi32, #tpu.memory_space<vmem>>[vector<16xi32>], vector<16xi32>,
        %parallel_loop3A_2535 = arith.constant 3 : i32
        %parallel_loop3A_2536 = vector.broadcast %parallel_loop3A_2535 : i32 to vector<16xi32>
        %parallel_loop3A_2537 = arith.muli %parallel_loop3A_2530, %parallel_loop3A_2536 : vector<16xi32>
        %parallel_loop3A_2538 = arith.addi %parallel_loop3A_2537, %parallel_loop3A_2534 : vector<16xi32>
        %parallel_loop3A_2539 = arith.constant 3168 : i32
        %parallel_loop3A_2540 = vector.broadcast %parallel_loop3A_2539 : i32 to vector<16xi32>
        %parallel_loop3A_2541 = arith.muli %parallel_loop3A_2538, %parallel_loop3A_2540 : vector<16xi32>
        %parallel_loop3A_2542 = arith.addi %parallel_loop3A_2541, %parallel_loop3A_2424 : vector<16xi32>
        %parallel_loop3A_2543 = tpu.vector_load_idx %arg12[%parallel_loop3A_2542] : memref<28512xf32, #tpu.memory_space<vmem>>[vector<16xi32>], vector<16xf32>,
        %parallel_loop3A_2544 = arith.constant 1280 : i32
        %parallel_loop3A_2545 = vector.broadcast %parallel_loop3A_2544 : i32 to vector<16xi32>
        %parallel_loop3A_2546 = arith.addi %parallel_loop3A_2416, %parallel_loop3A_2545 : vector<16xi32>
        %parallel_loop3A_2547 = tpu.vector_load_idx %arg9[%parallel_loop3A_2546] : memref<1440xi32, #tpu.memory_space<vmem>>[vector<16xi32>], vector<16xi32>,
        %parallel_loop3A_2548 = arith.constant 1280 : i32
        %parallel_loop3A_2549 = vector.broadcast %parallel_loop3A_2548 : i32 to vector<16xi32>
        %parallel_loop3A_2550 = arith.addi %parallel_loop3A_2420, %parallel_loop3A_2549 : vector<16xi32>
        %parallel_loop3A_2551 = tpu.vector_load_idx %arg9[%parallel_loop3A_2550] : memref<1440xi32, #tpu.memory_space<vmem>>[vector<16xi32>], vector<16xi32>,
        %parallel_loop3A_2552 = arith.constant 3 : i32
        %parallel_loop3A_2553 = vector.broadcast %parallel_loop3A_2552 : i32 to vector<16xi32>
        %parallel_loop3A_2554 = arith.muli %parallel_loop3A_2547, %parallel_loop3A_2553 : vector<16xi32>
        %parallel_loop3A_2555 = arith.addi %parallel_loop3A_2554, %parallel_loop3A_2551 : vector<16xi32>
        %parallel_loop3A_2556 = arith.constant 3168 : i32
        %parallel_loop3A_2557 = vector.broadcast %parallel_loop3A_2556 : i32 to vector<16xi32>
        %parallel_loop3A_2558 = arith.muli %parallel_loop3A_2555, %parallel_loop3A_2557 : vector<16xi32>
        %parallel_loop3A_2559 = arith.addi %parallel_loop3A_2558, %parallel_loop3A_2424 : vector<16xi32>
        %parallel_loop3A_2560 = tpu.vector_load_idx %arg12[%parallel_loop3A_2559] : memref<28512xf32, #tpu.memory_space<vmem>>[vector<16xi32>], vector<16xf32>,
        %parallel_loop3A_2561 = arith.constant 1360 : i32
        %parallel_loop3A_2562 = vector.broadcast %parallel_loop3A_2561 : i32 to vector<16xi32>
        %parallel_loop3A_2563 = arith.addi %parallel_loop3A_2416, %parallel_loop3A_2562 : vector<16xi32>
        %parallel_loop3A_2564 = tpu.vector_load_idx %arg9[%parallel_loop3A_2563] : memref<1440xi32, #tpu.memory_space<vmem>>[vector<16xi32>], vector<16xi32>,
        %parallel_loop3A_2565 = arith.constant 1360 : i32
        %parallel_loop3A_2566 = vector.broadcast %parallel_loop3A_2565 : i32 to vector<16xi32>
        %parallel_loop3A_2567 = arith.addi %parallel_loop3A_2420, %parallel_loop3A_2566 : vector<16xi32>
        %parallel_loop3A_2568 = tpu.vector_load_idx %arg9[%parallel_loop3A_2567] : memref<1440xi32, #tpu.memory_space<vmem>>[vector<16xi32>], vector<16xi32>,
        %parallel_loop3A_2569 = arith.constant 3 : i32
        %parallel_loop3A_2570 = vector.broadcast %parallel_loop3A_2569 : i32 to vector<16xi32>
        %parallel_loop3A_2571 = arith.muli %parallel_loop3A_2564, %parallel_loop3A_2570 : vector<16xi32>
        %parallel_loop3A_2572 = arith.addi %parallel_loop3A_2571, %parallel_loop3A_2568 : vector<16xi32>
        %parallel_loop3A_2573 = arith.constant 3168 : i32
        %parallel_loop3A_2574 = vector.broadcast %parallel_loop3A_2573 : i32 to vector<16xi32>
        %parallel_loop3A_2575 = arith.muli %parallel_loop3A_2572, %parallel_loop3A_2574 : vector<16xi32>
        %parallel_loop3A_2576 = arith.addi %parallel_loop3A_2575, %parallel_loop3A_2424 : vector<16xi32>
        %parallel_loop3A_2577 = tpu.vector_load_idx %arg12[%parallel_loop3A_2576] : memref<28512xf32, #tpu.memory_space<vmem>>[vector<16xi32>], vector<16xf32>,
        %parallel_loop3A_2578 = arith.constant 16 : i32
        %parallel_loop3A_2579 = arith.muli %parallel_loop3A_2412, %parallel_loop3A_2578 : i32
        %parallel_loop3A_2580 = arith.constant 80 : i32
        %parallel_loop3A_2581 = arith.addi %parallel_loop3A_2580, %parallel_loop3A_2579 : i32
        %parallel_loop3A_2582 = arith.index_cast %parallel_loop3A_2581 : i32 to index
        %parallel_loop3A_2583 = tpu.vector_load %arg11[%parallel_loop3A_2582] {strides = array<i32>} : memref<29160xf32, #tpu.memory_space<vmem>>, vector<16xf32>,
        tpu.vector_store %arg11[%parallel_loop3A_2582], %parallel_loop3A_2441 {strides = array<i32>} : memref<29160xf32, #tpu.memory_space<vmem>>, vector<16xf32>,
        %parallel_loop3A_2584 = arith.constant 16 : i32
        %parallel_loop3A_2585 = arith.muli %parallel_loop3A_2412, %parallel_loop3A_2584 : i32
        %parallel_loop3A_2586 = arith.constant 3320 : i32
        %parallel_loop3A_2587 = arith.addi %parallel_loop3A_2586, %parallel_loop3A_2585 : i32
        %parallel_loop3A_2588 = arith.index_cast %parallel_loop3A_2587 : i32 to index
        %parallel_loop3A_2589 = tpu.vector_load %arg11[%parallel_loop3A_2588] {strides = array<i32>} : memref<29160xf32, #tpu.memory_space<vmem>>, vector<16xf32>,
        tpu.vector_store %arg11[%parallel_loop3A_2588], %parallel_loop3A_2458 {strides = array<i32>} : memref<29160xf32, #tpu.memory_space<vmem>>, vector<16xf32>,
        %parallel_loop3A_2590 = arith.constant 16 : i32
        %parallel_loop3A_2591 = arith.muli %parallel_loop3A_2412, %parallel_loop3A_2590 : i32
        %parallel_loop3A_2592 = arith.constant 6560 : i32
        %parallel_loop3A_2593 = arith.addi %parallel_loop3A_2592, %parallel_loop3A_2591 : i32
        %parallel_loop3A_2594 = arith.index_cast %parallel_loop3A_2593 : i32 to index
        %parallel_loop3A_2595 = tpu.vector_load %arg11[%parallel_loop3A_2594] {strides = array<i32>} : memref<29160xf32, #tpu.memory_space<vmem>>, vector<16xf32>,
        tpu.vector_store %arg11[%parallel_loop3A_2594], %parallel_loop3A_2475 {strides = array<i32>} : memref<29160xf32, #tpu.memory_space<vmem>>, vector<16xf32>,
        %parallel_loop3A_2596 = arith.constant 16 : i32
        %parallel_loop3A_2597 = arith.muli %parallel_loop3A_2412, %parallel_loop3A_2596 : i32
        %parallel_loop3A_2598 = arith.constant 9800 : i32
        %parallel_loop3A_2599 = arith.addi %parallel_loop3A_2598, %parallel_loop3A_2597 : i32
        %parallel_loop3A_2600 = arith.index_cast %parallel_loop3A_2599 : i32 to index
        %parallel_loop3A_2601 = tpu.vector_load %arg11[%parallel_loop3A_2600] {strides = array<i32>} : memref<29160xf32, #tpu.memory_space<vmem>>, vector<16xf32>,
        tpu.vector_store %arg11[%parallel_loop3A_2600], %parallel_loop3A_2492 {strides = array<i32>} : memref<29160xf32, #tpu.memory_space<vmem>>, vector<16xf32>,
        %parallel_loop3A_2602 = arith.constant 16 : i32
        %parallel_loop3A_2603 = arith.muli %parallel_loop3A_2412, %parallel_loop3A_2602 : i32
        %parallel_loop3A_2604 = arith.constant 13040 : i32
        %parallel_loop3A_2605 = arith.addi %parallel_loop3A_2604, %parallel_loop3A_2603 : i32
        %parallel_loop3A_2606 = arith.index_cast %parallel_loop3A_2605 : i32 to index
        %parallel_loop3A_2607 = tpu.vector_load %arg11[%parallel_loop3A_2606] {strides = array<i32>} : memref<29160xf32, #tpu.memory_space<vmem>>, vector<16xf32>,
        tpu.vector_store %arg11[%parallel_loop3A_2606], %parallel_loop3A_2509 {strides = array<i32>} : memref<29160xf32, #tpu.memory_space<vmem>>, vector<16xf32>,
        %parallel_loop3A_2608 = arith.constant 16 : i32
        %parallel_loop3A_2609 = arith.muli %parallel_loop3A_2412, %parallel_loop3A_2608 : i32
        %parallel_loop3A_2610 = arith.constant 16280 : i32
        %parallel_loop3A_2611 = arith.addi %parallel_loop3A_2610, %parallel_loop3A_2609 : i32
        %parallel_loop3A_2612 = arith.index_cast %parallel_loop3A_2611 : i32 to index
        %parallel_loop3A_2613 = tpu.vector_load %arg11[%parallel_loop3A_2612] {strides = array<i32>} : memref<29160xf32, #tpu.memory_space<vmem>>, vector<16xf32>,
        tpu.vector_store %arg11[%parallel_loop3A_2612], %parallel_loop3A_2526 {strides = array<i32>} : memref<29160xf32, #tpu.memory_space<vmem>>, vector<16xf32>,
        %parallel_loop3A_2614 = arith.constant 16 : i32
        %parallel_loop3A_2615 = arith.muli %parallel_loop3A_2412, %parallel_loop3A_2614 : i32
        %parallel_loop3A_2616 = arith.constant 19520 : i32
        %parallel_loop3A_2617 = arith.addi %parallel_loop3A_2616, %parallel_loop3A_2615 : i32
        %parallel_loop3A_2618 = arith.index_cast %parallel_loop3A_2617 : i32 to index
        %parallel_loop3A_2619 = tpu.vector_load %arg11[%parallel_loop3A_2618] {strides = array<i32>} : memref<29160xf32, #tpu.memory_space<vmem>>, vector<16xf32>,
        tpu.vector_store %arg11[%parallel_loop3A_2618], %parallel_loop3A_2543 {strides = array<i32>} : memref<29160xf32, #tpu.memory_space<vmem>>, vector<16xf32>,
        %parallel_loop3A_2620 = arith.constant 16 : i32
        %parallel_loop3A_2621 = arith.muli %parallel_loop3A_2412, %parallel_loop3A_2620 : i32
        %parallel_loop3A_2622 = arith.constant 22760 : i32
        %parallel_loop3A_2623 = arith.addi %parallel_loop3A_2622, %parallel_loop3A_2621 : i32
        %parallel_loop3A_2624 = arith.index_cast %parallel_loop3A_2623 : i32 to index
        %parallel_loop3A_2625 = tpu.vector_load %arg11[%parallel_loop3A_2624] {strides = array<i32>} : memref<29160xf32, #tpu.memory_space<vmem>>, vector<16xf32>,
        tpu.vector_store %arg11[%parallel_loop3A_2624], %parallel_loop3A_2560 {strides = array<i32>} : memref<29160xf32, #tpu.memory_space<vmem>>, vector<16xf32>,
        %parallel_loop3A_2626 = arith.constant 16 : i32
        %parallel_loop3A_2627 = arith.muli %parallel_loop3A_2412, %parallel_loop3A_2626 : i32
        %parallel_loop3A_2628 = arith.constant 26000 : i32
        %parallel_loop3A_2629 = arith.addi %parallel_loop3A_2628, %parallel_loop3A_2627 : i32
        %parallel_loop3A_2630 = arith.index_cast %parallel_loop3A_2629 : i32 to index
        %parallel_loop3A_2631 = tpu.vector_load %arg11[%parallel_loop3A_2630] {strides = array<i32>} : memref<29160xf32, #tpu.memory_space<vmem>>, vector<16xf32>,
        tpu.vector_store %arg11[%parallel_loop3A_2630], %parallel_loop3A_2577 {strides = array<i32>} : memref<29160xf32, #tpu.memory_space<vmem>>, vector<16xf32>,
      } {sc.loop_unroll_factor = 1 : i64, sc.parallel_access}
      %get3A_1272 = arith.constant 3152 : index
      %get3A_1273 = tpu.vector_load %arg13[%get3A_1272] {strides = array<i32>} : memref<3168xi32, #tpu.memory_space<vmem>>, vector<16xi32>,
      %get3A_1274 = arith.constant 3152 : index
      %get3A_1275 = tpu.vector_load %arg14[%get3A_1274] {strides = array<i32>} : memref<3168xi32, #tpu.memory_space<vmem>>, vector<16xi32>,
      %add3A_1276 = arith.constant 3152 : i32
      %add3A_1277 = vector.broadcast %add3A_1276 : i32 to vector<16xi32>
      %add3A_1278 = arith.addi %add3A_1277, %iota3A : vector<16xi32>
      %lt3A_1279 = arith.constant 3160 : i32
      %lt3A_1280 = vector.broadcast %lt3A_1279 : i32 to vector<16xi32>
      %lt3A_1281 = arith.cmpi slt, %add3A_1278, %lt3A_1280 : vector<16xi32>
      %add3A_1282 = arith.constant 720 : i32
      %add3A_1283 = vector.broadcast %add3A_1282 : i32 to vector<16xi32>
      %add3A_1284 = arith.addi %get3A_1273, %add3A_1283 : vector<16xi32>
      %gather3A_1285 = tpu.vector_load_idx %arg9[%add3A_1284] : memref<1440xi32, #tpu.memory_space<vmem>>[vector<16xi32>], vector<16xi32>,
      %add3A_1286 = arith.constant 720 : i32
      %add3A_1287 = vector.broadcast %add3A_1286 : i32 to vector<16xi32>
      %add3A_1288 = arith.addi %get3A_1275, %add3A_1287 : vector<16xi32>
      %gather3A_1289 = tpu.vector_load_idx %arg9[%add3A_1288] : memref<1440xi32, #tpu.memory_space<vmem>>[vector<16xi32>], vector<16xi32>,
      %mul3A_1290 = arith.constant 3 : i32
      %mul3A_1291 = vector.broadcast %mul3A_1290 : i32 to vector<16xi32>
      %mul3A_1292 = arith.muli %gather3A_1285, %mul3A_1291 : vector<16xi32>
      %add3A_1293 = arith.addi %mul3A_1292, %gather3A_1289 : vector<16xi32>
      %mul3A_1294 = arith.constant 3168 : i32
      %mul3A_1295 = vector.broadcast %mul3A_1294 : i32 to vector<16xi32>
      %mul3A_1296 = arith.muli %add3A_1293, %mul3A_1295 : vector<16xi32>
      %add3A_1297 = arith.addi %mul3A_1296, %add3A_1278 : vector<16xi32>
      %gather3A_1298 = tpu.vector_load_idx %arg12[%add3A_1297] : memref<28512xf32, #tpu.memory_space<vmem>>[vector<16xi32>], vector<16xf32>,
      %add3A_1299 = arith.constant 80 : i32
      %add3A_1300 = vector.broadcast %add3A_1299 : i32 to vector<16xi32>
      %add3A_1301 = arith.addi %add3A_1300, %add3A_1278 : vector<16xi32>
      tpu.vector_store_idx %arg11[%add3A_1301], %gather3A_1298 masked %lt3A_1281 : memref<29160xf32, #tpu.memory_space<vmem>>[vector<16xi32>], vector<16xf32>, vector<16xi1>
      %add3A_1302 = arith.constant 800 : i32
      %add3A_1303 = vector.broadcast %add3A_1302 : i32 to vector<16xi32>
      %add3A_1304 = arith.addi %get3A_1273, %add3A_1303 : vector<16xi32>
      %gather3A_1305 = tpu.vector_load_idx %arg9[%add3A_1304] : memref<1440xi32, #tpu.memory_space<vmem>>[vector<16xi32>], vector<16xi32>,
      %add3A_1306 = arith.constant 800 : i32
      %add3A_1307 = vector.broadcast %add3A_1306 : i32 to vector<16xi32>
      %add3A_1308 = arith.addi %get3A_1275, %add3A_1307 : vector<16xi32>
      %gather3A_1309 = tpu.vector_load_idx %arg9[%add3A_1308] : memref<1440xi32, #tpu.memory_space<vmem>>[vector<16xi32>], vector<16xi32>,
      %mul3A_1310 = arith.constant 3 : i32
      %mul3A_1311 = vector.broadcast %mul3A_1310 : i32 to vector<16xi32>
      %mul3A_1312 = arith.muli %gather3A_1305, %mul3A_1311 : vector<16xi32>
      %add3A_1313 = arith.addi %mul3A_1312, %gather3A_1309 : vector<16xi32>
      %mul3A_1314 = arith.constant 3168 : i32
      %mul3A_1315 = vector.broadcast %mul3A_1314 : i32 to vector<16xi32>
      %mul3A_1316 = arith.muli %add3A_1313, %mul3A_1315 : vector<16xi32>
      %add3A_1317 = arith.addi %mul3A_1316, %add3A_1278 : vector<16xi32>
      %gather3A_1318 = tpu.vector_load_idx %arg12[%add3A_1317] : memref<28512xf32, #tpu.memory_space<vmem>>[vector<16xi32>], vector<16xf32>,
      %add3A_1319 = arith.constant 3320 : i32
      %add3A_1320 = vector.broadcast %add3A_1319 : i32 to vector<16xi32>
      %add3A_1321 = arith.addi %add3A_1320, %add3A_1278 : vector<16xi32>
      tpu.vector_store_idx %arg11[%add3A_1321], %gather3A_1318 masked %lt3A_1281 : memref<29160xf32, #tpu.memory_space<vmem>>[vector<16xi32>], vector<16xf32>, vector<16xi1>
      %add3A_1322 = arith.constant 880 : i32
      %add3A_1323 = vector.broadcast %add3A_1322 : i32 to vector<16xi32>
      %add3A_1324 = arith.addi %get3A_1273, %add3A_1323 : vector<16xi32>
      %gather3A_1325 = tpu.vector_load_idx %arg9[%add3A_1324] : memref<1440xi32, #tpu.memory_space<vmem>>[vector<16xi32>], vector<16xi32>,
      %add3A_1326 = arith.constant 880 : i32
      %add3A_1327 = vector.broadcast %add3A_1326 : i32 to vector<16xi32>
      %add3A_1328 = arith.addi %get3A_1275, %add3A_1327 : vector<16xi32>
      %gather3A_1329 = tpu.vector_load_idx %arg9[%add3A_1328] : memref<1440xi32, #tpu.memory_space<vmem>>[vector<16xi32>], vector<16xi32>,
      %mul3A_1330 = arith.constant 3 : i32
      %mul3A_1331 = vector.broadcast %mul3A_1330 : i32 to vector<16xi32>
      %mul3A_1332 = arith.muli %gather3A_1325, %mul3A_1331 : vector<16xi32>
      %add3A_1333 = arith.addi %mul3A_1332, %gather3A_1329 : vector<16xi32>
      %mul3A_1334 = arith.constant 3168 : i32
      %mul3A_1335 = vector.broadcast %mul3A_1334 : i32 to vector<16xi32>
      %mul3A_1336 = arith.muli %add3A_1333, %mul3A_1335 : vector<16xi32>
      %add3A_1337 = arith.addi %mul3A_1336, %add3A_1278 : vector<16xi32>
      %gather3A_1338 = tpu.vector_load_idx %arg12[%add3A_1337] : memref<28512xf32, #tpu.memory_space<vmem>>[vector<16xi32>], vector<16xf32>,
      %add3A_1339 = arith.constant 6560 : i32
      %add3A_1340 = vector.broadcast %add3A_1339 : i32 to vector<16xi32>
      %add3A_1341 = arith.addi %add3A_1340, %add3A_1278 : vector<16xi32>
      tpu.vector_store_idx %arg11[%add3A_1341], %gather3A_1338 masked %lt3A_1281 : memref<29160xf32, #tpu.memory_space<vmem>>[vector<16xi32>], vector<16xf32>, vector<16xi1>
      %add3A_1342 = arith.constant 960 : i32
      %add3A_1343 = vector.broadcast %add3A_1342 : i32 to vector<16xi32>
      %add3A_1344 = arith.addi %get3A_1273, %add3A_1343 : vector<16xi32>
      %gather3A_1345 = tpu.vector_load_idx %arg9[%add3A_1344] : memref<1440xi32, #tpu.memory_space<vmem>>[vector<16xi32>], vector<16xi32>,
      %add3A_1346 = arith.constant 960 : i32
      %add3A_1347 = vector.broadcast %add3A_1346 : i32 to vector<16xi32>
      %add3A_1348 = arith.addi %get3A_1275, %add3A_1347 : vector<16xi32>
      %gather3A_1349 = tpu.vector_load_idx %arg9[%add3A_1348] : memref<1440xi32, #tpu.memory_space<vmem>>[vector<16xi32>], vector<16xi32>,
      %mul3A_1350 = arith.constant 3 : i32
      %mul3A_1351 = vector.broadcast %mul3A_1350 : i32 to vector<16xi32>
      %mul3A_1352 = arith.muli %gather3A_1345, %mul3A_1351 : vector<16xi32>
      %add3A_1353 = arith.addi %mul3A_1352, %gather3A_1349 : vector<16xi32>
      %mul3A_1354 = arith.constant 3168 : i32
      %mul3A_1355 = vector.broadcast %mul3A_1354 : i32 to vector<16xi32>
      %mul3A_1356 = arith.muli %add3A_1353, %mul3A_1355 : vector<16xi32>
      %add3A_1357 = arith.addi %mul3A_1356, %add3A_1278 : vector<16xi32>
      %gather3A_1358 = tpu.vector_load_idx %arg12[%add3A_1357] : memref<28512xf32, #tpu.memory_space<vmem>>[vector<16xi32>], vector<16xf32>,
      %add3A_1359 = arith.constant 9800 : i32
      %add3A_1360 = vector.broadcast %add3A_1359 : i32 to vector<16xi32>
      %add3A_1361 = arith.addi %add3A_1360, %add3A_1278 : vector<16xi32>
      tpu.vector_store_idx %arg11[%add3A_1361], %gather3A_1358 masked %lt3A_1281 : memref<29160xf32, #tpu.memory_space<vmem>>[vector<16xi32>], vector<16xf32>, vector<16xi1>
      %add3A_1362 = arith.constant 1040 : i32
      %add3A_1363 = vector.broadcast %add3A_1362 : i32 to vector<16xi32>
      %add3A_1364 = arith.addi %get3A_1273, %add3A_1363 : vector<16xi32>
      %gather3A_1365 = tpu.vector_load_idx %arg9[%add3A_1364] : memref<1440xi32, #tpu.memory_space<vmem>>[vector<16xi32>], vector<16xi32>,
      %add3A_1366 = arith.constant 1040 : i32
      %add3A_1367 = vector.broadcast %add3A_1366 : i32 to vector<16xi32>
      %add3A_1368 = arith.addi %get3A_1275, %add3A_1367 : vector<16xi32>
      %gather3A_1369 = tpu.vector_load_idx %arg9[%add3A_1368] : memref<1440xi32, #tpu.memory_space<vmem>>[vector<16xi32>], vector<16xi32>,
      %mul3A_1370 = arith.constant 3 : i32
      %mul3A_1371 = vector.broadcast %mul3A_1370 : i32 to vector<16xi32>
      %mul3A_1372 = arith.muli %gather3A_1365, %mul3A_1371 : vector<16xi32>
      %add3A_1373 = arith.addi %mul3A_1372, %gather3A_1369 : vector<16xi32>
      %mul3A_1374 = arith.constant 3168 : i32
      %mul3A_1375 = vector.broadcast %mul3A_1374 : i32 to vector<16xi32>
      %mul3A_1376 = arith.muli %add3A_1373, %mul3A_1375 : vector<16xi32>
      %add3A_1377 = arith.addi %mul3A_1376, %add3A_1278 : vector<16xi32>
      %gather3A_1378 = tpu.vector_load_idx %arg12[%add3A_1377] : memref<28512xf32, #tpu.memory_space<vmem>>[vector<16xi32>], vector<16xf32>,
      %add3A_1379 = arith.constant 13040 : i32
      %add3A_1380 = vector.broadcast %add3A_1379 : i32 to vector<16xi32>
      %add3A_1381 = arith.addi %add3A_1380, %add3A_1278 : vector<16xi32>
      tpu.vector_store_idx %arg11[%add3A_1381], %gather3A_1378 masked %lt3A_1281 : memref<29160xf32, #tpu.memory_space<vmem>>[vector<16xi32>], vector<16xf32>, vector<16xi1>
      %add3A_1382 = arith.constant 1120 : i32
      %add3A_1383 = vector.broadcast %add3A_1382 : i32 to vector<16xi32>
      %add3A_1384 = arith.addi %get3A_1273, %add3A_1383 : vector<16xi32>
      %gather3A_1385 = tpu.vector_load_idx %arg9[%add3A_1384] : memref<1440xi32, #tpu.memory_space<vmem>>[vector<16xi32>], vector<16xi32>,
      %add3A_1386 = arith.constant 1120 : i32
      %add3A_1387 = vector.broadcast %add3A_1386 : i32 to vector<16xi32>
      %add3A_1388 = arith.addi %get3A_1275, %add3A_1387 : vector<16xi32>
      %gather3A_1389 = tpu.vector_load_idx %arg9[%add3A_1388] : memref<1440xi32, #tpu.memory_space<vmem>>[vector<16xi32>], vector<16xi32>,
      %mul3A_1390 = arith.constant 3 : i32
      %mul3A_1391 = vector.broadcast %mul3A_1390 : i32 to vector<16xi32>
      %mul3A_1392 = arith.muli %gather3A_1385, %mul3A_1391 : vector<16xi32>
      %add3A_1393 = arith.addi %mul3A_1392, %gather3A_1389 : vector<16xi32>
      %mul3A_1394 = arith.constant 3168 : i32
      %mul3A_1395 = vector.broadcast %mul3A_1394 : i32 to vector<16xi32>
      %mul3A_1396 = arith.muli %add3A_1393, %mul3A_1395 : vector<16xi32>
      %add3A_1397 = arith.addi %mul3A_1396, %add3A_1278 : vector<16xi32>
      %gather3A_1398 = tpu.vector_load_idx %arg12[%add3A_1397] : memref<28512xf32, #tpu.memory_space<vmem>>[vector<16xi32>], vector<16xf32>,
      %add3A_1399 = arith.constant 16280 : i32
      %add3A_1400 = vector.broadcast %add3A_1399 : i32 to vector<16xi32>
      %add3A_1401 = arith.addi %add3A_1400, %add3A_1278 : vector<16xi32>
      tpu.vector_store_idx %arg11[%add3A_1401], %gather3A_1398 masked %lt3A_1281 : memref<29160xf32, #tpu.memory_space<vmem>>[vector<16xi32>], vector<16xf32>, vector<16xi1>
      %add3A_1402 = arith.constant 1200 : i32
      %add3A_1403 = vector.broadcast %add3A_1402 : i32 to vector<16xi32>
      %add3A_1404 = arith.addi %get3A_1273, %add3A_1403 : vector<16xi32>
      %gather3A_1405 = tpu.vector_load_idx %arg9[%add3A_1404] : memref<1440xi32, #tpu.memory_space<vmem>>[vector<16xi32>], vector<16xi32>,
      %add3A_1406 = arith.constant 1200 : i32
      %add3A_1407 = vector.broadcast %add3A_1406 : i32 to vector<16xi32>
      %add3A_1408 = arith.addi %get3A_1275, %add3A_1407 : vector<16xi32>
      %gather3A_1409 = tpu.vector_load_idx %arg9[%add3A_1408] : memref<1440xi32, #tpu.memory_space<vmem>>[vector<16xi32>], vector<16xi32>,
      %mul3A_1410 = arith.constant 3 : i32
      %mul3A_1411 = vector.broadcast %mul3A_1410 : i32 to vector<16xi32>
      %mul3A_1412 = arith.muli %gather3A_1405, %mul3A_1411 : vector<16xi32>
      %add3A_1413 = arith.addi %mul3A_1412, %gather3A_1409 : vector<16xi32>
      %mul3A_1414 = arith.constant 3168 : i32
      %mul3A_1415 = vector.broadcast %mul3A_1414 : i32 to vector<16xi32>
      %mul3A_1416 = arith.muli %add3A_1413, %mul3A_1415 : vector<16xi32>
      %add3A_1417 = arith.addi %mul3A_1416, %add3A_1278 : vector<16xi32>
      %gather3A_1418 = tpu.vector_load_idx %arg12[%add3A_1417] : memref<28512xf32, #tpu.memory_space<vmem>>[vector<16xi32>], vector<16xf32>,
      %add3A_1419 = arith.constant 19520 : i32
      %add3A_1420 = vector.broadcast %add3A_1419 : i32 to vector<16xi32>
      %add3A_1421 = arith.addi %add3A_1420, %add3A_1278 : vector<16xi32>
      tpu.vector_store_idx %arg11[%add3A_1421], %gather3A_1418 masked %lt3A_1281 : memref<29160xf32, #tpu.memory_space<vmem>>[vector<16xi32>], vector<16xf32>, vector<16xi1>
      %add3A_1422 = arith.constant 1280 : i32
      %add3A_1423 = vector.broadcast %add3A_1422 : i32 to vector<16xi32>
      %add3A_1424 = arith.addi %get3A_1273, %add3A_1423 : vector<16xi32>
      %gather3A_1425 = tpu.vector_load_idx %arg9[%add3A_1424] : memref<1440xi32, #tpu.memory_space<vmem>>[vector<16xi32>], vector<16xi32>,
      %add3A_1426 = arith.constant 1280 : i32
      %add3A_1427 = vector.broadcast %add3A_1426 : i32 to vector<16xi32>
      %add3A_1428 = arith.addi %get3A_1275, %add3A_1427 : vector<16xi32>
      %gather3A_1429 = tpu.vector_load_idx %arg9[%add3A_1428] : memref<1440xi32, #tpu.memory_space<vmem>>[vector<16xi32>], vector<16xi32>,
      %mul3A_1430 = arith.constant 3 : i32
      %mul3A_1431 = vector.broadcast %mul3A_1430 : i32 to vector<16xi32>
      %mul3A_1432 = arith.muli %gather3A_1425, %mul3A_1431 : vector<16xi32>
      %add3A_1433 = arith.addi %mul3A_1432, %gather3A_1429 : vector<16xi32>
      %mul3A_1434 = arith.constant 3168 : i32
      %mul3A_1435 = vector.broadcast %mul3A_1434 : i32 to vector<16xi32>
      %mul3A_1436 = arith.muli %add3A_1433, %mul3A_1435 : vector<16xi32>
      %add3A_1437 = arith.addi %mul3A_1436, %add3A_1278 : vector<16xi32>
      %gather3A_1438 = tpu.vector_load_idx %arg12[%add3A_1437] : memref<28512xf32, #tpu.memory_space<vmem>>[vector<16xi32>], vector<16xf32>,
      %add3A_1439 = arith.constant 22760 : i32
      %add3A_1440 = vector.broadcast %add3A_1439 : i32 to vector<16xi32>
      %add3A_1441 = arith.addi %add3A_1440, %add3A_1278 : vector<16xi32>
      tpu.vector_store_idx %arg11[%add3A_1441], %gather3A_1438 masked %lt3A_1281 : memref<29160xf32, #tpu.memory_space<vmem>>[vector<16xi32>], vector<16xf32>, vector<16xi1>
      %add3A_1442 = arith.constant 1360 : i32
      %add3A_1443 = vector.broadcast %add3A_1442 : i32 to vector<16xi32>
      %add3A_1444 = arith.addi %get3A_1273, %add3A_1443 : vector<16xi32>
      %gather3A_1445 = tpu.vector_load_idx %arg9[%add3A_1444] : memref<1440xi32, #tpu.memory_space<vmem>>[vector<16xi32>], vector<16xi32>,
      %add3A_1446 = arith.constant 1360 : i32
      %add3A_1447 = vector.broadcast %add3A_1446 : i32 to vector<16xi32>
      %add3A_1448 = arith.addi %get3A_1275, %add3A_1447 : vector<16xi32>
      %gather3A_1449 = tpu.vector_load_idx %arg9[%add3A_1448] : memref<1440xi32, #tpu.memory_space<vmem>>[vector<16xi32>], vector<16xi32>,
      %mul3A_1450 = arith.constant 3 : i32
      %mul3A_1451 = vector.broadcast %mul3A_1450 : i32 to vector<16xi32>
      %mul3A_1452 = arith.muli %gather3A_1445, %mul3A_1451 : vector<16xi32>
      %add3A_1453 = arith.addi %mul3A_1452, %gather3A_1449 : vector<16xi32>
      %mul3A_1454 = arith.constant 3168 : i32
      %mul3A_1455 = vector.broadcast %mul3A_1454 : i32 to vector<16xi32>
      %mul3A_1456 = arith.muli %add3A_1453, %mul3A_1455 : vector<16xi32>
      %add3A_1457 = arith.addi %mul3A_1456, %add3A_1278 : vector<16xi32>
      %gather3A_1458 = tpu.vector_load_idx %arg12[%add3A_1457] : memref<28512xf32, #tpu.memory_space<vmem>>[vector<16xi32>], vector<16xf32>,
      %add3A_1459 = arith.constant 26000 : i32
      %add3A_1460 = vector.broadcast %add3A_1459 : i32 to vector<16xi32>
      %add3A_1461 = arith.addi %add3A_1460, %add3A_1278 : vector<16xi32>
      tpu.vector_store_idx %arg11[%add3A_1461], %gather3A_1458 masked %lt3A_1281 : memref<29160xf32, #tpu.memory_space<vmem>>[vector<16xi32>], vector<16xf32>, vector<16xi1>
      %get3A_1462 = arith.constant 720 : index
      %get3A_1463 = tpu.vector_load %arg9[%get3A_1462] {strides = array<i32>} : memref<1440xi32, #tpu.memory_space<vmem>>, vector<16xi32>,
      %get3A_1464 = arith.constant 0 : index
      %get3A_1465 = tpu.vector_load %arg16[%get3A_1464] {strides = array<i32>} : memref<80xf32, #tpu.memory_space<vmem>>, vector<16xf32>,
      %eq3A_1466 = arith.constant 2 : i32
      %eq3A_1467 = vector.broadcast %eq3A_1466 : i32 to vector<16xi32>
      %eq3A_1468 = arith.cmpi eq, %get3A_1463, %eq3A_1467 : vector<16xi32>
      %jit3A_1469 = arith.constant 1.000000e+00 : f32
      %jit3A_1470 = arith.constant 0.000000e+00 : f32
      %broadcast_in_dim3A_1471 = vector.broadcast %jit3A_1469 : f32 to vector<16xf32>
      %broadcast_in_dim3A_1472 = vector.broadcast %jit3A_1470 : f32 to vector<16xf32>
      %select_n3A_1473 = arith.select %eq3A_1468, %broadcast_in_dim3A_1471, %broadcast_in_dim3A_1472 : vector<16xi1>, vector<16xf32>
      %eq3A_1474 = arith.constant 1 : i32
      %eq3A_1475 = vector.broadcast %eq3A_1474 : i32 to vector<16xi32>
      %eq3A_1476 = arith.cmpi eq, %get3A_1463, %eq3A_1475 : vector<16xi32>
      %broadcast_in_dim3A_1477 = arith.constant 0.000000e+00 : f32
      %broadcast_in_dim3A_1478 = vector.broadcast %broadcast_in_dim3A_1477 : f32 to vector<16xf32>
      %select_n3A_1479 = arith.select %eq3A_1476, %get3A_1465, %broadcast_in_dim3A_1478 : vector<16xi1>, vector<16xf32>
      %add3A_1480 = arith.addf %select_n3A_1473, %select_n3A_1479 : vector<16xf32>
      %swap3A_1481 = arith.constant 0 : index
      %swap3A_1482 = tpu.vector_load %arg11[%swap3A_1481] {strides = array<i32>} : memref<29160xf32, #tpu.memory_space<vmem>>, vector<16xf32>,
      tpu.vector_store %arg11[%swap3A_1481], %add3A_1480 {strides = array<i32>} : memref<29160xf32, #tpu.memory_space<vmem>>, vector<16xf32>,
      %get3A_1483 = arith.constant 736 : index
      %get3A_1484 = tpu.vector_load %arg9[%get3A_1483] {strides = array<i32>} : memref<1440xi32, #tpu.memory_space<vmem>>, vector<16xi32>,
      %get3A_1485 = arith.constant 16 : index
      %get3A_1486 = tpu.vector_load %arg16[%get3A_1485] {strides = array<i32>} : memref<80xf32, #tpu.memory_space<vmem>>, vector<16xf32>,
      %eq3A_1487 = arith.constant 2 : i32
      %eq3A_1488 = vector.broadcast %eq3A_1487 : i32 to vector<16xi32>
      %eq3A_1489 = arith.cmpi eq, %get3A_1484, %eq3A_1488 : vector<16xi32>
      %jit3A_1490 = arith.constant 1.000000e+00 : f32
      %jit3A_1491 = arith.constant 0.000000e+00 : f32
      %broadcast_in_dim3A_1492 = vector.broadcast %jit3A_1490 : f32 to vector<16xf32>
      %broadcast_in_dim3A_1493 = vector.broadcast %jit3A_1491 : f32 to vector<16xf32>
      %select_n3A_1494 = arith.select %eq3A_1489, %broadcast_in_dim3A_1492, %broadcast_in_dim3A_1493 : vector<16xi1>, vector<16xf32>
      %eq3A_1495 = arith.constant 1 : i32
      %eq3A_1496 = vector.broadcast %eq3A_1495 : i32 to vector<16xi32>
      %eq3A_1497 = arith.cmpi eq, %get3A_1484, %eq3A_1496 : vector<16xi32>
      %broadcast_in_dim3A_1498 = arith.constant 0.000000e+00 : f32
      %broadcast_in_dim3A_1499 = vector.broadcast %broadcast_in_dim3A_1498 : f32 to vector<16xf32>
      %select_n3A_1500 = arith.select %eq3A_1497, %get3A_1486, %broadcast_in_dim3A_1499 : vector<16xi1>, vector<16xf32>
      %add3A_1501 = arith.addf %select_n3A_1494, %select_n3A_1500 : vector<16xf32>
      %swap3A_1502 = arith.constant 16 : index
      %swap3A_1503 = tpu.vector_load %arg11[%swap3A_1502] {strides = array<i32>} : memref<29160xf32, #tpu.memory_space<vmem>>, vector<16xf32>,
      tpu.vector_store %arg11[%swap3A_1502], %add3A_1501 {strides = array<i32>} : memref<29160xf32, #tpu.memory_space<vmem>>, vector<16xf32>,
      %get3A_1504 = arith.constant 752 : index
      %get3A_1505 = tpu.vector_load %arg9[%get3A_1504] {strides = array<i32>} : memref<1440xi32, #tpu.memory_space<vmem>>, vector<16xi32>,
      %get3A_1506 = arith.constant 32 : index
      %get3A_1507 = tpu.vector_load %arg16[%get3A_1506] {strides = array<i32>} : memref<80xf32, #tpu.memory_space<vmem>>, vector<16xf32>,
      %eq3A_1508 = arith.constant 2 : i32
      %eq3A_1509 = vector.broadcast %eq3A_1508 : i32 to vector<16xi32>
      %eq3A_1510 = arith.cmpi eq, %get3A_1505, %eq3A_1509 : vector<16xi32>
      %jit3A_1511 = arith.constant 1.000000e+00 : f32
      %jit3A_1512 = arith.constant 0.000000e+00 : f32
      %broadcast_in_dim3A_1513 = vector.broadcast %jit3A_1511 : f32 to vector<16xf32>
      %broadcast_in_dim3A_1514 = vector.broadcast %jit3A_1512 : f32 to vector<16xf32>
      %select_n3A_1515 = arith.select %eq3A_1510, %broadcast_in_dim3A_1513, %broadcast_in_dim3A_1514 : vector<16xi1>, vector<16xf32>
      %eq3A_1516 = arith.constant 1 : i32
      %eq3A_1517 = vector.broadcast %eq3A_1516 : i32 to vector<16xi32>
      %eq3A_1518 = arith.cmpi eq, %get3A_1505, %eq3A_1517 : vector<16xi32>
      %broadcast_in_dim3A_1519 = arith.constant 0.000000e+00 : f32
      %broadcast_in_dim3A_1520 = vector.broadcast %broadcast_in_dim3A_1519 : f32 to vector<16xf32>
      %select_n3A_1521 = arith.select %eq3A_1518, %get3A_1507, %broadcast_in_dim3A_1520 : vector<16xi1>, vector<16xf32>
      %add3A_1522 = arith.addf %select_n3A_1515, %select_n3A_1521 : vector<16xf32>
      %swap3A_1523 = arith.constant 32 : index
      %swap3A_1524 = tpu.vector_load %arg11[%swap3A_1523] {strides = array<i32>} : memref<29160xf32, #tpu.memory_space<vmem>>, vector<16xf32>,
      tpu.vector_store %arg11[%swap3A_1523], %add3A_1522 {strides = array<i32>} : memref<29160xf32, #tpu.memory_space<vmem>>, vector<16xf32>,
      %get3A_1525 = arith.constant 768 : index
      %get3A_1526 = tpu.vector_load %arg9[%get3A_1525] {strides = array<i32>} : memref<1440xi32, #tpu.memory_space<vmem>>, vector<16xi32>,
      %get3A_1527 = arith.constant 48 : index
      %get3A_1528 = tpu.vector_load %arg16[%get3A_1527] {strides = array<i32>} : memref<80xf32, #tpu.memory_space<vmem>>, vector<16xf32>,
      %eq3A_1529 = arith.constant 2 : i32
      %eq3A_1530 = vector.broadcast %eq3A_1529 : i32 to vector<16xi32>
      %eq3A_1531 = arith.cmpi eq, %get3A_1526, %eq3A_1530 : vector<16xi32>
      %jit3A_1532 = arith.constant 1.000000e+00 : f32
      %jit3A_1533 = arith.constant 0.000000e+00 : f32
      %broadcast_in_dim3A_1534 = vector.broadcast %jit3A_1532 : f32 to vector<16xf32>
      %broadcast_in_dim3A_1535 = vector.broadcast %jit3A_1533 : f32 to vector<16xf32>
      %select_n3A_1536 = arith.select %eq3A_1531, %broadcast_in_dim3A_1534, %broadcast_in_dim3A_1535 : vector<16xi1>, vector<16xf32>
      %eq3A_1537 = arith.constant 1 : i32
      %eq3A_1538 = vector.broadcast %eq3A_1537 : i32 to vector<16xi32>
      %eq3A_1539 = arith.cmpi eq, %get3A_1526, %eq3A_1538 : vector<16xi32>
      %broadcast_in_dim3A_1540 = arith.constant 0.000000e+00 : f32
      %broadcast_in_dim3A_1541 = vector.broadcast %broadcast_in_dim3A_1540 : f32 to vector<16xf32>
      %select_n3A_1542 = arith.select %eq3A_1539, %get3A_1528, %broadcast_in_dim3A_1541 : vector<16xi1>, vector<16xf32>
      %add3A_1543 = arith.addf %select_n3A_1536, %select_n3A_1542 : vector<16xf32>
      %swap3A_1544 = arith.constant 48 : index
      %swap3A_1545 = tpu.vector_load %arg11[%swap3A_1544] {strides = array<i32>} : memref<29160xf32, #tpu.memory_space<vmem>>, vector<16xf32>,
      tpu.vector_store %arg11[%swap3A_1544], %add3A_1543 {strides = array<i32>} : memref<29160xf32, #tpu.memory_space<vmem>>, vector<16xf32>,
      %get3A_1546 = arith.constant 784 : index
      %get3A_1547 = tpu.vector_load %arg9[%get3A_1546] {strides = array<i32>} : memref<1440xi32, #tpu.memory_space<vmem>>, vector<16xi32>,
      %get3A_1548 = arith.constant 64 : index
      %get3A_1549 = tpu.vector_load %arg16[%get3A_1548] {strides = array<i32>} : memref<80xf32, #tpu.memory_space<vmem>>, vector<16xf32>,
      %eq3A_1550 = arith.constant 2 : i32
      %eq3A_1551 = vector.broadcast %eq3A_1550 : i32 to vector<16xi32>
      %eq3A_1552 = arith.cmpi eq, %get3A_1547, %eq3A_1551 : vector<16xi32>
      %jit3A_1553 = arith.constant 1.000000e+00 : f32
      %jit3A_1554 = arith.constant 0.000000e+00 : f32
      %broadcast_in_dim3A_1555 = vector.broadcast %jit3A_1553 : f32 to vector<16xf32>
      %broadcast_in_dim3A_1556 = vector.broadcast %jit3A_1554 : f32 to vector<16xf32>
      %select_n3A_1557 = arith.select %eq3A_1552, %broadcast_in_dim3A_1555, %broadcast_in_dim3A_1556 : vector<16xi1>, vector<16xf32>
      %eq3A_1558 = arith.constant 1 : i32
      %eq3A_1559 = vector.broadcast %eq3A_1558 : i32 to vector<16xi32>
      %eq3A_1560 = arith.cmpi eq, %get3A_1547, %eq3A_1559 : vector<16xi32>
      %broadcast_in_dim3A_1561 = arith.constant 0.000000e+00 : f32
      %broadcast_in_dim3A_1562 = vector.broadcast %broadcast_in_dim3A_1561 : f32 to vector<16xf32>
      %select_n3A_1563 = arith.select %eq3A_1560, %get3A_1549, %broadcast_in_dim3A_1562 : vector<16xi1>, vector<16xf32>
      %add3A_1564 = arith.addf %select_n3A_1557, %select_n3A_1563 : vector<16xf32>
      %swap3A_1565 = arith.constant 64 : index
      %swap3A_1566 = tpu.vector_load %arg11[%swap3A_1565] {strides = array<i32>} : memref<29160xf32, #tpu.memory_space<vmem>>, vector<16xf32>,
      tpu.vector_store %arg11[%swap3A_1565], %add3A_1564 {strides = array<i32>} : memref<29160xf32, #tpu.memory_space<vmem>>, vector<16xf32>,
      %get3A_1567 = arith.constant 800 : index
      %get3A_1568 = tpu.vector_load %arg9[%get3A_1567] {strides = array<i32>} : memref<1440xi32, #tpu.memory_space<vmem>>, vector<16xi32>,
      %get3A_1569 = arith.constant 0 : index
      %get3A_1570 = tpu.vector_load %arg16[%get3A_1569] {strides = array<i32>} : memref<80xf32, #tpu.memory_space<vmem>>, vector<16xf32>,
      %eq3A_1571 = arith.constant 2 : i32
      %eq3A_1572 = vector.broadcast %eq3A_1571 : i32 to vector<16xi32>
      %eq3A_1573 = arith.cmpi eq, %get3A_1568, %eq3A_1572 : vector<16xi32>
      %jit3A_1574 = arith.constant 1.000000e+00 : f32
      %jit3A_1575 = arith.constant 0.000000e+00 : f32
      %broadcast_in_dim3A_1576 = vector.broadcast %jit3A_1574 : f32 to vector<16xf32>
      %broadcast_in_dim3A_1577 = vector.broadcast %jit3A_1575 : f32 to vector<16xf32>
      %select_n3A_1578 = arith.select %eq3A_1573, %broadcast_in_dim3A_1576, %broadcast_in_dim3A_1577 : vector<16xi1>, vector<16xf32>
      %eq3A_1579 = arith.constant 1 : i32
      %eq3A_1580 = vector.broadcast %eq3A_1579 : i32 to vector<16xi32>
      %eq3A_1581 = arith.cmpi eq, %get3A_1568, %eq3A_1580 : vector<16xi32>
      %broadcast_in_dim3A_1582 = arith.constant 0.000000e+00 : f32
      %broadcast_in_dim3A_1583 = vector.broadcast %broadcast_in_dim3A_1582 : f32 to vector<16xf32>
      %select_n3A_1584 = arith.select %eq3A_1581, %get3A_1570, %broadcast_in_dim3A_1583 : vector<16xi1>, vector<16xf32>
      %add3A_1585 = arith.addf %select_n3A_1578, %select_n3A_1584 : vector<16xf32>
      %swap3A_1586 = arith.constant 3240 : index
      %swap3A_1587 = tpu.vector_load %arg11[%swap3A_1586] {strides = array<i32>} : memref<29160xf32, #tpu.memory_space<vmem>>, vector<16xf32>,
      tpu.vector_store %arg11[%swap3A_1586], %add3A_1585 {strides = array<i32>} : memref<29160xf32, #tpu.memory_space<vmem>>, vector<16xf32>,
      %get3A_1588 = arith.constant 816 : index
      %get3A_1589 = tpu.vector_load %arg9[%get3A_1588] {strides = array<i32>} : memref<1440xi32, #tpu.memory_space<vmem>>, vector<16xi32>,
      %get3A_1590 = arith.constant 16 : index
      %get3A_1591 = tpu.vector_load %arg16[%get3A_1590] {strides = array<i32>} : memref<80xf32, #tpu.memory_space<vmem>>, vector<16xf32>,
      %eq3A_1592 = arith.constant 2 : i32
      %eq3A_1593 = vector.broadcast %eq3A_1592 : i32 to vector<16xi32>
      %eq3A_1594 = arith.cmpi eq, %get3A_1589, %eq3A_1593 : vector<16xi32>
      %jit3A_1595 = arith.constant 1.000000e+00 : f32
      %jit3A_1596 = arith.constant 0.000000e+00 : f32
      %broadcast_in_dim3A_1597 = vector.broadcast %jit3A_1595 : f32 to vector<16xf32>
      %broadcast_in_dim3A_1598 = vector.broadcast %jit3A_1596 : f32 to vector<16xf32>
      %select_n3A_1599 = arith.select %eq3A_1594, %broadcast_in_dim3A_1597, %broadcast_in_dim3A_1598 : vector<16xi1>, vector<16xf32>
      %eq3A_1600 = arith.constant 1 : i32
      %eq3A_1601 = vector.broadcast %eq3A_1600 : i32 to vector<16xi32>
      %eq3A_1602 = arith.cmpi eq, %get3A_1589, %eq3A_1601 : vector<16xi32>
      %broadcast_in_dim3A_1603 = arith.constant 0.000000e+00 : f32
      %broadcast_in_dim3A_1604 = vector.broadcast %broadcast_in_dim3A_1603 : f32 to vector<16xf32>
      %select_n3A_1605 = arith.select %eq3A_1602, %get3A_1591, %broadcast_in_dim3A_1604 : vector<16xi1>, vector<16xf32>
      %add3A_1606 = arith.addf %select_n3A_1599, %select_n3A_1605 : vector<16xf32>
      %swap3A_1607 = arith.constant 3256 : index
      %swap3A_1608 = tpu.vector_load %arg11[%swap3A_1607] {strides = array<i32>} : memref<29160xf32, #tpu.memory_space<vmem>>, vector<16xf32>,
      tpu.vector_store %arg11[%swap3A_1607], %add3A_1606 {strides = array<i32>} : memref<29160xf32, #tpu.memory_space<vmem>>, vector<16xf32>,
      %get3A_1609 = arith.constant 832 : index
      %get3A_1610 = tpu.vector_load %arg9[%get3A_1609] {strides = array<i32>} : memref<1440xi32, #tpu.memory_space<vmem>>, vector<16xi32>,
      %get3A_1611 = arith.constant 32 : index
      %get3A_1612 = tpu.vector_load %arg16[%get3A_1611] {strides = array<i32>} : memref<80xf32, #tpu.memory_space<vmem>>, vector<16xf32>,
      %eq3A_1613 = arith.constant 2 : i32
      %eq3A_1614 = vector.broadcast %eq3A_1613 : i32 to vector<16xi32>
      %eq3A_1615 = arith.cmpi eq, %get3A_1610, %eq3A_1614 : vector<16xi32>
      %jit3A_1616 = arith.constant 1.000000e+00 : f32
      %jit3A_1617 = arith.constant 0.000000e+00 : f32
      %broadcast_in_dim3A_1618 = vector.broadcast %jit3A_1616 : f32 to vector<16xf32>
      %broadcast_in_dim3A_1619 = vector.broadcast %jit3A_1617 : f32 to vector<16xf32>
      %select_n3A_1620 = arith.select %eq3A_1615, %broadcast_in_dim3A_1618, %broadcast_in_dim3A_1619 : vector<16xi1>, vector<16xf32>
      %eq3A_1621 = arith.constant 1 : i32
      %eq3A_1622 = vector.broadcast %eq3A_1621 : i32 to vector<16xi32>
      %eq3A_1623 = arith.cmpi eq, %get3A_1610, %eq3A_1622 : vector<16xi32>
      %broadcast_in_dim3A_1624 = arith.constant 0.000000e+00 : f32
      %broadcast_in_dim3A_1625 = vector.broadcast %broadcast_in_dim3A_1624 : f32 to vector<16xf32>
      %select_n3A_1626 = arith.select %eq3A_1623, %get3A_1612, %broadcast_in_dim3A_1625 : vector<16xi1>, vector<16xf32>
      %add3A_1627 = arith.addf %select_n3A_1620, %select_n3A_1626 : vector<16xf32>
      %swap3A_1628 = arith.constant 3272 : index
      %swap3A_1629 = tpu.vector_load %arg11[%swap3A_1628] {strides = array<i32>} : memref<29160xf32, #tpu.memory_space<vmem>>, vector<16xf32>,
      tpu.vector_store %arg11[%swap3A_1628], %add3A_1627 {strides = array<i32>} : memref<29160xf32, #tpu.memory_space<vmem>>, vector<16xf32>,
      %get3A_1630 = arith.constant 848 : index
      %get3A_1631 = tpu.vector_load %arg9[%get3A_1630] {strides = array<i32>} : memref<1440xi32, #tpu.memory_space<vmem>>, vector<16xi32>,
      %get3A_1632 = arith.constant 48 : index
      %get3A_1633 = tpu.vector_load %arg16[%get3A_1632] {strides = array<i32>} : memref<80xf32, #tpu.memory_space<vmem>>, vector<16xf32>,
      %eq3A_1634 = arith.constant 2 : i32
      %eq3A_1635 = vector.broadcast %eq3A_1634 : i32 to vector<16xi32>
      %eq3A_1636 = arith.cmpi eq, %get3A_1631, %eq3A_1635 : vector<16xi32>
      %jit3A_1637 = arith.constant 1.000000e+00 : f32
      %jit3A_1638 = arith.constant 0.000000e+00 : f32
      %broadcast_in_dim3A_1639 = vector.broadcast %jit3A_1637 : f32 to vector<16xf32>
      %broadcast_in_dim3A_1640 = vector.broadcast %jit3A_1638 : f32 to vector<16xf32>
      %select_n3A_1641 = arith.select %eq3A_1636, %broadcast_in_dim3A_1639, %broadcast_in_dim3A_1640 : vector<16xi1>, vector<16xf32>
      %eq3A_1642 = arith.constant 1 : i32
      %eq3A_1643 = vector.broadcast %eq3A_1642 : i32 to vector<16xi32>
      %eq3A_1644 = arith.cmpi eq, %get3A_1631, %eq3A_1643 : vector<16xi32>
      %broadcast_in_dim3A_1645 = arith.constant 0.000000e+00 : f32
      %broadcast_in_dim3A_1646 = vector.broadcast %broadcast_in_dim3A_1645 : f32 to vector<16xf32>
      %select_n3A_1647 = arith.select %eq3A_1644, %get3A_1633, %broadcast_in_dim3A_1646 : vector<16xi1>, vector<16xf32>
      %add3A_1648 = arith.addf %select_n3A_1641, %select_n3A_1647 : vector<16xf32>
      %swap3A_1649 = arith.constant 3288 : index
      %swap3A_1650 = tpu.vector_load %arg11[%swap3A_1649] {strides = array<i32>} : memref<29160xf32, #tpu.memory_space<vmem>>, vector<16xf32>,
      tpu.vector_store %arg11[%swap3A_1649], %add3A_1648 {strides = array<i32>} : memref<29160xf32, #tpu.memory_space<vmem>>, vector<16xf32>,
      %get3A_1651 = arith.constant 864 : index
      %get3A_1652 = tpu.vector_load %arg9[%get3A_1651] {strides = array<i32>} : memref<1440xi32, #tpu.memory_space<vmem>>, vector<16xi32>,
      %get3A_1653 = arith.constant 64 : index
      %get3A_1654 = tpu.vector_load %arg16[%get3A_1653] {strides = array<i32>} : memref<80xf32, #tpu.memory_space<vmem>>, vector<16xf32>,
      %eq3A_1655 = arith.constant 2 : i32
      %eq3A_1656 = vector.broadcast %eq3A_1655 : i32 to vector<16xi32>
      %eq3A_1657 = arith.cmpi eq, %get3A_1652, %eq3A_1656 : vector<16xi32>
      %jit3A_1658 = arith.constant 1.000000e+00 : f32
      %jit3A_1659 = arith.constant 0.000000e+00 : f32
      %broadcast_in_dim3A_1660 = vector.broadcast %jit3A_1658 : f32 to vector<16xf32>
      %broadcast_in_dim3A_1661 = vector.broadcast %jit3A_1659 : f32 to vector<16xf32>
      %select_n3A_1662 = arith.select %eq3A_1657, %broadcast_in_dim3A_1660, %broadcast_in_dim3A_1661 : vector<16xi1>, vector<16xf32>
      %eq3A_1663 = arith.constant 1 : i32
      %eq3A_1664 = vector.broadcast %eq3A_1663 : i32 to vector<16xi32>
      %eq3A_1665 = arith.cmpi eq, %get3A_1652, %eq3A_1664 : vector<16xi32>
      %broadcast_in_dim3A_1666 = arith.constant 0.000000e+00 : f32
      %broadcast_in_dim3A_1667 = vector.broadcast %broadcast_in_dim3A_1666 : f32 to vector<16xf32>
      %select_n3A_1668 = arith.select %eq3A_1665, %get3A_1654, %broadcast_in_dim3A_1667 : vector<16xi1>, vector<16xf32>
      %add3A_1669 = arith.addf %select_n3A_1662, %select_n3A_1668 : vector<16xf32>
      %swap3A_1670 = arith.constant 3304 : index
      %swap3A_1671 = tpu.vector_load %arg11[%swap3A_1670] {strides = array<i32>} : memref<29160xf32, #tpu.memory_space<vmem>>, vector<16xf32>,
      tpu.vector_store %arg11[%swap3A_1670], %add3A_1669 {strides = array<i32>} : memref<29160xf32, #tpu.memory_space<vmem>>, vector<16xf32>,
      %get3A_1672 = arith.constant 880 : index
      %get3A_1673 = tpu.vector_load %arg9[%get3A_1672] {strides = array<i32>} : memref<1440xi32, #tpu.memory_space<vmem>>, vector<16xi32>,
      %get3A_1674 = arith.constant 0 : index
      %get3A_1675 = tpu.vector_load %arg16[%get3A_1674] {strides = array<i32>} : memref<80xf32, #tpu.memory_space<vmem>>, vector<16xf32>,
      %eq3A_1676 = arith.constant 2 : i32
      %eq3A_1677 = vector.broadcast %eq3A_1676 : i32 to vector<16xi32>
      %eq3A_1678 = arith.cmpi eq, %get3A_1673, %eq3A_1677 : vector<16xi32>
      %jit3A_1679 = arith.constant 1.000000e+00 : f32
      %jit3A_1680 = arith.constant 0.000000e+00 : f32
      %broadcast_in_dim3A_1681 = vector.broadcast %jit3A_1679 : f32 to vector<16xf32>
      %broadcast_in_dim3A_1682 = vector.broadcast %jit3A_1680 : f32 to vector<16xf32>
      %select_n3A_1683 = arith.select %eq3A_1678, %broadcast_in_dim3A_1681, %broadcast_in_dim3A_1682 : vector<16xi1>, vector<16xf32>
      %eq3A_1684 = arith.constant 1 : i32
      %eq3A_1685 = vector.broadcast %eq3A_1684 : i32 to vector<16xi32>
      %eq3A_1686 = arith.cmpi eq, %get3A_1673, %eq3A_1685 : vector<16xi32>
      %broadcast_in_dim3A_1687 = arith.constant 0.000000e+00 : f32
      %broadcast_in_dim3A_1688 = vector.broadcast %broadcast_in_dim3A_1687 : f32 to vector<16xf32>
      %select_n3A_1689 = arith.select %eq3A_1686, %get3A_1675, %broadcast_in_dim3A_1688 : vector<16xi1>, vector<16xf32>
      %add3A_1690 = arith.addf %select_n3A_1683, %select_n3A_1689 : vector<16xf32>
      %swap3A_1691 = arith.constant 6480 : index
      %swap3A_1692 = tpu.vector_load %arg11[%swap3A_1691] {strides = array<i32>} : memref<29160xf32, #tpu.memory_space<vmem>>, vector<16xf32>,
      tpu.vector_store %arg11[%swap3A_1691], %add3A_1690 {strides = array<i32>} : memref<29160xf32, #tpu.memory_space<vmem>>, vector<16xf32>,
      %get3A_1693 = arith.constant 896 : index
      %get3A_1694 = tpu.vector_load %arg9[%get3A_1693] {strides = array<i32>} : memref<1440xi32, #tpu.memory_space<vmem>>, vector<16xi32>,
      %get3A_1695 = arith.constant 16 : index
      %get3A_1696 = tpu.vector_load %arg16[%get3A_1695] {strides = array<i32>} : memref<80xf32, #tpu.memory_space<vmem>>, vector<16xf32>,
      %eq3A_1697 = arith.constant 2 : i32
      %eq3A_1698 = vector.broadcast %eq3A_1697 : i32 to vector<16xi32>
      %eq3A_1699 = arith.cmpi eq, %get3A_1694, %eq3A_1698 : vector<16xi32>
      %jit3A_1700 = arith.constant 1.000000e+00 : f32
      %jit3A_1701 = arith.constant 0.000000e+00 : f32
      %broadcast_in_dim3A_1702 = vector.broadcast %jit3A_1700 : f32 to vector<16xf32>
      %broadcast_in_dim3A_1703 = vector.broadcast %jit3A_1701 : f32 to vector<16xf32>
      %select_n3A_1704 = arith.select %eq3A_1699, %broadcast_in_dim3A_1702, %broadcast_in_dim3A_1703 : vector<16xi1>, vector<16xf32>
      %eq3A_1705 = arith.constant 1 : i32
      %eq3A_1706 = vector.broadcast %eq3A_1705 : i32 to vector<16xi32>
      %eq3A_1707 = arith.cmpi eq, %get3A_1694, %eq3A_1706 : vector<16xi32>
      %broadcast_in_dim3A_1708 = arith.constant 0.000000e+00 : f32
      %broadcast_in_dim3A_1709 = vector.broadcast %broadcast_in_dim3A_1708 : f32 to vector<16xf32>
      %select_n3A_1710 = arith.select %eq3A_1707, %get3A_1696, %broadcast_in_dim3A_1709 : vector<16xi1>, vector<16xf32>
      %add3A_1711 = arith.addf %select_n3A_1704, %select_n3A_1710 : vector<16xf32>
      %swap3A_1712 = arith.constant 6496 : index
      %swap3A_1713 = tpu.vector_load %arg11[%swap3A_1712] {strides = array<i32>} : memref<29160xf32, #tpu.memory_space<vmem>>, vector<16xf32>,
      tpu.vector_store %arg11[%swap3A_1712], %add3A_1711 {strides = array<i32>} : memref<29160xf32, #tpu.memory_space<vmem>>, vector<16xf32>,
      %get3A_1714 = arith.constant 912 : index
      %get3A_1715 = tpu.vector_load %arg9[%get3A_1714] {strides = array<i32>} : memref<1440xi32, #tpu.memory_space<vmem>>, vector<16xi32>,
      %get3A_1716 = arith.constant 32 : index
      %get3A_1717 = tpu.vector_load %arg16[%get3A_1716] {strides = array<i32>} : memref<80xf32, #tpu.memory_space<vmem>>, vector<16xf32>,
      %eq3A_1718 = arith.constant 2 : i32
      %eq3A_1719 = vector.broadcast %eq3A_1718 : i32 to vector<16xi32>
      %eq3A_1720 = arith.cmpi eq, %get3A_1715, %eq3A_1719 : vector<16xi32>
      %jit3A_1721 = arith.constant 1.000000e+00 : f32
      %jit3A_1722 = arith.constant 0.000000e+00 : f32
      %broadcast_in_dim3A_1723 = vector.broadcast %jit3A_1721 : f32 to vector<16xf32>
      %broadcast_in_dim3A_1724 = vector.broadcast %jit3A_1722 : f32 to vector<16xf32>
      %select_n3A_1725 = arith.select %eq3A_1720, %broadcast_in_dim3A_1723, %broadcast_in_dim3A_1724 : vector<16xi1>, vector<16xf32>
      %eq3A_1726 = arith.constant 1 : i32
      %eq3A_1727 = vector.broadcast %eq3A_1726 : i32 to vector<16xi32>
      %eq3A_1728 = arith.cmpi eq, %get3A_1715, %eq3A_1727 : vector<16xi32>
      %broadcast_in_dim3A_1729 = arith.constant 0.000000e+00 : f32
      %broadcast_in_dim3A_1730 = vector.broadcast %broadcast_in_dim3A_1729 : f32 to vector<16xf32>
      %select_n3A_1731 = arith.select %eq3A_1728, %get3A_1717, %broadcast_in_dim3A_1730 : vector<16xi1>, vector<16xf32>
      %add3A_1732 = arith.addf %select_n3A_1725, %select_n3A_1731 : vector<16xf32>
      %swap3A_1733 = arith.constant 6512 : index
      %swap3A_1734 = tpu.vector_load %arg11[%swap3A_1733] {strides = array<i32>} : memref<29160xf32, #tpu.memory_space<vmem>>, vector<16xf32>,
      tpu.vector_store %arg11[%swap3A_1733], %add3A_1732 {strides = array<i32>} : memref<29160xf32, #tpu.memory_space<vmem>>, vector<16xf32>,
      %get3A_1735 = arith.constant 928 : index
      %get3A_1736 = tpu.vector_load %arg9[%get3A_1735] {strides = array<i32>} : memref<1440xi32, #tpu.memory_space<vmem>>, vector<16xi32>,
      %get3A_1737 = arith.constant 48 : index
      %get3A_1738 = tpu.vector_load %arg16[%get3A_1737] {strides = array<i32>} : memref<80xf32, #tpu.memory_space<vmem>>, vector<16xf32>,
      %eq3A_1739 = arith.constant 2 : i32
      %eq3A_1740 = vector.broadcast %eq3A_1739 : i32 to vector<16xi32>
      %eq3A_1741 = arith.cmpi eq, %get3A_1736, %eq3A_1740 : vector<16xi32>
      %jit3A_1742 = arith.constant 1.000000e+00 : f32
      %jit3A_1743 = arith.constant 0.000000e+00 : f32
      %broadcast_in_dim3A_1744 = vector.broadcast %jit3A_1742 : f32 to vector<16xf32>
      %broadcast_in_dim3A_1745 = vector.broadcast %jit3A_1743 : f32 to vector<16xf32>
      %select_n3A_1746 = arith.select %eq3A_1741, %broadcast_in_dim3A_1744, %broadcast_in_dim3A_1745 : vector<16xi1>, vector<16xf32>
      %eq3A_1747 = arith.constant 1 : i32
      %eq3A_1748 = vector.broadcast %eq3A_1747 : i32 to vector<16xi32>
      %eq3A_1749 = arith.cmpi eq, %get3A_1736, %eq3A_1748 : vector<16xi32>
      %broadcast_in_dim3A_1750 = arith.constant 0.000000e+00 : f32
      %broadcast_in_dim3A_1751 = vector.broadcast %broadcast_in_dim3A_1750 : f32 to vector<16xf32>
      %select_n3A_1752 = arith.select %eq3A_1749, %get3A_1738, %broadcast_in_dim3A_1751 : vector<16xi1>, vector<16xf32>
      %add3A_1753 = arith.addf %select_n3A_1746, %select_n3A_1752 : vector<16xf32>
      %swap3A_1754 = arith.constant 6528 : index
      %swap3A_1755 = tpu.vector_load %arg11[%swap3A_1754] {strides = array<i32>} : memref<29160xf32, #tpu.memory_space<vmem>>, vector<16xf32>,
      tpu.vector_store %arg11[%swap3A_1754], %add3A_1753 {strides = array<i32>} : memref<29160xf32, #tpu.memory_space<vmem>>, vector<16xf32>,
      %get3A_1756 = arith.constant 944 : index
      %get3A_1757 = tpu.vector_load %arg9[%get3A_1756] {strides = array<i32>} : memref<1440xi32, #tpu.memory_space<vmem>>, vector<16xi32>,
      %get3A_1758 = arith.constant 64 : index
      %get3A_1759 = tpu.vector_load %arg16[%get3A_1758] {strides = array<i32>} : memref<80xf32, #tpu.memory_space<vmem>>, vector<16xf32>,
      %eq3A_1760 = arith.constant 2 : i32
      %eq3A_1761 = vector.broadcast %eq3A_1760 : i32 to vector<16xi32>
      %eq3A_1762 = arith.cmpi eq, %get3A_1757, %eq3A_1761 : vector<16xi32>
      %jit3A_1763 = arith.constant 1.000000e+00 : f32
      %jit3A_1764 = arith.constant 0.000000e+00 : f32
      %broadcast_in_dim3A_1765 = vector.broadcast %jit3A_1763 : f32 to vector<16xf32>
      %broadcast_in_dim3A_1766 = vector.broadcast %jit3A_1764 : f32 to vector<16xf32>
      %select_n3A_1767 = arith.select %eq3A_1762, %broadcast_in_dim3A_1765, %broadcast_in_dim3A_1766 : vector<16xi1>, vector<16xf32>
      %eq3A_1768 = arith.constant 1 : i32
      %eq3A_1769 = vector.broadcast %eq3A_1768 : i32 to vector<16xi32>
      %eq3A_1770 = arith.cmpi eq, %get3A_1757, %eq3A_1769 : vector<16xi32>
      %broadcast_in_dim3A_1771 = arith.constant 0.000000e+00 : f32
      %broadcast_in_dim3A_1772 = vector.broadcast %broadcast_in_dim3A_1771 : f32 to vector<16xf32>
      %select_n3A_1773 = arith.select %eq3A_1770, %get3A_1759, %broadcast_in_dim3A_1772 : vector<16xi1>, vector<16xf32>
      %add3A_1774 = arith.addf %select_n3A_1767, %select_n3A_1773 : vector<16xf32>
      %swap3A_1775 = arith.constant 6544 : index
      %swap3A_1776 = tpu.vector_load %arg11[%swap3A_1775] {strides = array<i32>} : memref<29160xf32, #tpu.memory_space<vmem>>, vector<16xf32>,
      tpu.vector_store %arg11[%swap3A_1775], %add3A_1774 {strides = array<i32>} : memref<29160xf32, #tpu.memory_space<vmem>>, vector<16xf32>,
      %get3A_1777 = arith.constant 960 : index
      %get3A_1778 = tpu.vector_load %arg9[%get3A_1777] {strides = array<i32>} : memref<1440xi32, #tpu.memory_space<vmem>>, vector<16xi32>,
      %get3A_1779 = arith.constant 0 : index
      %get3A_1780 = tpu.vector_load %arg16[%get3A_1779] {strides = array<i32>} : memref<80xf32, #tpu.memory_space<vmem>>, vector<16xf32>,
      %eq3A_1781 = arith.constant 2 : i32
      %eq3A_1782 = vector.broadcast %eq3A_1781 : i32 to vector<16xi32>
      %eq3A_1783 = arith.cmpi eq, %get3A_1778, %eq3A_1782 : vector<16xi32>
      %jit3A_1784 = arith.constant 1.000000e+00 : f32
      %jit3A_1785 = arith.constant 0.000000e+00 : f32
      %broadcast_in_dim3A_1786 = vector.broadcast %jit3A_1784 : f32 to vector<16xf32>
      %broadcast_in_dim3A_1787 = vector.broadcast %jit3A_1785 : f32 to vector<16xf32>
      %select_n3A_1788 = arith.select %eq3A_1783, %broadcast_in_dim3A_1786, %broadcast_in_dim3A_1787 : vector<16xi1>, vector<16xf32>
      %eq3A_1789 = arith.constant 1 : i32
      %eq3A_1790 = vector.broadcast %eq3A_1789 : i32 to vector<16xi32>
      %eq3A_1791 = arith.cmpi eq, %get3A_1778, %eq3A_1790 : vector<16xi32>
      %broadcast_in_dim3A_1792 = arith.constant 0.000000e+00 : f32
      %broadcast_in_dim3A_1793 = vector.broadcast %broadcast_in_dim3A_1792 : f32 to vector<16xf32>
      %select_n3A_1794 = arith.select %eq3A_1791, %get3A_1780, %broadcast_in_dim3A_1793 : vector<16xi1>, vector<16xf32>
      %add3A_1795 = arith.addf %select_n3A_1788, %select_n3A_1794 : vector<16xf32>
      %swap3A_1796 = arith.constant 9720 : index
      %swap3A_1797 = tpu.vector_load %arg11[%swap3A_1796] {strides = array<i32>} : memref<29160xf32, #tpu.memory_space<vmem>>, vector<16xf32>,
      tpu.vector_store %arg11[%swap3A_1796], %add3A_1795 {strides = array<i32>} : memref<29160xf32, #tpu.memory_space<vmem>>, vector<16xf32>,
      %get3A_1798 = arith.constant 976 : index
      %get3A_1799 = tpu.vector_load %arg9[%get3A_1798] {strides = array<i32>} : memref<1440xi32, #tpu.memory_space<vmem>>, vector<16xi32>,
      %get3A_1800 = arith.constant 16 : index
      %get3A_1801 = tpu.vector_load %arg16[%get3A_1800] {strides = array<i32>} : memref<80xf32, #tpu.memory_space<vmem>>, vector<16xf32>,
      %eq3A_1802 = arith.constant 2 : i32
      %eq3A_1803 = vector.broadcast %eq3A_1802 : i32 to vector<16xi32>
      %eq3A_1804 = arith.cmpi eq, %get3A_1799, %eq3A_1803 : vector<16xi32>
      %jit3A_1805 = arith.constant 1.000000e+00 : f32
      %jit3A_1806 = arith.constant 0.000000e+00 : f32
      %broadcast_in_dim3A_1807 = vector.broadcast %jit3A_1805 : f32 to vector<16xf32>
      %broadcast_in_dim3A_1808 = vector.broadcast %jit3A_1806 : f32 to vector<16xf32>
      %select_n3A_1809 = arith.select %eq3A_1804, %broadcast_in_dim3A_1807, %broadcast_in_dim3A_1808 : vector<16xi1>, vector<16xf32>
      %eq3A_1810 = arith.constant 1 : i32
      %eq3A_1811 = vector.broadcast %eq3A_1810 : i32 to vector<16xi32>
      %eq3A_1812 = arith.cmpi eq, %get3A_1799, %eq3A_1811 : vector<16xi32>
      %broadcast_in_dim3A_1813 = arith.constant 0.000000e+00 : f32
      %broadcast_in_dim3A_1814 = vector.broadcast %broadcast_in_dim3A_1813 : f32 to vector<16xf32>
      %select_n3A_1815 = arith.select %eq3A_1812, %get3A_1801, %broadcast_in_dim3A_1814 : vector<16xi1>, vector<16xf32>
      %add3A_1816 = arith.addf %select_n3A_1809, %select_n3A_1815 : vector<16xf32>
      %swap3A_1817 = arith.constant 9736 : index
      %swap3A_1818 = tpu.vector_load %arg11[%swap3A_1817] {strides = array<i32>} : memref<29160xf32, #tpu.memory_space<vmem>>, vector<16xf32>,
      tpu.vector_store %arg11[%swap3A_1817], %add3A_1816 {strides = array<i32>} : memref<29160xf32, #tpu.memory_space<vmem>>, vector<16xf32>,
      %get3A_1819 = arith.constant 992 : index
      %get3A_1820 = tpu.vector_load %arg9[%get3A_1819] {strides = array<i32>} : memref<1440xi32, #tpu.memory_space<vmem>>, vector<16xi32>,
      %get3A_1821 = arith.constant 32 : index
      %get3A_1822 = tpu.vector_load %arg16[%get3A_1821] {strides = array<i32>} : memref<80xf32, #tpu.memory_space<vmem>>, vector<16xf32>,
      %eq3A_1823 = arith.constant 2 : i32
      %eq3A_1824 = vector.broadcast %eq3A_1823 : i32 to vector<16xi32>
      %eq3A_1825 = arith.cmpi eq, %get3A_1820, %eq3A_1824 : vector<16xi32>
      %jit3A_1826 = arith.constant 1.000000e+00 : f32
      %jit3A_1827 = arith.constant 0.000000e+00 : f32
      %broadcast_in_dim3A_1828 = vector.broadcast %jit3A_1826 : f32 to vector<16xf32>
      %broadcast_in_dim3A_1829 = vector.broadcast %jit3A_1827 : f32 to vector<16xf32>
      %select_n3A_1830 = arith.select %eq3A_1825, %broadcast_in_dim3A_1828, %broadcast_in_dim3A_1829 : vector<16xi1>, vector<16xf32>
      %eq3A_1831 = arith.constant 1 : i32
      %eq3A_1832 = vector.broadcast %eq3A_1831 : i32 to vector<16xi32>
      %eq3A_1833 = arith.cmpi eq, %get3A_1820, %eq3A_1832 : vector<16xi32>
      %broadcast_in_dim3A_1834 = arith.constant 0.000000e+00 : f32
      %broadcast_in_dim3A_1835 = vector.broadcast %broadcast_in_dim3A_1834 : f32 to vector<16xf32>
      %select_n3A_1836 = arith.select %eq3A_1833, %get3A_1822, %broadcast_in_dim3A_1835 : vector<16xi1>, vector<16xf32>
      %add3A_1837 = arith.addf %select_n3A_1830, %select_n3A_1836 : vector<16xf32>
      %swap3A_1838 = arith.constant 9752 : index
      %swap3A_1839 = tpu.vector_load %arg11[%swap3A_1838] {strides = array<i32>} : memref<29160xf32, #tpu.memory_space<vmem>>, vector<16xf32>,
      tpu.vector_store %arg11[%swap3A_1838], %add3A_1837 {strides = array<i32>} : memref<29160xf32, #tpu.memory_space<vmem>>, vector<16xf32>,
      %get3A_1840 = arith.constant 1008 : index
      %get3A_1841 = tpu.vector_load %arg9[%get3A_1840] {strides = array<i32>} : memref<1440xi32, #tpu.memory_space<vmem>>, vector<16xi32>,
      %get3A_1842 = arith.constant 48 : index
      %get3A_1843 = tpu.vector_load %arg16[%get3A_1842] {strides = array<i32>} : memref<80xf32, #tpu.memory_space<vmem>>, vector<16xf32>,
      %eq3A_1844 = arith.constant 2 : i32
      %eq3A_1845 = vector.broadcast %eq3A_1844 : i32 to vector<16xi32>
      %eq3A_1846 = arith.cmpi eq, %get3A_1841, %eq3A_1845 : vector<16xi32>
      %jit3A_1847 = arith.constant 1.000000e+00 : f32
      %jit3A_1848 = arith.constant 0.000000e+00 : f32
      %broadcast_in_dim3A_1849 = vector.broadcast %jit3A_1847 : f32 to vector<16xf32>
      %broadcast_in_dim3A_1850 = vector.broadcast %jit3A_1848 : f32 to vector<16xf32>
      %select_n3A_1851 = arith.select %eq3A_1846, %broadcast_in_dim3A_1849, %broadcast_in_dim3A_1850 : vector<16xi1>, vector<16xf32>
      %eq3A_1852 = arith.constant 1 : i32
      %eq3A_1853 = vector.broadcast %eq3A_1852 : i32 to vector<16xi32>
      %eq3A_1854 = arith.cmpi eq, %get3A_1841, %eq3A_1853 : vector<16xi32>
      %broadcast_in_dim3A_1855 = arith.constant 0.000000e+00 : f32
      %broadcast_in_dim3A_1856 = vector.broadcast %broadcast_in_dim3A_1855 : f32 to vector<16xf32>
      %select_n3A_1857 = arith.select %eq3A_1854, %get3A_1843, %broadcast_in_dim3A_1856 : vector<16xi1>, vector<16xf32>
      %add3A_1858 = arith.addf %select_n3A_1851, %select_n3A_1857 : vector<16xf32>
      %swap3A_1859 = arith.constant 9768 : index
      %swap3A_1860 = tpu.vector_load %arg11[%swap3A_1859] {strides = array<i32>} : memref<29160xf32, #tpu.memory_space<vmem>>, vector<16xf32>,
      tpu.vector_store %arg11[%swap3A_1859], %add3A_1858 {strides = array<i32>} : memref<29160xf32, #tpu.memory_space<vmem>>, vector<16xf32>,
      %get3A_1861 = arith.constant 1024 : index
      %get3A_1862 = tpu.vector_load %arg9[%get3A_1861] {strides = array<i32>} : memref<1440xi32, #tpu.memory_space<vmem>>, vector<16xi32>,
      %get3A_1863 = arith.constant 64 : index
      %get3A_1864 = tpu.vector_load %arg16[%get3A_1863] {strides = array<i32>} : memref<80xf32, #tpu.memory_space<vmem>>, vector<16xf32>,
      %eq3A_1865 = arith.constant 2 : i32
      %eq3A_1866 = vector.broadcast %eq3A_1865 : i32 to vector<16xi32>
      %eq3A_1867 = arith.cmpi eq, %get3A_1862, %eq3A_1866 : vector<16xi32>
      %jit3A_1868 = arith.constant 1.000000e+00 : f32
      %jit3A_1869 = arith.constant 0.000000e+00 : f32
      %broadcast_in_dim3A_1870 = vector.broadcast %jit3A_1868 : f32 to vector<16xf32>
      %broadcast_in_dim3A_1871 = vector.broadcast %jit3A_1869 : f32 to vector<16xf32>
      %select_n3A_1872 = arith.select %eq3A_1867, %broadcast_in_dim3A_1870, %broadcast_in_dim3A_1871 : vector<16xi1>, vector<16xf32>
      %eq3A_1873 = arith.constant 1 : i32
      %eq3A_1874 = vector.broadcast %eq3A_1873 : i32 to vector<16xi32>
      %eq3A_1875 = arith.cmpi eq, %get3A_1862, %eq3A_1874 : vector<16xi32>
      %broadcast_in_dim3A_1876 = arith.constant 0.000000e+00 : f32
      %broadcast_in_dim3A_1877 = vector.broadcast %broadcast_in_dim3A_1876 : f32 to vector<16xf32>
      %select_n3A_1878 = arith.select %eq3A_1875, %get3A_1864, %broadcast_in_dim3A_1877 : vector<16xi1>, vector<16xf32>
      %add3A_1879 = arith.addf %select_n3A_1872, %select_n3A_1878 : vector<16xf32>
      %swap3A_1880 = arith.constant 9784 : index
      %swap3A_1881 = tpu.vector_load %arg11[%swap3A_1880] {strides = array<i32>} : memref<29160xf32, #tpu.memory_space<vmem>>, vector<16xf32>,
      tpu.vector_store %arg11[%swap3A_1880], %add3A_1879 {strides = array<i32>} : memref<29160xf32, #tpu.memory_space<vmem>>, vector<16xf32>,
      %get3A_1882 = arith.constant 1040 : index
      %get3A_1883 = tpu.vector_load %arg9[%get3A_1882] {strides = array<i32>} : memref<1440xi32, #tpu.memory_space<vmem>>, vector<16xi32>,
      %get3A_1884 = arith.constant 0 : index
      %get3A_1885 = tpu.vector_load %arg16[%get3A_1884] {strides = array<i32>} : memref<80xf32, #tpu.memory_space<vmem>>, vector<16xf32>,
      %eq3A_1886 = arith.constant 2 : i32
      %eq3A_1887 = vector.broadcast %eq3A_1886 : i32 to vector<16xi32>
      %eq3A_1888 = arith.cmpi eq, %get3A_1883, %eq3A_1887 : vector<16xi32>
      %jit3A_1889 = arith.constant 1.000000e+00 : f32
      %jit3A_1890 = arith.constant 0.000000e+00 : f32
      %broadcast_in_dim3A_1891 = vector.broadcast %jit3A_1889 : f32 to vector<16xf32>
      %broadcast_in_dim3A_1892 = vector.broadcast %jit3A_1890 : f32 to vector<16xf32>
      %select_n3A_1893 = arith.select %eq3A_1888, %broadcast_in_dim3A_1891, %broadcast_in_dim3A_1892 : vector<16xi1>, vector<16xf32>
      %eq3A_1894 = arith.constant 1 : i32
      %eq3A_1895 = vector.broadcast %eq3A_1894 : i32 to vector<16xi32>
      %eq3A_1896 = arith.cmpi eq, %get3A_1883, %eq3A_1895 : vector<16xi32>
      %broadcast_in_dim3A_1897 = arith.constant 0.000000e+00 : f32
      %broadcast_in_dim3A_1898 = vector.broadcast %broadcast_in_dim3A_1897 : f32 to vector<16xf32>
      %select_n3A_1899 = arith.select %eq3A_1896, %get3A_1885, %broadcast_in_dim3A_1898 : vector<16xi1>, vector<16xf32>
      %add3A_1900 = arith.addf %select_n3A_1893, %select_n3A_1899 : vector<16xf32>
      %swap3A_1901 = arith.constant 12960 : index
      %swap3A_1902 = tpu.vector_load %arg11[%swap3A_1901] {strides = array<i32>} : memref<29160xf32, #tpu.memory_space<vmem>>, vector<16xf32>,
      tpu.vector_store %arg11[%swap3A_1901], %add3A_1900 {strides = array<i32>} : memref<29160xf32, #tpu.memory_space<vmem>>, vector<16xf32>,
      %get3A_1903 = arith.constant 1056 : index
      %get3A_1904 = tpu.vector_load %arg9[%get3A_1903] {strides = array<i32>} : memref<1440xi32, #tpu.memory_space<vmem>>, vector<16xi32>,
      %get3A_1905 = arith.constant 16 : index
      %get3A_1906 = tpu.vector_load %arg16[%get3A_1905] {strides = array<i32>} : memref<80xf32, #tpu.memory_space<vmem>>, vector<16xf32>,
      %eq3A_1907 = arith.constant 2 : i32
      %eq3A_1908 = vector.broadcast %eq3A_1907 : i32 to vector<16xi32>
      %eq3A_1909 = arith.cmpi eq, %get3A_1904, %eq3A_1908 : vector<16xi32>
      %jit3A_1910 = arith.constant 1.000000e+00 : f32
      %jit3A_1911 = arith.constant 0.000000e+00 : f32
      %broadcast_in_dim3A_1912 = vector.broadcast %jit3A_1910 : f32 to vector<16xf32>
      %broadcast_in_dim3A_1913 = vector.broadcast %jit3A_1911 : f32 to vector<16xf32>
      %select_n3A_1914 = arith.select %eq3A_1909, %broadcast_in_dim3A_1912, %broadcast_in_dim3A_1913 : vector<16xi1>, vector<16xf32>
      %eq3A_1915 = arith.constant 1 : i32
      %eq3A_1916 = vector.broadcast %eq3A_1915 : i32 to vector<16xi32>
      %eq3A_1917 = arith.cmpi eq, %get3A_1904, %eq3A_1916 : vector<16xi32>
      %broadcast_in_dim3A_1918 = arith.constant 0.000000e+00 : f32
      %broadcast_in_dim3A_1919 = vector.broadcast %broadcast_in_dim3A_1918 : f32 to vector<16xf32>
      %select_n3A_1920 = arith.select %eq3A_1917, %get3A_1906, %broadcast_in_dim3A_1919 : vector<16xi1>, vector<16xf32>
      %add3A_1921 = arith.addf %select_n3A_1914, %select_n3A_1920 : vector<16xf32>
      %swap3A_1922 = arith.constant 12976 : index
      %swap3A_1923 = tpu.vector_load %arg11[%swap3A_1922] {strides = array<i32>} : memref<29160xf32, #tpu.memory_space<vmem>>, vector<16xf32>,
      tpu.vector_store %arg11[%swap3A_1922], %add3A_1921 {strides = array<i32>} : memref<29160xf32, #tpu.memory_space<vmem>>, vector<16xf32>,
      %get3A_1924 = arith.constant 1072 : index
      %get3A_1925 = tpu.vector_load %arg9[%get3A_1924] {strides = array<i32>} : memref<1440xi32, #tpu.memory_space<vmem>>, vector<16xi32>,
      %get3A_1926 = arith.constant 32 : index
      %get3A_1927 = tpu.vector_load %arg16[%get3A_1926] {strides = array<i32>} : memref<80xf32, #tpu.memory_space<vmem>>, vector<16xf32>,
      %eq3A_1928 = arith.constant 2 : i32
      %eq3A_1929 = vector.broadcast %eq3A_1928 : i32 to vector<16xi32>
      %eq3A_1930 = arith.cmpi eq, %get3A_1925, %eq3A_1929 : vector<16xi32>
      %jit3A_1931 = arith.constant 1.000000e+00 : f32
      %jit3A_1932 = arith.constant 0.000000e+00 : f32
      %broadcast_in_dim3A_1933 = vector.broadcast %jit3A_1931 : f32 to vector<16xf32>
      %broadcast_in_dim3A_1934 = vector.broadcast %jit3A_1932 : f32 to vector<16xf32>
      %select_n3A_1935 = arith.select %eq3A_1930, %broadcast_in_dim3A_1933, %broadcast_in_dim3A_1934 : vector<16xi1>, vector<16xf32>
      %eq3A_1936 = arith.constant 1 : i32
      %eq3A_1937 = vector.broadcast %eq3A_1936 : i32 to vector<16xi32>
      %eq3A_1938 = arith.cmpi eq, %get3A_1925, %eq3A_1937 : vector<16xi32>
      %broadcast_in_dim3A_1939 = arith.constant 0.000000e+00 : f32
      %broadcast_in_dim3A_1940 = vector.broadcast %broadcast_in_dim3A_1939 : f32 to vector<16xf32>
      %select_n3A_1941 = arith.select %eq3A_1938, %get3A_1927, %broadcast_in_dim3A_1940 : vector<16xi1>, vector<16xf32>
      %add3A_1942 = arith.addf %select_n3A_1935, %select_n3A_1941 : vector<16xf32>
      %swap3A_1943 = arith.constant 12992 : index
      %swap3A_1944 = tpu.vector_load %arg11[%swap3A_1943] {strides = array<i32>} : memref<29160xf32, #tpu.memory_space<vmem>>, vector<16xf32>,
      tpu.vector_store %arg11[%swap3A_1943], %add3A_1942 {strides = array<i32>} : memref<29160xf32, #tpu.memory_space<vmem>>, vector<16xf32>,
      %get3A_1945 = arith.constant 1088 : index
      %get3A_1946 = tpu.vector_load %arg9[%get3A_1945] {strides = array<i32>} : memref<1440xi32, #tpu.memory_space<vmem>>, vector<16xi32>,
      %get3A_1947 = arith.constant 48 : index
      %get3A_1948 = tpu.vector_load %arg16[%get3A_1947] {strides = array<i32>} : memref<80xf32, #tpu.memory_space<vmem>>, vector<16xf32>,
      %eq3A_1949 = arith.constant 2 : i32
      %eq3A_1950 = vector.broadcast %eq3A_1949 : i32 to vector<16xi32>
      %eq3A_1951 = arith.cmpi eq, %get3A_1946, %eq3A_1950 : vector<16xi32>
      %jit3A_1952 = arith.constant 1.000000e+00 : f32
      %jit3A_1953 = arith.constant 0.000000e+00 : f32
      %broadcast_in_dim3A_1954 = vector.broadcast %jit3A_1952 : f32 to vector<16xf32>
      %broadcast_in_dim3A_1955 = vector.broadcast %jit3A_1953 : f32 to vector<16xf32>
      %select_n3A_1956 = arith.select %eq3A_1951, %broadcast_in_dim3A_1954, %broadcast_in_dim3A_1955 : vector<16xi1>, vector<16xf32>
      %eq3A_1957 = arith.constant 1 : i32
      %eq3A_1958 = vector.broadcast %eq3A_1957 : i32 to vector<16xi32>
      %eq3A_1959 = arith.cmpi eq, %get3A_1946, %eq3A_1958 : vector<16xi32>
      %broadcast_in_dim3A_1960 = arith.constant 0.000000e+00 : f32
      %broadcast_in_dim3A_1961 = vector.broadcast %broadcast_in_dim3A_1960 : f32 to vector<16xf32>
      %select_n3A_1962 = arith.select %eq3A_1959, %get3A_1948, %broadcast_in_dim3A_1961 : vector<16xi1>, vector<16xf32>
      %add3A_1963 = arith.addf %select_n3A_1956, %select_n3A_1962 : vector<16xf32>
      %swap3A_1964 = arith.constant 13008 : index
      %swap3A_1965 = tpu.vector_load %arg11[%swap3A_1964] {strides = array<i32>} : memref<29160xf32, #tpu.memory_space<vmem>>, vector<16xf32>,
      tpu.vector_store %arg11[%swap3A_1964], %add3A_1963 {strides = array<i32>} : memref<29160xf32, #tpu.memory_space<vmem>>, vector<16xf32>,
      %get3A_1966 = arith.constant 1104 : index
      %get3A_1967 = tpu.vector_load %arg9[%get3A_1966] {strides = array<i32>} : memref<1440xi32, #tpu.memory_space<vmem>>, vector<16xi32>,
      %get3A_1968 = arith.constant 64 : index
      %get3A_1969 = tpu.vector_load %arg16[%get3A_1968] {strides = array<i32>} : memref<80xf32, #tpu.memory_space<vmem>>, vector<16xf32>,
      %eq3A_1970 = arith.constant 2 : i32
      %eq3A_1971 = vector.broadcast %eq3A_1970 : i32 to vector<16xi32>
      %eq3A_1972 = arith.cmpi eq, %get3A_1967, %eq3A_1971 : vector<16xi32>
      %jit3A_1973 = arith.constant 1.000000e+00 : f32
      %jit3A_1974 = arith.constant 0.000000e+00 : f32
      %broadcast_in_dim3A_1975 = vector.broadcast %jit3A_1973 : f32 to vector<16xf32>
      %broadcast_in_dim3A_1976 = vector.broadcast %jit3A_1974 : f32 to vector<16xf32>
      %select_n3A_1977 = arith.select %eq3A_1972, %broadcast_in_dim3A_1975, %broadcast_in_dim3A_1976 : vector<16xi1>, vector<16xf32>
      %eq3A_1978 = arith.constant 1 : i32
      %eq3A_1979 = vector.broadcast %eq3A_1978 : i32 to vector<16xi32>
      %eq3A_1980 = arith.cmpi eq, %get3A_1967, %eq3A_1979 : vector<16xi32>
      %broadcast_in_dim3A_1981 = arith.constant 0.000000e+00 : f32
      %broadcast_in_dim3A_1982 = vector.broadcast %broadcast_in_dim3A_1981 : f32 to vector<16xf32>
      %select_n3A_1983 = arith.select %eq3A_1980, %get3A_1969, %broadcast_in_dim3A_1982 : vector<16xi1>, vector<16xf32>
      %add3A_1984 = arith.addf %select_n3A_1977, %select_n3A_1983 : vector<16xf32>
      %swap3A_1985 = arith.constant 13024 : index
      %swap3A_1986 = tpu.vector_load %arg11[%swap3A_1985] {strides = array<i32>} : memref<29160xf32, #tpu.memory_space<vmem>>, vector<16xf32>,
      tpu.vector_store %arg11[%swap3A_1985], %add3A_1984 {strides = array<i32>} : memref<29160xf32, #tpu.memory_space<vmem>>, vector<16xf32>,
      %get3A_1987 = arith.constant 1120 : index
      %get3A_1988 = tpu.vector_load %arg9[%get3A_1987] {strides = array<i32>} : memref<1440xi32, #tpu.memory_space<vmem>>, vector<16xi32>,
      %get3A_1989 = arith.constant 0 : index
      %get3A_1990 = tpu.vector_load %arg16[%get3A_1989] {strides = array<i32>} : memref<80xf32, #tpu.memory_space<vmem>>, vector<16xf32>,
      %eq3A_1991 = arith.constant 2 : i32
      %eq3A_1992 = vector.broadcast %eq3A_1991 : i32 to vector<16xi32>
      %eq3A_1993 = arith.cmpi eq, %get3A_1988, %eq3A_1992 : vector<16xi32>
      %jit3A_1994 = arith.constant 1.000000e+00 : f32
      %jit3A_1995 = arith.constant 0.000000e+00 : f32
      %broadcast_in_dim3A_1996 = vector.broadcast %jit3A_1994 : f32 to vector<16xf32>
      %broadcast_in_dim3A_1997 = vector.broadcast %jit3A_1995 : f32 to vector<16xf32>
      %select_n3A_1998 = arith.select %eq3A_1993, %broadcast_in_dim3A_1996, %broadcast_in_dim3A_1997 : vector<16xi1>, vector<16xf32>
      %eq3A_1999 = arith.constant 1 : i32
      %eq3A_2000 = vector.broadcast %eq3A_1999 : i32 to vector<16xi32>
      %eq3A_2001 = arith.cmpi eq, %get3A_1988, %eq3A_2000 : vector<16xi32>
      %broadcast_in_dim3A_2002 = arith.constant 0.000000e+00 : f32
      %broadcast_in_dim3A_2003 = vector.broadcast %broadcast_in_dim3A_2002 : f32 to vector<16xf32>
      %select_n3A_2004 = arith.select %eq3A_2001, %get3A_1990, %broadcast_in_dim3A_2003 : vector<16xi1>, vector<16xf32>
      %add3A_2005 = arith.addf %select_n3A_1998, %select_n3A_2004 : vector<16xf32>
      %swap3A_2006 = arith.constant 16200 : index
      %swap3A_2007 = tpu.vector_load %arg11[%swap3A_2006] {strides = array<i32>} : memref<29160xf32, #tpu.memory_space<vmem>>, vector<16xf32>,
      tpu.vector_store %arg11[%swap3A_2006], %add3A_2005 {strides = array<i32>} : memref<29160xf32, #tpu.memory_space<vmem>>, vector<16xf32>,
      %get3A_2008 = arith.constant 1136 : index
      %get3A_2009 = tpu.vector_load %arg9[%get3A_2008] {strides = array<i32>} : memref<1440xi32, #tpu.memory_space<vmem>>, vector<16xi32>,
      %get3A_2010 = arith.constant 16 : index
      %get3A_2011 = tpu.vector_load %arg16[%get3A_2010] {strides = array<i32>} : memref<80xf32, #tpu.memory_space<vmem>>, vector<16xf32>,
      %eq3A_2012 = arith.constant 2 : i32
      %eq3A_2013 = vector.broadcast %eq3A_2012 : i32 to vector<16xi32>
      %eq3A_2014 = arith.cmpi eq, %get3A_2009, %eq3A_2013 : vector<16xi32>
      %jit3A_2015 = arith.constant 1.000000e+00 : f32
      %jit3A_2016 = arith.constant 0.000000e+00 : f32
      %broadcast_in_dim3A_2017 = vector.broadcast %jit3A_2015 : f32 to vector<16xf32>
      %broadcast_in_dim3A_2018 = vector.broadcast %jit3A_2016 : f32 to vector<16xf32>
      %select_n3A_2019 = arith.select %eq3A_2014, %broadcast_in_dim3A_2017, %broadcast_in_dim3A_2018 : vector<16xi1>, vector<16xf32>
      %eq3A_2020 = arith.constant 1 : i32
      %eq3A_2021 = vector.broadcast %eq3A_2020 : i32 to vector<16xi32>
      %eq3A_2022 = arith.cmpi eq, %get3A_2009, %eq3A_2021 : vector<16xi32>
      %broadcast_in_dim3A_2023 = arith.constant 0.000000e+00 : f32
      %broadcast_in_dim3A_2024 = vector.broadcast %broadcast_in_dim3A_2023 : f32 to vector<16xf32>
      %select_n3A_2025 = arith.select %eq3A_2022, %get3A_2011, %broadcast_in_dim3A_2024 : vector<16xi1>, vector<16xf32>
      %add3A_2026 = arith.addf %select_n3A_2019, %select_n3A_2025 : vector<16xf32>
      %swap3A_2027 = arith.constant 16216 : index
      %swap3A_2028 = tpu.vector_load %arg11[%swap3A_2027] {strides = array<i32>} : memref<29160xf32, #tpu.memory_space<vmem>>, vector<16xf32>,
      tpu.vector_store %arg11[%swap3A_2027], %add3A_2026 {strides = array<i32>} : memref<29160xf32, #tpu.memory_space<vmem>>, vector<16xf32>,
      %get3A_2029 = arith.constant 1152 : index
      %get3A_2030 = tpu.vector_load %arg9[%get3A_2029] {strides = array<i32>} : memref<1440xi32, #tpu.memory_space<vmem>>, vector<16xi32>,
      %get3A_2031 = arith.constant 32 : index
      %get3A_2032 = tpu.vector_load %arg16[%get3A_2031] {strides = array<i32>} : memref<80xf32, #tpu.memory_space<vmem>>, vector<16xf32>,
      %eq3A_2033 = arith.constant 2 : i32
      %eq3A_2034 = vector.broadcast %eq3A_2033 : i32 to vector<16xi32>
      %eq3A_2035 = arith.cmpi eq, %get3A_2030, %eq3A_2034 : vector<16xi32>
      %jit3A_2036 = arith.constant 1.000000e+00 : f32
      %jit3A_2037 = arith.constant 0.000000e+00 : f32
      %broadcast_in_dim3A_2038 = vector.broadcast %jit3A_2036 : f32 to vector<16xf32>
      %broadcast_in_dim3A_2039 = vector.broadcast %jit3A_2037 : f32 to vector<16xf32>
      %select_n3A_2040 = arith.select %eq3A_2035, %broadcast_in_dim3A_2038, %broadcast_in_dim3A_2039 : vector<16xi1>, vector<16xf32>
      %eq3A_2041 = arith.constant 1 : i32
      %eq3A_2042 = vector.broadcast %eq3A_2041 : i32 to vector<16xi32>
      %eq3A_2043 = arith.cmpi eq, %get3A_2030, %eq3A_2042 : vector<16xi32>
      %broadcast_in_dim3A_2044 = arith.constant 0.000000e+00 : f32
      %broadcast_in_dim3A_2045 = vector.broadcast %broadcast_in_dim3A_2044 : f32 to vector<16xf32>
      %select_n3A_2046 = arith.select %eq3A_2043, %get3A_2032, %broadcast_in_dim3A_2045 : vector<16xi1>, vector<16xf32>
      %add3A_2047 = arith.addf %select_n3A_2040, %select_n3A_2046 : vector<16xf32>
      %swap3A_2048 = arith.constant 16232 : index
      %swap3A_2049 = tpu.vector_load %arg11[%swap3A_2048] {strides = array<i32>} : memref<29160xf32, #tpu.memory_space<vmem>>, vector<16xf32>,
      tpu.vector_store %arg11[%swap3A_2048], %add3A_2047 {strides = array<i32>} : memref<29160xf32, #tpu.memory_space<vmem>>, vector<16xf32>,
      %get3A_2050 = arith.constant 1168 : index
      %get3A_2051 = tpu.vector_load %arg9[%get3A_2050] {strides = array<i32>} : memref<1440xi32, #tpu.memory_space<vmem>>, vector<16xi32>,
      %get3A_2052 = arith.constant 48 : index
      %get3A_2053 = tpu.vector_load %arg16[%get3A_2052] {strides = array<i32>} : memref<80xf32, #tpu.memory_space<vmem>>, vector<16xf32>,
      %eq3A_2054 = arith.constant 2 : i32
      %eq3A_2055 = vector.broadcast %eq3A_2054 : i32 to vector<16xi32>
      %eq3A_2056 = arith.cmpi eq, %get3A_2051, %eq3A_2055 : vector<16xi32>
      %jit3A_2057 = arith.constant 1.000000e+00 : f32
      %jit3A_2058 = arith.constant 0.000000e+00 : f32
      %broadcast_in_dim3A_2059 = vector.broadcast %jit3A_2057 : f32 to vector<16xf32>
      %broadcast_in_dim3A_2060 = vector.broadcast %jit3A_2058 : f32 to vector<16xf32>
      %select_n3A_2061 = arith.select %eq3A_2056, %broadcast_in_dim3A_2059, %broadcast_in_dim3A_2060 : vector<16xi1>, vector<16xf32>
      %eq3A_2062 = arith.constant 1 : i32
      %eq3A_2063 = vector.broadcast %eq3A_2062 : i32 to vector<16xi32>
      %eq3A_2064 = arith.cmpi eq, %get3A_2051, %eq3A_2063 : vector<16xi32>
      %broadcast_in_dim3A_2065 = arith.constant 0.000000e+00 : f32
      %broadcast_in_dim3A_2066 = vector.broadcast %broadcast_in_dim3A_2065 : f32 to vector<16xf32>
      %select_n3A_2067 = arith.select %eq3A_2064, %get3A_2053, %broadcast_in_dim3A_2066 : vector<16xi1>, vector<16xf32>
      %add3A_2068 = arith.addf %select_n3A_2061, %select_n3A_2067 : vector<16xf32>
      %swap3A_2069 = arith.constant 16248 : index
      %swap3A_2070 = tpu.vector_load %arg11[%swap3A_2069] {strides = array<i32>} : memref<29160xf32, #tpu.memory_space<vmem>>, vector<16xf32>,
      tpu.vector_store %arg11[%swap3A_2069], %add3A_2068 {strides = array<i32>} : memref<29160xf32, #tpu.memory_space<vmem>>, vector<16xf32>,
      %get3A_2071 = arith.constant 1184 : index
      %get3A_2072 = tpu.vector_load %arg9[%get3A_2071] {strides = array<i32>} : memref<1440xi32, #tpu.memory_space<vmem>>, vector<16xi32>,
      %get3A_2073 = arith.constant 64 : index
      %get3A_2074 = tpu.vector_load %arg16[%get3A_2073] {strides = array<i32>} : memref<80xf32, #tpu.memory_space<vmem>>, vector<16xf32>,
      %eq3A_2075 = arith.constant 2 : i32
      %eq3A_2076 = vector.broadcast %eq3A_2075 : i32 to vector<16xi32>
      %eq3A_2077 = arith.cmpi eq, %get3A_2072, %eq3A_2076 : vector<16xi32>
      %jit3A_2078 = arith.constant 1.000000e+00 : f32
      %jit3A_2079 = arith.constant 0.000000e+00 : f32
      %broadcast_in_dim3A_2080 = vector.broadcast %jit3A_2078 : f32 to vector<16xf32>
      %broadcast_in_dim3A_2081 = vector.broadcast %jit3A_2079 : f32 to vector<16xf32>
      %select_n3A_2082 = arith.select %eq3A_2077, %broadcast_in_dim3A_2080, %broadcast_in_dim3A_2081 : vector<16xi1>, vector<16xf32>
      %eq3A_2083 = arith.constant 1 : i32
      %eq3A_2084 = vector.broadcast %eq3A_2083 : i32 to vector<16xi32>
      %eq3A_2085 = arith.cmpi eq, %get3A_2072, %eq3A_2084 : vector<16xi32>
      %broadcast_in_dim3A_2086 = arith.constant 0.000000e+00 : f32
      %broadcast_in_dim3A_2087 = vector.broadcast %broadcast_in_dim3A_2086 : f32 to vector<16xf32>
      %select_n3A_2088 = arith.select %eq3A_2085, %get3A_2074, %broadcast_in_dim3A_2087 : vector<16xi1>, vector<16xf32>
      %add3A_2089 = arith.addf %select_n3A_2082, %select_n3A_2088 : vector<16xf32>
      %swap3A_2090 = arith.constant 16264 : index
      %swap3A_2091 = tpu.vector_load %arg11[%swap3A_2090] {strides = array<i32>} : memref<29160xf32, #tpu.memory_space<vmem>>, vector<16xf32>,
      tpu.vector_store %arg11[%swap3A_2090], %add3A_2089 {strides = array<i32>} : memref<29160xf32, #tpu.memory_space<vmem>>, vector<16xf32>,
      %get3A_2092 = arith.constant 1200 : index
      %get3A_2093 = tpu.vector_load %arg9[%get3A_2092] {strides = array<i32>} : memref<1440xi32, #tpu.memory_space<vmem>>, vector<16xi32>,
      %get3A_2094 = arith.constant 0 : index
      %get3A_2095 = tpu.vector_load %arg16[%get3A_2094] {strides = array<i32>} : memref<80xf32, #tpu.memory_space<vmem>>, vector<16xf32>,
      %eq3A_2096 = arith.constant 2 : i32
      %eq3A_2097 = vector.broadcast %eq3A_2096 : i32 to vector<16xi32>
      %eq3A_2098 = arith.cmpi eq, %get3A_2093, %eq3A_2097 : vector<16xi32>
      %jit3A_2099 = arith.constant 1.000000e+00 : f32
      %jit3A_2100 = arith.constant 0.000000e+00 : f32
      %broadcast_in_dim3A_2101 = vector.broadcast %jit3A_2099 : f32 to vector<16xf32>
      %broadcast_in_dim3A_2102 = vector.broadcast %jit3A_2100 : f32 to vector<16xf32>
      %select_n3A_2103 = arith.select %eq3A_2098, %broadcast_in_dim3A_2101, %broadcast_in_dim3A_2102 : vector<16xi1>, vector<16xf32>
      %eq3A_2104 = arith.constant 1 : i32
      %eq3A_2105 = vector.broadcast %eq3A_2104 : i32 to vector<16xi32>
      %eq3A_2106 = arith.cmpi eq, %get3A_2093, %eq3A_2105 : vector<16xi32>
      %broadcast_in_dim3A_2107 = arith.constant 0.000000e+00 : f32
      %broadcast_in_dim3A_2108 = vector.broadcast %broadcast_in_dim3A_2107 : f32 to vector<16xf32>
      %select_n3A_2109 = arith.select %eq3A_2106, %get3A_2095, %broadcast_in_dim3A_2108 : vector<16xi1>, vector<16xf32>
      %add3A_2110 = arith.addf %select_n3A_2103, %select_n3A_2109 : vector<16xf32>
      %swap3A_2111 = arith.constant 19440 : index
      %swap3A_2112 = tpu.vector_load %arg11[%swap3A_2111] {strides = array<i32>} : memref<29160xf32, #tpu.memory_space<vmem>>, vector<16xf32>,
      tpu.vector_store %arg11[%swap3A_2111], %add3A_2110 {strides = array<i32>} : memref<29160xf32, #tpu.memory_space<vmem>>, vector<16xf32>,
      %get3A_2113 = arith.constant 1216 : index
      %get3A_2114 = tpu.vector_load %arg9[%get3A_2113] {strides = array<i32>} : memref<1440xi32, #tpu.memory_space<vmem>>, vector<16xi32>,
      %get3A_2115 = arith.constant 16 : index
      %get3A_2116 = tpu.vector_load %arg16[%get3A_2115] {strides = array<i32>} : memref<80xf32, #tpu.memory_space<vmem>>, vector<16xf32>,
      %eq3A_2117 = arith.constant 2 : i32
      %eq3A_2118 = vector.broadcast %eq3A_2117 : i32 to vector<16xi32>
      %eq3A_2119 = arith.cmpi eq, %get3A_2114, %eq3A_2118 : vector<16xi32>
      %jit3A_2120 = arith.constant 1.000000e+00 : f32
      %jit3A_2121 = arith.constant 0.000000e+00 : f32
      %broadcast_in_dim3A_2122 = vector.broadcast %jit3A_2120 : f32 to vector<16xf32>
      %broadcast_in_dim3A_2123 = vector.broadcast %jit3A_2121 : f32 to vector<16xf32>
      %select_n3A_2124 = arith.select %eq3A_2119, %broadcast_in_dim3A_2122, %broadcast_in_dim3A_2123 : vector<16xi1>, vector<16xf32>
      %eq3A_2125 = arith.constant 1 : i32
      %eq3A_2126 = vector.broadcast %eq3A_2125 : i32 to vector<16xi32>
      %eq3A_2127 = arith.cmpi eq, %get3A_2114, %eq3A_2126 : vector<16xi32>
      %broadcast_in_dim3A_2128 = arith.constant 0.000000e+00 : f32
      %broadcast_in_dim3A_2129 = vector.broadcast %broadcast_in_dim3A_2128 : f32 to vector<16xf32>
      %select_n3A_2130 = arith.select %eq3A_2127, %get3A_2116, %broadcast_in_dim3A_2129 : vector<16xi1>, vector<16xf32>
      %add3A_2131 = arith.addf %select_n3A_2124, %select_n3A_2130 : vector<16xf32>
      %swap3A_2132 = arith.constant 19456 : index
      %swap3A_2133 = tpu.vector_load %arg11[%swap3A_2132] {strides = array<i32>} : memref<29160xf32, #tpu.memory_space<vmem>>, vector<16xf32>,
      tpu.vector_store %arg11[%swap3A_2132], %add3A_2131 {strides = array<i32>} : memref<29160xf32, #tpu.memory_space<vmem>>, vector<16xf32>,
      %get3A_2134 = arith.constant 1232 : index
      %get3A_2135 = tpu.vector_load %arg9[%get3A_2134] {strides = array<i32>} : memref<1440xi32, #tpu.memory_space<vmem>>, vector<16xi32>,
      %get3A_2136 = arith.constant 32 : index
      %get3A_2137 = tpu.vector_load %arg16[%get3A_2136] {strides = array<i32>} : memref<80xf32, #tpu.memory_space<vmem>>, vector<16xf32>,
      %eq3A_2138 = arith.constant 2 : i32
      %eq3A_2139 = vector.broadcast %eq3A_2138 : i32 to vector<16xi32>
      %eq3A_2140 = arith.cmpi eq, %get3A_2135, %eq3A_2139 : vector<16xi32>
      %jit3A_2141 = arith.constant 1.000000e+00 : f32
      %jit3A_2142 = arith.constant 0.000000e+00 : f32
      %broadcast_in_dim3A_2143 = vector.broadcast %jit3A_2141 : f32 to vector<16xf32>
      %broadcast_in_dim3A_2144 = vector.broadcast %jit3A_2142 : f32 to vector<16xf32>
      %select_n3A_2145 = arith.select %eq3A_2140, %broadcast_in_dim3A_2143, %broadcast_in_dim3A_2144 : vector<16xi1>, vector<16xf32>
      %eq3A_2146 = arith.constant 1 : i32
      %eq3A_2147 = vector.broadcast %eq3A_2146 : i32 to vector<16xi32>
      %eq3A_2148 = arith.cmpi eq, %get3A_2135, %eq3A_2147 : vector<16xi32>
      %broadcast_in_dim3A_2149 = arith.constant 0.000000e+00 : f32
      %broadcast_in_dim3A_2150 = vector.broadcast %broadcast_in_dim3A_2149 : f32 to vector<16xf32>
      %select_n3A_2151 = arith.select %eq3A_2148, %get3A_2137, %broadcast_in_dim3A_2150 : vector<16xi1>, vector<16xf32>
      %add3A_2152 = arith.addf %select_n3A_2145, %select_n3A_2151 : vector<16xf32>
      %swap3A_2153 = arith.constant 19472 : index
      %swap3A_2154 = tpu.vector_load %arg11[%swap3A_2153] {strides = array<i32>} : memref<29160xf32, #tpu.memory_space<vmem>>, vector<16xf32>,
      tpu.vector_store %arg11[%swap3A_2153], %add3A_2152 {strides = array<i32>} : memref<29160xf32, #tpu.memory_space<vmem>>, vector<16xf32>,
      %get3A_2155 = arith.constant 1248 : index
      %get3A_2156 = tpu.vector_load %arg9[%get3A_2155] {strides = array<i32>} : memref<1440xi32, #tpu.memory_space<vmem>>, vector<16xi32>,
      %get3A_2157 = arith.constant 48 : index
      %get3A_2158 = tpu.vector_load %arg16[%get3A_2157] {strides = array<i32>} : memref<80xf32, #tpu.memory_space<vmem>>, vector<16xf32>,
      %eq3A_2159 = arith.constant 2 : i32
      %eq3A_2160 = vector.broadcast %eq3A_2159 : i32 to vector<16xi32>
      %eq3A_2161 = arith.cmpi eq, %get3A_2156, %eq3A_2160 : vector<16xi32>
      %jit3A_2162 = arith.constant 1.000000e+00 : f32
      %jit3A_2163 = arith.constant 0.000000e+00 : f32
      %broadcast_in_dim3A_2164 = vector.broadcast %jit3A_2162 : f32 to vector<16xf32>
      %broadcast_in_dim3A_2165 = vector.broadcast %jit3A_2163 : f32 to vector<16xf32>
      %select_n3A_2166 = arith.select %eq3A_2161, %broadcast_in_dim3A_2164, %broadcast_in_dim3A_2165 : vector<16xi1>, vector<16xf32>
      %eq3A_2167 = arith.constant 1 : i32
      %eq3A_2168 = vector.broadcast %eq3A_2167 : i32 to vector<16xi32>
      %eq3A_2169 = arith.cmpi eq, %get3A_2156, %eq3A_2168 : vector<16xi32>
      %broadcast_in_dim3A_2170 = arith.constant 0.000000e+00 : f32
      %broadcast_in_dim3A_2171 = vector.broadcast %broadcast_in_dim3A_2170 : f32 to vector<16xf32>
      %select_n3A_2172 = arith.select %eq3A_2169, %get3A_2158, %broadcast_in_dim3A_2171 : vector<16xi1>, vector<16xf32>
      %add3A_2173 = arith.addf %select_n3A_2166, %select_n3A_2172 : vector<16xf32>
      %swap3A_2174 = arith.constant 19488 : index
      %swap3A_2175 = tpu.vector_load %arg11[%swap3A_2174] {strides = array<i32>} : memref<29160xf32, #tpu.memory_space<vmem>>, vector<16xf32>,
      tpu.vector_store %arg11[%swap3A_2174], %add3A_2173 {strides = array<i32>} : memref<29160xf32, #tpu.memory_space<vmem>>, vector<16xf32>,
      %get3A_2176 = arith.constant 1264 : index
      %get3A_2177 = tpu.vector_load %arg9[%get3A_2176] {strides = array<i32>} : memref<1440xi32, #tpu.memory_space<vmem>>, vector<16xi32>,
      %get3A_2178 = arith.constant 64 : index
      %get3A_2179 = tpu.vector_load %arg16[%get3A_2178] {strides = array<i32>} : memref<80xf32, #tpu.memory_space<vmem>>, vector<16xf32>,
      %eq3A_2180 = arith.constant 2 : i32
      %eq3A_2181 = vector.broadcast %eq3A_2180 : i32 to vector<16xi32>
      %eq3A_2182 = arith.cmpi eq, %get3A_2177, %eq3A_2181 : vector<16xi32>
      %jit3A_2183 = arith.constant 1.000000e+00 : f32
      %jit3A_2184 = arith.constant 0.000000e+00 : f32
      %broadcast_in_dim3A_2185 = vector.broadcast %jit3A_2183 : f32 to vector<16xf32>
      %broadcast_in_dim3A_2186 = vector.broadcast %jit3A_2184 : f32 to vector<16xf32>
      %select_n3A_2187 = arith.select %eq3A_2182, %broadcast_in_dim3A_2185, %broadcast_in_dim3A_2186 : vector<16xi1>, vector<16xf32>
      %eq3A_2188 = arith.constant 1 : i32
      %eq3A_2189 = vector.broadcast %eq3A_2188 : i32 to vector<16xi32>
      %eq3A_2190 = arith.cmpi eq, %get3A_2177, %eq3A_2189 : vector<16xi32>
      %broadcast_in_dim3A_2191 = arith.constant 0.000000e+00 : f32
      %broadcast_in_dim3A_2192 = vector.broadcast %broadcast_in_dim3A_2191 : f32 to vector<16xf32>
      %select_n3A_2193 = arith.select %eq3A_2190, %get3A_2179, %broadcast_in_dim3A_2192 : vector<16xi1>, vector<16xf32>
      %add3A_2194 = arith.addf %select_n3A_2187, %select_n3A_2193 : vector<16xf32>
      %swap3A_2195 = arith.constant 19504 : index
      %swap3A_2196 = tpu.vector_load %arg11[%swap3A_2195] {strides = array<i32>} : memref<29160xf32, #tpu.memory_space<vmem>>, vector<16xf32>,
      tpu.vector_store %arg11[%swap3A_2195], %add3A_2194 {strides = array<i32>} : memref<29160xf32, #tpu.memory_space<vmem>>, vector<16xf32>,
      %get3A_2197 = arith.constant 1280 : index
      %get3A_2198 = tpu.vector_load %arg9[%get3A_2197] {strides = array<i32>} : memref<1440xi32, #tpu.memory_space<vmem>>, vector<16xi32>,
      %get3A_2199 = arith.constant 0 : index
      %get3A_2200 = tpu.vector_load %arg16[%get3A_2199] {strides = array<i32>} : memref<80xf32, #tpu.memory_space<vmem>>, vector<16xf32>,
      %eq3A_2201 = arith.constant 2 : i32
      %eq3A_2202 = vector.broadcast %eq3A_2201 : i32 to vector<16xi32>
      %eq3A_2203 = arith.cmpi eq, %get3A_2198, %eq3A_2202 : vector<16xi32>
      %jit3A_2204 = arith.constant 1.000000e+00 : f32
      %jit3A_2205 = arith.constant 0.000000e+00 : f32
      %broadcast_in_dim3A_2206 = vector.broadcast %jit3A_2204 : f32 to vector<16xf32>
      %broadcast_in_dim3A_2207 = vector.broadcast %jit3A_2205 : f32 to vector<16xf32>
      %select_n3A_2208 = arith.select %eq3A_2203, %broadcast_in_dim3A_2206, %broadcast_in_dim3A_2207 : vector<16xi1>, vector<16xf32>
      %eq3A_2209 = arith.constant 1 : i32
      %eq3A_2210 = vector.broadcast %eq3A_2209 : i32 to vector<16xi32>
      %eq3A_2211 = arith.cmpi eq, %get3A_2198, %eq3A_2210 : vector<16xi32>
      %broadcast_in_dim3A_2212 = arith.constant 0.000000e+00 : f32
      %broadcast_in_dim3A_2213 = vector.broadcast %broadcast_in_dim3A_2212 : f32 to vector<16xf32>
      %select_n3A_2214 = arith.select %eq3A_2211, %get3A_2200, %broadcast_in_dim3A_2213 : vector<16xi1>, vector<16xf32>
      %add3A_2215 = arith.addf %select_n3A_2208, %select_n3A_2214 : vector<16xf32>
      %swap3A_2216 = arith.constant 22680 : index
      %swap3A_2217 = tpu.vector_load %arg11[%swap3A_2216] {strides = array<i32>} : memref<29160xf32, #tpu.memory_space<vmem>>, vector<16xf32>,
      tpu.vector_store %arg11[%swap3A_2216], %add3A_2215 {strides = array<i32>} : memref<29160xf32, #tpu.memory_space<vmem>>, vector<16xf32>,
      %get3A_2218 = arith.constant 1296 : index
      %get3A_2219 = tpu.vector_load %arg9[%get3A_2218] {strides = array<i32>} : memref<1440xi32, #tpu.memory_space<vmem>>, vector<16xi32>,
      %get3A_2220 = arith.constant 16 : index
      %get3A_2221 = tpu.vector_load %arg16[%get3A_2220] {strides = array<i32>} : memref<80xf32, #tpu.memory_space<vmem>>, vector<16xf32>,
      %eq3A_2222 = arith.constant 2 : i32
      %eq3A_2223 = vector.broadcast %eq3A_2222 : i32 to vector<16xi32>
      %eq3A_2224 = arith.cmpi eq, %get3A_2219, %eq3A_2223 : vector<16xi32>
      %jit3A_2225 = arith.constant 1.000000e+00 : f32
      %jit3A_2226 = arith.constant 0.000000e+00 : f32
      %broadcast_in_dim3A_2227 = vector.broadcast %jit3A_2225 : f32 to vector<16xf32>
      %broadcast_in_dim3A_2228 = vector.broadcast %jit3A_2226 : f32 to vector<16xf32>
      %select_n3A_2229 = arith.select %eq3A_2224, %broadcast_in_dim3A_2227, %broadcast_in_dim3A_2228 : vector<16xi1>, vector<16xf32>
      %eq3A_2230 = arith.constant 1 : i32
      %eq3A_2231 = vector.broadcast %eq3A_2230 : i32 to vector<16xi32>
      %eq3A_2232 = arith.cmpi eq, %get3A_2219, %eq3A_2231 : vector<16xi32>
      %broadcast_in_dim3A_2233 = arith.constant 0.000000e+00 : f32
      %broadcast_in_dim3A_2234 = vector.broadcast %broadcast_in_dim3A_2233 : f32 to vector<16xf32>
      %select_n3A_2235 = arith.select %eq3A_2232, %get3A_2221, %broadcast_in_dim3A_2234 : vector<16xi1>, vector<16xf32>
      %add3A_2236 = arith.addf %select_n3A_2229, %select_n3A_2235 : vector<16xf32>
      %swap3A_2237 = arith.constant 22696 : index
      %swap3A_2238 = tpu.vector_load %arg11[%swap3A_2237] {strides = array<i32>} : memref<29160xf32, #tpu.memory_space<vmem>>, vector<16xf32>,
      tpu.vector_store %arg11[%swap3A_2237], %add3A_2236 {strides = array<i32>} : memref<29160xf32, #tpu.memory_space<vmem>>, vector<16xf32>,
      %get3A_2239 = arith.constant 1312 : index
      %get3A_2240 = tpu.vector_load %arg9[%get3A_2239] {strides = array<i32>} : memref<1440xi32, #tpu.memory_space<vmem>>, vector<16xi32>,
      %get3A_2241 = arith.constant 32 : index
      %get3A_2242 = tpu.vector_load %arg16[%get3A_2241] {strides = array<i32>} : memref<80xf32, #tpu.memory_space<vmem>>, vector<16xf32>,
      %eq3A_2243 = arith.constant 2 : i32
      %eq3A_2244 = vector.broadcast %eq3A_2243 : i32 to vector<16xi32>
      %eq3A_2245 = arith.cmpi eq, %get3A_2240, %eq3A_2244 : vector<16xi32>
      %jit3A_2246 = arith.constant 1.000000e+00 : f32
      %jit3A_2247 = arith.constant 0.000000e+00 : f32
      %broadcast_in_dim3A_2248 = vector.broadcast %jit3A_2246 : f32 to vector<16xf32>
      %broadcast_in_dim3A_2249 = vector.broadcast %jit3A_2247 : f32 to vector<16xf32>
      %select_n3A_2250 = arith.select %eq3A_2245, %broadcast_in_dim3A_2248, %broadcast_in_dim3A_2249 : vector<16xi1>, vector<16xf32>
      %eq3A_2251 = arith.constant 1 : i32
      %eq3A_2252 = vector.broadcast %eq3A_2251 : i32 to vector<16xi32>
      %eq3A_2253 = arith.cmpi eq, %get3A_2240, %eq3A_2252 : vector<16xi32>
      %broadcast_in_dim3A_2254 = arith.constant 0.000000e+00 : f32
      %broadcast_in_dim3A_2255 = vector.broadcast %broadcast_in_dim3A_2254 : f32 to vector<16xf32>
      %select_n3A_2256 = arith.select %eq3A_2253, %get3A_2242, %broadcast_in_dim3A_2255 : vector<16xi1>, vector<16xf32>
      %add3A_2257 = arith.addf %select_n3A_2250, %select_n3A_2256 : vector<16xf32>
      %swap3A_2258 = arith.constant 22712 : index
      %swap3A_2259 = tpu.vector_load %arg11[%swap3A_2258] {strides = array<i32>} : memref<29160xf32, #tpu.memory_space<vmem>>, vector<16xf32>,
      tpu.vector_store %arg11[%swap3A_2258], %add3A_2257 {strides = array<i32>} : memref<29160xf32, #tpu.memory_space<vmem>>, vector<16xf32>,
      %get3A_2260 = arith.constant 1328 : index
      %get3A_2261 = tpu.vector_load %arg9[%get3A_2260] {strides = array<i32>} : memref<1440xi32, #tpu.memory_space<vmem>>, vector<16xi32>,
      %get3A_2262 = arith.constant 48 : index
      %get3A_2263 = tpu.vector_load %arg16[%get3A_2262] {strides = array<i32>} : memref<80xf32, #tpu.memory_space<vmem>>, vector<16xf32>,
      %eq3A_2264 = arith.constant 2 : i32
      %eq3A_2265 = vector.broadcast %eq3A_2264 : i32 to vector<16xi32>
      %eq3A_2266 = arith.cmpi eq, %get3A_2261, %eq3A_2265 : vector<16xi32>
      %jit3A_2267 = arith.constant 1.000000e+00 : f32
      %jit3A_2268 = arith.constant 0.000000e+00 : f32
      %broadcast_in_dim3A_2269 = vector.broadcast %jit3A_2267 : f32 to vector<16xf32>
      %broadcast_in_dim3A_2270 = vector.broadcast %jit3A_2268 : f32 to vector<16xf32>
      %select_n3A_2271 = arith.select %eq3A_2266, %broadcast_in_dim3A_2269, %broadcast_in_dim3A_2270 : vector<16xi1>, vector<16xf32>
      %eq3A_2272 = arith.constant 1 : i32
      %eq3A_2273 = vector.broadcast %eq3A_2272 : i32 to vector<16xi32>
      %eq3A_2274 = arith.cmpi eq, %get3A_2261, %eq3A_2273 : vector<16xi32>
      %broadcast_in_dim3A_2275 = arith.constant 0.000000e+00 : f32
      %broadcast_in_dim3A_2276 = vector.broadcast %broadcast_in_dim3A_2275 : f32 to vector<16xf32>
      %select_n3A_2277 = arith.select %eq3A_2274, %get3A_2263, %broadcast_in_dim3A_2276 : vector<16xi1>, vector<16xf32>
      %add3A_2278 = arith.addf %select_n3A_2271, %select_n3A_2277 : vector<16xf32>
      %swap3A_2279 = arith.constant 22728 : index
      %swap3A_2280 = tpu.vector_load %arg11[%swap3A_2279] {strides = array<i32>} : memref<29160xf32, #tpu.memory_space<vmem>>, vector<16xf32>,
      tpu.vector_store %arg11[%swap3A_2279], %add3A_2278 {strides = array<i32>} : memref<29160xf32, #tpu.memory_space<vmem>>, vector<16xf32>,
      %get3A_2281 = arith.constant 1344 : index
      %get3A_2282 = tpu.vector_load %arg9[%get3A_2281] {strides = array<i32>} : memref<1440xi32, #tpu.memory_space<vmem>>, vector<16xi32>,
      %get3A_2283 = arith.constant 64 : index
      %get3A_2284 = tpu.vector_load %arg16[%get3A_2283] {strides = array<i32>} : memref<80xf32, #tpu.memory_space<vmem>>, vector<16xf32>,
      %eq3A_2285 = arith.constant 2 : i32
      %eq3A_2286 = vector.broadcast %eq3A_2285 : i32 to vector<16xi32>
      %eq3A_2287 = arith.cmpi eq, %get3A_2282, %eq3A_2286 : vector<16xi32>
      %jit3A_2288 = arith.constant 1.000000e+00 : f32
      %jit3A_2289 = arith.constant 0.000000e+00 : f32
      %broadcast_in_dim3A_2290 = vector.broadcast %jit3A_2288 : f32 to vector<16xf32>
      %broadcast_in_dim3A_2291 = vector.broadcast %jit3A_2289 : f32 to vector<16xf32>
      %select_n3A_2292 = arith.select %eq3A_2287, %broadcast_in_dim3A_2290, %broadcast_in_dim3A_2291 : vector<16xi1>, vector<16xf32>
      %eq3A_2293 = arith.constant 1 : i32
      %eq3A_2294 = vector.broadcast %eq3A_2293 : i32 to vector<16xi32>
      %eq3A_2295 = arith.cmpi eq, %get3A_2282, %eq3A_2294 : vector<16xi32>
      %broadcast_in_dim3A_2296 = arith.constant 0.000000e+00 : f32
      %broadcast_in_dim3A_2297 = vector.broadcast %broadcast_in_dim3A_2296 : f32 to vector<16xf32>
      %select_n3A_2298 = arith.select %eq3A_2295, %get3A_2284, %broadcast_in_dim3A_2297 : vector<16xi1>, vector<16xf32>
      %add3A_2299 = arith.addf %select_n3A_2292, %select_n3A_2298 : vector<16xf32>
      %swap3A_2300 = arith.constant 22744 : index
      %swap3A_2301 = tpu.vector_load %arg11[%swap3A_2300] {strides = array<i32>} : memref<29160xf32, #tpu.memory_space<vmem>>, vector<16xf32>,
      tpu.vector_store %arg11[%swap3A_2300], %add3A_2299 {strides = array<i32>} : memref<29160xf32, #tpu.memory_space<vmem>>, vector<16xf32>,
      %get3A_2302 = arith.constant 1360 : index
      %get3A_2303 = tpu.vector_load %arg9[%get3A_2302] {strides = array<i32>} : memref<1440xi32, #tpu.memory_space<vmem>>, vector<16xi32>,
      %get3A_2304 = arith.constant 0 : index
      %get3A_2305 = tpu.vector_load %arg16[%get3A_2304] {strides = array<i32>} : memref<80xf32, #tpu.memory_space<vmem>>, vector<16xf32>,
      %eq3A_2306 = arith.constant 2 : i32
      %eq3A_2307 = vector.broadcast %eq3A_2306 : i32 to vector<16xi32>
      %eq3A_2308 = arith.cmpi eq, %get3A_2303, %eq3A_2307 : vector<16xi32>
      %jit3A_2309 = arith.constant 1.000000e+00 : f32
      %jit3A_2310 = arith.constant 0.000000e+00 : f32
      %broadcast_in_dim3A_2311 = vector.broadcast %jit3A_2309 : f32 to vector<16xf32>
      %broadcast_in_dim3A_2312 = vector.broadcast %jit3A_2310 : f32 to vector<16xf32>
      %select_n3A_2313 = arith.select %eq3A_2308, %broadcast_in_dim3A_2311, %broadcast_in_dim3A_2312 : vector<16xi1>, vector<16xf32>
      %eq3A_2314 = arith.constant 1 : i32
      %eq3A_2315 = vector.broadcast %eq3A_2314 : i32 to vector<16xi32>
      %eq3A_2316 = arith.cmpi eq, %get3A_2303, %eq3A_2315 : vector<16xi32>
      %broadcast_in_dim3A_2317 = arith.constant 0.000000e+00 : f32
      %broadcast_in_dim3A_2318 = vector.broadcast %broadcast_in_dim3A_2317 : f32 to vector<16xf32>
      %select_n3A_2319 = arith.select %eq3A_2316, %get3A_2305, %broadcast_in_dim3A_2318 : vector<16xi1>, vector<16xf32>
      %add3A_2320 = arith.addf %select_n3A_2313, %select_n3A_2319 : vector<16xf32>
      %swap3A_2321 = arith.constant 25920 : index
      %swap3A_2322 = tpu.vector_load %arg11[%swap3A_2321] {strides = array<i32>} : memref<29160xf32, #tpu.memory_space<vmem>>, vector<16xf32>,
      tpu.vector_store %arg11[%swap3A_2321], %add3A_2320 {strides = array<i32>} : memref<29160xf32, #tpu.memory_space<vmem>>, vector<16xf32>,
      %get3A_2323 = arith.constant 1376 : index
      %get3A_2324 = tpu.vector_load %arg9[%get3A_2323] {strides = array<i32>} : memref<1440xi32, #tpu.memory_space<vmem>>, vector<16xi32>,
      %get3A_2325 = arith.constant 16 : index
      %get3A_2326 = tpu.vector_load %arg16[%get3A_2325] {strides = array<i32>} : memref<80xf32, #tpu.memory_space<vmem>>, vector<16xf32>,
      %eq3A_2327 = arith.constant 2 : i32
      %eq3A_2328 = vector.broadcast %eq3A_2327 : i32 to vector<16xi32>
      %eq3A_2329 = arith.cmpi eq, %get3A_2324, %eq3A_2328 : vector<16xi32>
      %jit3A_2330 = arith.constant 1.000000e+00 : f32
      %jit3A_2331 = arith.constant 0.000000e+00 : f32
      %broadcast_in_dim3A_2332 = vector.broadcast %jit3A_2330 : f32 to vector<16xf32>
      %broadcast_in_dim3A_2333 = vector.broadcast %jit3A_2331 : f32 to vector<16xf32>
      %select_n3A_2334 = arith.select %eq3A_2329, %broadcast_in_dim3A_2332, %broadcast_in_dim3A_2333 : vector<16xi1>, vector<16xf32>
      %eq3A_2335 = arith.constant 1 : i32
      %eq3A_2336 = vector.broadcast %eq3A_2335 : i32 to vector<16xi32>
      %eq3A_2337 = arith.cmpi eq, %get3A_2324, %eq3A_2336 : vector<16xi32>
      %broadcast_in_dim3A_2338 = arith.constant 0.000000e+00 : f32
      %broadcast_in_dim3A_2339 = vector.broadcast %broadcast_in_dim3A_2338 : f32 to vector<16xf32>
      %select_n3A_2340 = arith.select %eq3A_2337, %get3A_2326, %broadcast_in_dim3A_2339 : vector<16xi1>, vector<16xf32>
      %add3A_2341 = arith.addf %select_n3A_2334, %select_n3A_2340 : vector<16xf32>
      %swap3A_2342 = arith.constant 25936 : index
      %swap3A_2343 = tpu.vector_load %arg11[%swap3A_2342] {strides = array<i32>} : memref<29160xf32, #tpu.memory_space<vmem>>, vector<16xf32>,
      tpu.vector_store %arg11[%swap3A_2342], %add3A_2341 {strides = array<i32>} : memref<29160xf32, #tpu.memory_space<vmem>>, vector<16xf32>,
      %get3A_2344 = arith.constant 1392 : index
      %get3A_2345 = tpu.vector_load %arg9[%get3A_2344] {strides = array<i32>} : memref<1440xi32, #tpu.memory_space<vmem>>, vector<16xi32>,
      %get3A_2346 = arith.constant 32 : index
      %get3A_2347 = tpu.vector_load %arg16[%get3A_2346] {strides = array<i32>} : memref<80xf32, #tpu.memory_space<vmem>>, vector<16xf32>,
      %eq3A_2348 = arith.constant 2 : i32
      %eq3A_2349 = vector.broadcast %eq3A_2348 : i32 to vector<16xi32>
      %eq3A_2350 = arith.cmpi eq, %get3A_2345, %eq3A_2349 : vector<16xi32>
      %jit3A_2351 = arith.constant 1.000000e+00 : f32
      %jit3A_2352 = arith.constant 0.000000e+00 : f32
      %broadcast_in_dim3A_2353 = vector.broadcast %jit3A_2351 : f32 to vector<16xf32>
      %broadcast_in_dim3A_2354 = vector.broadcast %jit3A_2352 : f32 to vector<16xf32>
      %select_n3A_2355 = arith.select %eq3A_2350, %broadcast_in_dim3A_2353, %broadcast_in_dim3A_2354 : vector<16xi1>, vector<16xf32>
      %eq3A_2356 = arith.constant 1 : i32
      %eq3A_2357 = vector.broadcast %eq3A_2356 : i32 to vector<16xi32>
      %eq3A_2358 = arith.cmpi eq, %get3A_2345, %eq3A_2357 : vector<16xi32>
      %broadcast_in_dim3A_2359 = arith.constant 0.000000e+00 : f32
      %broadcast_in_dim3A_2360 = vector.broadcast %broadcast_in_dim3A_2359 : f32 to vector<16xf32>
      %select_n3A_2361 = arith.select %eq3A_2358, %get3A_2347, %broadcast_in_dim3A_2360 : vector<16xi1>, vector<16xf32>
      %add3A_2362 = arith.addf %select_n3A_2355, %select_n3A_2361 : vector<16xf32>
      %swap3A_2363 = arith.constant 25952 : index
      %swap3A_2364 = tpu.vector_load %arg11[%swap3A_2363] {strides = array<i32>} : memref<29160xf32, #tpu.memory_space<vmem>>, vector<16xf32>,
      tpu.vector_store %arg11[%swap3A_2363], %add3A_2362 {strides = array<i32>} : memref<29160xf32, #tpu.memory_space<vmem>>, vector<16xf32>,
      %get3A_2365 = arith.constant 1408 : index
      %get3A_2366 = tpu.vector_load %arg9[%get3A_2365] {strides = array<i32>} : memref<1440xi32, #tpu.memory_space<vmem>>, vector<16xi32>,
      %get3A_2367 = arith.constant 48 : index
      %get3A_2368 = tpu.vector_load %arg16[%get3A_2367] {strides = array<i32>} : memref<80xf32, #tpu.memory_space<vmem>>, vector<16xf32>,
      %eq3A_2369 = arith.constant 2 : i32
      %eq3A_2370 = vector.broadcast %eq3A_2369 : i32 to vector<16xi32>
      %eq3A_2371 = arith.cmpi eq, %get3A_2366, %eq3A_2370 : vector<16xi32>
      %jit3A_2372 = arith.constant 1.000000e+00 : f32
      %jit3A_2373 = arith.constant 0.000000e+00 : f32
      %broadcast_in_dim3A_2374 = vector.broadcast %jit3A_2372 : f32 to vector<16xf32>
      %broadcast_in_dim3A_2375 = vector.broadcast %jit3A_2373 : f32 to vector<16xf32>
      %select_n3A_2376 = arith.select %eq3A_2371, %broadcast_in_dim3A_2374, %broadcast_in_dim3A_2375 : vector<16xi1>, vector<16xf32>
      %eq3A_2377 = arith.constant 1 : i32
      %eq3A_2378 = vector.broadcast %eq3A_2377 : i32 to vector<16xi32>
      %eq3A_2379 = arith.cmpi eq, %get3A_2366, %eq3A_2378 : vector<16xi32>
      %broadcast_in_dim3A_2380 = arith.constant 0.000000e+00 : f32
      %broadcast_in_dim3A_2381 = vector.broadcast %broadcast_in_dim3A_2380 : f32 to vector<16xf32>
      %select_n3A_2382 = arith.select %eq3A_2379, %get3A_2368, %broadcast_in_dim3A_2381 : vector<16xi1>, vector<16xf32>
      %add3A_2383 = arith.addf %select_n3A_2376, %select_n3A_2382 : vector<16xf32>
      %swap3A_2384 = arith.constant 25968 : index
      %swap3A_2385 = tpu.vector_load %arg11[%swap3A_2384] {strides = array<i32>} : memref<29160xf32, #tpu.memory_space<vmem>>, vector<16xf32>,
      tpu.vector_store %arg11[%swap3A_2384], %add3A_2383 {strides = array<i32>} : memref<29160xf32, #tpu.memory_space<vmem>>, vector<16xf32>,
      %get3A_2386 = arith.constant 1424 : index
      %get3A_2387 = tpu.vector_load %arg9[%get3A_2386] {strides = array<i32>} : memref<1440xi32, #tpu.memory_space<vmem>>, vector<16xi32>,
      %get3A_2388 = arith.constant 64 : index
      %get3A_2389 = tpu.vector_load %arg16[%get3A_2388] {strides = array<i32>} : memref<80xf32, #tpu.memory_space<vmem>>, vector<16xf32>,
      %eq3A_2390 = arith.constant 2 : i32
      %eq3A_2391 = vector.broadcast %eq3A_2390 : i32 to vector<16xi32>
      %eq3A_2392 = arith.cmpi eq, %get3A_2387, %eq3A_2391 : vector<16xi32>
      %jit3A_2393 = arith.constant 1.000000e+00 : f32
      %jit3A_2394 = arith.constant 0.000000e+00 : f32
      %broadcast_in_dim3A_2395 = vector.broadcast %jit3A_2393 : f32 to vector<16xf32>
      %broadcast_in_dim3A_2396 = vector.broadcast %jit3A_2394 : f32 to vector<16xf32>
      %select_n3A_2397 = arith.select %eq3A_2392, %broadcast_in_dim3A_2395, %broadcast_in_dim3A_2396 : vector<16xi1>, vector<16xf32>
      %eq3A_2398 = arith.constant 1 : i32
      %eq3A_2399 = vector.broadcast %eq3A_2398 : i32 to vector<16xi32>
      %eq3A_2400 = arith.cmpi eq, %get3A_2387, %eq3A_2399 : vector<16xi32>
      %broadcast_in_dim3A_2401 = arith.constant 0.000000e+00 : f32
      %broadcast_in_dim3A_2402 = vector.broadcast %broadcast_in_dim3A_2401 : f32 to vector<16xf32>
      %select_n3A_2403 = arith.select %eq3A_2400, %get3A_2389, %broadcast_in_dim3A_2402 : vector<16xi1>, vector<16xf32>
      %add3A_2404 = arith.addf %select_n3A_2397, %select_n3A_2403 : vector<16xf32>
      %swap3A_2405 = arith.constant 25984 : index
      %swap3A_2406 = tpu.vector_load %arg11[%swap3A_2405] {strides = array<i32>} : memref<29160xf32, #tpu.memory_space<vmem>>, vector<16xf32>,
      tpu.vector_store %arg11[%swap3A_2405], %add3A_2404 {strides = array<i32>} : memref<29160xf32, #tpu.memory_space<vmem>>, vector<16xf32>,
      %mul3A_2407 = arith.constant 2 : i32
      %mul3A_2408 = arith.muli %mul3A_2407, %add3A_83 : i32
      %add3A_2409 = arith.constant 1 : i32
      %add3A_2410 = arith.addi %mul3A_2408, %add3A_2409 : i32
      "tpu.region"() ({
        %run_scoped3A = tpu.sem_alloc : memref<!tpu.dma_semaphore, #tpu.memory_space<semaphore_mem>>
        %dma_start3A = arith.constant 0 : i32
        %dma_start3A_2412 = tpu.memref_slice %arg7[%add3A_2410, %dma_start3A] : memref<512x29160xf32, #tpu.memory_space<hbm>> -> memref<1x29160xf32, #tpu.memory_space<hbm>>
        %dma_start3A_2413 = tpu.memref_squeeze %dma_start3A_2412 : memref<1x29160xf32, #tpu.memory_space<hbm>> -> memref<29160xf32, #tpu.memory_space<hbm>>
        %dma_start3A_2414 = arith.constant 0 : i32
        %dma_start3A_2415 = tpu.memref_slice %arg7[%add3A_2410, %dma_start3A_2414] : memref<512x29160xf32, #tpu.memory_space<hbm>> -> memref<1x29160xf32, #tpu.memory_space<hbm>>
        %dma_start3A_2416 = tpu.memref_squeeze %dma_start3A_2415 : memref<1x29160xf32, #tpu.memory_space<hbm>> -> memref<29160xf32, #tpu.memory_space<hbm>>
        tpu.enqueue_dma source(%arg11 : memref<29160xf32, #tpu.memory_space<vmem>>) target(%dma_start3A_2416 : memref<29160xf32, #tpu.memory_space<hbm>>) target_semaphore(%run_scoped3A : memref<!tpu.dma_semaphore, #tpu.memory_space<semaphore_mem>>)
        %dma_wait3A = arith.constant 0 : i32
        %dma_wait3A_2417 = tpu.memref_slice %arg7[%add3A_2410, %dma_wait3A] : memref<512x29160xf32, #tpu.memory_space<hbm>> -> memref<1x29160xf32, #tpu.memory_space<hbm>>
        %dma_wait3A_2418 = tpu.memref_squeeze %dma_wait3A_2417 : memref<1x29160xf32, #tpu.memory_space<hbm>> -> memref<29160xf32, #tpu.memory_space<hbm>>
        %dma_wait3A_2419 = arith.constant 0 : i32
        %dma_wait3A_2420 = tpu.memref_slice %arg7[%add3A_2410, %dma_wait3A_2419] : memref<512x29160xf32, #tpu.memory_space<hbm>> -> memref<1x29160xf32, #tpu.memory_space<hbm>>
        %dma_wait3A_2421 = tpu.memref_squeeze %dma_wait3A_2420 : memref<1x29160xf32, #tpu.memory_space<hbm>> -> memref<29160xf32, #tpu.memory_space<hbm>>
        tpu.wait_dma2 semaphore(%run_scoped3A : memref<!tpu.dma_semaphore, #tpu.memory_space<semaphore_mem>>) src(%arg11 : memref<29160xf32, #tpu.memory_space<vmem>>) dst(%dma_wait3A_2421 : memref<29160xf32, #tpu.memory_space<hbm>>)
        tpu.yield
      }) : () -> ()
      %scan3A_2411 = arith.constant 0 : i32
      scf.yield %scan3A_2411 : i32
    }
    %scan3A_78 = arith.constant 8 : i32
    return
  }
}

</mosaic_0001>

<sc_bundles>
// kernel: kernel.3.cloned.1.call-start
scs
__scs_entry_jumppad:
0x0: {  	(pc) =	sbr.rel $0x88, $3  }
0x1: {  	(tag) =	ssettag $0x0;
	lr =	simm.s32 $0x1  }
0x2: {  	[smem:$0x3F9E] =	sst lr;
	_ =	strace $0xD0000000  }
0x3: {  	_ = 	snop  }
0x4: {  	_ = 	snop  }
0x5: {  	_ = 	snop  }
0x6: {  	_ = 	snop  }
0x7: {  	_ = 	snop  }
__scs_overlays_trampoline_lowered:
0x8: {  	[smem:$0x3FAD] =	sst s0  }
0x9: {  	[smem:$0x3FAE] =	sst s1  }
0xa: {  	[smem:$0x3FAF] =	sst s2  }
0xb: {  	[smem:$0x3FB0] =	sst s3  }
0xc: {  	[smem:$0x3FB1] =	sst s4  }
0xd: {  	[smem:$0x3FB2] =	sst s5  }
0xe: {  	[smem:$0x3FB3] =	sst s6  }
0xf: {  	[smem:$0x3FB4] =	sst s7  }
0x10: {  	[smem:$0x3FB5] =	sst s8  }
0x11: {  	[smem:$0x3FB6] =	sst s9;
	s0 =	simm.s32 @!p0 $0x0  }
0x12: {  	s1 =	sld [smem:$0x3F9C];
	s0 =	simm.s32 @p0 $0x1  }
0x13: {  	[smem:$0x3FB7] =	sst s0;
	s0 =	simm.s32 @!p1 $0x0  }
0x14: {  	s2 =	sld [smem:$0x3F9B];
	s0 =	simm.s32 @p1 $0x1  }
0x15: {  	[smem:$0x3FB8] =	sst s0;
	s0 =	simm.s32 @!p2 $0x0  }
0x16: {  	s3 =	sld [smem:$0x3FDB];
	s0 =	simm.s32 @p2 $0x1  }
0x17: {  	s4 =	simm.s32 $0x1BF5;
	[smem:$0x3FBA] =	sst s0  }
0x18: {  	s0 =	sld [smem:$0x3F9D];
	_ =	swait.ge [sflag:s4], $0x0  }
0x19: {  	s7 =	sld [smem:$0x3F9E]  }
0x1a: {  	s8 =	sadd.s32 $0xFFFFE003, lr  }
0x1b: {  	s9 =	sadd.s32 $0xFFFFFEF7, lr;
	s5 =	simm.s32 $0xFFFFFFFF;
	p2 =	slt.u32 s8, $0xFFFFF086  }
0x1c: {  	p1 =	slt.u32 s9, $0xF7A;
	s5 =	simm.s32 @!p2 $0x0  }
0x1d: {  	s5 =	simm.s32 @p1 $0x1;
	p0 =	seq.s32 s7, s2  }
0x1e: {  	s7 =	smul.u32 @!p0 $0xF7A, s2;
	p2 =	seq.s32 @!p0 s5, $0x0  }
0x1f: {  	s9 =	smul.u32 $0xF7A, s1;
	s8 =	simm.s32 @!p0 $0x1BF5;
	p2 =	por !p2, p0  }
0x20: {  	[sflag:s8] =	ssyncset.s32 @!p0 $0xFFFFF086;
	s6 =	sadd.s32 @!p0 s3, s7;
	s7 =	simm.s32 @!p0 $0x108  }
0x21: {  	s3 =	sadd.s32 s3, s9;
	s6 =	sadd.s32 @!p0 $0x88, s6;
	s7 =	simm.s32 @p2 $0x1082  }
0x22: {  	[simem:s7], [sflag:s8] =	dma.local @!p0 [hbm:s6], $0xF7A  }
0x23: {  	s9 =	sor.u32 $0xD0000000, s2;
	s6 =	simm.s32 $0x108;
	_ =	swait.ge @!p0 [sflag:s8], $0x0  }
0x24: {  	s3 =	sadd.s32 $0x88, s3;
	s6 =	simm.s32 @!p1 $0x1082;
	[sflag:s4] =	ssyncset.s32 $0xFFFFF086  }
0x25: {  	[simem:s6], [sflag:s4] =	dma.local [hbm:s3], $0xF7A  }
0x26: {  	[smem:$0x3F9E] =	sst s1;
	(tag) =	ssettag s2;
	_ =	strace s9  }
0x27: {  	s1 =	sld [smem:$0x3FAE]  }
0x28: {  	s2 =	sld [smem:$0x3FAF]  }
0x29: {  	s4 =	sld [smem:$0x3FB1]  }
0x2a: {  	p0 =	seq.s32 s5, $0x0;
	s5 =	sld [smem:$0x3FB2]  }
0x2b: {  	s6 =	sld [smem:$0x3FB3]  }
0x2c: {  	s7 =	sld [smem:$0x3FB4]  }
0x2d: {  	s3 =	simm.s32 $0x108;
	s8 =	sld [smem:$0x3FB5]  }
0x2e: {  	s3 =	simm.s32 @!p0 $0x1082;
	s9 =	sld [smem:$0x3FB6]  }
0x2f: {  	lr =	sadd.s32 s0, s3;
	s0 =	sld [smem:$0x3FAD]  }
0x30: {  	s3 =	sld [smem:$0x3FB0]  }
0x31: {  	[smem:$0x3FB9] =	sst s10  }
0x32: {  	s10 =	sld [smem:$0x3FB7];
	_ =	sdelay $0x3  }
0x33: {  	p0 =	seq.s32 s10, $0x1;
	s10 =	sld [smem:$0x3FB9];
	_ =	sdelay $0x3  }
0x34: {  	[smem:$0x3FB9] =	sst s10  }
0x35: {  	s10 =	sld [smem:$0x3FB8];
	_ =	sdelay $0x3  }
0x36: {  	p1 =	seq.s32 s10, $0x1;
	s10 =	sld [smem:$0x3FB9];
	_ =	sdelay $0x3  }
0x37: {  	[smem:$0x3FB9] =	sst s10  }
0x38: {  	s10 =	sld [smem:$0x3FBA]  }
0x39: {  	_ = 	snop;
	(pc) =	sbr.ind lr, $3  }
0x3a: {  	_ = 	snop  }
0x3b: {  	_ = 	snop  }
0x3c: {  	p2 =	seq.s32 s10, $0x1;
	s10 =	sld [smem:$0x3FB9]  }
0x3d: {  	_ =	shalt  }
0x3e: {  	_ =	shalt  }
0x3f: {  	_ =	shalt  }
0x40: {  	_ =	shalt  }
0x41: {  	_ =	shalt  }
0x42: {  	_ =	shalt  }
0x43: {  	_ =	shalt  }
0x44: {  	_ =	shalt  }
0x45: {  	_ =	shalt  }
0x46: {  	_ =	shalt  }
0x47: {  	_ =	shalt  }
0x48: {  	_ =	shalt  }
0x49: {  	_ =	shalt  }
0x4a: {  	_ =	shalt  }
0x4b: {  	_ =	shalt  }
0x4c: {  	_ =	shalt  }
0x4d: {  	_ =	shalt  }
0x4e: {  	_ =	shalt  }
0x4f: {  	_ =	shalt  }
0x50: {  	_ =	shalt  }
0x51: {  	_ =	shalt  }
0x52: {  	_ =	shalt  }
0x53: {  	_ =	shalt  }
0x54: {  	_ =	shalt  }
0x55: {  	_ =	shalt  }
0x56: {  	_ =	shalt  }
0x57: {  	_ =	shalt  }
0x58: {  	_ =	shalt  }
0x59: {  	_ =	shalt  }
0x5a: {  	_ =	shalt  }
0x5b: {  	_ =	shalt  }
0x5c: {  	_ =	shalt  }
0x5d: {  	_ =	shalt  }
0x5e: {  	_ =	shalt  }
0x5f: {  	_ =	shalt  }
0x60: {  	_ =	shalt  }
0x61: {  	_ =	shalt  }
0x62: {  	_ =	shalt  }
0x63: {  	_ =	shalt  }
0x64: {  	_ =	shalt  }
0x65: {  	_ =	shalt  }
0x66: {  	_ =	shalt  }
0x67: {  	_ =	shalt  }
0x68: {  	_ =	shalt  }
0x69: {  	_ =	shalt  }
0x6a: {  	_ =	shalt  }
0x6b: {  	_ =	shalt  }
0x6c: {  	_ =	shalt  }
0x6d: {  	_ =	shalt  }
0x6e: {  	_ =	shalt  }
0x6f: {  	_ =	shalt  }
0x70: {  	_ =	shalt  }
0x71: {  	_ =	shalt  }
0x72: {  	_ =	shalt  }
0x73: {  	_ =	shalt  }
0x74: {  	_ =	shalt  }
0x75: {  	_ =	shalt  }
0x76: {  	_ =	shalt  }
0x77: {  	_ =	shalt  }
0x78: {  	_ =	shalt  }
0x79: {  	_ =	shalt  }
0x7a: {  	_ =	shalt  }
0x7b: {  	_ =	shalt  }
0x7c: {  	_ =	shalt  }
0x7d: {  	_ =	shalt  }
0x7e: {  	_ =	shalt  }
0x7f: {  	_ =	shalt  }
0x80: {  	_ =	shalt  }
0x81: {  	_ =	shalt  }
0x82: {  	_ =	shalt  }
0x83: {  	_ =	shalt  }
0x84: {  	_ =	shalt  }
0x85: {  	_ =	shalt  }
0x86: {  	_ =	shalt  }
0x87: {  	_ =	shalt  }
.Lfunc_end0:
.L_simem_size_0:
called_computation.1_lowered:
.L_overlay_start_0:
0x88: {  	s2 =	sld [smem:$0x3FD9]  }
0x89: {  	s3 =	sld [smem:$0x3FFE];
	_ =	sdelay $0x1  }
0x8a: {  	s1 =	srdreg.scid  }
0x8b: {  	s0 =	sand.u32 $0x1, s1  }
0x8c: {  	s17 =	sshll.u32 s0, $0xA;
	s2 =	sadd.s32 s3, s2  }
0x8d: {  	s2 =	sadd.s32 s2, s17  }
0x8e: {  	[smem:$0x3FC5] =	sst s2  }
0x8f: {  	_ = 	snop  }
0x90: {  	s2 =	sld [smem:$0x3FC8]  }
0x91: {  	s18 =	sld [smem:$0x3FD0];
	(tm) =	ssettm $0x1  }
0x92: {  	s4 =	sld [smem:$0x3FFB];
	_ =	sdelay $0x3  }
0x93: {  	_ =	strace s4  }
0x94: {  	s4 =	sld [smem:$0x3FFC];
	_ =	sdelay $0x3  }
0x95: {  	_ =	strace s4  }
0x96: {  	s4 =	sld [smem:$0x3FFD];
	_ =	sdelay $0x3  }
0x97: {  	_ =	strace s4  }
0x98: {  	_ =	strace $0x8FFFFFFF  }
0x99: {  	s19 =	sld [smem:$0x3FDB];
	_ =	sdelay $0x1  }
0x9a: {  	s5 =	simm.s32 $_scs_section_size  }
0x9b: {  	s6 =	simm.s32 $_size__tile_overlayer_lowered;
	s7 =	simm.s32 $_tile_overlayer_lowered  }
0x9c: {  	s22 =	simm.s32 $0x1BFF;
	s21 =	sshll.u32 s7, $0x1;
	s4 =	sadd.s32 s5, s19  }
0x9d: {  	s8 =	simm.s32 $0x0;
	s20 =	sshll.u32 s6, $0x1;
	s6 =	sadd.s32 s21, s4  }
0x9e: {  	[timem:s8], [sflag:s22] =	dma.local [hbm:s6], s20  }
0x9f: {  	_ =	swait.ge [sflag:s22], s20  }
0xa0: {  	s5 =	ssub.s32 $0x0, s20;
	[sflag:s22] =	ssyncset.done $0x0  }
0xa1: {  	[sflag:s22] =	ssyncadd.s32 s5;
	_ =	sdelay $0x1  }
0xa2: {  	s23 =	simm.s32 $0x1B8B  }
0xa3: {  	_ =	swait.ge [sflag:s23], $0x1  }
0xa4: {  	[sflag:s23] =	ssyncset.done $0x0  }
0xa5: {  	s25 =	simm.s32 $0x1B8E;
	s24 =	sld [smem:$0x3FFE];
	[sflag:s23] =	ssyncadd.s32 $0xFFFFFFFF  }
0xa6: {  	s26 =	simm.s32 $execute0_lowered;
	[smem:$0x3FD2] =	sst s25  }
0xa7: {  	s6 =	sshll.u32 s26, $0x1;
	_ =	strace $0x80000046;
	[dreg:$0x1] =	wrdreg $0xFFFFFFFF  }
0xa8: {  	s28 =	simm.s32 $_size_execute0_lowered;
	s4 =	sadd.s32 s4, s6;
	[dreg:$0x0] =	wrdreg $0x0  }
0xa9: {  	s6 =	sshll.u32 s28, $0x1;
	[dreg:$0x2] =	wrdreg s4  }
0xaa: {  	[dreg:$0x3] =	wrdreg s6  }
0xab: {  	[dreg:$0x4] =	wrdreg $0xC0  }
0xac: {  	_ =	task [dreg:s8], $0x5FFFF  }
0xad: {  	[dreg:$0x1] =	wrdreg $0xFFFFFFFF  }
0xae: {  	[dreg:$0x0] =	wrdreg $0x60  }
0xaf: {  	[dreg:$0x2] =	wrdreg s18  }
0xb0: {  	[dreg:$0x3] =	wrdreg s2  }
0xb1: {  	[dreg:$0x4] =	wrdreg s24  }
0xb2: {  	[dreg:$0x5] =	wrdreg $0x9  }
0xb3: {  	_ =	task.clear_ibuf [dreg:s8], $0x6FFFF;
	_ =	strace $0x90000046  }
0xb4: {  	s29 =	simm.s32 $0x9;
	_ =	strace $0x80000048  }
0xb5: {  	_ =	swait.ge [sflag:s29], $0x1  }
0xb6: {  	[sflag:s29] =	ssyncadd.s32 $0xFFFFFFFF  }
0xb7: {  	_ =	strace $0x90000048  }
0xb8: {  	_ =	sfence  }
0xb9: {  	s30 =	sld [smem:$0x0];
	_ =	sdelay $0x2  }
0xba: {  	s31 =	sshll.u32 s1, $0xD;
	s1 =	sshrl.u32 s1, $0x2  }
0xbb: {  	s3 =	sand.u32 $0x4000, s31;
	s1 =	sadd.s32 s1, s30  }
0xbc: {  	s0 =	sor.u32 s3, s0;
	s1 =	sshll.u32 s1, $0x11  }
0xbd: {  	s0 =	sor.u32 s1, s0  }
0xbe: {  	s0 =	sadd.s32 $0x8F2B, s0  }
0xbf: {  	[sflag:s0] =	ssyncadd.remote.s32 $0x1  }
0xc0: {  	_ =	sfence.sel $0xFFFF  }
0xc1: {  	[dreg:$0x0] =	wrdreg $0xFFFFFFFF;
	(pc) =	sbr.abs _section_cstart, $3  }
0xc2: {  	[dreg:$0x1] =	wrdreg $0xFFFFFFFF  }
0xc3: {  	_ =	task.clear_ibuf [dreg:s8], $0x2FFFF;
	_ =	strace $0x9FFFFFFF  }
0xc4: {  	(tm) =	ssettm $0x7FFFFFFF  }
0xc5: {  	_ =	shalt  }
tec
execute0_lowered:
.L_overlay_start_1:
0x0: {  	(tag) =	ssettag $0x1  }
0x1: {  	s1 =	rddreg [dreg:$0x0]  }
0x2: {  	s2 =	rddreg [dreg:$0x1]  }
0x3: {  	s9 =	rddreg [dreg:$0x2];
	s3 =	simm.s32 $0x0  }
0x4: {  	s6 =	srdreg.scid;
	s4 =	stileid.u32;
	s12 =	simm.s32 $0x16000  }
0x5: {  	s13 =	simm.s32 $0x1;
	s14 =	simm.s32 $0x16C80;
	s15 =	simm.s32 $0x17900  }
0x6: {  	s16 =	simm.s32 $0x1AA80;
	s17 =	simm.s32 $0x80;
	s18 =	simm.s32 $0x400  }
0x7: {  	s19 =	simm.s32 $0x680;
	s20 =	simm.s32 $0xF080;
	s21 =	simm.s32 $0xC80  }
0x8: {  	s22 =	simm.s32 $0x7E80;
	s23 =	simm.s32 $0x0;
	[smem:$0x7FF] =	sst s3  }
0x9: {  	s5 =	sadd.s32 $0x800, s9;
	s6 =	sand.u32 $0x1, s6;
	s7 =	sshll.u32 s4, $0x4  }
0xa: {  	_ =	strace $0x80000047;
	s10 =	ssub.s32 $0x2, s6;
	s8 =	sshll.u32 s6, $0x3  }
0xb: {  	s6 =	sadd.s32 $0x1200, s9;
	s11 =	sshrl.u32 s10, $0x1;
	s7 =	sor.u32 s8, s7  }
0xc: {  	v0 =	vimm.f32 $0.0e+00;
	s8 =	sadd.s32 $0x1000, s9;
	s11 =	ssub.s32 s10, s11;
	s31 =	sshrl.u32 s7, $0x3  }
0xd: {  	v1 =	vimm.f32 $1.000000000e+00;
	v2 =	vimm.s32 $0x0;
	v3 =	vlaneseq.u32;
	s9 =	sadd.s32 $0x1400, s9;
	s10 =	smul.u32 $0x3400, s31;
	s11 =	smax.u32 s11, $0x1  }
.LBB2_1:
0xe: {  	[tilespmem:s12], [sflag:$0x1] =	stream.linear.gather [hbm4b:s6+s3], $0xC80, $0x38;
	[tilespmem:$0x1AB00] =	vst v63  }
0xf: {  	_ =	swait.ge [sflag:s13], $0xC80  }
0x10: {  	[sflag:s13] =	ssyncset.done $0x0  }
0x11: {  	[sflag:s13] =	ssyncadd.s32 $0xFFFFF380  }
0x12: {  	[tilespmem:s14], [sflag:$0x1] =	stream.linear.gather [hbm4b:s8+s3], $0xC80, $0x38;
	[tilespmem:$0x1AB00] =	vst v63  }
0x13: {  	_ =	swait.ge [sflag:s13], $0xC80  }
0x14: {  	[sflag:s13] =	ssyncset.done $0x0  }
0x15: {  	[sflag:s13] =	ssyncadd.s32 $0xFFFFF380  }
0x16: {  	[tilespmem:s15], [sflag:$0x1] =	stream.linear.gather [hbm4b:s5+s3], $0x3180, $0x38;
	[tilespmem:$0x1AB00] =	vst v63  }
0x17: {  	_ =	swait.ge [sflag:s13], $0x3180  }
0x18: {  	[sflag:s13] =	ssyncset.done $0x0  }
0x19: {  	[sflag:s13] =	ssyncadd.s32 $0xFFFFCE80  }
0x1a: {  	[tilespmem:s16], [sflag:$0x1] =	stream.linear.gather [hbm4b:s2+s3], $0x80, $0x38;
	[tilespmem:$0x1AB00] =	vst v63  }
0x1b: {  	_ =	swait.ge [sflag:s13], $0x80  }
0x1c: {  	[sflag:s13] =	ssyncset.done $0x0  }
0x1d: {  	[sflag:s13] =	ssyncadd.s32 $0xFFFFFF80  }
0x1e: {  	v4 =	vld [tilespmem:$0x1AA80];
	_ =	sdelay $0x4  }
0x1f: {  	v4 =	vsub.f32 $0.0e+00, v4;
	_ =	sdelay $0x1  }
0x20: {  	v4 =	vmul.f32 $1.442695020e+00, v4;
	_ =	sdelay $0x1  }
0x21: {  	(erf) = vpow2.f32 v4;
	_ =	sdelay $0x3  }
0x22: {  	v4 =	vld [tilespmem:$0x1AA90];
	_ =	sdelay $0x4  }
0x23: {  	v4 =	vsub.f32 $0.0e+00, v4;
	v5 =	vpop (erf)  }
0x24: {  	v5 =	vadd.f32 $1.000000000e+00, v5  }
0x25: {  	v4 =	vmul.f32 $1.442695020e+00, v4  }
0x26: {  	(erf) = vrcp.f32 v5  }
0x27: {  	(erf) = vpow2.f32 v4;
	_ =	sdelay $0x3  }
0x28: {  	v4 =	vld [tilespmem:$0x1AAA0];
	_ =	sdelay $0x3  }
0x29: {  	v5 =	vpop (erf)  }
0x2a: {  	v4 =	vsub.f32 $0.0e+00, v4;
	v6 =	vpop (erf)  }
0x2b: {  	v6 =	vadd.f32 $1.000000000e+00, v6  }
0x2c: {  	v4 =	vmul.f32 $1.442695020e+00, v4  }
0x2d: {  	(erf) = vrcp.f32 v6  }
0x2e: {  	(erf) = vpow2.f32 v4;
	_ =	sdelay $0x3  }
0x2f: {  	v4 =	vld [tilespmem:$0x1AAB0];
	_ =	sdelay $0x3  }
0x30: {  	v6 =	vpop (erf)  }
0x31: {  	v4 =	vsub.f32 $0.0e+00, v4;
	v7 =	vpop (erf)  }
0x32: {  	v7 =	vadd.f32 $1.000000000e+00, v7  }
0x33: {  	v4 =	vmul.f32 $1.442695020e+00, v4  }
0x34: {  	(erf) = vrcp.f32 v7  }
0x35: {  	(erf) = vpow2.f32 v4;
	_ =	sdelay $0x3  }
0x36: {  	v4 =	vld [tilespmem:$0x1AAC0];
	_ =	sdelay $0x3  }
0x37: {  	v7 =	vpop (erf)  }
0x38: {  	v4 =	vsub.f32 $0.0e+00, v4;
	v8 =	vpop (erf)  }
0x39: {  	v8 =	vadd.f32 $1.000000000e+00, v8  }
0x3a: {  	v4 =	vmul.f32 $1.442695020e+00, v4  }
0x3b: {  	(erf) = vrcp.f32 v8  }
0x3c: {  	(erf) = vpow2.f32 v4;
	_ =	sdelay $0x7  }
0x3d: {  	v4 =	vpop (erf)  }
0x3e: {  	v63 =	vpop (erf)  }
0x3f: {  	v8 =	vadd.f32 $1.000000000e+00, v63;
	_ =	sdelay $0x1  }
0x40: {  	(erf) = vrcp.f32 v8;
	_ =	sdelay $0x5  }
0x41: {  	[tilespmem:$0x1AA80] =	vst v5  }
0x42: {  	[tilespmem:$0x1AA90] =	vst v6  }
0x43: {  	[tilespmem:$0x1AAA0] =	vst v7  }
0x44: {  	[tilespmem:$0x1AAB0] =	vst v4;
	v4 =	vpop (erf)  }
0x45: {  	s25 =	simm.s32 $0x191C0;
	[tilespmem:$0x1AAC0] =	vst v4  }
0x46: {  	v4 =	vld [tilespmem:s25+$0xFFFFE740];
	_ =	sdelay $0x1  }
0x47: {  	v5 =	vld [tilespmem:s25+$0xFFFFF3A0];
	_ =	sdelay $0x2  }
0x48: {  	v6 =	vld [tilespmem:s25+$0x0];
	v4 =	vsub.f32 $0.0e+00, v4;
	_ =	sdelay $0x1  }
0x49: {  	v7 =	vld [tilespmem:s25+$0xC60];
	v5 =	vsub.f32 $0.0e+00, v5;
	v4 =	vmul.f32 $1.442695020e+00, v4;
	_ =	sdelay $0x1  }
0x4a: {  	v5 =	vmul.f32 $1.442695020e+00, v5;
	(erf) = vpow2.f32 v4  }
0x4b: {  	v6 =	vsub.f32 $0.0e+00, v6  }
0x4c: {  	(erf) = vpow2.f32 v5  }
0x4d: {  	v4 =	vmul.f32 $1.442695020e+00, v6;
	v6 =	vsub.f32 $0.0e+00, v7;
	_ =	sdelay $0x1  }
0x4e: {  	v5 =	vmul.f32 $1.442695020e+00, v6;
	(erf) = vpow2.f32 v4;
	_ =	sdelay $0x1  }
0x4f: {  	(erf) = vpow2.f32 v5;
	_ =	sdelay $0x1  }
0x50: {  	v4 =	vpop (erf)  }
0x51: {  	v4 =	vadd.f32 $1.000000000e+00, v4  }
0x52: {  	v5 =	vpop (erf)  }
0x53: {  	v5 =	vadd.f32 $1.000000000e+00, v5;
	_ =	sdelay $0x1  }
0x54: {  	(erf) = vrcp.f32 v4;
	v4 =	vpop (erf)  }
0x55: {  	(erf) = vrcp.f32 v5;
	v4 =	vadd.f32 $1.000000000e+00, v4  }
0x56: {  	v5 =	vpop (erf)  }
0x57: {  	v5 =	vadd.f32 $1.000000000e+00, v5;
	(erf) = vrcp.f32 v4;
	_ =	sdelay $0x1  }
0x58: {  	(erf) = vrcp.f32 v5;
	_ =	sdelay $0x3  }
0x59: {  	v4 =	vpop (erf)  }
0x5a: {  	v5 =	vpop (erf)  }
0x5b: {  	v6 =	vmul.f32 v5, v4  }
0x5c: {  	v5 =	vpop (erf)  }
0x5d: {  	v5 =	vmul.f32 v6, v5  }
0x5e: {  	v7 =	vpop (erf)  }
0x5f: {  	[tilespmem:s20+$0x0] =	vst v0;
	v7 =	vmul.f32 v5, v7  }
0x60: {  	[tilespmem:s20+$0x18C0] =	vst v5  }
0x61: {  	[tilespmem:s20+$0xC60] =	vst v7  }
0x62: {  	s30 =	sand.u32 $0xFF0, s3;
	[tilespmem:s20+$0x2520] =	vst v7  }
0x63: {  	s28 =	simm.s32 $0x10;
	s26 =	simm.s32 $0xF080;
	s29 =	simm.s32 $0xF080;
	[tilespmem:s30+$0x12200] =	vst v6  }
.LBB2_2:
0x64: {  	p0 =	sne.s32 s28, $0xC50;
	[tilespmem:s26+$0x56A0] =	vst v4;
	s25 =	sadd.s32 $0x10, s25;
	s29 =	sadd.s32 $0x10, s29  }
0x65: {  	s24 =	smov.u32 s28;
	s28 =	sadd.s32 $0x10, s28;
	[tilespmem:s26+$0x3DE0] =	vst v4  }
0x66: {  	[tilespmem:s26+$0x4A40] =	vst v5;
	s26 =	smov.u32 s29  }
0x67: {  	[tilespmem:s30+$0x15380] =	vst v1  }
0x68: {  	v4 =	vld [tilespmem:s25+$0xFFFFE740]  }
0x69: {  	v5 =	vld [tilespmem:s25+$0xFFFFF3A0];
	_ =	sdelay $0x1  }
0x6a: {  	v6 =	vld [tilespmem:s25+$0x0];
	_ =	sdelay $0x1  }
0x6b: {  	v4 =	vsub.f32 $0.0e+00, v4;
	v7 =	vld [tilespmem:s25+$0xC60]  }
0x6c: {  	v5 =	vsub.f32 $0.0e+00, v5;
	[tilespmem:s29+$0x0] =	vst v0  }
0x6d: {  	v4 =	vmul.f32 $1.442695020e+00, v4  }
0x6e: {  	v5 =	vmul.f32 $1.442695020e+00, v5;
	v6 =	vsub.f32 $0.0e+00, v6  }
0x6f: {  	(erf) = vpow2.f32 v4  }
0x70: {  	v4 =	vmul.f32 $1.442695020e+00, v6;
	v6 =	vsub.f32 $0.0e+00, v7;
	(erf) = vpow2.f32 v5;
	_ =	sdelay $0x1  }
0x71: {  	v5 =	vmul.f32 $1.442695020e+00, v6;
	(erf) = vpow2.f32 v4;
	_ =	sdelay $0x1  }
0x72: {  	(erf) = vpow2.f32 v5;
	_ =	sdelay $0x3  }
0x73: {  	v4 =	vpop (erf)  }
0x74: {  	v6 =	vadd.f32 $1.000000000e+00, v4;
	v5 =	vpop (erf)  }
0x75: {  	v7 =	vadd.f32 $1.000000000e+00, v5  }
0x76: {  	(erf) = vrcp.f32 v6;
	v4 =	vpop (erf)  }
0x77: {  	v4 =	vadd.f32 $1.000000000e+00, v4;
	(erf) = vrcp.f32 v7  }
0x78: {  	v5 =	vpop (erf)  }
0x79: {  	v5 =	vadd.f32 $1.000000000e+00, v5;
	(erf) = vrcp.f32 v4;
	_ =	sdelay $0x1  }
0x7a: {  	(erf) = vrcp.f32 v5;
	_ =	sdelay $0x3  }
0x7b: {  	v4 =	vpop (erf)  }
0x7c: {  	v5 =	vpop (erf)  }
0x7d: {  	v6 =	vmul.f32 v5, v4  }
0x7e: {  	v5 =	vpop (erf)  }
0x7f: {  	v5 =	vmul.f32 v6, v5  }
0x80: {  	v7 =	vpop (erf)  }
.Ltmp0:
0x81: {  	v7 =	vmul.f32 v5, v7;
	[tilespmem:s29+$0x18C0] =	vst v5;
	(pc) =	sbr.rel @p0 .LBB2_2-.Ltmp0, $4  }
0x82: {  	_ = 	snop  }
0x83: {  	[tilespmem:s29+$0xC60] =	vst v7  }
0x84: {  	s30 =	sand.u32 $0xFF0, s24;
	[tilespmem:s29+$0x2520] =	vst v7  }
0x85: {  	s24 =	simm.s32 $0x0;
	[tilespmem:s30+$0x12200] =	vst v6  }
0x86: {  	[tilespmem:s26+$0x56A0] =	vst v4  }
0x87: {  	[tilespmem:s26+$0x3DE0] =	vst v4  }
0x88: {  	[tilespmem:s26+$0x4A40] =	vst v5  }
0x89: {  	s25 =	simm.s32 $0x0;
	[tilespmem:s30+$0x15380] =	vst v1  }
.LBB2_4:
0x8a: {  	s26 =	sshll.u32 s25, $0x7  }
0x8b: {  	s26 =	sadd.s32 s10, s26  }
0x8c: {  	s26 =	sshrl.u32 s26, $0x3  }
0x8d: {  	s26 =	sadd.s32 s1, s26  }
0x8e: {  	[tilespmem:s24], [sflag:$0x1] =	stream.strided.gather [hbm4b:s26+s17], $0x680, s18, s17, $0x38;
	[tilespmem:$0x1AB00] =	vst v63  }
0x8f: {  	_ =	swait.ge [sflag:s13], $0x680  }
0x90: {  	[sflag:s13] =	ssyncset.done $0x0  }
0x91: {  	s26 =	simm.s32 $0x0;
	[sflag:s13] =	ssyncadd.s32 $0xFFFFF980  }
0x92: {  	v4 =	vld [tilespmem:s26+$0x0]  }
0x93: {  	v5 =	vld [tilespmem:s26+$0xA0];
	_ =	sdelay $0x1  }
0x94: {  	v6 =	vld [tilespmem:s26+$0x50];
	_ =	sdelay $0x2  }
0x95: {  	v8 =	vadd.s32 v4, v5  }
0x96: {  	v7 =	vsub.s32 $0x1, v8  }
0x97: {  	v4 =	vmul.u32 v4, v5;
	v5 =	vmul.u32 v6, v7;
	_ =	sdelay $0x1  }
0x98: {  	v7 =	vadd.s32 v4, v5  }
0x99: {  	v6 =	vshll.u32 v7, $0x1  }
0x9a: {  	v5 =	vimm.s32 $0x1;
	v6 =	vsub.s32 $0x1, v6  }
0x9b: {  	v4 =	vshll.u32 v4, $0x1;
	v6 =	vmul.u32 v5, v6  }
0x9c: {  	v8 =	vsub.s32 v8, v4  }
0x9d: {  	s28 =	simm.s32 $0x50;
	v10 =	vmul.u32 v8, v6  }
0x9e: {  	s29 =	simm.s32 $0x280;
	v9 =	vld [tilespmem:s28+$0x0];
	v4 =	vimm.s32 $0xFFFFFFFF;
	v8 =	vimm.s32 $0xFFFFFFFF  }
.LBB2_5:
0x9f: {  	p0 =	sne.s32 s29, $0x1540;
	v11 =	vld [tilespmem:s28+$0xA0];
	v8 =	vadd.s32 v8, v10  }
0xa0: {  	vm0 =	vgt.s32 v8, $0x0  }
0xa1: {  	v10 =	vld [tilespmem:s28+$0x50];
	v12 =	vsel vm0, $0x1, v2;
	vm0 =	vlt.s32 v8, $0x0  }
0xa2: {  	v7 =	vsub.s32 $0x1, v7;
	v8 =	vsel vm0, $0xFFFFFFFF, v12  }
0xa3: {  	v12 =	vmul.u32 v7, v8;
	v7 =	vadd.s32 $0x1, v8  }
0xa4: {  	v13 =	vadd.s32 v9, v11;
	[tilespmem:s26+$0x680] =	vst v7;
	s26 =	smov.u32 s28  }
0xa5: {  	v7 =	vsub.s32 $0x1, v13;
	v14 =	vmul.u32 v8, v12  }
0xa6: {  	v9 =	vmul.u32 v9, v11;
	v7 =	vmul.u32 v10, v7  }
0xa7: {  	v10 =	vsub.s32 $0x1, v14  }
0xa8: {  	v7 =	vadd.s32 v9, v7;
	v6 =	vmul.u32 v6, v10  }
0xa9: {  	v10 =	vshll.u32 v7, $0x1  }
.Ltmp1:
0xaa: {  	v10 =	vsub.s32 $0x1, v10;
	v6 =	vsub.s32 v6, v12;
	(pc) =	sbr.rel @p0 .LBB2_5-.Ltmp1, $4  }
0xab: {  	v9 =	vshll.u32 v9, $0x1;
	v6 =	vmul.u32 v6, v10  }
0xac: {  	v9 =	vsub.s32 v13, v9  }
0xad: {  	s28 =	sshra.s32 s29, $0x2;
	v10 =	vmul.u32 v9, v6  }
0xae: {  	s29 =	sadd.s32 $0x140, s29;
	v9 =	vld [tilespmem:s28+$0x0]  }
0xaf: {  	v11 =	vld [tilespmem:s28+$0xA0];
	v8 =	vadd.s32 v8, v10  }
0xb0: {  	vm0 =	vgt.s32 v8, $0x0  }
0xb1: {  	v10 =	vld [tilespmem:s28+$0x50];
	vm13 =	vlt.s32 v8, $0x0;
	v12 =	vsel vm0, $0x1, v2  }
0xb2: {  	v7 =	vsub.s32 $0x1, v7;
	v8 =	vsel vm13, $0xFFFFFFFF, v12  }
0xb3: {  	v7 =	vmul.u32 v7, v8  }
0xb4: {  	v63 =	vadd.s32 v9, v11  }
0xb5: {  	v13 =	vsub.s32 $0x1, v63;
	v14 =	vmul.u32 v8, v7  }
0xb6: {  	v9 =	vmul.u32 v9, v11;
	v10 =	vmul.u32 v10, v13  }
0xb7: {  	v11 =	vsub.s32 $0x1, v14  }
0xb8: {  	v10 =	vadd.s32 v9, v10;
	v6 =	vmul.u32 v6, v11  }
0xb9: {  	v10 =	vshll.u32 v10, $0x1  }
0xba: {  	v10 =	vsub.s32 $0x1, v10;
	v6 =	vsub.s32 v6, v7  }
0xbb: {  	v7 =	vshll.u32 v9, $0x1;
	v6 =	vmul.u32 v6, v10  }
0xbc: {  	v7 =	vsub.s32 v63, v7  }
0xbd: {  	v6 =	vmul.u32 v7, v6;
	_ =	sdelay $0x1  }
0xbe: {  	v6 =	vadd.s32 v8, v6  }
0xbf: {  	vm14 =	vgt.s32 v6, $0x0  }
0xc0: {  	vm15 =	vlt.s32 v6, $0x0;
	v7 =	vsel vm14, $0x1, v2  }
0xc1: {  	v6 =	vadd.s32 $0x1, v8;
	v7 =	vsel vm15, $0xFFFFFFFF, v7  }
0xc2: {  	[tilespmem:s26+$0x680] =	vst v6;
	v6 =	vadd.s32 $0x1, v7  }
0xc3: {  	s26 =	simm.s32 $0x0;
	[tilespmem:s28+$0x680] =	vst v6  }
0xc4: {  	v6 =	vld [tilespmem:s26+$0x10]  }
0xc5: {  	v7 =	vld [tilespmem:s26+$0xB0];
	_ =	sdelay $0x1  }
0xc6: {  	v8 =	vld [tilespmem:s26+$0x60];
	_ =	sdelay $0x2  }
0xc7: {  	v9 =	vadd.s32 v6, v7  }
0xc8: {  	v10 =	vsub.s32 $0x1, v9  }
0xc9: {  	v7 =	vmul.u32 v6, v7;
	v6 =	vmul.u32 v8, v10;
	_ =	sdelay $0x1  }
0xca: {  	v6 =	vadd.s32 v7, v6  }
0xcb: {  	v8 =	vshll.u32 v6, $0x1  }
0xcc: {  	v8 =	vsub.s32 $0x1, v8  }
0xcd: {  	v7 =	vshll.u32 v7, $0x1;
	v5 =	vmul.u32 v5, v8  }
0xce: {  	v7 =	vsub.s32 v9, v7  }
0xcf: {  	s29 =	simm.s32 $0x50;
	v8 =	vmul.u32 v7, v5  }
0xd0: {  	s30 =	simm.s32 $0x280;
	s28 =	simm.s32 $0x0;
	v7 =	vld [tilespmem:s29+$0x10]  }
.LBB2_7:
0xd1: {  	p0 =	sne.s32 s30, $0x1540;
	v9 =	vld [tilespmem:s29+$0xB0];
	v4 =	vadd.s32 v4, v8  }
0xd2: {  	vm0 =	vgt.s32 v4, $0x0  }
0xd3: {  	v8 =	vld [tilespmem:s29+$0x60];
	v10 =	vsel vm0, $0x1, v2;
	vm0 =	vlt.s32 v4, $0x0  }
0xd4: {  	v6 =	vsub.s32 $0x1, v6;
	v4 =	vsel vm0, $0xFFFFFFFF, v10  }
0xd5: {  	v10 =	vmul.u32 v6, v4;
	v6 =	vadd.s32 $0x1, v4  }
0xd6: {  	v11 =	vadd.s32 v7, v9;
	[tilespmem:s28+$0x690] =	vst v6;
	s28 =	smov.u32 s29  }
0xd7: {  	v6 =	vsub.s32 $0x1, v11;
	v12 =	vmul.u32 v4, v10  }
0xd8: {  	v7 =	vmul.u32 v7, v9;
	v6 =	vmul.u32 v8, v6  }
0xd9: {  	v8 =	vsub.s32 $0x1, v12  }
0xda: {  	v6 =	vadd.s32 v7, v6;
	v5 =	vmul.u32 v5, v8  }
0xdb: {  	v8 =	vshll.u32 v6, $0x1  }
.Ltmp2:
0xdc: {  	v8 =	vsub.s32 $0x1, v8;
	v5 =	vsub.s32 v5, v10;
	(pc) =	sbr.rel @p0 .LBB2_7-.Ltmp2, $4  }
0xdd: {  	v7 =	vshll.u32 v7, $0x1;
	v5 =	vmul.u32 v5, v8  }
0xde: {  	v7 =	vsub.s32 v11, v7  }
0xdf: {  	s29 =	sshra.s32 s30, $0x2;
	v8 =	vmul.u32 v7, v5  }
0xe0: {  	s30 =	sadd.s32 $0x140, s30;
	v7 =	vld [tilespmem:s29+$0x10]  }
0xe1: {  	v9 =	vld [tilespmem:s29+$0xB0];
	v4 =	vadd.s32 v4, v8  }
0xe2: {  	vm0 =	vgt.s32 v4, $0x0  }
0xe3: {  	v8 =	vld [tilespmem:s29+$0x60];
	vm13 =	vlt.s32 v4, $0x0;
	v10 =	vsel vm0, $0x1, v2  }
0xe4: {  	v6 =	vsub.s32 $0x1, v6;
	v4 =	vsel vm13, $0xFFFFFFFF, v10  }
0xe5: {  	v6 =	vmul.u32 v6, v4  }
0xe6: {  	v10 =	vadd.s32 v7, v9  }
0xe7: {  	v11 =	vsub.s32 $0x1, v10;
	v12 =	vmul.u32 v4, v6  }
0xe8: {  	v7 =	vmul.u32 v7, v9;
	v8 =	vmul.u32 v8, v11  }
0xe9: {  	v9 =	vsub.s32 $0x1, v12  }
0xea: {  	v8 =	vadd.s32 v7, v8;
	v5 =	vmul.u32 v5, v9  }
0xeb: {  	v8 =	vshll.u32 v8, $0x1  }
0xec: {  	v8 =	vsub.s32 $0x1, v8;
	v5 =	vsub.s32 v5, v6  }
0xed: {  	v6 =	vshll.u32 v7, $0x1;
	v5 =	vmul.u32 v5, v8  }
0xee: {  	v6 =	vsub.s32 v10, v6  }
0xef: {  	v5 =	vmul.u32 v6, v5;
	_ =	sdelay $0x1  }
0xf0: {  	v5 =	vadd.s32 v4, v5  }
0xf1: {  	vm14 =	vgt.s32 v5, $0x0  }
0xf2: {  	vm15 =	vlt.s32 v5, $0x0;
	v6 =	vsel vm14, $0x1, v2  }
0xf3: {  	v4 =	vadd.s32 $0x1, v4;
	v5 =	vsel vm15, $0xFFFFFFFF, v6  }
0xf4: {  	[tilespmem:s28+$0x690] =	vst v4;
	v4 =	vadd.s32 $0x1, v5  }
0xf5: {  	[tilespmem:s29+$0x690] =	vst v4  }
0xf6: {  	v4 =	vld [tilespmem:s26+$0x20]  }
0xf7: {  	v5 =	vld [tilespmem:s26+$0xC0];
	_ =	sdelay $0x1  }
0xf8: {  	v6 =	vld [tilespmem:s26+$0x70];
	_ =	sdelay $0x2  }
0xf9: {  	v8 =	vadd.s32 v4, v5  }
0xfa: {  	v7 =	vsub.s32 $0x1, v8  }
0xfb: {  	v4 =	vmul.u32 v4, v5;
	v5 =	vmul.u32 v6, v7;
	_ =	sdelay $0x1  }
0xfc: {  	v7 =	vadd.s32 v4, v5  }
0xfd: {  	v6 =	vshll.u32 v7, $0x1  }
0xfe: {  	v5 =	vimm.s32 $0x1;
	v6 =	vsub.s32 $0x1, v6  }
0xff: {  	v4 =	vshll.u32 v4, $0x1;
	v6 =	vmul.u32 v5, v6  }
0x100: {  	v8 =	vsub.s32 v8, v4  }
0x101: {  	s28 =	simm.s32 $0x50;
	v10 =	vmul.u32 v8, v6  }
0x102: {  	s29 =	simm.s32 $0x280;
	v9 =	vld [tilespmem:s28+$0x20];
	v4 =	vimm.s32 $0xFFFFFFFF;
	v8 =	vimm.s32 $0xFFFFFFFF  }
.LBB2_9:
0x103: {  	p0 =	sne.s32 s29, $0x1540;
	v11 =	vld [tilespmem:s28+$0xC0];
	v8 =	vadd.s32 v8, v10  }
0x104: {  	vm0 =	vgt.s32 v8, $0x0  }
0x105: {  	v10 =	vld [tilespmem:s28+$0x70];
	v12 =	vsel vm0, $0x1, v2;
	vm0 =	vlt.s32 v8, $0x0  }
0x106: {  	v7 =	vsub.s32 $0x1, v7;
	v8 =	vsel vm0, $0xFFFFFFFF, v12  }
0x107: {  	v12 =	vmul.u32 v7, v8;
	v7 =	vadd.s32 $0x1, v8  }
0x108: {  	v13 =	vadd.s32 v9, v11;
	[tilespmem:s26+$0x6A0] =	vst v7;
	s26 =	smov.u32 s28  }
0x109: {  	v7 =	vsub.s32 $0x1, v13;
	v14 =	vmul.u32 v8, v12  }
0x10a: {  	v9 =	vmul.u32 v9, v11;
	v7 =	vmul.u32 v10, v7  }
0x10b: {  	v10 =	vsub.s32 $0x1, v14  }
0x10c: {  	v7 =	vadd.s32 v9, v7;
	v6 =	vmul.u32 v6, v10  }
0x10d: {  	v10 =	vshll.u32 v7, $0x1  }
.Ltmp3:
0x10e: {  	v10 =	vsub.s32 $0x1, v10;
	v6 =	vsub.s32 v6, v12;
	(pc) =	sbr.rel @p0 .LBB2_9-.Ltmp3, $4  }
0x10f: {  	v9 =	vshll.u32 v9, $0x1;
	v6 =	vmul.u32 v6, v10  }
0x110: {  	v9 =	vsub.s32 v13, v9  }
0x111: {  	s28 =	sshra.s32 s29, $0x2;
	v10 =	vmul.u32 v9, v6  }
0x112: {  	s29 =	sadd.s32 $0x140, s29;
	v9 =	vld [tilespmem:s28+$0x20]  }
0x113: {  	v11 =	vld [tilespmem:s28+$0xC0];
	v8 =	vadd.s32 v8, v10  }
0x114: {  	vm0 =	vgt.s32 v8, $0x0  }
0x115: {  	v10 =	vld [tilespmem:s28+$0x70];
	vm13 =	vlt.s32 v8, $0x0;
	v12 =	vsel vm0, $0x1, v2  }
0x116: {  	v7 =	vsub.s32 $0x1, v7;
	v8 =	vsel vm13, $0xFFFFFFFF, v12  }
0x117: {  	v7 =	vmul.u32 v7, v8  }
0x118: {  	v63 =	vadd.s32 v9, v11  }
0x119: {  	v13 =	vsub.s32 $0x1, v63;
	v14 =	vmul.u32 v8, v7  }
0x11a: {  	v9 =	vmul.u32 v9, v11;
	v10 =	vmul.u32 v10, v13  }
0x11b: {  	v11 =	vsub.s32 $0x1, v14  }
0x11c: {  	v10 =	vadd.s32 v9, v10;
	v6 =	vmul.u32 v6, v11  }
0x11d: {  	v10 =	vshll.u32 v10, $0x1  }
0x11e: {  	v10 =	vsub.s32 $0x1, v10;
	v6 =	vsub.s32 v6, v7  }
0x11f: {  	v7 =	vshll.u32 v9, $0x1;
	v6 =	vmul.u32 v6, v10  }
0x120: {  	v7 =	vsub.s32 v63, v7  }
0x121: {  	v6 =	vmul.u32 v7, v6;
	_ =	sdelay $0x1  }
0x122: {  	v6 =	vadd.s32 v8, v6  }
0x123: {  	vm14 =	vgt.s32 v6, $0x0  }
0x124: {  	vm15 =	vlt.s32 v6, $0x0;
	v7 =	vsel vm14, $0x1, v2  }
0x125: {  	v6 =	vadd.s32 $0x1, v8;
	v7 =	vsel vm15, $0xFFFFFFFF, v7  }
0x126: {  	[tilespmem:s26+$0x6A0] =	vst v6;
	v6 =	vadd.s32 $0x1, v7  }
0x127: {  	s26 =	simm.s32 $0x0;
	[tilespmem:s28+$0x6A0] =	vst v6  }
0x128: {  	v6 =	vld [tilespmem:s26+$0x30]  }
0x129: {  	v7 =	vld [tilespmem:s26+$0xD0];
	_ =	sdelay $0x1  }
0x12a: {  	v8 =	vld [tilespmem:s26+$0x80];
	_ =	sdelay $0x2  }
0x12b: {  	v9 =	vadd.s32 v6, v7  }
0x12c: {  	v10 =	vsub.s32 $0x1, v9  }
0x12d: {  	v7 =	vmul.u32 v6, v7;
	v6 =	vmul.u32 v8, v10;
	_ =	sdelay $0x1  }
0x12e: {  	v6 =	vadd.s32 v7, v6  }
0x12f: {  	v8 =	vshll.u32 v6, $0x1  }
0x130: {  	v8 =	vsub.s32 $0x1, v8  }
0x131: {  	v7 =	vshll.u32 v7, $0x1;
	v5 =	vmul.u32 v5, v8  }
0x132: {  	v7 =	vsub.s32 v9, v7  }
0x133: {  	s29 =	simm.s32 $0x50;
	v8 =	vmul.u32 v7, v5  }
0x134: {  	s30 =	simm.s32 $0x280;
	s28 =	simm.s32 $0x0;
	v7 =	vld [tilespmem:s29+$0x30]  }
.LBB2_11:
0x135: {  	p0 =	sne.s32 s30, $0x1540;
	v9 =	vld [tilespmem:s29+$0xD0];
	v4 =	vadd.s32 v4, v8  }
0x136: {  	vm0 =	vgt.s32 v4, $0x0  }
0x137: {  	v8 =	vld [tilespmem:s29+$0x80];
	v10 =	vsel vm0, $0x1, v2;
	vm0 =	vlt.s32 v4, $0x0  }
0x138: {  	v6 =	vsub.s32 $0x1, v6;
	v4 =	vsel vm0, $0xFFFFFFFF, v10  }
0x139: {  	v10 =	vmul.u32 v6, v4;
	v6 =	vadd.s32 $0x1, v4  }
0x13a: {  	v11 =	vadd.s32 v7, v9;
	[tilespmem:s28+$0x6B0] =	vst v6;
	s28 =	smov.u32 s29  }
0x13b: {  	v6 =	vsub.s32 $0x1, v11;
	v12 =	vmul.u32 v4, v10  }
0x13c: {  	v7 =	vmul.u32 v7, v9;
	v6 =	vmul.u32 v8, v6  }
0x13d: {  	v8 =	vsub.s32 $0x1, v12  }
0x13e: {  	v6 =	vadd.s32 v7, v6;
	v5 =	vmul.u32 v5, v8  }
0x13f: {  	v8 =	vshll.u32 v6, $0x1  }
.Ltmp4:
0x140: {  	v8 =	vsub.s32 $0x1, v8;
	v5 =	vsub.s32 v5, v10;
	(pc) =	sbr.rel @p0 .LBB2_11-.Ltmp4, $4  }
0x141: {  	v7 =	vshll.u32 v7, $0x1;
	v5 =	vmul.u32 v5, v8  }
0x142: {  	v7 =	vsub.s32 v11, v7  }
0x143: {  	s29 =	sshra.s32 s30, $0x2;
	v8 =	vmul.u32 v7, v5  }
0x144: {  	s30 =	sadd.s32 $0x140, s30;
	v7 =	vld [tilespmem:s29+$0x30]  }
0x145: {  	v9 =	vld [tilespmem:s29+$0xD0];
	v4 =	vadd.s32 v4, v8  }
0x146: {  	vm0 =	vgt.s32 v4, $0x0  }
0x147: {  	v8 =	vld [tilespmem:s29+$0x80];
	vm13 =	vlt.s32 v4, $0x0;
	v10 =	vsel vm0, $0x1, v2  }
0x148: {  	v6 =	vsub.s32 $0x1, v6;
	v4 =	vsel vm13, $0xFFFFFFFF, v10  }
0x149: {  	v6 =	vmul.u32 v6, v4  }
0x14a: {  	v10 =	vadd.s32 v7, v9  }
0x14b: {  	v11 =	vsub.s32 $0x1, v10;
	v12 =	vmul.u32 v4, v6  }
0x14c: {  	v7 =	vmul.u32 v7, v9;
	v8 =	vmul.u32 v8, v11  }
0x14d: {  	v9 =	vsub.s32 $0x1, v12  }
0x14e: {  	v8 =	vadd.s32 v7, v8;
	v5 =	vmul.u32 v5, v9  }
0x14f: {  	v8 =	vshll.u32 v8, $0x1  }
0x150: {  	v8 =	vsub.s32 $0x1, v8;
	v5 =	vsub.s32 v5, v6  }
0x151: {  	v6 =	vshll.u32 v7, $0x1;
	v5 =	vmul.u32 v5, v8  }
0x152: {  	v6 =	vsub.s32 v10, v6  }
0x153: {  	v5 =	vmul.u32 v6, v5;
	_ =	sdelay $0x1  }
0x154: {  	v5 =	vadd.s32 v4, v5  }
0x155: {  	vm14 =	vgt.s32 v5, $0x0  }
0x156: {  	vm15 =	vlt.s32 v5, $0x0;
	v6 =	vsel vm14, $0x1, v2  }
0x157: {  	v4 =	vadd.s32 $0x1, v4;
	v5 =	vsel vm15, $0xFFFFFFFF, v6  }
0x158: {  	[tilespmem:s28+$0x6B0] =	vst v4;
	v4 =	vadd.s32 $0x1, v5  }
0x159: {  	[tilespmem:s29+$0x6B0] =	vst v4  }
0x15a: {  	v4 =	vld [tilespmem:s26+$0x40]  }
0x15b: {  	v5 =	vld [tilespmem:s26+$0xE0];
	_ =	sdelay $0x1  }
0x15c: {  	v6 =	vld [tilespmem:s26+$0x90];
	_ =	sdelay $0x2  }
0x15d: {  	v7 =	vadd.s32 v4, v5  }
0x15e: {  	v8 =	vsub.s32 $0x1, v7  }
0x15f: {  	v4 =	vmul.u32 v4, v5;
	v5 =	vmul.u32 v6, v8;
	_ =	sdelay $0x1  }
0x160: {  	v5 =	vadd.s32 v4, v5  }
0x161: {  	v6 =	vshll.u32 v5, $0x1  }
0x162: {  	v8 =	vimm.s32 $0x1;
	v6 =	vsub.s32 $0x1, v6  }
0x163: {  	v9 =	vshll.u32 v4, $0x1;
	v4 =	vmul.u32 v8, v6  }
0x164: {  	v7 =	vsub.s32 v7, v9  }
0x165: {  	s28 =	simm.s32 $0x50;
	v8 =	vmul.u32 v7, v4  }
0x166: {  	s29 =	simm.s32 $0x280;
	v6 =	vimm.s32 $0xFFFFFFFF;
	v7 =	vld [tilespmem:s28+$0x40]  }
.LBB2_13:
0x167: {  	p0 =	sne.s32 s29, $0x1540;
	v9 =	vld [tilespmem:s28+$0xE0];
	v6 =	vadd.s32 v6, v8  }
0x168: {  	vm0 =	vgt.s32 v6, $0x0  }
0x169: {  	v8 =	vld [tilespmem:s28+$0x90];
	v10 =	vsel vm0, $0x1, v2;
	vm0 =	vlt.s32 v6, $0x0  }
0x16a: {  	v5 =	vsub.s32 $0x1, v5;
	v6 =	vsel vm0, $0xFFFFFFFF, v10  }
0x16b: {  	v10 =	vmul.u32 v5, v6;
	v5 =	vadd.s32 $0x1, v6  }
0x16c: {  	v11 =	vadd.s32 v7, v9;
	[tilespmem:s26+$0x6C0] =	vst v5;
	s26 =	smov.u32 s28  }
0x16d: {  	v5 =	vsub.s32 $0x1, v11;
	v12 =	vmul.u32 v6, v10  }
0x16e: {  	v7 =	vmul.u32 v7, v9;
	v5 =	vmul.u32 v8, v5  }
0x16f: {  	v8 =	vsub.s32 $0x1, v12  }
0x170: {  	v5 =	vadd.s32 v7, v5;
	v4 =	vmul.u32 v4, v8  }
0x171: {  	v8 =	vshll.u32 v5, $0x1  }
.Ltmp5:
0x172: {  	v8 =	vsub.s32 $0x1, v8;
	v4 =	vsub.s32 v4, v10;
	(pc) =	sbr.rel @p0 .LBB2_13-.Ltmp5, $4  }
0x173: {  	v7 =	vshll.u32 v7, $0x1;
	v4 =	vmul.u32 v4, v8  }
0x174: {  	v7 =	vsub.s32 v11, v7  }
0x175: {  	s28 =	sshra.s32 s29, $0x2;
	v8 =	vmul.u32 v7, v4  }
0x176: {  	s29 =	sadd.s32 $0x140, s29;
	v7 =	vld [tilespmem:s28+$0x40]  }
0x177: {  	v9 =	vld [tilespmem:s28+$0xE0];
	v6 =	vadd.s32 v6, v8  }
0x178: {  	vm0 =	vgt.s32 v6, $0x0  }
0x179: {  	v8 =	vld [tilespmem:s28+$0x90];
	vm13 =	vlt.s32 v6, $0x0;
	v10 =	vsel vm0, $0x1, v2  }
0x17a: {  	v5 =	vsub.s32 $0x1, v5;
	v6 =	vsel vm13, $0xFFFFFFFF, v10  }
0x17b: {  	v5 =	vmul.u32 v5, v6  }
0x17c: {  	v10 =	vadd.s32 v7, v9  }
0x17d: {  	v11 =	vsub.s32 $0x1, v10;
	v12 =	vmul.u32 v6, v5  }
0x17e: {  	v7 =	vmul.u32 v7, v9;
	v8 =	vmul.u32 v8, v11  }
0x17f: {  	v9 =	vsub.s32 $0x1, v12  }
0x180: {  	v8 =	vadd.s32 v7, v8;
	v4 =	vmul.u32 v4, v9  }
0x181: {  	v8 =	vshll.u32 v8, $0x1  }
0x182: {  	v8 =	vsub.s32 $0x1, v8;
	v4 =	vsub.s32 v4, v5  }
0x183: {  	v5 =	vshll.u32 v7, $0x1;
	v4 =	vmul.u32 v4, v8  }
0x184: {  	v5 =	vsub.s32 v10, v5  }
0x185: {  	v4 =	vmul.u32 v5, v4;
	_ =	sdelay $0x1  }
0x186: {  	v4 =	vadd.s32 v6, v4  }
0x187: {  	vm14 =	vgt.s32 v4, $0x0  }
0x188: {  	vm15 =	vlt.s32 v4, $0x0;
	v5 =	vsel vm14, $0x1, v2  }
0x189: {  	v4 =	vadd.s32 $0x1, v6;
	v5 =	vsel vm15, $0xFFFFFFFF, v5  }
0x18a: {  	[tilespmem:s26+$0x6C0] =	vst v4;
	v4 =	vadd.s32 $0x1, v5  }
0x18b: {  	s26 =	simm.s32 $0x0;
	[tilespmem:s28+$0x6C0] =	vst v4  }
0x18c: {  	v4 =	vld [tilespmem:s26+$0x16000];
	_ =	sdelay $0x3  }
0x18d: {  	v7 =	vld [tilespmem:s26+$0x16C80]  }
0x18e: {  	v5 =	vadd.s32 $0x50, v4  }
0x18f: {  	v6 =	vadd.s32 $0xA0, v4;
	_ =	sdelay $0x1  }
0x190: {  	v8 =	vadd.s32 $0xF0, v4  }
0x191: {  	v9 =	vadd.s32 $0x140, v4  }
0x192: {  	v11 =	vld.idx.msk [tilespmem:v5+s19+$0x0], $0xffff;
	v5 =	vadd.s32 $0x1E0, v4  }
0x193: {  	v12 =	vld.idx.msk [tilespmem:v6+s19+$0x0], $0xffff;
	v6 =	vadd.s32 $0x230, v4  }
0x194: {  	v13 =	vadd.s32 $0xF0, v7;
	v20 =	vld.idx.msk [tilespmem:v7+s19+$0x0], $0xffff  }
0x195: {  	v14 =	vadd.s32 $0x140, v7;
	v8 =	vld.idx.msk [tilespmem:v8+s19+$0x0], $0xffff  }
0x196: {  	v10 =	vadd.s32 $0x190, v4;
	v9 =	vld.idx.msk [tilespmem:v9+s19+$0x0], $0xffff  }
0x197: {  	v15 =	vadd.s32 $0x280, v7;
	v16 =	vld.idx.msk [tilespmem:v5+s19+$0x0], $0xffff  }
0x198: {  	v5 =	vadd.s32 $0x230, v7;
	v17 =	vld.idx.msk [tilespmem:v6+s19+$0x0], $0xffff  }
0x199: {  	v6 =	vld.idx.msk [tilespmem:v13+s19+$0x0], $0xffff  }
0x19a: {  	v19 =	vadd.s32 $0x50, v7;
	v13 =	vld.idx.msk [tilespmem:v14+s19+$0x0], $0xffff  }
0x19b: {  	v10 =	vld.idx.msk [tilespmem:v10+s19+$0x0], $0xffff  }
0x19c: {  	v14 =	vld.idx.msk [tilespmem:v15+s19+$0x0], $0xffff;
	v8 =	vmul.u32 $0x3, v8;
	v15 =	vadd.s32 $0x190, v7  }
0x19d: {  	s28 =	simm.s32 $0x10;
	v9 =	vmul.u32 $0x3, v9;
	v18 =	vld.idx.msk [tilespmem:v5+s19+$0x0], $0xffff  }
0x19e: {  	v6 =	vadd.s32 v6, v8;
	v5 =	vld [tilespmem:s28+$0x16000];
	v8 =	vadd.s32 $0xA0, v7  }
0x19f: {  	s29 =	simm.s32 $0x0;
	v19 =	vld.idx.msk [tilespmem:v19+s19+$0x0], $0xffff;
	v9 =	vadd.s32 v13, v9;
	v13 =	vadd.s32 $0x280, v4;
	v21 =	vmul.u32 $0xC60, v6  }
0x1a0: {  	v22 =	vor.u32 s29, v3;
	v4 =	vld.idx.msk [tilespmem:v4+s19+$0x0], $0xffff;
	v7 =	vadd.s32 $0x1E0, v7;
	v9 =	vmul.u32 $0xC60, v9  }
0x1a1: {  	v15 =	vld.idx.msk [tilespmem:v15+s19+$0x0], $0xffff;
	v21 =	vadd.s32 v22, v21  }
0x1a2: {  	v11 =	vmul.u32 $0x3, v11;
	v6 =	vld [tilespmem:s28+$0x16C80];
	v9 =	vadd.s32 v22, v9  }
0x1a3: {  	v17 =	vmul.u32 $0x3, v17;
	v23 =	vadd.s32 $0x50, v5;
	v24 =	vld.idx.msk [tilespmem:v8+s19+$0x0], $0xffff  }
0x1a4: {  	v11 =	vadd.s32 v19, v11;
	v8 =	vadd.s32 $0xA0, v5;
	v13 =	vld.idx.msk [tilespmem:v13+s19+$0x0], $0xffff  }
0x1a5: {  	v11 =	vmul.u32 $0xC60, v11;
	v17 =	vadd.s32 v18, v17;
	v18 =	vadd.s32 $0xF0, v5;
	v25 =	vld.idx.msk [tilespmem:v7+s19+$0x0], $0xffff  }
0x1a6: {  	v26 =	vadd.s32 $0x140, v5;
	v27 =	vmul.u32 $0x3, v4;
	v4 =	vld.idx.msk [tilespmem:v21+s20+$0x0], $0xffff  }
0x1a7: {  	v12 =	vmul.u32 $0x3, v12;
	v11 =	vadd.s32 v22, v11;
	v19 =	vadd.s32 $0x230, v5;
	v28 =	vld.idx.msk [tilespmem:v9+s20+$0x0], $0xffff  }
0x1a8: {  	v17 =	vmul.u32 $0xC60, v17;
	v20 =	vadd.s32 v20, v27;
	v21 =	vadd.s32 $0x190, v5;
	v7 =	vld.idx.msk [tilespmem:v23+s19+$0x0], $0xffff  }
0x1a9: {  	v9 =	vmul.u32 $0x3, v16;
	v16 =	vadd.s32 $0x1E0, v5;
	v20 =	vmul.u32 $0xC60, v20;
	v8 =	vld.idx.msk [tilespmem:v8+s19+$0x0], $0xffff  }
0x1aa: {  	v23 =	vadd.s32 $0xF0, v6;
	v27 =	vld.idx.msk [tilespmem:v18+s19+$0x0], $0xffff;
	v13 =	vmul.u32 $0x3, v13;
	v18 =	vmul.u32 $0x3, v10  }
0x1ab: {  	v26 =	vld.idx.msk [tilespmem:v26+s19+$0x0], $0xffff;
	v20 =	vadd.s32 v22, v20;
	v10 =	vadd.s32 v25, v9;
	v12 =	vadd.s32 v24, v12  }
0x1ac: {  	v12 =	vmul.u32 $0xC60, v12;
	v13 =	vadd.s32 v14, v13;
	v14 =	vadd.s32 v22, v17;
	v17 =	vld.idx.msk [tilespmem:v19+s19+$0x0], $0xffff  }
0x1ad: {  	v9 =	vld.idx.msk [tilespmem:v21+s19+$0x0], $0xffff;
	v21 =	vmul.u32 $0xC60, v10  }
0x1ae: {  	v15 =	vadd.s32 v15, v18;
	v18 =	vld.idx.msk [tilespmem:v11+s20+$0x0], $0xffff;
	v13 =	vmul.u32 $0xC60, v13;
	v12 =	vadd.s32 v22, v12  }
0x1af: {  	v10 =	vld.idx.msk [tilespmem:v16+s19+$0x0], $0xffff;
	v16 =	vadd.s32 v22, v21  }
0x1b0: {  	v15 =	vmul.u32 $0xC60, v15;
	v21 =	vld.idx.msk [tilespmem:v23+s19+$0x0], $0xffff;
	v13 =	vadd.s32 v22, v13  }
0x1b1: {  	v25 =	vld.idx.msk [tilespmem:v20+s20+$0x0], $0xffff;
	v20 =	vadd.s32 $0x140, v6  }
0x1b2: {  	v11 =	vadd.s32 v22, v15;
	v14 =	vld.idx.msk [tilespmem:v14+s20+$0x0], $0xffff  }
0x1b3: {  	v22 =	vadd.s32 $0x280, v6;
	v19 =	vld.idx.msk [tilespmem:v12+s20+$0x0], $0xffff  }
0x1b4: {  	v23 =	vadd.s32 $0x230, v6;
	v16 =	vld.idx.msk [tilespmem:v16+s20+$0x0], $0xffff  }
0x1b5: {  	v13 =	vld.idx.msk [tilespmem:v13+s20+$0x0], $0xffff  }
0x1b6: {  	v27 =	vmul.u32 $0x3, v27;
	v24 =	vld.idx.msk [tilespmem:v20+s19+$0x0], $0xffff  }
0x1b7: {  	v15 =	vld.idx.msk [tilespmem:v11+s20+$0x0], $0xffff  }
0x1b8: {  	v12 =	vadd.s32 $0x50, v6;
	v21 =	vadd.s32 v21, v27;
	v11 =	vld.idx.msk [tilespmem:v22+s19+$0x0], $0xffff;
	[tilespmem:s26+$0x3F70] =	vst v28  }
0x1b9: {  	s31 =	simm.s32 $0x80;
	v20 =	vmul.u32 $0x3, v26;
	v22 =	vadd.s32 $0x190, v6;
	v23 =	vld.idx.msk [tilespmem:v23+s19+$0x0], $0xffff;
	[tilespmem:s26+$0xCD0] =	vst v25;
	v21 =	vmul.u32 $0xC60, v21  }
.LBB2_15:
0x1ba: {  	s30 =	smov.u32 s31  }
0x1bb: {  	s0 =	sshra.s32 s31, $0x2;
	v25 =	vld.idx.msk [tilespmem:v6+s19+$0x0], $0xffff;
	[tilespmem:s26+$0x1978] =	vst v18;
	s29 =	sadd.s32 $0x10, s29;
	s30 =	sadd.s32 $0x40, s31  }
0x1bc: {  	p0 =	sne.s32 s31, $0x3100;
	v26 =	vadd.s32 $0xA0, v6;
	v18 =	vld [tilespmem:s0+$0x16000];
	[tilespmem:s26+$0x2620] =	vst v19  }
0x1bd: {  	v27 =	vor.u32 s29, v3;
	v20 =	vadd.s32 v24, v20;
	v24 =	vadd.s32 $0x280, v5;
	v19 =	vld [tilespmem:s0+$0x16C80];
	[tilespmem:s26+$0x58C0] =	vst v16  }
0x1be: {  	v28 =	vmul.u32 $0xC60, v20;
	v20 =	vadd.s32 $0x1E0, v6;
	v6 =	vmul.u32 $0x3, v17;
	v16 =	vld.idx.msk [tilespmem:v5+s19+$0x0], $0xffff;
	[tilespmem:s26+$0x32C8] =	vst v4  }
0x1bf: {  	v4 =	vadd.s32 v27, v21;
	v17 =	vld.idx.msk [tilespmem:v22+s19+$0x0], $0xffff;
	[tilespmem:s26+$0x6568] =	vst v14  }
0x1c0: {  	v21 =	vadd.s32 v27, v28;
	v28 =	vadd.s32 v23, v6;
	v14 =	vld.idx.msk [tilespmem:v12+s19+$0x0], $0xffff;
	[tilespmem:s26+$0x4C18] =	vst v15  }
0x1c1: {  	v23 =	vmul.u32 $0xC60, v28;
	v15 =	vadd.s32 $0x50, v18;
	v22 =	vld.idx.msk [tilespmem:v26+s19+$0x0], $0xffff;
	[tilespmem:s26+$0x7210] =	vst v13;
	v5 =	vmov v18;
	s26 =	smov.u32 s28;
	s28 =	smov.u32 s0  }
0x1c2: {  	v18 =	vmul.u32 $0x3, v8;
	v12 =	vadd.s32 $0x50, v19;
	v13 =	vadd.s32 $0xA0, v5;
	v24 =	vld.idx.msk [tilespmem:v24+s19+$0x0], $0xffff;
	v6 =	vmovc v19  }
0x1c3: {  	v8 =	vmul.u32 $0x3, v7;
	v7 =	vmul.u32 $0x3, v9;
	v19 =	vadd.s32 $0xF0, v5;
	v9 =	vld.idx.msk [tilespmem:v20+s19+$0x0], $0xffff  }
0x1c4: {  	v10 =	vmul.u32 $0x3, v10;
	v20 =	vadd.s32 $0x140, v5;
	v16 =	vmul.u32 $0x3, v16;
	v4 =	vld.idx.msk [tilespmem:v4+s20+$0x0], $0xffff  }
0x1c5: {  	v28 =	vadd.s32 $0x190, v5;
	v26 =	vadd.s32 $0xF0, v6;
	v17 =	vadd.s32 v17, v7;
	v29 =	vld.idx.msk [tilespmem:v21+s20+$0x0], $0xffff  }
0x1c6: {  	v16 =	vadd.s32 v25, v16;
	v14 =	vadd.s32 v14, v8;
	v7 =	vld.idx.msk [tilespmem:v15+s19+$0x0], $0xffff;
	v15 =	vadd.s32 $0x1E0, v5  }
0x1c7: {  	v21 =	vmul.u32 $0xC60, v17;
	v16 =	vmul.u32 $0xC60, v16;
	v8 =	vld.idx.msk [tilespmem:v13+s19+$0x0], $0xffff;
	v13 =	vadd.s32 $0x230, v5  }
0x1c8: {  	v14 =	vmul.u32 $0xC60, v14;
	v18 =	vadd.s32 v22, v18;
	v17 =	vmul.u32 $0x3, v24;
	v19 =	vld.idx.msk [tilespmem:v19+s19+$0x0], $0xffff  }
0x1c9: {  	v16 =	vadd.s32 v27, v16;
	v10 =	vadd.s32 v9, v10;
	v20 =	vld.idx.msk [tilespmem:v20+s19+$0x0], $0xffff  }
0x1ca: {  	v14 =	vadd.s32 v27, v14;
	v22 =	vmul.u32 $0xC60, v10;
	v11 =	vadd.s32 v11, v17;
	v9 =	vld.idx.msk [tilespmem:v28+s19+$0x0], $0xffff  }
0x1cb: {  	v11 =	vmul.u32 $0xC60, v11;
	v10 =	vld.idx.msk [tilespmem:v15+s19+$0x0], $0xffff;
	v15 =	vadd.s32 v27, v23  }
0x1cc: {  	v22 =	vadd.s32 v27, v22;
	v17 =	vld.idx.msk [tilespmem:v13+s19+$0x0], $0xffff;
	v13 =	vmul.u32 $0xC60, v18  }
0x1cd: {  	v11 =	vadd.s32 v27, v11;
	v23 =	vld.idx.msk [tilespmem:v26+s19+$0x0], $0xffff  }
0x1ce: {  	v25 =	vld.idx.msk [tilespmem:v16+s20+$0x0], $0xffff;
	v24 =	vadd.s32 v27, v13  }
0x1cf: {  	v26 =	vadd.s32 $0x140, v6;
	v20 =	vmul.u32 $0x3, v20;
	v18 =	vld.idx.msk [tilespmem:v14+s20+$0x0], $0xffff  }
0x1d0: {  	v27 =	vadd.s32 v27, v21;
	v14 =	vld.idx.msk [tilespmem:v15+s20+$0x0], $0xffff  }
0x1d1: {  	v28 =	vadd.s32 $0x280, v6;
	v15 =	vmul.u32 $0x3, v19;
	v16 =	vld.idx.msk [tilespmem:v22+s20+$0x0], $0xffff  }
0x1d2: {  	v30 =	vadd.s32 $0x230, v6;
	v13 =	vld.idx.msk [tilespmem:v11+s20+$0x0], $0xffff  }
.Ltmp6:
0x1d3: {  	v11 =	vadd.s32 v23, v15;
	v19 =	vld.idx.msk [tilespmem:v24+s20+$0x0], $0xffff;
	(pc) =	sbr.rel @p0 .LBB2_15-.Ltmp6, $4  }
0x1d4: {  	v21 =	vmul.u32 $0xC60, v11;
	v24 =	vld.idx.msk [tilespmem:v26+s19+$0x0], $0xffff  }
0x1d5: {  	v15 =	vld.idx.msk [tilespmem:v27+s20+$0x0], $0xffff  }
0x1d6: {  	v11 =	vld.idx.msk [tilespmem:v28+s19+$0x0], $0xffff;
	[tilespmem:s26+$0x3F70] =	vst v29  }
0x1d7: {  	s31 =	smov.u32 s30;
	v22 =	vadd.s32 $0x190, v6;
	v23 =	vld.idx.msk [tilespmem:v30+s19+$0x0], $0xffff;
	[tilespmem:s26+$0xCD0] =	vst v25  }
0x1d8: {  	_ =	sdelay $0x3  }
0x1d9: {  	v25 =	vadd.s32 $0x280, v5;
	v5 =	vld.idx.msk [tilespmem:v5+s19+$0x0], $0xffff  }
0x1da: {  	v26 =	vadd.s32 $0x1E0, v6;
	v27 =	vld.idx.msk [tilespmem:v6+s19+$0x0], $0xffff  }
0x1db: {  	v6 =	vadd.s32 $0xA0, v6;
	v12 =	vld.idx.msk [tilespmem:v12+s19+$0x0], $0xffff  }
0x1dc: {  	v22 =	vld.idx.msk [tilespmem:v22+s19+$0x0], $0xffff  }
0x1dd: {  	v17 =	vmul.u32 $0x3, v17;
	v7 =	vmul.u32 $0x3, v7  }
0x1de: {  	v10 =	vmul.u32 $0x3, v10;
	v8 =	vmul.u32 $0x3, v8;
	v20 =	vadd.s32 v24, v20;
	v24 =	vld.idx.msk [tilespmem:v25+s19+$0x0], $0xffff  }
0x1df: {  	s0 =	sadd.s32 $0x10, s29;
	v9 =	vmul.u32 $0x3, v9;
	v20 =	vmul.u32 $0xC60, v20;
	v17 =	vadd.s32 v23, v17;
	v26 =	vld.idx.msk [tilespmem:v26+s19+$0x0], $0xffff  }
0x1e0: {  	v25 =	vor.u32 s0, v3;
	v5 =	vmul.u32 $0x3, v5;
	v6 =	vld.idx.msk [tilespmem:v6+s19+$0x0], $0xffff;
	v7 =	vadd.s32 v12, v7  }
0x1e1: {  	v9 =	vadd.s32 v22, v9;
	v20 =	vadd.s32 v25, v20;
	v7 =	vmul.u32 $0xC60, v7  }
0x1e2: {  	v21 =	vadd.s32 v25, v21;
	v9 =	vmul.u32 $0xC60, v9;
	v5 =	vadd.s32 v27, v5  }
0x1e3: {  	v17 =	vmul.u32 $0xC60, v17;
	v5 =	vmul.u32 $0xC60, v5;
	v7 =	vadd.s32 v25, v7  }
0x1e4: {  	v9 =	vadd.s32 v25, v9;
	v12 =	vmul.u32 $0x3, v24;
	v10 =	vadd.s32 v26, v10  }
0x1e5: {  	v5 =	vadd.s32 v25, v5;
	v6 =	vadd.s32 v6, v8;
	v10 =	vmul.u32 $0xC60, v10  }
0x1e6: {  	v8 =	vadd.s32 v25, v17;
	v6 =	vmul.u32 $0xC60, v6;
	v17 =	vld.idx.msk [tilespmem:v20+s20+$0x0], $0xffff;
	v11 =	vadd.s32 v11, v12  }
0x1e7: {  	[tilespmem:s26+$0x1978] =	vst v18;
	v12 =	vld.idx.msk [tilespmem:v21+s20+$0x0], $0xffff;
	v11 =	vmul.u32 $0xC60, v11;
	v10 =	vadd.s32 v25, v10  }
0x1e8: {  	[tilespmem:s26+$0x2620] =	vst v19;
	v6 =	vadd.s32 v25, v6;
	v7 =	vld.idx.msk [tilespmem:v7+s20+$0x0], $0xffff  }
0x1e9: {  	[tilespmem:s26+$0x58C0] =	vst v16;
	v9 =	vld.idx.msk [tilespmem:v9+s20+$0x0], $0xffff;
	v11 =	vadd.s32 v25, v11  }
0x1ea: {  	[tilespmem:s26+$0x32C8] =	vst v4;
	v5 =	vld.idx.msk [tilespmem:v5+s20+$0x0], $0xffff  }
0x1eb: {  	[tilespmem:s26+$0x6568] =	vst v14;
	v8 =	vld.idx.msk [tilespmem:v8+s20+$0x0], $0xffff  }
0x1ec: {  	[tilespmem:s26+$0x7210] =	vst v13;
	v4 =	vld.idx.msk [tilespmem:v10+s20+$0x0], $0xffff  }
0x1ed: {  	[tilespmem:s26+$0x4C18] =	vst v15;
	v6 =	vld.idx.msk [tilespmem:v6+s20+$0x0], $0xffff  }
0x1ee: {  	v10 =	vld.idx.msk [tilespmem:v11+s20+$0x0], $0xffff;
	[tilespmem:s28+$0x3F70] =	vst v17  }
0x1ef: {  	[tilespmem:s28+$0xCD0] =	vst v5  }
0x1f0: {  	[tilespmem:s28+$0x1978] =	vst v7  }
0x1f1: {  	[tilespmem:s28+$0x32C8] =	vst v12  }
0x1f2: {  	[tilespmem:s28+$0x6568] =	vst v8  }
0x1f3: {  	[tilespmem:s28+$0x4C18] =	vst v9  }
0x1f4: {  	[tilespmem:s28+$0x2620] =	vst v6  }
0x1f5: {  	[tilespmem:s28+$0x58C0] =	vst v4  }
0x1f6: {  	[tilespmem:s28+$0x7210] =	vst v10  }
0x1f7: {  	v13 =	vld [tilespmem:$0x16C50];
	_ =	sdelay $0x1  }
0x1f8: {  	v14 =	vld [tilespmem:$0x178D0];
	_ =	sdelay $0x5  }
0x1f9: {  	v4 =	vld.idx.msk [tilespmem:v13+s19+$0x0], $0xffff;
	_ =	sdelay $0x1  }
0x1fa: {  	v5 =	vld.idx.msk [tilespmem:v14+s19+$0x0], $0xffff;
	_ =	sdelay $0x2  }
0x1fb: {  	v4 =	vmul.u32 $0x3, v4;
	_ =	sdelay $0x1  }
0x1fc: {  	v4 =	vadd.s32 v5, v4  }
0x1fd: {  	v5 =	vmul.u32 $0xC60, v4  }
0x1fe: {  	v4 =	vor.u32 $0xC50, v3  }
0x1ff: {  	v5 =	vadd.s32 v4, v5;
	_ =	sdelay $0x4  }
0x200: {  	v6 =	vld.idx.msk [tilespmem:v5+s20+$0x0], $0xffff;
	v5 =	vor.u32 $0xCA0, v3  }
0x201: {  	v7 =	vadd.s32 $0x50, v13;
	_ =	sdelay $0x1  }
0x202: {  	v8 =	vadd.s32 $0x50, v14;
	_ =	sdelay $0x1  }
0x203: {  	[tilespmem:v5+s21+$0x0] =	vst.idx.msk $0xff, v6  }
0x204: {  	v6 =	vld.idx.msk [tilespmem:v7+s19+$0x0], $0xffff;
	_ =	sdelay $0x1  }
0x205: {  	v7 =	vld.idx.msk [tilespmem:v8+s19+$0x0], $0xffff;
	_ =	sdelay $0x2  }
0x206: {  	v6 =	vmul.u32 $0x3, v6;
	_ =	sdelay $0x1  }
0x207: {  	v6 =	vadd.s32 v7, v6  }
0x208: {  	v6 =	vmul.u32 $0xC60, v6;
	_ =	sdelay $0x1  }
0x209: {  	v6 =	vadd.s32 v4, v6;
	_ =	sdelay $0x4  }
0x20a: {  	v7 =	vld.idx.msk [tilespmem:v6+s20+$0x0], $0xffff;
	v6 =	vadd.s32 $0x1948, v3  }
0x20b: {  	v8 =	vadd.s32 $0xA0, v13;
	_ =	sdelay $0x1  }
0x20c: {  	v9 =	vadd.s32 $0xA0, v14;
	_ =	sdelay $0x1  }
0x20d: {  	[tilespmem:v6+s21+$0x0] =	vst.idx.msk $0xff, v7  }
0x20e: {  	v7 =	vld.idx.msk [tilespmem:v8+s19+$0x0], $0xffff;
	_ =	sdelay $0x1  }
0x20f: {  	v8 =	vld.idx.msk [tilespmem:v9+s19+$0x0], $0xffff;
	_ =	sdelay $0x2  }
0x210: {  	v7 =	vmul.u32 $0x3, v7;
	_ =	sdelay $0x1  }
0x211: {  	v7 =	vadd.s32 v8, v7  }
0x212: {  	v7 =	vmul.u32 $0xC60, v7;
	_ =	sdelay $0x1  }
0x213: {  	v7 =	vadd.s32 v4, v7;
	_ =	sdelay $0x4  }
0x214: {  	v8 =	vld.idx.msk [tilespmem:v7+s20+$0x0], $0xffff;
	v7 =	vor.u32 $0x25F0, v3  }
0x215: {  	v9 =	vadd.s32 $0xF0, v13;
	_ =	sdelay $0x1  }
0x216: {  	v10 =	vadd.s32 $0xF0, v14;
	_ =	sdelay $0x1  }
0x217: {  	[tilespmem:v7+s21+$0x0] =	vst.idx.msk $0xff, v8  }
0x218: {  	v8 =	vld.idx.msk [tilespmem:v9+s19+$0x0], $0xffff;
	_ =	sdelay $0x1  }
0x219: {  	v9 =	vld.idx.msk [tilespmem:v10+s19+$0x0], $0xffff;
	_ =	sdelay $0x2  }
0x21a: {  	v8 =	vmul.u32 $0x3, v8;
	_ =	sdelay $0x1  }
0x21b: {  	v8 =	vadd.s32 v9, v8  }
0x21c: {  	v8 =	vmul.u32 $0xC60, v8;
	_ =	sdelay $0x1  }
0x21d: {  	v8 =	vadd.s32 v4, v8;
	_ =	sdelay $0x4  }
0x21e: {  	v9 =	vld.idx.msk [tilespmem:v8+s20+$0x0], $0xffff;
	v8 =	vadd.s32 $0x3298, v3  }
0x21f: {  	v10 =	vadd.s32 $0x140, v13;
	_ =	sdelay $0x1  }
0x220: {  	v11 =	vadd.s32 $0x140, v14;
	_ =	sdelay $0x1  }
0x221: {  	[tilespmem:v8+s21+$0x0] =	vst.idx.msk $0xff, v9  }
0x222: {  	v9 =	vld.idx.msk [tilespmem:v10+s19+$0x0], $0xffff;
	_ =	sdelay $0x1  }
0x223: {  	v10 =	vld.idx.msk [tilespmem:v11+s19+$0x0], $0xffff;
	_ =	sdelay $0x2  }
0x224: {  	v9 =	vmul.u32 $0x3, v9;
	_ =	sdelay $0x1  }
0x225: {  	v9 =	vadd.s32 v10, v9  }
0x226: {  	v9 =	vmul.u32 $0xC60, v9;
	_ =	sdelay $0x1  }
0x227: {  	v9 =	vadd.s32 v4, v9;
	_ =	sdelay $0x4  }
0x228: {  	v10 =	vld.idx.msk [tilespmem:v9+s20+$0x0], $0xffff;
	v9 =	vor.u32 $0x3F40, v3  }
0x229: {  	v11 =	vadd.s32 $0x190, v13;
	_ =	sdelay $0x1  }
0x22a: {  	v12 =	vadd.s32 $0x190, v14;
	_ =	sdelay $0x1  }
0x22b: {  	[tilespmem:v9+s21+$0x0] =	vst.idx.msk $0xff, v10  }
0x22c: {  	v10 =	vld.idx.msk [tilespmem:v11+s19+$0x0], $0xffff;
	_ =	sdelay $0x1  }
0x22d: {  	v11 =	vld.idx.msk [tilespmem:v12+s19+$0x0], $0xffff;
	_ =	sdelay $0x2  }
0x22e: {  	v10 =	vmul.u32 $0x3, v10;
	_ =	sdelay $0x1  }
0x22f: {  	v10 =	vadd.s32 v11, v10  }
0x230: {  	v10 =	vmul.u32 $0xC60, v10;
	_ =	sdelay $0x1  }
0x231: {  	v10 =	vadd.s32 v4, v10;
	_ =	sdelay $0x4  }
0x232: {  	v11 =	vld.idx.msk [tilespmem:v10+s20+$0x0], $0xffff;
	v10 =	vadd.s32 $0x4BE8, v3  }
0x233: {  	v12 =	vadd.s32 $0x1E0, v13;
	_ =	sdelay $0x1  }
0x234: {  	v15 =	vadd.s32 $0x1E0, v14;
	_ =	sdelay $0x1  }
0x235: {  	[tilespmem:v10+s21+$0x0] =	vst.idx.msk $0xff, v11  }
0x236: {  	v11 =	vld.idx.msk [tilespmem:v12+s19+$0x0], $0xffff;
	_ =	sdelay $0x1  }
0x237: {  	v12 =	vld.idx.msk [tilespmem:v15+s19+$0x0], $0xffff;
	_ =	sdelay $0x2  }
0x238: {  	v11 =	vmul.u32 $0x3, v11;
	_ =	sdelay $0x1  }
0x239: {  	v11 =	vadd.s32 v12, v11  }
0x23a: {  	v11 =	vmul.u32 $0xC60, v11;
	_ =	sdelay $0x1  }
0x23b: {  	v11 =	vadd.s32 v4, v11;
	_ =	sdelay $0x4  }
0x23c: {  	v12 =	vld.idx.msk [tilespmem:v11+s20+$0x0], $0xffff;
	v11 =	vor.u32 $0x5890, v3  }
0x23d: {  	v15 =	vadd.s32 $0x230, v13;
	_ =	sdelay $0x1  }
0x23e: {  	v16 =	vadd.s32 $0x230, v14;
	_ =	sdelay $0x1  }
0x23f: {  	[tilespmem:v11+s21+$0x0] =	vst.idx.msk $0xff, v12  }
0x240: {  	v12 =	vld.idx.msk [tilespmem:v15+s19+$0x0], $0xffff;
	_ =	sdelay $0x1  }
0x241: {  	v15 =	vld.idx.msk [tilespmem:v16+s19+$0x0], $0xffff;
	_ =	sdelay $0x2  }
0x242: {  	v12 =	vmul.u32 $0x3, v12;
	_ =	sdelay $0x1  }
0x243: {  	v12 =	vadd.s32 v15, v12  }
0x244: {  	v12 =	vmul.u32 $0xC60, v12;
	_ =	sdelay $0x1  }
0x245: {  	v12 =	vadd.s32 v4, v12;
	_ =	sdelay $0x4  }
0x246: {  	v15 =	vld.idx.msk [tilespmem:v12+s20+$0x0], $0xffff;
	v12 =	vadd.s32 $0x6538, v3  }
0x247: {  	v13 =	vadd.s32 $0x280, v13;
	_ =	sdelay $0x1  }
0x248: {  	v14 =	vadd.s32 $0x280, v14;
	_ =	sdelay $0x1  }
0x249: {  	[tilespmem:v12+s21+$0x0] =	vst.idx.msk $0xff, v15  }
0x24a: {  	v13 =	vld.idx.msk [tilespmem:v13+s19+$0x0], $0xffff;
	_ =	sdelay $0x1  }
0x24b: {  	v14 =	vld.idx.msk [tilespmem:v14+s19+$0x0], $0xffff;
	_ =	sdelay $0x2  }
0x24c: {  	v13 =	vmul.u32 $0x3, v13;
	_ =	sdelay $0x1  }
0x24d: {  	v13 =	vadd.s32 v14, v13  }
0x24e: {  	v13 =	vmul.u32 $0xC60, v13;
	_ =	sdelay $0x1  }
0x24f: {  	v13 =	vadd.s32 v4, v13;
	_ =	sdelay $0x4  }
0x250: {  	v14 =	vld.idx.msk [tilespmem:v13+s20+$0x0], $0xffff;
	v13 =	vor.u32 $0x71E0, v3;
	_ =	sdelay $0x4  }
0x251: {  	[tilespmem:v13+s21+$0x0] =	vst.idx.msk $0xff, v14  }
0x252: {  	v14 =	vld [tilespmem:$0x680]  }
0x253: {  	v15 =	vld [tilespmem:$0x1AA80]  }
0x254: {  	v16 =	vld [tilespmem:$0x690]  }
0x255: {  	v17 =	vld [tilespmem:$0x1AA90]  }
0x256: {  	v18 =	vld [tilespmem:$0x6A0]  }
0x257: {  	v19 =	vld [tilespmem:$0x1AAA0]  }
0x258: {  	v20 =	vld [tilespmem:$0x6B0]  }
0x259: {  	v21 =	vld [tilespmem:$0x1AAB0]  }
0x25a: {  	v22 =	vld [tilespmem:$0x6C0]  }
0x25b: {  	v23 =	vld [tilespmem:$0x1AAC0]  }
0x25c: {  	v24 =	vld [tilespmem:$0x6D0]  }
0x25d: {  	v25 =	vld [tilespmem:$0x1AA80]  }
0x25e: {  	v26 =	vld [tilespmem:$0x6E0]  }
0x25f: {  	v27 =	vld [tilespmem:$0x1AA90]  }
0x260: {  	v28 =	vld [tilespmem:$0x6F0]  }
0x261: {  	v29 =	vld [tilespmem:$0x1AAA0]  }
0x262: {  	v30 =	vld [tilespmem:$0x700]  }
0x263: {  	v31 =	vld [tilespmem:$0x1AAB0]  }
0x264: {  	v32 =	vld [tilespmem:$0x710]  }
0x265: {  	v33 =	vld [tilespmem:$0x1AAC0]  }
0x266: {  	v35 =	vld [tilespmem:$0x1AA80];
	vm0 =	veq.s32 v14, $0x2;
	vm1 =	veq.s32 v14, $0x1  }
0x267: {  	v36 =	vld [tilespmem:$0x740];
	vm12 =	veq.s32 v16, $0x2;
	vm13 =	veq.s32 v16, $0x1;
	vm14 =	veq.s32 v18, $0x2  }
0x268: {  	v37 =	vld [tilespmem:$0x750];
	vm15 =	veq.s32 v18, $0x1;
	vm4 =	veq.s32 v20, $0x2;
	vm5 =	veq.s32 v20, $0x1  }
0x269: {  	v38 =	vld [tilespmem:$0x1AAC0];
	vm6 =	veq.s32 v22, $0x2;
	vm7 =	veq.s32 v22, $0x1;
	vm8 =	veq.s32 v24, $0x2  }
0x26a: {  	v39 =	vld [tilespmem:$0x1AA80];
	vm9 =	veq.s32 v24, $0x1;
	vm10 =	veq.s32 v26, $0x2;
	vm11 =	veq.s32 v26, $0x1  }
0x26b: {  	v40 =	vld [tilespmem:$0x790];
	v34 =	vsel vm0, $0x3F800000, v0;
	v15 =	vnsel vm1, $0x0, v15;
	v51 =	vsel vm12, $0x3F800000, v0  }
0x26c: {  	v59 =	vld [tilespmem:$0x1AAA0];
	v17 =	vnsel vm13, $0x0, v17;
	v52 =	vsel vm14, $0x3F800000, v0;
	v19 =	vnsel vm15, $0x0, v19  }
0x26d: {  	v41 =	vld [tilespmem:$0x7A0];
	v53 =	vsel vm4, $0x3F800000, v0;
	v21 =	vnsel vm5, $0x0, v21;
	v54 =	vsel vm6, $0x3F800000, v0  }
0x26e: {  	v42 =	vld [tilespmem:$0x1AAC0];
	v23 =	vnsel vm7, $0x0, v23;
	v55 =	vsel vm8, $0x3F800000, v0;
	v25 =	vnsel vm9, $0x0, v25  }
0x26f: {  	v63 =	vld [tilespmem:$0x7C0];
	v56 =	vsel vm10, $0x3F800000, v0;
	v27 =	vnsel vm11, $0x0, v27;
	vm12 =	veq.s32 v28, $0x2  }
0x270: {  	v43 =	vld [tilespmem:$0x1AA80];
	vm13 =	veq.s32 v28, $0x1;
	vm14 =	veq.s32 v30, $0x2;
	vm15 =	veq.s32 v30, $0x1  }
0x271: {  	v50 =	vld [tilespmem:$0x7D0];
	vm4 =	veq.s32 v32, $0x2;
	vm5 =	veq.s32 v32, $0x1;
	v15 =	vadd.f32 v15, v34  }
0x272: {  	v14 =	vld [tilespmem:$0x720];
	vm10 =	veq.s32 v36, $0x2;
	v17 =	vadd.f32 v17, v51;
	v19 =	vadd.f32 v19, v52  }
0x273: {  	v16 =	vld [tilespmem:$0x730];
	vm11 =	veq.s32 v36, $0x1;
	v21 =	vadd.f32 v21, v53;
	v23 =	vadd.f32 v23, v54  }
0x274: {  	v20 =	vld [tilespmem:$0x1AAA0];
	v25 =	vadd.f32 v25, v55;
	v27 =	vadd.f32 v27, v56;
	v57 =	vsel vm12, $0x3F800000, v0  }
0x275: {  	v22 =	vld [tilespmem:$0x1AAB0];
	v29 =	vnsel vm13, $0x0, v29;
	v58 =	vsel vm14, $0x3F800000, v0;
	v31 =	vnsel vm15, $0x0, v31  }
0x276: {  	v24 =	vld [tilespmem:$0x760];
	v60 =	vsel vm4, $0x3F800000, v0;
	v33 =	vnsel vm5, $0x0, v33;
	v48 =	vsel vm10, $0x3F800000, v0  }
0x277: {  	v26 =	vld [tilespmem:$0x770];
	vm12 =	veq.s32 v37, $0x2;
	vm13 =	veq.s32 v37, $0x1;
	v29 =	vadd.f32 v29, v57  }
0x278: {  	v44 =	vld [tilespmem:$0x7E0];
	vm10 =	veq.s32 v41, $0x2;
	v31 =	vadd.f32 v31, v58;
	v33 =	vadd.f32 v33, v60  }
0x279: {  	v18 =	vld [tilespmem:$0x1AA90];
	v49 =	vsel vm12, $0x3F800000, v0;
	v57 =	vsel vm10, $0x3F800000, v0;
	vm6 =	veq.s32 v14, $0x2  }
0x27a: {  	v45 =	vld [tilespmem:$0x7F0];
	vm7 =	veq.s32 v14, $0x1;
	vm8 =	veq.s32 v16, $0x2;
	vm9 =	veq.s32 v16, $0x1  }
0x27b: {  	v28 =	vld [tilespmem:$0x780];
	v20 =	vnsel vm11, $0x0, v20;
	v22 =	vnsel vm13, $0x0, v22;
	vm14 =	veq.s32 v24, $0x2  }
0x27c: {  	v46 =	vld [tilespmem:$0x1AAC0];
	vm15 =	veq.s32 v24, $0x1;
	vm4 =	veq.s32 v26, $0x2;
	vm5 =	veq.s32 v26, $0x1  }
0x27d: {  	v47 =	vld [tilespmem:$0x1AA80];
	vm11 =	veq.s32 v41, $0x1;
	v61 =	vsel vm6, $0x3F800000, v0;
	v35 =	vnsel vm7, $0x0, v35  }
0x27e: {  	v30 =	vld [tilespmem:$0x1AA90];
	v62 =	vsel vm8, $0x3F800000, v0;
	v18 =	vnsel vm9, $0x0, v18;
	v20 =	vadd.f32 v20, v48  }
0x27f: {  	v54 =	vld [tilespmem:$0x800];
	v22 =	vadd.f32 v22, v49;
	v51 =	vsel vm14, $0x3F800000, v0;
	v38 =	vnsel vm15, $0x0, v38  }
0x280: {  	v56 =	vld [tilespmem:$0x810];
	v52 =	vsel vm4, $0x3F800000, v0;
	v39 =	vnsel vm5, $0x0, v39;
	vm6 =	veq.s32 v28, $0x2  }
0x281: {  	[tilespmem:$0xCA0] =	vst v19;
	v19 =	vld [tilespmem:$0x1AAA0];
	vm7 =	veq.s32 v28, $0x1;
	vm8 =	veq.s32 v40, $0x2;
	vm9 =	veq.s32 v40, $0x1  }
0x282: {  	v14 =	vld [tilespmem:$0x1AAB0];
	vm14 =	veq.s32 v63, $0x2;
	vm15 =	veq.s32 v63, $0x1;
	vm4 =	veq.s32 v50, $0x2  }
0x283: {  	v16 =	vld [tilespmem:$0x7B0];
	vm5 =	veq.s32 v50, $0x1;
	v34 =	vadd.f32 v35, v61;
	v18 =	vadd.f32 v18, v62  }
0x284: {  	v24 =	vld [tilespmem:$0x1AA90];
	v36 =	vadd.f32 v38, v51;
	v38 =	vadd.f32 v39, v52;
	v53 =	vsel vm6, $0x3F800000, v0  }
0x285: {  	[tilespmem:$0xC90] =	vst v17;
	v26 =	vld [tilespmem:$0x1AAA0];
	v30 =	vnsel vm7, $0x0, v30;
	v55 =	vsel vm8, $0x3F800000, v0;
	v32 =	vnsel vm9, $0x0, v59  }
0x286: {  	[tilespmem:$0xCB0] =	vst v21;
	v28 =	vld [tilespmem:$0x1AAB0];
	v17 =	vsel vm14, $0x3F800000, v0;
	v60 =	vnsel vm15, $0x0, v43;
	v21 =	vsel vm4, $0x3F800000, v0  }
0x287: {  	v63 =	vld [tilespmem:$0x1AA80];
	vm6 =	veq.s32 v44, $0x2;
	vm7 =	veq.s32 v44, $0x1;
	vm8 =	veq.s32 v45, $0x2  }
0x288: {  	v48 =	vld [tilespmem:$0x1AAB0];
	vm9 =	veq.s32 v45, $0x1;
	vm10 =	veq.s32 v54, $0x2;
	v30 =	vadd.f32 v30, v53  }
0x289: {  	[tilespmem:$0xCC0] =	vst v23;
	v49 =	vld [tilespmem:$0x1AA80];
	v32 =	vadd.f32 v32, v55;
	v17 =	vadd.f32 v60, v17;
	v23 =	vsel vm6, $0x3F800000, v0  }
0x28a: {  	[tilespmem:$0x1948] =	vst v29;
	v50 =	vld [tilespmem:$0x8E0];
	v29 =	vsel vm10, $0x3F800000, v0;
	v14 =	vnsel vm11, $0x0, v14;
	vm12 =	veq.s32 v16, $0x2  }
0x28b: {  	[tilespmem:$0x1928] =	vst v25;
	v61 =	vld [tilespmem:$0x830];
	vm13 =	veq.s32 v16, $0x1;
	v24 =	vnsel vm5, $0x0, v24;
	v25 =	vnsel vm7, $0x0, v26  }
0x28c: {  	[tilespmem:$0xC80] =	vst v15;
	v62 =	vld [tilespmem:$0x840];
	vm11 =	veq.s32 v54, $0x1;
	v14 =	vadd.f32 v14, v57;
	v58 =	vsel vm12, $0x3F800000, v0  }
0x28d: {  	[tilespmem:$0x1938] =	vst v27;
	v43 =	vld [tilespmem:$0x870];
	v15 =	vnsel vm13, $0x0, v42;
	v21 =	vadd.f32 v24, v21;
	v23 =	vadd.f32 v25, v23  }
0x28e: {  	[tilespmem:$0x1958] =	vst v31;
	v59 =	vld [tilespmem:$0x1AA90];
	v25 =	vsel vm8, $0x3F800000, v0;
	v27 =	vnsel vm9, $0x0, v28;
	v31 =	vnsel vm11, $0x0, v46  }
0x28f: {  	v16 =	vld [tilespmem:$0x820];
	vm12 =	veq.s32 v56, $0x2;
	vm13 =	veq.s32 v56, $0x1;
	v15 =	vadd.f32 v15, v58  }
0x290: {  	[tilespmem:$0x1968] =	vst v33;
	v26 =	vld [tilespmem:$0x850];
	v25 =	vadd.f32 v27, v25;
	v29 =	vadd.f32 v31, v29;
	v31 =	vsel vm12, $0x3F800000, v0  }
0x291: {  	[tilespmem:$0x25F0] =	vst v20;
	v24 =	vld [tilespmem:$0x1AAB0];
	v44 =	vnsel vm13, $0x0, v47;
	vm4 =	veq.s32 v61, $0x2;
	vm5 =	veq.s32 v61, $0x1  }
0x292: {  	[tilespmem:$0x2600] =	vst v22;
	v28 =	vld [tilespmem:$0x1AAC0];
	vm6 =	veq.s32 v62, $0x2;
	vm7 =	veq.s32 v62, $0x1;
	vm12 =	veq.s32 v43, $0x2  }
0x293: {  	[tilespmem:$0x25D0] =	vst v34;
	v46 =	vld [tilespmem:$0x880];
	vm13 =	veq.s32 v43, $0x1;
	v22 =	vsel vm4, $0x3F800000, v0;
	v19 =	vnsel vm5, $0x0, v19  }
0x294: {  	[tilespmem:$0x25E0] =	vst v18;
	v27 =	vld [tilespmem:$0x860];
	v18 =	vadd.f32 v44, v31;
	v19 =	vadd.f32 v19, v22;
	v22 =	vsel vm6, $0x3F800000, v0  }
0x295: {  	v47 =	vld [tilespmem:$0x890];
	[tilespmem:$0x32B8] =	vst v15;
	v15 =	vsel vm12, $0x3F800000, v0;
	vm14 =	veq.s32 v16, $0x2;
	vm15 =	veq.s32 v16, $0x1  }
0x296: {  	[tilespmem:$0x3288] =	vst v30;
	v30 =	vld [tilespmem:$0x1AAC0];
	vm8 =	veq.s32 v26, $0x2;
	vm9 =	veq.s32 v26, $0x1;
	v31 =	vsel vm14, $0x3F800000, v0  }
0x297: {  	[tilespmem:$0x2610] =	vst v36;
	v16 =	vld [tilespmem:$0x1AA90];
	v45 =	vnsel vm15, $0x0, v59;
	v24 =	vnsel vm7, $0x0, v24;
	v28 =	vnsel vm9, $0x0, v28  }
0x298: {  	[tilespmem:$0x3F20] =	vst v17;
	v26 =	vld [tilespmem:$0x8A0];
	vm14 =	veq.s32 v46, $0x2;
	vm15 =	veq.s32 v46, $0x1;
	v20 =	vadd.f32 v45, v31  }
0x299: {  	v17 =	vld [tilespmem:$0x1AA90];
	[tilespmem:$0x32A8] =	vst v14;
	v22 =	vadd.f32 v24, v22;
	v24 =	vsel vm8, $0x3F800000, v0;
	vm10 =	veq.s32 v27, $0x2  }
0x29a: {  	[tilespmem:$0x3F40] =	vst v23;
	v31 =	vld [tilespmem:$0x1AAA0];
	vm11 =	veq.s32 v27, $0x1;
	vm4 =	veq.s32 v47, $0x2;
	vm5 =	veq.s32 v47, $0x1  }
0x29b: {  	[tilespmem:$0x3F50] =	vst v25;
	v27 =	vld [tilespmem:$0x8B0];
	v24 =	vadd.f32 v28, v24;
	v14 =	vsel vm10, $0x3F800000, v0;
	v28 =	vnsel vm11, $0x0, v63  }
0x29c: {  	[tilespmem:$0x3F60] =	vst v29;
	v29 =	vld [tilespmem:$0x1AAC0];
	v23 =	vsel vm4, $0x3F800000, v0;
	v25 =	vnsel vm5, $0x0, v48;
	v14 =	vadd.f32 v28, v14  }
0x29d: {  	[tilespmem:$0x3278] =	vst v38;
	v28 =	vld [tilespmem:$0x8C0];
	v23 =	vadd.f32 v25, v23;
	v16 =	vnsel vm13, $0x0, v16;
	vm6 =	veq.s32 v26, $0x2  }
0x29e: {  	[tilespmem:$0x3F30] =	vst v21;
	vm7 =	veq.s32 v26, $0x1;
	v26 =	vld [tilespmem:$0x1AAB0];
	v15 =	vadd.f32 v16, v15;
	v16 =	vsel vm14, $0x3F800000, v0  }
0x29f: {  	[tilespmem:$0x4BC8] =	vst v18;
	v25 =	vsel vm6, $0x3F800000, v0;
	v18 =	vnsel vm7, $0x0, v30;
	v21 =	vnsel vm15, $0x0, v31;
	v31 =	vld [tilespmem:$0x8D0]  }
0x2a0: {  	[tilespmem:$0x4BE8] =	vst v19;
	vm14 =	veq.s32 v50, $0x2;
	vm8 =	veq.s32 v27, $0x2;
	vm9 =	veq.s32 v27, $0x1;
	v27 =	vld [tilespmem:$0x8F0]  }
0x2a1: {  	[tilespmem:$0x4BD8] =	vst v20;
	v18 =	vadd.f32 v18, v25;
	v16 =	vadd.f32 v21, v16;
	v21 =	vld [tilespmem:$0x1AAA0];
	v20 =	vsel vm8, $0x3F800000, v0  }
0x2a2: {  	[tilespmem:$0x4C08] =	vst v24;
	v24 =	vld [tilespmem:$0x910];
	v25 =	vnsel vm9, $0x0, v49;
	vm10 =	veq.s32 v28, $0x2;
	vm11 =	veq.s32 v28, $0x1  }
0x2a3: {  	[tilespmem:$0x4BF8] =	vst v22;
	v19 =	vadd.f32 v25, v20;
	v20 =	vld [tilespmem:$0x900];
	v22 =	vsel vm10, $0x3F800000, v0;
	v17 =	vnsel vm11, $0x0, v17  }
0x2a4: {  	vm15 =	veq.s32 v50, $0x1;
	[tilespmem:$0x5880] =	vst v15;
	v15 =	vsel vm14, $0x3F800000, v0;
	v25 =	vld [tilespmem:$0x1AA80];
	v17 =	vadd.f32 v17, v22  }
0x2a5: {  	[tilespmem:$0x5890] =	vst v16;
	v16 =	vld [tilespmem:$0x1AAA0];
	vm12 =	veq.s32 v31, $0x2;
	vm13 =	veq.s32 v31, $0x1;
	vm4 =	veq.s32 v27, $0x2  }
0x2a6: {  	[tilespmem:$0x5870] =	vst v14;
	vm5 =	veq.s32 v27, $0x1;
	v27 =	vld [tilespmem:$0x930];
	v22 =	vsel vm12, $0x3F800000, v0;
	v14 =	vnsel vm13, $0x0, v21  }
0x2a7: {  	[tilespmem:$0x3298] =	vst v32;
	vm8 =	veq.s32 v24, $0x2;
	v14 =	vadd.f32 v14, v22;
	v22 =	vnsel vm15, $0x0, v26;
	v26 =	vld [tilespmem:$0x920]  }
0x2a8: {  	[tilespmem:$0x58A0] =	vst v23;
	vm9 =	veq.s32 v24, $0x1;
	v21 =	vld [tilespmem:$0x1AA90];
	v23 =	vnsel vm5, $0x0, v29;
	vm6 =	veq.s32 v20, $0x2  }
0x2a9: {  	[tilespmem:$0x58B0] =	vst v18;
	vm7 =	veq.s32 v20, $0x1;
	v20 =	vld [tilespmem:$0x1AAB0];
	v15 =	vadd.f32 v22, v15;
	v22 =	vsel vm4, $0x3F800000, v0  }
0x2aa: {  	[tilespmem:$0x6518] =	vst v19;
	v19 =	vnsel vm7, $0x0, v25;
	v18 =	vadd.f32 v23, v22;
	v22 =	vsel vm6, $0x3F800000, v0;
	v23 =	vld [tilespmem:$0x940]  }
0x2ab: {  	[tilespmem:$0x6528] =	vst v17;
	v17 =	vadd.f32 v19, v22;
	v19 =	vsel vm8, $0x3F800000, v0;
	v22 =	vld [tilespmem:$0x1AAC0];
	vm12 =	veq.s32 v27, $0x2  }
0x2ac: {  	[tilespmem:$0x6538] =	vst v14;
	vm13 =	veq.s32 v27, $0x1;
	vm10 =	veq.s32 v26, $0x2;
	vm11 =	veq.s32 v26, $0x1  }
0x2ad: {  	s26 =	sor.u32 s7, s25;
	[tilespmem:$0x6548] =	vst v15;
	v21 =	vnsel vm9, $0x0, v21;
	v15 =	vsel vm10, $0x3F800000, v0;
	v16 =	vnsel vm11, $0x0, v16  }
0x2ae: {  	s0 =	sshrl.u32 s26, $0x2;
	v14 =	vadd.f32 v21, v19;
	[tilespmem:$0x71C0] =	vst v17;
	v17 =	vnsel vm13, $0x0, v20;
	v15 =	vadd.f32 v16, v15  }
0x2af: {  	s26 =	sshll.u32 s25, $0x8;
	s0 =	smul.u32 $0x39000, s0;
	[tilespmem:$0x6558] =	vst v18;
	v16 =	vsel vm12, $0x3F800000, v0;
	vm14 =	veq.s32 v23, $0x2;
	vm15 =	veq.s32 v23, $0x1  }
0x2b0: {  	s26 =	sand.u32 $0x300, s26;
	[tilespmem:$0x71D0] =	vst v14;
	v18 =	vsel vm14, $0x3F800000, v0;
	v14 =	vadd.f32 v17, v16;
	v16 =	vnsel vm15, $0x0, v22  }
0x2b1: {  	s0 =	sor.u32 s26, s0;
	[tilespmem:$0x71E0] =	vst v15;
	v15 =	vadd.f32 v16, v18  }
0x2b2: {  	s26 =	sshrl.u32 s0, $0x3;
	[tilespmem:$0x71F0] =	vst v14  }
0x2b3: {  	s0 =	sadd.s32 s9, s26;
	[tilespmem:$0x7200] =	vst v15  }
0x2b4: {  	[hbm4b:s0+s17] =	stream.strided.scatter [tilespmem:s21], [sflag:$0x1], $0x7200, s18, s17, $0x38;
	[tilespmem:$0x1AB00] =	vst v63  }
0x2b5: {  	_ =	swait.ge [sflag:s13], $0x7200  }
0x2b6: {  	[sflag:s13] =	ssyncset.done $0x0  }
0x2b7: {  	s28 =	simm.s32 $0x0;
	[sflag:s13] =	ssyncadd.s32 $0xFFFF8E00  }
0x2b8: {  	v14 =	vld [tilespmem:s28+$0x16000];
	_ =	sdelay $0x1  }
0x2b9: {  	v17 =	vld [tilespmem:s28+$0x16C80];
	_ =	sdelay $0x2  }
0x2ba: {  	v15 =	vadd.s32 $0x3C0, v14;
	_ =	sdelay $0x1  }
0x2bb: {  	v16 =	vadd.s32 $0x3C0, v17  }
0x2bc: {  	v18 =	vadd.s32 $0x2D0, v14  }
0x2bd: {  	v19 =	vadd.s32 $0x320, v14  }
0x2be: {  	v20 =	vadd.s32 $0x410, v14;
	v15 =	vld.idx.msk [tilespmem:v15+s19+$0x0], $0xffff  }
0x2bf: {  	v21 =	vadd.s32 $0x460, v14  }
0x2c0: {  	v22 =	vadd.s32 $0x4B0, v14;
	v16 =	vld.idx.msk [tilespmem:v16+s19+$0x0], $0xffff  }
0x2c1: {  	v23 =	vadd.s32 $0x320, v17;
	v18 =	vld.idx.msk [tilespmem:v18+s19+$0x0], $0xffff  }
0x2c2: {  	v24 =	vadd.s32 $0x500, v17;
	v19 =	vld.idx.msk [tilespmem:v19+s19+$0x0], $0xffff  }
0x2c3: {  	v25 =	vadd.s32 $0x410, v17;
	v20 =	vld.idx.msk [tilespmem:v20+s19+$0x0], $0xffff;
	v15 =	vmul.u32 $0x3, v15  }
0x2c4: {  	v21 =	vld.idx.msk [tilespmem:v21+s19+$0x0], $0xffff  }
0x2c5: {  	v22 =	vld.idx.msk [tilespmem:v22+s19+$0x0], $0xffff;
	v15 =	vadd.s32 v16, v15;
	v16 =	vadd.s32 $0x370, v17  }
0x2c6: {  	s0 =	simm.s32 $0x0;
	v26 =	vadd.s32 $0x460, v17;
	v23 =	vld.idx.msk [tilespmem:v23+s19+$0x0], $0xffff;
	v15 =	vmul.u32 $0xC60, v15  }
0x2c7: {  	v27 =	vor.u32 s0, v3;
	v30 =	vadd.s32 $0x4B0, v17;
	v29 =	vld.idx.msk [tilespmem:v24+s19+$0x0], $0xffff  }
0x2c8: {  	s29 =	simm.s32 $0x10;
	v24 =	vld.idx.msk [tilespmem:v25+s19+$0x0], $0xffff;
	v28 =	vadd.s32 v27, v15  }
0x2c9: {  	v15 =	vld [tilespmem:s29+$0x16000]  }
0x2ca: {  	v31 =	vadd.s32 $0x370, v14;
	v25 =	vld.idx.msk [tilespmem:v16+s19+$0x0], $0xffff  }
0x2cb: {  	v16 =	vmul.u32 $0x3, v19;
	v19 =	vld.idx.msk [tilespmem:v26+s19+$0x0], $0xffff;
	v26 =	vadd.s32 $0x550, v14  }
0x2cc: {  	v30 =	vld.idx.msk [tilespmem:v30+s19+$0x0], $0xffff;
	v14 =	vadd.s32 $0x500, v14  }
0x2cd: {  	v51 =	vld.idx.msk [tilespmem:v28+s20+$0x0], $0xffff;
	v28 =	vadd.s32 $0x550, v17  }
0x2ce: {  	v23 =	vadd.s32 v23, v16;
	v16 =	vld [tilespmem:s29+$0x16C80];
	v17 =	vadd.s32 $0x2D0, v17  }
0x2cf: {  	v31 =	vld.idx.msk [tilespmem:v31+s19+$0x0], $0xffff;
	v23 =	vmul.u32 $0xC60, v23;
	v52 =	vadd.s32 $0x2D0, v15  }
0x2d0: {  	v20 =	vmul.u32 $0x3, v20;
	v21 =	vmul.u32 $0x3, v21;
	v53 =	vadd.s32 $0x320, v15;
	v26 =	vld.idx.msk [tilespmem:v26+s19+$0x0], $0xffff  }
0x2d1: {  	v22 =	vmul.u32 $0x3, v22;
	v23 =	vadd.s32 v27, v23;
	v54 =	vld.idx.msk [tilespmem:v14+s19+$0x0], $0xffff  }
0x2d2: {  	v14 =	vadd.s32 v24, v20;
	v19 =	vadd.s32 v19, v21;
	v21 =	vadd.s32 $0x3C0, v15;
	v24 =	vld.idx.msk [tilespmem:v28+s19+$0x0], $0xffff  }
0x2d3: {  	v22 =	vadd.s32 v30, v22;
	v20 =	vadd.s32 $0x3C0, v16;
	v55 =	vld.idx.msk [tilespmem:v17+s19+$0x0], $0xffff  }
0x2d4: {  	v22 =	vmul.u32 $0xC60, v22;
	v56 =	vadd.s32 $0x410, v15;
	v28 =	vmul.u32 $0xC60, v14;
	v14 =	vld.idx.msk [tilespmem:v52+s19+$0x0], $0xffff  }
0x2d5: {  	v30 =	vmul.u32 $0x3, v31;
	v57 =	vadd.s32 $0x4B0, v15;
	v19 =	vmul.u32 $0xC60, v19;
	v31 =	vld.idx.msk [tilespmem:v53+s19+$0x0], $0xffff  }
0x2d6: {  	v18 =	vmul.u32 $0x3, v18;
	v22 =	vadd.s32 v27, v22;
	v17 =	vld.idx.msk [tilespmem:v23+s20+$0x0], $0xffff;
	v26 =	vmul.u32 $0x3, v26  }
0x2d7: {  	v25 =	vadd.s32 v25, v30;
	v19 =	vadd.s32 v27, v19;
	v23 =	vadd.s32 $0x460, v15;
	v58 =	vld.idx.msk [tilespmem:v21+s19+$0x0], $0xffff  }
0x2d8: {  	v30 =	vmul.u32 $0x3, v54;
	v21 =	vmul.u32 $0xC60, v25;
	v20 =	vld.idx.msk [tilespmem:v20+s19+$0x0], $0xffff;
	v25 =	vadd.s32 v24, v26  }
0x2d9: {  	v26 =	vadd.s32 v27, v28;
	v24 =	vld.idx.msk [tilespmem:v56+s19+$0x0], $0xffff;
	v18 =	vadd.s32 v55, v18;
	v25 =	vmul.u32 $0xC60, v25  }
0x2da: {  	v28 =	vadd.s32 v29, v30;
	v29 =	vadd.s32 v27, v21;
	v21 =	vld.idx.msk [tilespmem:v57+s19+$0x0], $0xffff;
	v18 =	vmul.u32 $0xC60, v18  }
0x2db: {  	v30 =	vld.idx.msk [tilespmem:v22+s20+$0x0], $0xffff;
	v28 =	vmul.u32 $0xC60, v28;
	v25 =	vadd.s32 v27, v25  }
0x2dc: {  	v59 =	vld.idx.msk [tilespmem:v19+s20+$0x0], $0xffff;
	v18 =	vadd.s32 v27, v18  }
0x2dd: {  	v23 =	vld.idx.msk [tilespmem:v23+s19+$0x0], $0xffff;
	v27 =	vadd.s32 v27, v28  }
0x2de: {  	v19 =	vadd.s32 $0x320, v16;
	v22 =	vld.idx.msk [tilespmem:v26+s20+$0x0], $0xffff  }
0x2df: {  	v60 =	vadd.s32 $0x500, v16;
	v61 =	vld.idx.msk [tilespmem:v29+s20+$0x0], $0xffff;
	v29 =	vmul.u32 $0x3, v58  }
0x2e0: {  	v62 =	vadd.s32 $0x410, v16;
	v26 =	vld.idx.msk [tilespmem:v25+s20+$0x0], $0xffff  }
0x2e1: {  	v63 =	vadd.s32 $0x370, v16;
	v28 =	vld.idx.msk [tilespmem:v18+s20+$0x0], $0xffff;
	v18 =	vadd.s32 v20, v29  }
0x2e2: {  	s30 =	simm.s32 $0x10;
	v34 =	vadd.s32 $0x460, v16;
	v25 =	vld.idx.msk [tilespmem:v27+s20+$0x0], $0xffff;
	v27 =	vmul.u32 $0xC60, v18  }
0x2e3: {  	v32 =	vld.idx.msk [tilespmem:v19+s19+$0x0], $0xffff;
	[tilespmem:s28+$0xCAC0] =	vst v30;
	v18 =	vor.u32 s30, v3  }
0x2e4: {  	v19 =	vld.idx.msk [tilespmem:v60+s19+$0x0], $0xffff;
	[tilespmem:s28+$0xBE18] =	vst v59;
	v30 =	vadd.s32 v18, v27  }
0x2e5: {  	v29 =	vmul.u32 $0x3, v31;
	v31 =	vld.idx.msk [tilespmem:v62+s19+$0x0], $0xffff;
	[tilespmem:s28+$0xA4C8] =	vst v51  }
0x2e6: {  	s31 =	simm.s32 $0x80;
	v33 =	vadd.s32 $0x4B0, v16;
	v20 =	vadd.s32 $0x370, v15;
	[tilespmem:s28+$0x9820] =	vst v61;
	v27 =	vld.idx.msk [tilespmem:v63+s19+$0x0], $0xffff  }
.LBB2_17:
0x2e7: {  	s0 =	sshra.s32 s31, $0x2;
	p0 =	sne.s32 s31, $0x3100;
	s31 =	sadd.s32 $0x40, s31;
	v34 =	vld.idx.msk [tilespmem:v34+s19+$0x0], $0xffff;
	[tilespmem:s28+$0x8B78] =	vst v17  }
0x2e8: {  	v35 =	vadd.s32 $0x550, v15;
	v17 =	vld [tilespmem:s0+$0x16000];
	[tilespmem:s28+$0x7ED0] =	vst v28  }
0x2e9: {  	v24 =	vmul.u32 $0x3, v24;
	v28 =	vadd.s32 v32, v29;
	v29 =	vadd.s32 $0x500, v15;
	v36 =	vld.idx.msk [tilespmem:v30+s20+$0x0], $0xffff;
	[tilespmem:s28+$0xE410] =	vst v26  }
0x2ea: {  	v37 =	vmul.u32 $0xC60, v28;
	v28 =	vadd.s32 $0x550, v16;
	v26 =	vld [tilespmem:s0+$0x16C80];
	[tilespmem:s28+$0xB170] =	vst v22  }
0x2eb: {  	v23 =	vmul.u32 $0x3, v23;
	v22 =	vadd.s32 $0x2D0, v16;
	v16 =	vadd.s32 v31, v24;
	v24 =	vld.idx.msk [tilespmem:v33+s19+$0x0], $0xffff;
	[tilespmem:s28+$0xD768] =	vst v25;
	s28 =	smov.u32 s29;
	s29 =	smov.u32 s0  }
0x2ec: {  	v25 =	vadd.s32 v18, v37;
	v31 =	vmul.u32 $0xC60, v16;
	v30 =	vld.idx.msk [tilespmem:v20+s19+$0x0], $0xffff  }
0x2ed: {  	v23 =	vadd.s32 v34, v23;
	v32 =	vadd.s32 $0x2D0, v17;
	v33 =	vld.idx.msk [tilespmem:v35+s19+$0x0], $0xffff;
	v15 =	vmov v17  }
0x2ee: {  	v34 =	vadd.s32 $0x320, v15;
	v29 =	vld.idx.msk [tilespmem:v29+s19+$0x0], $0xffff  }
0x2ef: {  	v21 =	vmul.u32 $0x3, v21;
	v20 =	vadd.s32 $0x370, v15;
	v35 =	vadd.s32 $0x3C0, v26;
	v28 =	vld.idx.msk [tilespmem:v28+s19+$0x0], $0xffff;
	v16 =	vmovc v26  }
0x2f0: {  	v37 =	vmul.u32 $0x3, v14;
	v26 =	vadd.s32 $0x3C0, v15;
	v22 =	vld.idx.msk [tilespmem:v22+s19+$0x0], $0xffff  }
0x2f1: {  	v38 =	vadd.s32 $0x410, v15;
	v21 =	vadd.s32 v24, v21;
	v17 =	vld.idx.msk [tilespmem:v25+s20+$0x0], $0xffff;
	v25 =	vadd.s32 v18, v31  }
0x2f2: {  	v31 =	vadd.s32 $0x460, v15;
	v24 =	vmul.u32 $0x3, v30;
	v21 =	vmul.u32 $0xC60, v21;
	v14 =	vld.idx.msk [tilespmem:v32+s19+$0x0], $0xffff  }
0x2f3: {  	v23 =	vmul.u32 $0xC60, v23;
	v32 =	vadd.s32 $0x4B0, v15;
	v33 =	vmul.u32 $0x3, v33;
	v30 =	vld.idx.msk [tilespmem:v34+s19+$0x0], $0xffff  }
0x2f4: {  	v24 =	vadd.s32 v27, v24;
	v27 =	vadd.s32 v18, v21;
	v21 =	vmul.u32 $0x3, v29;
	v34 =	vld.idx.msk [tilespmem:v35+s19+$0x0], $0xffff  }
0x2f5: {  	v29 =	vmul.u32 $0xC60, v24;
	v35 =	vadd.s32 v18, v23;
	v23 =	vadd.s32 v28, v33;
	v26 =	vld.idx.msk [tilespmem:v26+s19+$0x0], $0xffff  }
0x2f6: {  	v22 =	vadd.s32 v22, v37;
	v19 =	vadd.s32 v19, v21;
	v28 =	vmul.u32 $0xC60, v23;
	v24 =	vld.idx.msk [tilespmem:v38+s19+$0x0], $0xffff  }
0x2f7: {  	v22 =	vmul.u32 $0xC60, v22;
	v19 =	vmul.u32 $0xC60, v19;
	v23 =	vld.idx.msk [tilespmem:v31+s19+$0x0], $0xffff;
	v31 =	vadd.s32 v18, v29  }
0x2f8: {  	v28 =	vadd.s32 v18, v28;
	v21 =	vld.idx.msk [tilespmem:v32+s19+$0x0], $0xffff  }
0x2f9: {  	v29 =	vmul.u32 $0x3, v30;
	v30 =	vadd.s32 v18, v22;
	v18 =	vadd.s32 v18, v19;
	v27 =	vld.idx.msk [tilespmem:v27+s20+$0x0], $0xffff  }
0x2fa: {  	v33 =	vld.idx.msk [tilespmem:v35+s20+$0x0], $0xffff  }
0x2fb: {  	v19 =	vadd.s32 $0x320, v16;
	v26 =	vmul.u32 $0x3, v26;
	v22 =	vld.idx.msk [tilespmem:v25+s20+$0x0], $0xffff  }
0x2fc: {  	v35 =	vadd.s32 $0x500, v16;
	v37 =	vld.idx.msk [tilespmem:v31+s20+$0x0], $0xffff  }
0x2fd: {  	v25 =	vadd.s32 v34, v26;
	v31 =	vadd.s32 $0x410, v16;
	v26 =	vld.idx.msk [tilespmem:v28+s20+$0x0], $0xffff  }
0x2fe: {  	v38 =	vadd.s32 $0x370, v16;
	v39 =	vmul.u32 $0xC60, v25;
	v28 =	vld.idx.msk [tilespmem:v30+s20+$0x0], $0xffff  }
.Ltmp7:
0x2ff: {  	s30 =	sadd.s32 $0x10, s30;
	v34 =	vadd.s32 $0x460, v16;
	v25 =	vld.idx.msk [tilespmem:v18+s20+$0x0], $0xffff;
	(pc) =	sbr.rel @p0 .LBB2_17-.Ltmp7, $4  }
0x300: {  	v18 =	vor.u32 s30, v3;
	v32 =	vld.idx.msk [tilespmem:v19+s19+$0x0], $0xffff;
	[tilespmem:s28+$0xCAC0] =	vst v27  }
0x301: {  	v30 =	vadd.s32 v18, v39;
	v19 =	vld.idx.msk [tilespmem:v35+s19+$0x0], $0xffff;
	[tilespmem:s28+$0xBE18] =	vst v33  }
0x302: {  	v31 =	vld.idx.msk [tilespmem:v31+s19+$0x0], $0xffff;
	[tilespmem:s28+$0xA4C8] =	vst v36  }
0x303: {  	v33 =	vadd.s32 $0x4B0, v16;
	v27 =	vld.idx.msk [tilespmem:v38+s19+$0x0], $0xffff;
	[tilespmem:s28+$0x9820] =	vst v37  }
0x304: {  	_ =	sdelay $0x1  }
0x305: {  	v35 =	vadd.s32 $0x550, v15  }
0x306: {  	v56 =	vadd.s32 $0x500, v15  }
0x307: {  	v34 =	vld.idx.msk [tilespmem:v34+s19+$0x0], $0xffff;
	v57 =	vadd.s32 $0x2D0, v16  }
0x308: {  	v36 =	vadd.s32 $0x550, v16;
	v33 =	vld.idx.msk [tilespmem:v33+s19+$0x0], $0xffff  }
0x309: {  	v20 =	vld.idx.msk [tilespmem:v20+s19+$0x0], $0xffff  }
0x30a: {  	v24 =	vmul.u32 $0x3, v24;
	v58 =	vld.idx.msk [tilespmem:v35+s19+$0x0], $0xffff  }
0x30b: {  	v21 =	vmul.u32 $0x3, v21;
	v23 =	vmul.u32 $0x3, v23;
	v15 =	vld.idx.msk [tilespmem:v56+s19+$0x0], $0xffff  }
0x30c: {  	v14 =	vmul.u32 $0x3, v14;
	v29 =	vadd.s32 v32, v29;
	v24 =	vadd.s32 v31, v24;
	v16 =	vld.idx.msk [tilespmem:v57+s19+$0x0], $0xffff  }
0x30d: {  	v29 =	vmul.u32 $0xC60, v29;
	v24 =	vmul.u32 $0xC60, v24;
	v59 =	vld.idx.msk [tilespmem:v36+s19+$0x0], $0xffff;
	v21 =	vadd.s32 v33, v21  }
0x30e: {  	v23 =	vadd.s32 v34, v23;
	v20 =	vmul.u32 $0x3, v20;
	v21 =	vmul.u32 $0xC60, v21  }
0x30f: {  	v29 =	vadd.s32 v18, v29;
	v23 =	vmul.u32 $0xC60, v23;
	v24 =	vadd.s32 v18, v24  }
0x310: {  	v20 =	vadd.s32 v27, v20;
	v21 =	vadd.s32 v18, v21;
	v32 =	vmul.u32 $0x3, v58  }
0x311: {  	v20 =	vmul.u32 $0xC60, v20;
	v15 =	vmul.u32 $0x3, v15;
	v14 =	vadd.s32 v16, v14  }
0x312: {  	v23 =	vadd.s32 v18, v23;
	v14 =	vmul.u32 $0xC60, v14;
	v60 =	vadd.s32 v59, v32  }
0x313: {  	v62 =	vld.idx.msk [tilespmem:v30+s20+$0x0], $0xffff;
	v63 =	vadd.s32 v18, v20;
	v15 =	vadd.s32 v19, v15;
	v61 =	vmul.u32 $0xC60, v60  }
0x314: {  	v29 =	vld.idx.msk [tilespmem:v29+s20+$0x0], $0xffff;
	v15 =	vmul.u32 $0xC60, v15;
	v14 =	vadd.s32 v18, v14  }
0x315: {  	v31 =	vld.idx.msk [tilespmem:v24+s20+$0x0], $0xffff;
	v16 =	vadd.s32 v18, v61  }
0x316: {  	[tilespmem:s28+$0x8B78] =	vst v17;
	v21 =	vld.idx.msk [tilespmem:v21+s20+$0x0], $0xffff;
	v15 =	vadd.s32 v18, v15  }
0x317: {  	[tilespmem:s28+$0x7ED0] =	vst v28;
	v30 =	vld.idx.msk [tilespmem:v23+s20+$0x0], $0xffff  }
0x318: {  	[tilespmem:s28+$0xE410] =	vst v26;
	v19 =	vld.idx.msk [tilespmem:v63+s20+$0x0], $0xffff  }
0x319: {  	[tilespmem:s28+$0xB170] =	vst v22;
	v14 =	vld.idx.msk [tilespmem:v14+s20+$0x0], $0xffff  }
0x31a: {  	[tilespmem:s28+$0xD768] =	vst v25;
	v16 =	vld.idx.msk [tilespmem:v16+s20+$0x0], $0xffff  }
0x31b: {  	v15 =	vld.idx.msk [tilespmem:v15+s20+$0x0], $0xffff;
	[tilespmem:s29+$0xCAC0] =	vst v21  }
0x31c: {  	[tilespmem:s29+$0xBE18] =	vst v30  }
0x31d: {  	[tilespmem:s29+$0xA4C8] =	vst v62  }
0x31e: {  	[tilespmem:s29+$0x9820] =	vst v19  }
0x31f: {  	[tilespmem:s29+$0x8B78] =	vst v29  }
0x320: {  	[tilespmem:s29+$0xB170] =	vst v31  }
0x321: {  	[tilespmem:s29+$0x7ED0] =	vst v14  }
0x322: {  	[tilespmem:s29+$0xE410] =	vst v16  }
0x323: {  	[tilespmem:s29+$0xD768] =	vst v15  }
0x324: {  	v14 =	vld [tilespmem:$0x16C50];
	_ =	sdelay $0x1  }
0x325: {  	v15 =	vld [tilespmem:$0x178D0];
	_ =	sdelay $0x2  }
0x326: {  	v32 =	vadd.s32 $0x2D0, v14;
	_ =	sdelay $0x1  }
0x327: {  	v33 =	vadd.s32 $0x2D0, v15;
	_ =	sdelay $0x2  }
0x328: {  	v16 =	vld.idx.msk [tilespmem:v32+s19+$0x0], $0xffff;
	_ =	sdelay $0x1  }
0x329: {  	v17 =	vld.idx.msk [tilespmem:v33+s19+$0x0], $0xffff;
	_ =	sdelay $0x2  }
0x32a: {  	v16 =	vmul.u32 $0x3, v16;
	_ =	sdelay $0x1  }
0x32b: {  	v16 =	vadd.s32 v17, v16  }
0x32c: {  	v16 =	vmul.u32 $0xC60, v16;
	_ =	sdelay $0x1  }
0x32d: {  	v16 =	vadd.s32 v4, v16;
	_ =	sdelay $0x4  }
0x32e: {  	v16 =	vld.idx.msk [tilespmem:v16+s20+$0x0], $0xffff  }
0x32f: {  	v34 =	vadd.s32 $0x320, v14;
	_ =	sdelay $0x1  }
0x330: {  	v35 =	vadd.s32 $0x320, v15;
	_ =	sdelay $0x1  }
0x331: {  	[tilespmem:v5+s22+$0x0] =	vst.idx.msk $0xff, v16  }
0x332: {  	v5 =	vld.idx.msk [tilespmem:v34+s19+$0x0], $0xffff;
	_ =	sdelay $0x1  }
0x333: {  	v16 =	vld.idx.msk [tilespmem:v35+s19+$0x0], $0xffff;
	_ =	sdelay $0x2  }
0x334: {  	v5 =	vmul.u32 $0x3, v5;
	_ =	sdelay $0x1  }
0x335: {  	v5 =	vadd.s32 v16, v5  }
0x336: {  	v5 =	vmul.u32 $0xC60, v5;
	_ =	sdelay $0x1  }
0x337: {  	v5 =	vadd.s32 v4, v5;
	_ =	sdelay $0x4  }
0x338: {  	v5 =	vld.idx.msk [tilespmem:v5+s20+$0x0], $0xffff  }
0x339: {  	v36 =	vadd.s32 $0x370, v14;
	_ =	sdelay $0x1  }
0x33a: {  	v37 =	vadd.s32 $0x370, v15;
	_ =	sdelay $0x1  }
0x33b: {  	[tilespmem:v6+s22+$0x0] =	vst.idx.msk $0xff, v5  }
0x33c: {  	v5 =	vld.idx.msk [tilespmem:v36+s19+$0x0], $0xffff;
	_ =	sdelay $0x1  }
0x33d: {  	v6 =	vld.idx.msk [tilespmem:v37+s19+$0x0], $0xffff;
	_ =	sdelay $0x2  }
0x33e: {  	v5 =	vmul.u32 $0x3, v5;
	_ =	sdelay $0x1  }
0x33f: {  	v5 =	vadd.s32 v6, v5  }
0x340: {  	v5 =	vmul.u32 $0xC60, v5;
	_ =	sdelay $0x1  }
0x341: {  	v5 =	vadd.s32 v4, v5;
	_ =	sdelay $0x4  }
0x342: {  	v5 =	vld.idx.msk [tilespmem:v5+s20+$0x0], $0xffff  }
0x343: {  	v38 =	vadd.s32 $0x3C0, v14;
	_ =	sdelay $0x1  }
0x344: {  	v39 =	vadd.s32 $0x3C0, v15;
	_ =	sdelay $0x1  }
0x345: {  	[tilespmem:v7+s22+$0x0] =	vst.idx.msk $0xff, v5  }
0x346: {  	v5 =	vld.idx.msk [tilespmem:v38+s19+$0x0], $0xffff;
	_ =	sdelay $0x1  }
0x347: {  	v40 =	vld.idx.msk [tilespmem:v39+s19+$0x0], $0xffff;
	_ =	sdelay $0x2  }
0x348: {  	v5 =	vmul.u32 $0x3, v5;
	_ =	sdelay $0x1  }
0x349: {  	v5 =	vadd.s32 v40, v5  }
0x34a: {  	v5 =	vmul.u32 $0xC60, v5;
	_ =	sdelay $0x1  }
0x34b: {  	v5 =	vadd.s32 v4, v5;
	_ =	sdelay $0x4  }
0x34c: {  	v5 =	vld.idx.msk [tilespmem:v5+s20+$0x0], $0xffff  }
0x34d: {  	v41 =	vadd.s32 $0x410, v14;
	_ =	sdelay $0x1  }
0x34e: {  	v42 =	vadd.s32 $0x410, v15;
	_ =	sdelay $0x1  }
0x34f: {  	[tilespmem:v8+s22+$0x0] =	vst.idx.msk $0xff, v5  }
0x350: {  	v5 =	vld.idx.msk [tilespmem:v41+s19+$0x0], $0xffff;
	_ =	sdelay $0x1  }
0x351: {  	v43 =	vld.idx.msk [tilespmem:v42+s19+$0x0], $0xffff;
	_ =	sdelay $0x2  }
0x352: {  	v5 =	vmul.u32 $0x3, v5;
	_ =	sdelay $0x1  }
0x353: {  	v5 =	vadd.s32 v43, v5  }
0x354: {  	v5 =	vmul.u32 $0xC60, v5;
	_ =	sdelay $0x1  }
0x355: {  	v5 =	vadd.s32 v4, v5;
	_ =	sdelay $0x4  }
0x356: {  	v5 =	vld.idx.msk [tilespmem:v5+s20+$0x0], $0xffff  }
0x357: {  	v44 =	vadd.s32 $0x460, v14;
	_ =	sdelay $0x1  }
0x358: {  	v45 =	vadd.s32 $0x460, v15;
	_ =	sdelay $0x1  }
0x359: {  	[tilespmem:v9+s22+$0x0] =	vst.idx.msk $0xff, v5  }
0x35a: {  	v5 =	vld.idx.msk [tilespmem:v44+s19+$0x0], $0xffff;
	_ =	sdelay $0x1  }
0x35b: {  	v46 =	vld.idx.msk [tilespmem:v45+s19+$0x0], $0xffff;
	_ =	sdelay $0x2  }
0x35c: {  	v5 =	vmul.u32 $0x3, v5;
	_ =	sdelay $0x1  }
0x35d: {  	v5 =	vadd.s32 v46, v5  }
0x35e: {  	v5 =	vmul.u32 $0xC60, v5;
	_ =	sdelay $0x1  }
0x35f: {  	v5 =	vadd.s32 v4, v5;
	_ =	sdelay $0x4  }
0x360: {  	v5 =	vld.idx.msk [tilespmem:v5+s20+$0x0], $0xffff  }
0x361: {  	v47 =	vadd.s32 $0x4B0, v14;
	_ =	sdelay $0x1  }
0x362: {  	v48 =	vadd.s32 $0x4B0, v15;
	_ =	sdelay $0x1  }
0x363: {  	[tilespmem:v10+s22+$0x0] =	vst.idx.msk $0xff, v5  }
0x364: {  	v5 =	vld.idx.msk [tilespmem:v47+s19+$0x0], $0xffff;
	_ =	sdelay $0x1  }
0x365: {  	v49 =	vld.idx.msk [tilespmem:v48+s19+$0x0], $0xffff;
	_ =	sdelay $0x2  }
0x366: {  	v5 =	vmul.u32 $0x3, v5;
	_ =	sdelay $0x1  }
0x367: {  	v5 =	vadd.s32 v49, v5  }
0x368: {  	v5 =	vmul.u32 $0xC60, v5;
	_ =	sdelay $0x1  }
0x369: {  	v5 =	vadd.s32 v4, v5;
	_ =	sdelay $0x4  }
0x36a: {  	v5 =	vld.idx.msk [tilespmem:v5+s20+$0x0], $0xffff  }
0x36b: {  	v50 =	vadd.s32 $0x500, v14;
	_ =	sdelay $0x1  }
0x36c: {  	v51 =	vadd.s32 $0x500, v15;
	_ =	sdelay $0x1  }
0x36d: {  	[tilespmem:v11+s22+$0x0] =	vst.idx.msk $0xff, v5  }
0x36e: {  	v5 =	vld.idx.msk [tilespmem:v50+s19+$0x0], $0xffff;
	_ =	sdelay $0x1  }
0x36f: {  	v52 =	vld.idx.msk [tilespmem:v51+s19+$0x0], $0xffff;
	_ =	sdelay $0x2  }
0x370: {  	v5 =	vmul.u32 $0x3, v5;
	_ =	sdelay $0x1  }
0x371: {  	v5 =	vadd.s32 v52, v5  }
0x372: {  	v5 =	vmul.u32 $0xC60, v5;
	_ =	sdelay $0x1  }
0x373: {  	v5 =	vadd.s32 v4, v5;
	_ =	sdelay $0x4  }
0x374: {  	v5 =	vld.idx.msk [tilespmem:v5+s20+$0x0], $0xffff  }
0x375: {  	v53 =	vadd.s32 $0x550, v14;
	_ =	sdelay $0x1  }
0x376: {  	v54 =	vadd.s32 $0x550, v15;
	_ =	sdelay $0x1  }
0x377: {  	[tilespmem:v12+s22+$0x0] =	vst.idx.msk $0xff, v5  }
0x378: {  	v5 =	vld.idx.msk [tilespmem:v53+s19+$0x0], $0xffff;
	_ =	sdelay $0x1  }
0x379: {  	v55 =	vld.idx.msk [tilespmem:v54+s19+$0x0], $0xffff;
	_ =	sdelay $0x2  }
0x37a: {  	v5 =	vmul.u32 $0x3, v5;
	_ =	sdelay $0x1  }
0x37b: {  	v5 =	vadd.s32 v55, v5  }
0x37c: {  	v5 =	vmul.u32 $0xC60, v5;
	_ =	sdelay $0x1  }
0x37d: {  	v4 =	vadd.s32 v4, v5;
	_ =	sdelay $0x4  }
0x37e: {  	v4 =	vld.idx.msk [tilespmem:v4+s20+$0x0], $0xffff;
	_ =	sdelay $0x4  }
0x37f: {  	[tilespmem:v13+s22+$0x0] =	vst.idx.msk $0xff, v4  }
0x380: {  	v4 =	vld [tilespmem:$0x950]  }
0x381: {  	v5 =	vld [tilespmem:$0x1AA80]  }
0x382: {  	v56 =	vld [tilespmem:$0x960]  }
0x383: {  	v57 =	vld [tilespmem:$0x1AA90]  }
0x384: {  	v8 =	vld [tilespmem:$0x970]  }
0x385: {  	v9 =	vld [tilespmem:$0x1AAA0]  }
0x386: {  	v10 =	vld [tilespmem:$0x980]  }
0x387: {  	v11 =	vld [tilespmem:$0x1AAB0]  }
0x388: {  	v12 =	vld [tilespmem:$0x990]  }
0x389: {  	v13 =	vld [tilespmem:$0x1AAC0]  }
0x38a: {  	v58 =	vld [tilespmem:$0x9A0]  }
0x38b: {  	v59 =	vld [tilespmem:$0x1AA80]  }
0x38c: {  	v60 =	vld [tilespmem:$0x9B0]  }
0x38d: {  	v61 =	vld [tilespmem:$0x1AA90]  }
0x38e: {  	v62 =	vld [tilespmem:$0x9C0]  }
0x38f: {  	v19 =	vld [tilespmem:$0x1AAA0]  }
0x390: {  	v20 =	vld [tilespmem:$0x9D0]  }
0x391: {  	v21 =	vld [tilespmem:$0x1AAB0]  }
0x392: {  	v22 =	vld [tilespmem:$0x9E0]  }
0x393: {  	v63 =	vld [tilespmem:$0x1AAC0]  }
0x394: {  	v25 =	vld [tilespmem:$0x1AA80];
	vm0 =	veq.s32 v4, $0x2;
	vm1 =	veq.s32 v4, $0x1  }
0x395: {  	v34 =	vld [tilespmem:$0xA00];
	vm12 =	veq.s32 v56, $0x2;
	vm13 =	veq.s32 v56, $0x1;
	vm14 =	veq.s32 v8, $0x2  }
0x396: {  	v35 =	vld [tilespmem:$0x1AA90];
	vm15 =	veq.s32 v8, $0x1;
	vm4 =	veq.s32 v10, $0x2;
	vm5 =	veq.s32 v10, $0x1  }
0x397: {  	v26 =	vld [tilespmem:$0xA10];
	vm6 =	veq.s32 v12, $0x2;
	vm7 =	veq.s32 v12, $0x1;
	vm8 =	veq.s32 v58, $0x2  }
0x398: {  	v37 =	vld [tilespmem:$0x1AAA0];
	vm9 =	veq.s32 v58, $0x1;
	vm10 =	veq.s32 v60, $0x2;
	vm11 =	veq.s32 v60, $0x1  }
0x399: {  	v27 =	vld [tilespmem:$0xA20];
	v32 =	vsel vm0, $0x3F800000, v0;
	v5 =	vnsel vm1, $0x0, v5;
	v33 =	vsel vm12, $0x3F800000, v0  }
0x39a: {  	v40 =	vld [tilespmem:$0x1AAB0];
	v7 =	vnsel vm13, $0x0, v57;
	v36 =	vsel vm14, $0x3F800000, v0;
	v9 =	vnsel vm15, $0x0, v9  }
0x39b: {  	v41 =	vld [tilespmem:$0xA30];
	v38 =	vsel vm4, $0x3F800000, v0;
	v11 =	vnsel vm5, $0x0, v11;
	v39 =	vsel vm6, $0x3F800000, v0  }
0x39c: {  	v28 =	vld [tilespmem:$0x1AAC0];
	v13 =	vnsel vm7, $0x0, v13;
	v42 =	vsel vm8, $0x3F800000, v0;
	v15 =	vnsel vm9, $0x0, v59  }
0x39d: {  	v43 =	vld [tilespmem:$0xA40];
	v44 =	vsel vm10, $0x3F800000, v0;
	v17 =	vnsel vm11, $0x0, v61;
	vm12 =	veq.s32 v62, $0x2  }
0x39e: {  	v45 =	vld [tilespmem:$0x1AA80];
	vm13 =	veq.s32 v62, $0x1;
	vm14 =	veq.s32 v20, $0x2;
	vm15 =	veq.s32 v20, $0x1  }
0x39f: {  	v47 =	vld [tilespmem:$0xA50];
	vm4 =	veq.s32 v22, $0x2;
	vm5 =	veq.s32 v22, $0x1;
	vm8 =	veq.s32 v34, $0x2  }
0x3a0: {  	v48 =	vld [tilespmem:$0x1AA90];
	vm9 =	veq.s32 v34, $0x1;
	v5 =	vadd.f32 v5, v32;
	v7 =	vadd.f32 v7, v33  }
0x3a1: {  	v50 =	vld [tilespmem:$0xA60];
	vm10 =	veq.s32 v26, $0x2;
	v9 =	vadd.f32 v9, v36;
	v11 =	vadd.f32 v11, v38  }
0x3a2: {  	v51 =	vld [tilespmem:$0x1AAA0];
	vm11 =	veq.s32 v26, $0x1;
	v13 =	vadd.f32 v13, v39;
	v15 =	vadd.f32 v15, v42  }
0x3a3: {  	v53 =	vld [tilespmem:$0xA70];
	v17 =	vadd.f32 v17, v44;
	v46 =	vsel vm12, $0x3F800000, v0;
	v19 =	vnsel vm13, $0x0, v19  }
0x3a4: {  	v55 =	vld [tilespmem:$0xA80];
	v49 =	vsel vm14, $0x3F800000, v0;
	v21 =	vnsel vm15, $0x0, v21;
	v52 =	vsel vm4, $0x3F800000, v0  }
0x3a5: {  	v4 =	vld [tilespmem:$0x9F0];
	v23 =	vnsel vm5, $0x0, v63;
	v56 =	vsel vm8, $0x3F800000, v0;
	v8 =	vnsel vm9, $0x0, v35  }
0x3a6: {  	v58 =	vld [tilespmem:$0xA90];
	v59 =	vsel vm10, $0x3F800000, v0;
	v10 =	vnsel vm11, $0x0, v37;
	vm12 =	veq.s32 v27, $0x2  }
0x3a7: {  	v60 =	vld [tilespmem:$0x1AA80];
	vm13 =	veq.s32 v27, $0x1;
	vm14 =	veq.s32 v41, $0x2;
	vm15 =	veq.s32 v41, $0x1  }
0x3a8: {  	v57 =	vld [tilespmem:$0x1AAC0];
	vm4 =	veq.s32 v43, $0x2;
	vm5 =	veq.s32 v43, $0x1;
	vm8 =	veq.s32 v50, $0x2  }
0x3a9: {  	v62 =	vld [tilespmem:$0xAA0];
	vm9 =	veq.s32 v50, $0x1;
	vm10 =	veq.s32 v53, $0x2;
	v19 =	vadd.f32 v19, v46  }
0x3aa: {  	v34 =	vld [tilespmem:$0x1AAC0];
	vm11 =	veq.s32 v53, $0x1;
	v21 =	vadd.f32 v21, v49;
	v23 =	vadd.f32 v23, v52  }
0x3ab: {  	v63 =	vld [tilespmem:$0x1AA90];
	v8 =	vadd.f32 v8, v56;
	v10 =	vadd.f32 v10, v59;
	v61 =	vsel vm12, $0x3F800000, v0  }
0x3ac: {  	v41 =	vld [tilespmem:$0x1AAA0];
	v12 =	vnsel vm13, $0x0, v40;
	v39 =	vsel vm14, $0x3F800000, v0;
	v28 =	vnsel vm15, $0x0, v28  }
0x3ad: {  	v43 =	vld [tilespmem:$0xAC0];
	v42 =	vsel vm4, $0x3F800000, v0;
	v29 =	vnsel vm5, $0x0, v45;
	v22 =	vnsel vm9, $0x0, v51  }
0x3ae: {  	v37 =	vld [tilespmem:$0x1AA80];
	v50 =	vsel vm10, $0x3F800000, v0;
	vm12 =	veq.s32 v55, $0x2;
	v12 =	vadd.f32 v12, v61  }
0x3af: {  	v53 =	vld [tilespmem:$0x1AA90];
	vm13 =	veq.s32 v55, $0x1;
	v26 =	vadd.f32 v28, v39;
	v28 =	vadd.f32 v29, v42  }
0x3b0: {  	v35 =	vld [tilespmem:$0xB30];
	v51 =	vsel vm12, $0x3F800000, v0;
	vm6 =	veq.s32 v4, $0x2;
	vm7 =	veq.s32 v4, $0x1  }
0x3b1: {  	v27 =	vld [tilespmem:$0xBA0];
	vm14 =	veq.s32 v58, $0x2;
	vm15 =	veq.s32 v58, $0x1;
	v54 =	vsel vm6, $0x3F800000, v0  }
0x3b2: {  	v40 =	vld [tilespmem:$0xAB0];
	v25 =	vnsel vm7, $0x0, v25;
	vm6 =	veq.s32 v47, $0x2;
	vm7 =	veq.s32 v47, $0x1  }
0x3b3: {  	v45 =	vld [tilespmem:$0x1AAB0];
	[tilespmem:$0x7E80] =	vst v5;
	v47 =	vsel vm8, $0x3F800000, v0;
	v5 =	vnsel vm13, $0x0, v57;
	v55 =	vnsel vm15, $0x0, v60  }
0x3b4: {  	v46 =	vld [tilespmem:$0xAD0];
	vm4 =	veq.s32 v62, $0x2;
	vm5 =	veq.s32 v62, $0x1;
	v24 =	vadd.f32 v25, v54  }
0x3b5: {  	v49 =	vld [tilespmem:$0xAE0];
	v44 =	vsel vm6, $0x3F800000, v0;
	v20 =	vnsel vm7, $0x0, v48;
	v22 =	vadd.f32 v22, v47  }
0x3b6: {  	v52 =	vld [tilespmem:$0xAF0];
	[tilespmem:$0x7E90] =	vst v7;
	v5 =	vadd.f32 v5, v51;
	v54 =	vsel vm14, $0x3F800000, v0;
	v58 =	vsel vm4, $0x3F800000, v0  }
0x3b7: {  	v56 =	vld [tilespmem:$0xB00];
	[tilespmem:$0x7EA0] =	vst v9;
	v14 =	vnsel vm5, $0x0, v63;
	vm8 =	veq.s32 v43, $0x2;
	vm9 =	veq.s32 v43, $0x1  }
0x3b8: {  	v59 =	vld [tilespmem:$0xB10];
	[tilespmem:$0x7EB0] =	vst v11;
	v20 =	vadd.f32 v20, v44;
	v7 =	vadd.f32 v55, v54;
	vm6 =	veq.s32 v40, $0x2  }
0x3b9: {  	[tilespmem:$0x7EC0] =	vst v13;
	v61 =	vld [tilespmem:$0x1AAB0];
	v11 =	vadd.f32 v14, v58;
	vm7 =	veq.s32 v40, $0x1;
	v31 =	vsel vm8, $0x3F800000, v0  }
0x3ba: {  	[tilespmem:$0x8B28] =	vst v15;
	v42 =	vld [tilespmem:$0xB40];
	v33 =	vnsel vm9, $0x0, v45;
	vm10 =	veq.s32 v46, $0x2;
	vm12 =	veq.s32 v49, $0x2  }
0x3bb: {  	[tilespmem:$0x8B38] =	vst v17;
	v4 =	vld [tilespmem:$0x1AAB0];
	vm13 =	veq.s32 v49, $0x1;
	vm14 =	veq.s32 v52, $0x2;
	vm15 =	veq.s32 v52, $0x1  }
0x3bc: {  	[tilespmem:$0x8B48] =	vst v19;
	v57 =	vld [tilespmem:$0x1AAA0];
	vm4 =	veq.s32 v56, $0x2;
	vm5 =	veq.s32 v56, $0x1;
	v60 =	vsel vm6, $0x3F800000, v0  }
0x3bd: {  	[tilespmem:$0xA478] =	vst v28;
	v28 =	vld [tilespmem:$0x1AAA0];
	v62 =	vnsel vm7, $0x0, v41;
	v15 =	vadd.f32 v33, v31;
	v38 =	vsel vm10, $0x3F800000, v0  }
0x3be: {  	[tilespmem:$0x8B58] =	vst v21;
	v48 =	vld [tilespmem:$0x1AAC0];
	v41 =	vsel vm12, $0x3F800000, v0;
	v43 =	vnsel vm13, $0x0, v37;
	v47 =	vnsel vm15, $0x0, v53  }
0x3bf: {  	[tilespmem:$0x8B68] =	vst v23;
	v63 =	vld [tilespmem:$0xB20];
	v51 =	vsel vm4, $0x3F800000, v0;
	vm6 =	veq.s32 v59, $0x2;
	vm7 =	veq.s32 v59, $0x1  }
0x3c0: {  	[tilespmem:$0x97E0] =	vst v8;
	v40 =	vld [tilespmem:$0x1AA80];
	vm10 =	veq.s32 v35, $0x2;
	vm12 =	veq.s32 v42, $0x2;
	vm13 =	veq.s32 v42, $0x1  }
0x3c1: {  	[tilespmem:$0x97F0] =	vst v10;
	v44 =	vld [tilespmem:$0x1AA90];
	v4 =	vnsel vm11, $0x0, v4;
	v13 =	vadd.f32 v62, v60;
	vm11 =	veq.s32 v46, $0x1  }
0x3c2: {  	[tilespmem:$0x9800] =	vst v12;
	v52 =	vld [tilespmem:$0xB60];
	v45 =	vadd.f32 v43, v41;
	v46 =	vsel vm14, $0x3F800000, v0;
	v53 =	vsel vm6, $0x3F800000, v0  }
0x3c3: {  	v54 =	vld [tilespmem:$0x1AAB0];
	[tilespmem:$0xA4B8] =	vst v5;
	v14 =	vnsel vm7, $0x0, v61;
	v5 =	vsel vm12, $0x3F800000, v0;
	vm12 =	veq.s32 v27, $0x2  }
0x3c4: {  	[tilespmem:$0x9810] =	vst v26;
	v55 =	vld [tilespmem:$0xB70];
	v4 =	vadd.f32 v4, v50;
	v49 =	vadd.f32 v47, v46;
	v9 =	vnsel vm5, $0x0, v57  }
0x3c5: {  	v58 =	vld [tilespmem:$0xB80];
	[tilespmem:$0x97D0] =	vst v24;
	v12 =	vadd.f32 v14, v53;
	v43 =	vsel vm12, $0x3F800000, v0;
	v39 =	vnsel vm11, $0x0, v48  }
0x3c6: {  	[tilespmem:$0xA498] =	vst v22;
	v31 =	vld [tilespmem:$0xBB0];
	v9 =	vadd.f32 v9, v51;
	vm8 =	veq.s32 v63, $0x2;
	vm9 =	veq.s32 v63, $0x1  }
0x3c7: {  	[tilespmem:$0xA488] =	vst v20;
	v60 =	vld [tilespmem:$0x1AA80];
	vm11 =	veq.s32 v35, $0x1;
	v19 =	vadd.f32 v39, v38;
	v56 =	vsel vm8, $0x3F800000, v0  }
0x3c8: {  	v61 =	vld [tilespmem:$0xB90];
	v18 =	vnsel vm9, $0x0, v34;
	[tilespmem:$0xA4A8] =	vst v4;
	v4 =	vsel vm10, $0x3F800000, v0;
	v59 =	vnsel vm11, $0x0, v40  }
0x3c9: {  	[tilespmem:$0xB120] =	vst v7;
	v62 =	vld [tilespmem:$0x1AA90];
	v6 =	vnsel vm13, $0x0, v44;
	vm4 =	veq.s32 v52, $0x2;
	vm5 =	veq.s32 v52, $0x1  }
0x3ca: {  	[tilespmem:$0xB130] =	vst v11;
	v57 =	vld [tilespmem:$0x1AAC0];
	vm6 =	veq.s32 v55, $0x2;
	vm7 =	veq.s32 v55, $0x1;
	vm8 =	veq.s32 v58, $0x2  }
0x3cb: {  	[tilespmem:$0xB150] =	vst v15;
	v47 =	vld [tilespmem:$0xBF0];
	vm9 =	veq.s32 v58, $0x1;
	vm13 =	veq.s32 v27, $0x1;
	v14 =	vadd.f32 v18, v56  }
0x3cc: {  	v48 =	vld [tilespmem:$0xB50];
	[tilespmem:$0xB140] =	vst v13;
	v4 =	vadd.f32 v59, v4;
	v5 =	vadd.f32 v6, v5;
	v29 =	vsel vm4, $0x3F800000, v0  }
0x3cd: {  	v50 =	vld [tilespmem:$0x1AAA0];
	[tilespmem:$0xBDC8] =	vst v45;
	v30 =	vnsel vm5, $0x0, v54;
	v32 =	vsel vm6, $0x3F800000, v0;
	v36 =	vsel vm8, $0x3F800000, v0  }
0x3ce: {  	v35 =	vld [tilespmem:$0xBC0];
	[tilespmem:$0xBDD8] =	vst v49;
	v13 =	vadd.f32 v30, v29;
	v37 =	vnsel vm9, $0x0, v60;
	vm10 =	veq.s32 v61, $0x2  }
0x3cf: {  	v51 =	vld [tilespmem:$0xC00];
	[tilespmem:$0xBDF8] =	vst v12;
	vm11 =	veq.s32 v61, $0x1;
	v34 =	vnsel vm7, $0x0, v57;
	v39 =	vadd.f32 v37, v36  }
0x3d0: {  	v38 =	vld [tilespmem:$0x1AAC0];
	v41 =	vsel vm10, $0x3F800000, v0;
	v7 =	vnsel vm11, $0x0, v62;
	[tilespmem:$0xCA70] =	vst v4;
	v4 =	vnsel vm13, $0x0, v28  }
0x3d1: {  	v40 =	vld [tilespmem:$0xBD0];
	[tilespmem:$0xBDE8] =	vst v9;
	vm10 =	veq.s32 v47, $0x2;
	vm11 =	veq.s32 v47, $0x1;
	vm14 =	veq.s32 v48, $0x2  }
0x3d2: {  	v44 =	vld [tilespmem:$0xBE0];
	[tilespmem:$0xB160] =	vst v19;
	vm15 =	veq.s32 v48, $0x1;
	v8 =	vadd.f32 v34, v32;
	v7 =	vadd.f32 v7, v41  }
0x3d3: {  	v33 =	vld [tilespmem:$0x1AAB0];
	[tilespmem:$0xBE08] =	vst v14;
	v4 =	vadd.f32 v4, v43;
	vm4 =	veq.s32 v35, $0x2;
	vm5 =	veq.s32 v35, $0x1  }
0x3d4: {  	v42 =	vld [tilespmem:$0x1AA80];
	[tilespmem:$0xCA80] =	vst v5;
	vm12 =	veq.s32 v51, $0x2;
	vm13 =	veq.s32 v51, $0x1;
	v63 =	vsel vm14, $0x3F800000, v0  }
0x3d5: {  	v45 =	vld [tilespmem:$0x1AA90];
	[tilespmem:$0xCAA0] =	vst v13;
	v25 =	vnsel vm15, $0x0, v50;
	vm14 =	veq.s32 v31, $0x2;
	vm15 =	veq.s32 v31, $0x1  }
0x3d6: {  	v54 =	vld [tilespmem:$0x1AAB0];
	v49 =	vsel vm4, $0x3F800000, v0;
	v50 =	vnsel vm5, $0x0, v38;
	vm6 =	veq.s32 v40, $0x2;
	[tilespmem:$0xD718] =	vst v39  }
0x3d7: {  	v48 =	vld [tilespmem:$0x1AAA0];
	vm7 =	veq.s32 v40, $0x1;
	vm8 =	veq.s32 v44, $0x2;
	vm9 =	veq.s32 v44, $0x1;
	[tilespmem:$0xCAB0] =	vst v8  }
0x3d8: {  	v56 =	vld [tilespmem:$0xC10];
	v60 =	vsel vm12, $0x3F800000, v0;
	v6 =	vadd.f32 v25, v63;
	v5 =	vsel vm14, $0x3F800000, v0;
	[tilespmem:$0xD728] =	vst v7  }
0x3d9: {  	v59 =	vld [tilespmem:$0x1AAC0];
	v46 =	vnsel vm15, $0x0, v33;
	v52 =	vadd.f32 v50, v49;
	v53 =	vsel vm6, $0x3F800000, v0;
	[tilespmem:$0xD738] =	vst v4  }
0x3da: {  	v55 =	vnsel vm7, $0x0, v42;
	v58 =	vsel vm8, $0x3F800000, v0;
	v5 =	vadd.f32 v46, v5;
	[tilespmem:$0xCA90] =	vst v6  }
0x3db: {  	v11 =	vnsel vm9, $0x0, v45;
	v61 =	vnsel vm13, $0x0, v54;
	v57 =	vadd.f32 v55, v53;
	[tilespmem:$0xD758] =	vst v52  }
0x3dc: {  	v4 =	vadd.f32 v11, v58;
	[tilespmem:$0xD748] =	vst v5;
	v5 =	vsel vm10, $0x3F800000, v0;
	v6 =	vnsel vm11, $0x0, v48  }
0x3dd: {  	vm14 =	veq.s32 v56, $0x2;
	vm15 =	veq.s32 v56, $0x1;
	[tilespmem:$0xE3C0] =	vst v57;
	v5 =	vadd.f32 v6, v5  }
0x3de: {  	v62 =	vsel vm14, $0x3F800000, v0;
	v63 =	vnsel vm15, $0x0, v59;
	[tilespmem:$0xE3D0] =	vst v4;
	v4 =	vadd.f32 v61, v60  }
0x3df: {  	s25 =	sadd.s32 $0x1, s25;
	[tilespmem:$0xE3E0] =	vst v5;
	v5 =	vadd.f32 v63, v62  }
0x3e0: {  	s0 =	sadd.s32 s26, s9;
	p0 =	sne.s32 s25, $0x8;
	[tilespmem:$0xE3F0] =	vst v4  }
.Ltmp8:
0x3e1: {  	s0 =	sadd.s32 $0x10, s0;
	[tilespmem:$0xE400] =	vst v5;
	(pc) =	sbr.rel @p0 .LBB2_4-.Ltmp8, $4  }
0x3e2: {  	[hbm4b:s0+s17] =	stream.strided.scatter [tilespmem:s22], [sflag:$0x1], $0x7200, s18, s17, $0x38;
	[tilespmem:$0x1AB00] =	vst v63  }
0x3e3: {  	_ =	swait.ge [sflag:s13], $0x7200  }
0x3e4: {  	[sflag:s13] =	ssyncset.done $0x0  }
0x3e5: {  	[sflag:s13] =	ssyncadd.s32 $0xFFFF8E00  }
0x3e6: {  	s23 =	sadd.s32 $0x1, s23  }
0x3e7: {  	p0 =	sne.s32 s23, s11  }
.Ltmp9:
0x3e8: {  	_ = 	snop;
	(pc) =	sbr.rel @p0 .LBB2_1-.Ltmp9, $1  }
0x3e9: {  	_ =	sdelay $0x3  }
0x3ea: {  	_ =	sfence.sel $0x180000  }
0x3eb: {  	[bflag:$0x0] =	sbarrier.arrive $0xFFFF  }
0x3ec: {  	_ =	strace $0x90000047  }
0x3ed: {  	[bflag:$0x2] =	sbarrier.arrive $0xFFFF  }
0x3ee: {  	p0 =	sne.s32 s4, $0x0;
	s0 =	rddreg [dreg:$0x3]  }
0x3ef: {  	s0 =	sadd.s32 @!p0 $0x100000, s0  }
0x3f0: {  	[sflag:s0] =	ssyncadd.tile.s32 @!p0 $0x1;
	_ =	shalt  }
.Lfunc_end2:
_tile_overlayer_lowered:
.L_overlay_start_2:
0x3f1: {  	(tag) =	ssettag $0x2  }
0x3f2: {  	s0 =	rddreg [dreg:$0x0];
	s2 =	stileid.u32  }
0x3f3: {  	s1 =	rddreg [dreg:$0x1];
	p0 =	sne.s32 s2, $0x0  }
0x3f4: {  	s3 =	rddreg [dreg:$0x2];
	[bflag:$0x3] =	sbarrier.arrive $0xFFFF;
	s2 =	simm.s32 @!p0 $0x1C01  }
0x3f5: {  	[timem:s3], [sflag:s2] =	dma.local @!p0 [hbm:s0], s1  }
0x3f6: {  	s0 =	simm.s32 @!p0 $0x1  }
0x3f7: {  	_ =	swait.ge @!p0 [sflag:s0], s1  }
0x3f8: {  	s1 =	ssub.s32 @!p0 $0x0, s1;
	[sflag:s0] =	ssyncset.done @!p0 $0x0  }
0x3f9: {  	[sflag:s0] =	ssyncadd.s32 @!p0 s1  }
0x3fa: {  	[bflag:$0x3] =	sbarrier.arrive $0xFFFF  }
0x3fb: {  	_ =	shalt  }

// kernel: sparse-core-data-format-call.cloned.1.call-start
scs
called_computation_lowered:
.L_overlay_start_0:
0x0: {  	s2 =	sld [smem:$0x3FD9]  }
0x1: {  	s3 =	sld [smem:$0x3FFE];
	_ =	sdelay $0x1  }
0x2: {  	s1 =	srdreg.scid  }
0x3: {  	s0 =	sand.u32 $0x1, s1  }
0x4: {  	s18 =	sshll.u32 s0, $0xA;
	s2 =	sadd.s32 s3, s2  }
0x5: {  	s2 =	sadd.s32 s2, s18  }
0x6: {  	[smem:$0x3FC5] =	sst s2  }
0x7: {  	_ = 	snop  }
0x8: {  	s2 =	sld [smem:$0x3FD0];
	(tm) =	ssettm $0x1  }
0x9: {  	s19 =	sld [smem:$0x3FFB];
	_ =	sdelay $0x3  }
0xa: {  	_ =	strace s19  }
0xb: {  	s3 =	sld [smem:$0x3FFC];
	_ =	sdelay $0x3  }
0xc: {  	_ =	strace s3  }
0xd: {  	s3 =	sld [smem:$0x3FFD];
	_ =	sdelay $0x3  }
0xe: {  	_ =	strace s3  }
0xf: {  	_ =	strace $0x8FFFFFFF  }
0x10: {  	s20 =	sld [smem:$0x3FDB];
	_ =	sdelay $0x1  }
0x11: {  	s4 =	simm.s32 $_scs_section_size  }
0x12: {  	s5 =	simm.s32 $_size__tile_overlayer_lowered;
	s6 =	simm.s32 $_tile_overlayer_lowered  }
0x13: {  	s23 =	simm.s32 $0x1BFF;
	s22 =	sshll.u32 s6, $0x1;
	s3 =	sadd.s32 s4, s20  }
0x14: {  	s7 =	simm.s32 $0x0;
	s21 =	sshll.u32 s5, $0x1;
	s5 =	sadd.s32 s22, s3  }
0x15: {  	[timem:s7], [sflag:s23] =	dma.local [hbm:s5], s21  }
0x16: {  	_ =	swait.ge [sflag:s23], s21  }
0x17: {  	s4 =	ssub.s32 $0x0, s21;
	[sflag:s23] =	ssyncset.done $0x0  }
0x18: {  	[sflag:s23] =	ssyncadd.s32 s4;
	_ =	sdelay $0x1  }
0x19: {  	s24 =	simm.s32 $0x1B8B  }
0x1a: {  	_ =	swait.ge [sflag:s24], $0x1  }
0x1b: {  	[sflag:s24] =	ssyncset.done $0x0  }
0x1c: {  	s26 =	simm.s32 $0x1B8E;
	s25 =	sld [smem:$0x3FFE];
	[sflag:s24] =	ssyncadd.s32 $0xFFFFFFFF  }
0x1d: {  	s27 =	simm.s32 $execute0_lowered;
	[smem:$0x3FD2] =	sst s26  }
0x1e: {  	s5 =	sshll.u32 s27, $0x1;
	_ =	strace $0x80000049;
	[dreg:$0x1] =	wrdreg $0xFFFFFFFF  }
0x1f: {  	s28 =	simm.s32 $_size_execute0_lowered;
	s3 =	sadd.s32 s3, s5;
	[dreg:$0x0] =	wrdreg $0x0  }
0x20: {  	s5 =	sshll.u32 s28, $0x1;
	[dreg:$0x2] =	wrdreg s3  }
0x21: {  	[dreg:$0x3] =	wrdreg s5  }
0x22: {  	[dreg:$0x4] =	wrdreg $0xC0  }
0x23: {  	_ =	task [dreg:s7], $0x5FFFF  }
0x24: {  	[dreg:$0x1] =	wrdreg $0xFFFFFFFF  }
0x25: {  	[dreg:$0x0] =	wrdreg $0x60  }
0x26: {  	[dreg:$0x2] =	wrdreg s25  }
0x27: {  	[dreg:$0x3] =	wrdreg s2  }
0x28: {  	[dreg:$0x4] =	wrdreg $0x9  }
0x29: {  	_ =	task.clear_ibuf [dreg:s7], $0x5FFFF;
	_ =	strace $0x90000049  }
0x2a: {  	s29 =	simm.s32 $0x9;
	_ =	strace $0x8000004B  }
0x2b: {  	_ =	swait.ge [sflag:s29], $0x1  }
0x2c: {  	[sflag:s29] =	ssyncadd.s32 $0xFFFFFFFF  }
0x2d: {  	_ =	strace $0x9000004B  }
0x2e: {  	_ =	sfence  }
0x2f: {  	s30 =	sld [smem:$0x0];
	_ =	sdelay $0x2  }
0x30: {  	s31 =	sshll.u32 s1, $0xD;
	s1 =	sshrl.u32 s1, $0x2  }
0x31: {  	s3 =	sand.u32 $0x4000, s31;
	s1 =	sadd.s32 s1, s30  }
0x32: {  	s0 =	sor.u32 s3, s0;
	s1 =	sshll.u32 s1, $0x11  }
0x33: {  	s0 =	sor.u32 s1, s0  }
0x34: {  	s0 =	sadd.s32 $0x8F2B, s0  }
0x35: {  	[sflag:s0] =	ssyncadd.remote.s32 $0x1  }
0x36: {  	_ =	sfence.sel $0xFFFF  }
0x37: {  	[dreg:$0x0] =	wrdreg $0xFFFFFFFF;
	(pc) =	sbr.abs _section_cstart, $3  }
0x38: {  	[dreg:$0x1] =	wrdreg $0xFFFFFFFF  }
0x39: {  	_ =	task.clear_ibuf [dreg:s7], $0x2FFFF;
	_ =	strace $0x9FFFFFFF  }
0x3a: {  	(tm) =	ssettm $0x7FFFFFFF  }
0x3b: {  	_ =	shalt  }
tec
execute0_lowered:
.L_overlay_start_1:
0x0: {  	(tag) =	ssettag $0x1  }
0x1: {  	s0 =	stileid.u32;
	s1 =	srdreg.scid  }
0x2: {  	s7 =	rddreg [dreg:$0x0];
	s8 =	simm.s32 $0x2;
	s17 =	simm.s32 $0x0  }
0x3: {  	s2 =	sshll.u32 s0, $0x7;
	s3 =	sshll.u32 s0, $0x6;
	s4 =	sshll.u32 s1, $0xA  }
0x4: {  	p0 =	por $0x0, $0x0;
	s1 =	sand.u32 $0x80, s2;
	s29 =	sor.u32 s3, s4  }
0x5: {  	s9 =	simm.s32 $0x800;
	s2 =	sand.u32 $0x780, s29;
	s30 =	ssub.s32 $0x100, s1  }
0x6: {  	s19 =	simm.s32 $0x0;
	s31 =	sshrl.u32 s30, $0x7;
	s5 =	ssub.s32 $0xC80, s2  }
0x7: {  	s3 =	sshrl.u32 s30, $0x8;
	s4 =	sand.u32 $0x1, s31;
	s5 =	sshrl.u32 s5, $0xB  }
0x8: {  	s18 =	simm.s32 $0x0;
	s3 =	sadd.s32 s3, s4;
	s5 =	sadd.s32 $0x1, s5  }
0x9: {  	s10 =	simm.s32 $0x0;
	s11 =	simm.s32 $0x0;
	s6 =	smul.u32 s5, s3  }
.Ltmp0:
0xa: {  	s12 =	simm.s32 $0x0;
	s4 =	rddreg [dreg:$0x1];
	(pc) =	sbr.rel .LBB1_1-.Ltmp0, $4  }
0xb: {  	s14 =	simm.s32 $0x0;
	s16 =	simm.s32 $0x0;
	s3 =	rddreg [dreg:$0x2]  }
0xc: {  	_ =	strace $0x8000004A;
	s5 =	simm.s32 $0x1;
	s6 =	smul.u32 $0x12, s6  }
0xd: {  	s7 =	sadd.s32 $0x1C9400, s7;
	s15 =	smov.u32 s1;
	[sflag:s5] =	ssyncpa.u1 $0x0  }
0xe: {  	s13 =	smov.u32 s2;
	[sflag:s8] =	ssyncpa.u1 $0x0;
	s8 =	sor.u32 $0x1, s6  }
.LBB1_4:
0xf: {  	s25 =	sshll.u32 s10, $0x8;
	s26 =	sshll.u32 s12, $0x3;
	s27 =	sshll.u32 s10, $0x7  }
0x10: {  	p1 =	sgt.s32 s11, $0x11;
	s28 =	smov.u32 s11;
	s24 =	sshra.s32 s24, $0x2  }
0x11: {  	p2 =	sgt.s32 s12, $0x80;
	s25 =	sand.u32 $0xFFFFF800, s25;
	s26 =	sand.u32 $0xFFFFFC00, s26  }
0x12: {  	s29 =	sand.u32 $0x300, s27;
	s28 =	simm.s32 @!p1 $0x11;
	s25 =	sadd.s32 s26, s25  }
0x13: {  	s23 =	sadd.s32 s24, s23;
	s25 =	sor.u32 s29, s25;
	s29 =	sshra.s32 s11, $0x1F  }
0x14: {  	s27 =	sand.u32 $0x80, s27;
	s25 =	sshrl.u32 s25, $0x8;
	s29 =	sand.u32 s29, s11  }
0x15: {  	s30 =	smulhi.u32 $0x50E89D, s25;
	s26 =	ssub.s32 s28, s29;
	s29 =	smov.u32 s12  }
0x16: {  	s28 =	sadd.s32 $0xFFFFFFEF, s26;
	s29 =	simm.s32 @!p2 $0x80;
	p2 =	sgt.s32 s10, $0xC28  }
0x17: {  	v5 =	vld [tilespmem:s21+$0xFFFFFFD0];
	[tilespmem:s22+$0x2040 ss:$0x81] =	vst.msk $0xffff, v4;
	s26 =	ssub.s32 $0x12, s26;
	s24 =	sshrl.u32 s30, $0x2;
	s30 =	sshra.s32 s12, $0x1F  }
0x18: {  	v58 =	vld [tilespmem:s21+$0xFFFFFFE0];
	[tilespmem:s22+$0x2850 ss:$0x81] =	vst.msk $0xffff, v3;
	p1 =	sgt.s32 s28, $0x0;
	s31 =	sand.u32 s30, s12;
	s30 =	smov.u32 s10  }
0x19: {  	v59 =	vld [tilespmem:s21+$0xFFFFFFF0];
	[tilespmem:s22+$0x3060 ss:$0x81] =	vst.msk $0xffff, v2;
	s24 =	smul.u32 $0xCA8, s24;
	s28 =	ssub.s32 s29, s31;
	s31 =	sshra.s32 s10, $0x1F  }
0x1a: {  	[tilespmem:s22+$0x0 ss:$0x81] =	vst.msk $0xffff, v1;
	v60 =	vld [tilespmem:s21+$0x0];
	s26 =	simm.s32 @p1 $0x0;
	s30 =	simm.s32 @!p2 $0xC28;
	s29 =	sand.u32 s31, s10  }
0x1b: {  	v61 =	vld [tilespmem:s21+$0x10];
	[tilespmem:s23+$0x3870 ss:$0x81] =	vst.msk $0xffff, v0;
	s24 =	ssub.s32 s25, s24;
	s22 =	ssub.s32 s30, s29;
	s30 =	sadd.s32 $0xFFFFFF80, s28  }
0x1c: {  	v62 =	vld [tilespmem:s21+$0x20];
	[tilespmem:s23+$0x810 ss:$0x81] =	vst.msk $0xffff, v5;
	s28 =	ssub.s32 $0x100, s28;
	p1 =	sgt.s32 s30, $0x7F;
	s31 =	sadd.s32 $0xFFFFF3D8, s22  }
0x1d: {  	v63 =	vld [tilespmem:s21+$0xFFFFFFC0];
	[tilespmem:s23+$0x1020 ss:$0x81] =	vst.msk $0xffff, v58;
	p2 =	sgt.s32 s31, $0x7F;
	s28 =	simm.s32 @p1 $0x0;
	s31 =	smul.u32 $0x19500, s11  }
0x1e: {  	[tilespmem:s23+$0x1830 ss:$0x81] =	vst.msk $0xffff, v59;
	s30 =	sand.u32 $0x78, s12;
	s22 =	ssub.s32 $0xCA8, s22;
	s26 =	smul.u32 s28, s26  }
0x1f: {  	[tilespmem:s23+$0x2040 ss:$0x81] =	vst.msk $0xffff, v60;
	s29 =	sand.u32 $0x7, s12;
	s21 =	sor.u32 s30, s27;
	s22 =	simm.s32 @p2 $0x0  }
0x20: {  	[tilespmem:s23+$0x2850 ss:$0x81] =	vst.msk $0xffff, v61;
	s21 =	sshrl.u32 s21, $0x3;
	s28 =	sadd.s32 s4, s31;
	s22 =	smul.u32 s22, s26  }
0x21: {  	[tilespmem:s23+$0x3060 ss:$0x81] =	vst.msk $0xffff, v62;
	s24 =	sshll.u32 s24, $0x5;
	s30 =	sshll.u32 s29, $0x12;
	s21 =	sadd.s32 s21, s28  }
0x22: {  	[tilespmem:s23+$0x0 ss:$0x81] =	vst.msk $0xffff, v63;
	s31 =	sor.u32 $0x400, s30;
	s21 =	sadd.s32 s24, s21;
	s22 =	sand.u32 $0x3FFFFFFF, s22  }
0x23: {  	[hbm4b:s21+s31] =	stream.strided.scatter [tilespmem:s20], [sflag:$0x2], s22, s9, s31, $0x20;
	[tilespmem:$0x10100] =	vst v63  }
.LBB1_5:
0x24: {  	p1 =	slt.u32 s16, $0x2  }
0x25: {  	p2 =	sgt.s32 @!p1 s19, $0x11  }
0x26: {  	s20 =	smov.u32 s19;
	s21 =	sshra.s32 @!p1 s19, $0x1F;
	p2 =	por !p2, p1  }
0x27: {  	s19 =	sand.u32 @!p1 s21, s19;
	s20 =	simm.s32 @p2 $0x11  }
0x28: {  	p3 =	sgt.s32 @!p1 s17, $0xC28;
	s19 =	ssub.s32 @!p1 s20, s19  }
0x29: {  	p4 =	sgt.s32 @!p1 s18, $0x80;
	s22 =	sshra.s32 @!p1 s18, $0x1F;
	s20 =	sadd.s32 @!p1 $0xFFFFFFEF, s19  }
0x2a: {  	s21 =	smov.u32 s17;
	p2 =	sgt.s32 @!p1 s20, $0x0;
	s20 =	sshra.s32 @!p1 s17, $0x1F  }
0x2b: {  	p4 =	por !p4, p1;
	s17 =	sand.u32 @!p1 s20, s17;
	s20 =	smov.u32 s18  }
0x2c: {  	p3 =	por !p3, p1;
	s18 =	sand.u32 @!p1 s22, s18;
	s20 =	simm.s32 @p4 $0x80  }
0x2d: {  	s21 =	simm.s32 @p3 $0xC28;
	s19 =	ssub.s32 @!p1 $0x12, s19;
	s18 =	ssub.s32 @!p1 s20, s18  }
0x2e: {  	p2 =	por !p2, p1;
	s17 =	ssub.s32 @!p1 s21, s17;
	s21 =	sadd.s32 @!p1 $0xFFFFFF80, s18  }
0x2f: {  	s19 =	simm.s32 @!p2 $0x0;
	p3 =	sgt.s32 @!p1 s21, $0x7F  }
0x30: {  	s20 =	sadd.s32 @!p1 $0xFFFFF3D8, s17;
	s18 =	ssub.s32 @!p1 $0x100, s18;
	p3 =	por !p3, p1  }
0x31: {  	p2 =	sgt.s32 @!p1 s20, $0x7F;
	s20 =	sadd.s32 $0x800, s13;
	s18 =	simm.s32 @!p3 $0x0  }
0x32: {  	p3 =	sgt.s32 s20, $0xCA7;
	s18 =	smul.u32 @!p1 s18, s19;
	s19 =	simm.s32 $0x1  }
0x33: {  	s17 =	ssub.s32 @!p1 $0xCA8, s17;
	p2 =	por !p2, p1;
	s19 =	simm.s32 @!p3 $0x0  }
0x34: {  	s22 =	smov.u32 s15;
	s17 =	simm.s32 @!p2 $0x0;
	s21 =	sadd.s32 s19, s14  }
0x35: {  	s17 =	smul.u32 @!p1 s17, s18;
	s18 =	sadd.s32 $0x100, s15;
	p2 =	sgt.s32 s21, $0x11  }
0x36: {  	p0 =	por !p0, !p0;
	s23 =	simm.s32 @!p1 $0x2;
	s22 =	smov.u32 @p2 s18  }
0x37: {  	s20 =	smov.u32 @p3 s2;
	s21 =	simm.s32 @p2 $0x0;
	p2 =	sgt.s32 s22, $0xFF  }
0x38: {  	s19 =	smov.u32 s11;
	s22 =	smov.u32 @p2 s1;
	p2 =	sne.s32 s16, s8  }
.Ltmp1:
0x39: {  	s11 =	smov.u32 s14;
	s17 =	sand.u32 @!p1 $0x3FFFFFFF, s17;
	(pc) =	sbr.rel @!p2 .LBB1_6-.Ltmp1, $4  }
0x3a: {  	s18 =	smov.u32 s12;
	s12 =	smov.u32 s15;
	_ =	swait.ge @!p1 [sflag:s23], s17  }
0x3b: {  	s24 =	ssub.s32 @!p1 $0x0, s17;
	s17 =	smov.u32 s10;
	s10 =	smov.u32 s13  }
0x3c: {  	s13 =	smov.u32 s20;
	s14 =	smov.u32 s21;
	[sflag:s23] =	ssyncset.done @!p1 $0x0  }
0x3d: {  	s16 =	sadd.s32 $0x1, s16;
	[sflag:s23] =	ssyncadd.s32 @!p1 s24;
	s15 =	smov.u32 s22  }
.LBB1_1:
0x3e: {  	p1 =	sge.u32 s16, s6  }
0x3f: {  	s20 =	sshrl.u32 @!p1 s14, $0x3  }
0x40: {  	s21 =	sshll.u32 @!p1 s13, $0x3;
	s20 =	smul.u32 @!p1 $0x6800, s20  }
0x41: {  	s22 =	sshll.u32 @!p1 s14, $0x7;
	s21 =	sand.u32 @!p1 $0xFFFFFC00, s21  }
0x42: {  	s20 =	sadd.s32 @!p1 s20, s21;
	s21 =	sand.u32 @!p1 $0x380, s22  }
0x43: {  	s20 =	sor.u32 @!p1 s21, s20  }
0x44: {  	s21 =	sand.u32 @!p1 $0x7F, s13;
	s22 =	smulhi.u32 @!p1 $0x4EC4EC4F, s20  }
0x45: {  	s20 =	sor.u32 @!p1 s21, s20  }
0x46: {  	s21 =	smulhi.u32 @!p1 $0x4EC4EC4F, s20;
	s22 =	sshrl.u32 @!p1 s22, $0xA  }
0x47: {  	s23 =	smulhi.u32 @!p1 $0xAAAAAAB, s22;
	_ =	sdelay $0x1  }
0x48: {  	s21 =	sshrl.u32 @!p1 s21, $0xA;
	s23 =	smul.u32 @!p1 $0x18, s23  }
0x49: {  	s31 =	sadd.s32 $0xFFFFFFFF, s16;
	s21 =	smul.u32 @!p1 $0xD00, s21  }
0x4a: {  	s24 =	sxor.u32 @!p1 $0xFFFFFFFF, s16;
	s22 =	ssub.s32 @!p1 s22, s23;
	s23 =	smul.u32 @!p1 $0x2700, s15  }
0x4b: {  	s24 =	sshll.u32 @!p1 s24, $0xE;
	s20 =	ssub.s32 @!p1 s20, s21;
	s21 =	smul.u32 @!p1 $0x1A0, s22  }
0x4c: {  	s22 =	sand.u32 @!p1 $0x4000, s24;
	s24 =	sand.u32 @!p1 $0x7, s20;
	s23 =	sadd.s32 @!p1 s7, s23  }
0x4d: {  	s20 =	sshrl.u32 @!p1 s20, $0x3;
	s21 =	sadd.s32 @!p1 s21, s23;
	s23 =	sshll.u32 @!p1 s24, $0x12  }
0x4e: {  	s20 =	sadd.s32 @!p1 s20, s21;
	s21 =	sor.u32 @!p1 $0x80, s23;
	s23 =	simm.s32 @!p1 $0x13800  }
0x4f: {  	[tilespmem:s22], [sflag:$0x1] =	stream.strided.gather @!p1 [hbm4b:s20+s21], $0x4000, s23, s21, $0x38;
	[tilespmem:$0x10100] =	vst v63  }
0x50: {  	p1 =	sge.u32 s31, s6  }
.Ltmp2:
0x51: {  	_ = 	snop;
	(pc) =	sbr.rel @p1 .LBB1_5-.Ltmp2, $1  }
0x52: {  	_ =	sdelay $0x3  }
0x53: {  	s20 =	simm.s32 $0x1  }
0x54: {  	_ =	swait.ge [sflag:s5], $0x4000;
	s20 =	simm.s32 @!p0 $0x0  }
0x55: {  	[sflag:s5] =	ssyncset.done $0x0;
	s21 =	sshll.u32 s20, $0xE  }
0x56: {  	[sflag:s5] =	ssyncadd.s32 $0xFFFFC000;
	s21 =	sor.u32 $0x40, s21  }
0x57: {  	s20 =	smul.u32 $0x10200, s20;
	v0 =	vld [tilespmem:s21+$0x30]  }
0x58: {  	v1 =	vld [tilespmem:s21+$0xFFFFFFD0]  }
0x59: {  	s20 =	sshrl.u32 s20, $0x2;
	v5 =	vld [tilespmem:s21+$0xFFFFFFE0]  }
0x5a: {  	v6 =	vld [tilespmem:s21+$0xFFFFFFF0];
	s23 =	sor.u32 $0x8000, s20  }
0x5b: {  	s31 =	sand.u32 $0x1, s16;
	v4 =	vld [tilespmem:s21+$0x0];
	s22 =	sadd.s32 $0x0, s23  }
0x5c: {  	v3 =	vld [tilespmem:s21+$0x10];
	s20 =	smul.u32 $0x10200, s31;
	[tilespmem:s22+$0x3870 ss:$0x81] =	vst.msk $0xffff, v0  }
0x5d: {  	v2 =	vld [tilespmem:s21+$0x20];
	[tilespmem:s22+$0x810 ss:$0x81] =	vst.msk $0xffff, v1  }
0x5e: {  	s20 =	sshrl.u32 s20, $0x2;
	v1 =	vld [tilespmem:s21+$0xFFFFFFC0];
	[tilespmem:s22+$0x1020 ss:$0x81] =	vst.msk $0xffff, v5;
	s21 =	sadd.s32 $0x80, s21  }
0x5f: {  	s24 =	simm.s32 $0x4;
	s25 =	simm.s32 $0x8;
	s20 =	sor.u32 $0x8000, s20;
	[tilespmem:s22+$0x1830 ss:$0x81] =	vst.msk $0xffff, v6;
	v0 =	vld [tilespmem:s21+$0x30]  }
.LBB1_3:
0x60: {  	p1 =	sne.s32 s25, $0x1FC;
	v5 =	vld [tilespmem:s21+$0xFFFFFFD0];
	[tilespmem:s22+$0x2040 ss:$0x81] =	vst.msk $0xffff, v4  }
0x61: {  	v6 =	vld [tilespmem:s21+$0xFFFFFFE0];
	[tilespmem:s22+$0x2850 ss:$0x81] =	vst.msk $0xffff, v3  }
0x62: {  	s26 =	sshra.s32 s24, $0x2;
	s24 =	smov.u32 s25;
	v7 =	vld [tilespmem:s21+$0xFFFFFFF0];
	[tilespmem:s22+$0x3060 ss:$0x81] =	vst.msk $0xffff, v2  }
.Ltmp3:
0x63: {  	v4 =	vld [tilespmem:s21+$0x0];
	[tilespmem:s22+$0x0 ss:$0x81] =	vst.msk $0xffff, v1;
	s22 =	sadd.s32 s26, s23;
	(pc) =	sbr.rel @p1 .LBB1_3-.Ltmp3, $4  }
0x64: {  	v3 =	vld [tilespmem:s21+$0x10];
	[tilespmem:s22+$0x3870 ss:$0x81] =	vst.msk $0xffff, v0  }
0x65: {  	[tilespmem:s22+$0x810 ss:$0x81] =	vst.msk $0xffff, v5;
	v2 =	vld [tilespmem:s21+$0x20]  }
0x66: {  	v1 =	vld [tilespmem:s21+$0xFFFFFFC0];
	[tilespmem:s22+$0x1020 ss:$0x81] =	vst.msk $0xffff, v6;
	s21 =	sadd.s32 $0x80, s21  }
0x67: {  	s25 =	sadd.s32 $0x4, s25;
	v0 =	vld [tilespmem:s21+$0x30];
	[tilespmem:s22+$0x1830 ss:$0x81] =	vst.msk $0xffff, v7  }
.Ltmp4:
0x68: {  	_ = 	snop;
	(pc) =	sbr.rel .LBB1_4-.Ltmp4, $1  }
0x69: {  	_ =	sdelay $0x3  }
.LBB1_6:
0x6a: {  	_ =	sfence.sel $0x180000  }
0x6b: {  	s1 =	simm.s32 $0x1;
	[bflag:$0x0] =	sbarrier.arrive $0xFFFF  }
0x6c: {  	s31 =	simm.s32 $0x2;
	[sflag:s1] =	ssyncpa.u1 $0x1  }
0x6d: {  	[sflag:s31] =	ssyncpa.u1 $0x1  }
0x6e: {  	p0 =	sne.s32 s0, $0x0;
	_ =	strace $0x9000004A  }
0x6f: {  	s0 =	sadd.s32 @!p0 $0x100000, s3;
	[bflag:$0x2] =	sbarrier.arrive $0xFFFF  }
0x70: {  	[sflag:s0] =	ssyncadd.tile.s32 @!p0 $0x1;
	_ =	shalt  }
.Lfunc_end1:
_tile_overlayer_lowered:
.L_overlay_start_2:
0x71: {  	(tag) =	ssettag $0x2  }
0x72: {  	s0 =	rddreg [dreg:$0x0];
	s2 =	stileid.u32  }
0x73: {  	s1 =	rddreg [dreg:$0x1];
	p0 =	sne.s32 s2, $0x0  }
0x74: {  	s3 =	rddreg [dreg:$0x2];
	[bflag:$0x3] =	sbarrier.arrive $0xFFFF;
	s2 =	simm.s32 @!p0 $0x1C01  }
0x75: {  	[timem:s3], [sflag:s2] =	dma.local @!p0 [hbm:s0], s1  }
0x76: {  	s0 =	simm.s32 @!p0 $0x1  }
0x77: {  	_ =	swait.ge @!p0 [sflag:s0], s1  }
0x78: {  	s1 =	ssub.s32 @!p0 $0x0, s1;
	[sflag:s0] =	ssyncset.done @!p0 $0x0  }
0x79: {  	[sflag:s0] =	ssyncadd.s32 @!p0 s1  }
0x7a: {  	[bflag:$0x3] =	sbarrier.arrive $0xFFFF  }
0x7b: {  	_ =	shalt  }

</sc_bundles>
